<compile_context>
chip_gen: v7x
topology: tpu7x:2x2x1
jax: 0.10.2.dev20260603
libtpu: 0.0.44.dev20260713+nightly
codegen_flags: <defaults>
</compile_context>

<pallas_src>
import functools

import jax
import jax.numpy as jnp
from jax.experimental import pallas as pl
from jax.experimental.pallas import tpu as pltpu

_NREL = 3
_NG = 64


def _rgcn_dense_body(h_ref, s_ref, cnt_ref, W_ref, root_ref, b_ref, out_ref):
    h = h_ref[...]
    acc = jnp.dot(h, root_ref[...], preferred_element_type=jnp.float32)
    acc = acc + b_ref[...]
    s = s_ref[...]
    rec = 1.0 / jnp.maximum(cnt_ref[...], 1.0)
    for r in range(_NREL):
        agg = jnp.dot(s[r], W_ref[r], preferred_element_type=jnp.float32)
        acc = acc + agg * rec[:, r : r + 1]
    out_ref[...] = jnp.maximum(acc, 0.0)


def _rgcn_pool_body(n_valid, blk,
                    h_ref, s_ref, cnt_ref, W_ref, root_ref, b_ref,
                    batch_ref, linW_ref, linb_ref, out_ref, g_scr):
    i = pl.program_id(0)
    nb = pl.num_programs(0)

    h = h_ref[...]
    acc = jnp.dot(h, root_ref[...], preferred_element_type=jnp.float32)
    acc = acc + b_ref[...]
    s = s_ref[...]
    rec = 1.0 / jnp.maximum(cnt_ref[...], 1.0)
    for r in range(_NREL):
        agg = jnp.dot(s[r], W_ref[r], preferred_element_type=jnp.float32)
        acc = acc + agg * rec[:, r : r + 1]
    h2 = jnp.maximum(acc, 0.0)

    @pl.when(i == 0)
    def _init():
        g_scr[...] = jnp.full(g_scr.shape, -jnp.inf, jnp.float32)

    rows = i * blk + jax.lax.broadcasted_iota(jnp.int32, (blk, 1), 0)
    valid = rows < n_valid
    h2m = jnp.where(valid, h2, -jnp.inf)
    b_ids = batch_ref[...]
    for g in range(_NG):
        red = jnp.max(
            jnp.where(b_ids == g, h2m, -jnp.inf), axis=0, keepdims=True
        )
        g_scr[g : g + 1, :] = jnp.maximum(g_scr[g : g + 1, :], red)

    @pl.when(i == nb - 1)
    def _final():
        g = g_scr[...]
        out_ref[...] = (
            jnp.dot(g, linW_ref[...], preferred_element_type=jnp.float32)
            + linb_ref[...]
        )


def kernel(x, edge_index, edge_type, batch, emb, W1, root1, b1,
           W2, root2, b2, linW, linb):
    N = x.shape[0]
    E = edge_type.shape[0]
    EMB = emb.shape[1]
    HID = root1.shape[1]
    NCLASS = linW.shape[1]

    src = edge_index[0].astype(jnp.int32)
    dst = edge_index[1].astype(jnp.int32)
    et = edge_type.astype(jnp.int32)
    seg = et * N + dst

    h0 = jnp.take(emb, x.astype(jnp.int32), axis=0)
    h0aug = jnp.concatenate([h0, jnp.ones((N, 1), jnp.float32)], axis=1)
    sc1 = jax.ops.segment_sum(
        jnp.take(h0aug, src, axis=0), seg, num_segments=_NREL * N
    ).reshape(_NREL, N, EMB + 1)
    s1 = sc1[:, :, :EMB]
    cnt = sc1[:, :, EMB].T

    blk1 = 512
    blk2 = 256
    Np = ((N + blk1 - 1) // blk1) * blk1
    pad = Np - N
    h0p = jnp.pad(h0, ((0, pad), (0, 0)))
    s1p = jnp.pad(s1, ((0, 0), (0, pad), (0, 0)))
    cntp = jnp.pad(cnt, ((0, pad), (0, 0)))
    b1r = b1.reshape(1, HID)
    b2r = b2.reshape(1, HID)

    h1 = pl.pallas_call(
        _rgcn_dense_body,
        grid=(Np // blk1,),
        in_specs=[
            pl.BlockSpec((blk1, EMB), lambda i: (i, 0)),
            pl.BlockSpec((_NREL, blk1, EMB), lambda i: (0, i, 0)),
            pl.BlockSpec((blk1, _NREL), lambda i: (i, 0)),
            pl.BlockSpec((_NREL, EMB, HID), lambda i: (0, 0, 0)),
            pl.BlockSpec((EMB, HID), lambda i: (0, 0)),
            pl.BlockSpec((1, HID), lambda i: (0, 0)),
        ],
        out_specs=pl.BlockSpec((blk1, HID), lambda i: (i, 0)),
        out_shape=jax.ShapeDtypeStruct((Np, HID), jnp.float32),
    )(h0p, s1p, cntp, W1, root1, b1r)

    s2 = jax.ops.segment_sum(
        jnp.take(h1, src, axis=0), seg, num_segments=_NREL * N
    ).reshape(_NREL, N, HID)
    s2p = jnp.pad(s2, ((0, 0), (0, pad), (0, 0)))

    batchp = jnp.pad(batch.astype(jnp.int32), (0, pad)).reshape(Np, 1)

    out = pl.pallas_call(
        functools.partial(_rgcn_pool_body, N, blk2),
        grid=(Np // blk2,),
        in_specs=[
            pl.BlockSpec((blk2, HID), lambda i: (i, 0)),
            pl.BlockSpec((_NREL, blk2, HID), lambda i: (0, i, 0)),
            pl.BlockSpec((blk2, _NREL), lambda i: (i, 0)),
            pl.BlockSpec((_NREL, HID, HID), lambda i: (0, 0, 0)),
            pl.BlockSpec((HID, HID), lambda i: (0, 0)),
            pl.BlockSpec((1, HID), lambda i: (0, 0)),
            pl.BlockSpec((blk2, 1), lambda i: (i, 0)),
            pl.BlockSpec((HID, NCLASS), lambda i: (0, 0)),
            pl.BlockSpec((1, NCLASS), lambda i: (0, 0)),
        ],
        out_specs=pl.BlockSpec((_NG, NCLASS), lambda i: (0, 0)),
        out_shape=jax.ShapeDtypeStruct((_NG, NCLASS), jnp.float32),
        scratch_shapes=[pltpu.VMEM((_NG, HID), jnp.float32)],
    )(h1, s2p, cntp, W2, root2, b2r, batchp, linW, linb.reshape(1, NCLASS))

    return out

# --- scband reference (transcript-rebuilt; emitter-appended) ---
"""Pipeline reference for scband-rgcnclassifier-88648124990183 (READ-ONLY COPY).

The authoritative reference and input builder live on the scoring server;
editing this copy changes nothing except your own understanding.
"""

import jax, jax.numpy as jnp
import numpy as np

VOCAB = 10000
NCLASS = 10
HID = 128
NREL = 3
N = 50000
E = 800000
NG = 64
EMB_DIM = 64


def setup_inputs(seed: int = 0) -> dict:
    key = jax.random.key(seed)
    ks = jax.random.split(key, 14)
    x = jax.random.randint(ks[0], (N,), 0, VOCAB, dtype=jnp.int64 if jax.config.jax_enable_x64 else jnp.int32)
    edge_index = jax.random.randint(ks[1], (2, E), 0, N)
    edge_type = jax.random.randint(ks[2], (E,), 0, NREL)
    batch = jnp.sort(jax.random.randint(ks[3], (N,), 0, NG))
    emb = jax.random.normal(ks[4], (VOCAB, EMB_DIM), jnp.float32) * 0.05
    W1 = jax.random.normal(ks[5], (NREL, EMB_DIM, HID), jnp.float32) * 0.05
    root1 = jax.random.normal(ks[6], (EMB_DIM, HID), jnp.float32) * 0.05
    b1 = jnp.zeros((HID,), jnp.float32)
    W2 = jax.random.normal(ks[7], (NREL, HID, HID), jnp.float32) * 0.05
    root2 = jax.random.normal(ks[8], (HID, HID), jnp.float32) * 0.05
    b2 = jnp.zeros((HID,), jnp.float32)
    linW = jax.random.normal(ks[9], (HID, NCLASS), jnp.float32) * 0.05
    linb = jnp.zeros((NCLASS,), jnp.float32)
    return {"x": x, "edge_index": edge_index, "edge_type": edge_type, "batch": batch,
            "emb": emb, "W1": W1, "root1": root1, "b1": b1,
            "W2": W2, "root2": root2, "b2": b2, "linW": linW, "linb": linb}


def rgcn_conv(h, edge_index, edge_type, W, root, b):
    # Faithful RGCNConv: per-relation mean aggregation of W_r * x_j + root transform + bias
    src = edge_index[0]
    dst = edge_index[1]
    xs = h[src]  # gather source node features [E, din]
    out = h @ root + b
    for r in range(NREL):
        mask = (edge_type == r).astype(h.dtype)[:, None]  # [E, 1]
        msg = (xs @ W[r]) * mask  # [E, dout]
        agg = jax.ops.segment_sum(msg, dst, num_segments=h.shape[0])  # scatter-add
        cnt = jax.ops.segment_sum(mask, dst, num_segments=h.shape[0])  # [N, 1]
        out = out + agg / jnp.maximum(cnt, 1.0)  # mean aggregation per relation
    return out


def reference(x, edge_index, edge_type, batch, emb, W1, root1, b1, W2, root2, b2, linW, linb):
    h = emb[x]  # embedding lookup [N, 64]
    h = jax.nn.relu(rgcn_conv(h, edge_index, edge_type, W1, root1, b1))
    h = jax.nn.relu(rgcn_conv(h, edge_index, edge_type, W2, root2, b2))
    g = jax.ops.segment_max(h, batch, num_segments=NG)  # global_max_pool
    return g @ linW + linb

if __name__ == "__main__":
    import jax
    _d = setup_inputs()
    print(jax.jit(kernel)(*tuple(_d.values())))

</pallas_src>

<mosaic_0001>
module attributes {stable_mosaic.version = 14 : i64} {
  func.func @_rgcn_dense_body(%arg0: i32, %arg1: memref<512x64xf32, #tpu.memory_space<vmem>>, %arg2: memref<3x512x64xf32, #tpu.memory_space<vmem>>, %arg3: memref<512x3xf32, #tpu.memory_space<vmem>>, %arg4: memref<3x64x128xf32, #tpu.memory_space<vmem>>, %arg5: memref<64x128xf32, #tpu.memory_space<vmem>>, %arg6: memref<1x128xf32, #tpu.memory_space<vmem>>, %arg7: memref<512x128xf32, #tpu.memory_space<vmem>>) attributes {dimension_semantics = [#tpu.dimension_semantics<arbitrary>], iteration_bounds = array<i64: 98>, scalar_prefetch = 0 : i64, scratch_operands = 0 : i64, tpu.core_type = #tpu.core_type<tc>, window_params = [{transform_indices = @transform_0, window_bounds = array<i64: 512, 64>}, {transform_indices = @transform_1, window_bounds = array<i64: 3, 512, 64>}, {transform_indices = @transform_2, window_bounds = array<i64: 512, 3>}, {pipeline_mode = #tpu.pipeline_mode<synchronous>, transform_indices = @transform_3, window_bounds = array<i64: 3, 64, 128>}, {pipeline_mode = #tpu.pipeline_mode<synchronous>, transform_indices = @transform_4, window_bounds = array<i64: 64, 128>}, {pipeline_mode = #tpu.pipeline_mode<synchronous>, transform_indices = @transform_5, window_bounds = array<i64: 1, 128>}, {transform_indices = @transform_6, window_bounds = array<i64: 512, 128>}]} {
    %get3A = arith.constant 0 : index
    %get3A_0 = arith.constant 0 : index
    %get3A_1 = vector.load %arg1[%get3A, %get3A_0] : memref<512x64xf32, #tpu.memory_space<vmem>>, vector<512x64xf32>
    %get3A_2 = arith.constant 0 : index
    %get3A_3 = arith.constant 0 : index
    %get3A_4 = vector.load %arg5[%get3A_2, %get3A_3] : memref<64x128xf32, #tpu.memory_space<vmem>>, vector<64x128xf32>
    %dot_general3A = arith.constant dense<0.000000e+00> : vector<512x128xf32>
    %dot_general3A_5 = tpu.matmul %get3A_1, %get3A_4, %dot_general3A {dimension_numbers = #tpu.dot_dimension_numbers<[1], [0], [0], [1], [0, 0, 1, 1], [], []>, transpose_lhs_hint = false} : vector<512x64xf32>, vector<64x128xf32>, vector<512x128xf32> -> vector<512x128xf32>
    %get3A_6 = arith.constant 0 : index
    %get3A_7 = arith.constant 0 : index
    %get3A_8 = vector.load %arg6[%get3A_6, %get3A_7] : memref<1x128xf32, #tpu.memory_space<vmem>>, vector<1x128xf32>
    %add3A = vector.broadcast %get3A_8 : vector<1x128xf32> to vector<512x128xf32>
    %add3A_9 = arith.addf %dot_general3A_5, %add3A : vector<512x128xf32>
    %get3A_10 = arith.constant 0 : index
    %get3A_11 = arith.constant 0 : index
    %get3A_12 = arith.constant 0 : index
    %get3A_13 = vector.load %arg2[%get3A_10, %get3A_11, %get3A_12] : memref<3x512x64xf32, #tpu.memory_space<vmem>>, vector<3x512x64xf32>
    %get3A_14 = arith.constant 0 : index
    %get3A_15 = arith.constant 0 : index
    %get3A_16 = vector.load %arg3[%get3A_14, %get3A_15] : memref<512x3xf32, #tpu.memory_space<vmem>>, vector<512x3xf32>
    %max3A = arith.constant 1.000000e+00 : f32
    %max3A_17 = vector.broadcast %max3A : f32 to vector<512x3xf32>
    %max3A_18 = arith.maximumf %get3A_16, %max3A_17 : vector<512x3xf32>
    %div3A = arith.constant 1.000000e+00 : f32
    %div3A_19 = vector.broadcast %div3A : f32 to vector<512x3xf32>
    %div3A_20 = arith.divf %div3A_19, %max3A_18 : vector<512x3xf32>
    %slice3A = vector.extract_strided_slice %get3A_13 {offsets = [0, 0, 0], sizes = [1, 512, 64], strides = [1, 1, 1]} : vector<3x512x64xf32> to vector<1x512x64xf32>
    %squeeze3A = vector.shape_cast %slice3A : vector<1x512x64xf32> to vector<512x64xf32>
    %get3A_21 = arith.constant 0 : index
    %get3A_22 = arith.constant 0 : index
    %get3A_23 = arith.constant 0 : index
    %get3A_24 = vector.load %arg4[%get3A_21, %get3A_22, %get3A_23] : memref<3x64x128xf32, #tpu.memory_space<vmem>>, vector<1x64x128xf32>
    %get3A_25 = vector.shape_cast %get3A_24 : vector<1x64x128xf32> to vector<64x128xf32>
    %dot_general3A_26 = arith.constant dense<0.000000e+00> : vector<512x128xf32>
    %dot_general3A_27 = tpu.matmul %squeeze3A, %get3A_25, %dot_general3A_26 {dimension_numbers = #tpu.dot_dimension_numbers<[1], [0], [0], [1], [0, 0, 1, 1], [], []>, transpose_lhs_hint = false} : vector<512x64xf32>, vector<64x128xf32>, vector<512x128xf32> -> vector<512x128xf32>
    %slice3A_28 = vector.extract_strided_slice %div3A_20 {offsets = [0, 0], sizes = [512, 1], strides = [1, 1]} : vector<512x3xf32> to vector<512x1xf32>
    %mul3A = vector.broadcast %slice3A_28 : vector<512x1xf32> to vector<512x128xf32>
    %mul3A_29 = arith.mulf %dot_general3A_27, %mul3A : vector<512x128xf32>
    %add3A_30 = arith.addf %add3A_9, %mul3A_29 : vector<512x128xf32>
    %slice3A_31 = vector.extract_strided_slice %get3A_13 {offsets = [1, 0, 0], sizes = [1, 512, 64], strides = [1, 1, 1]} : vector<3x512x64xf32> to vector<1x512x64xf32>
    %squeeze3A_32 = vector.shape_cast %slice3A_31 : vector<1x512x64xf32> to vector<512x64xf32>
    %get3A_33 = arith.constant 1 : index
    %get3A_34 = arith.constant 0 : index
    %get3A_35 = arith.constant 0 : index
    %get3A_36 = vector.load %arg4[%get3A_33, %get3A_34, %get3A_35] : memref<3x64x128xf32, #tpu.memory_space<vmem>>, vector<1x64x128xf32>
    %get3A_37 = vector.shape_cast %get3A_36 : vector<1x64x128xf32> to vector<64x128xf32>
    %dot_general3A_38 = arith.constant dense<0.000000e+00> : vector<512x128xf32>
    %dot_general3A_39 = tpu.matmul %squeeze3A_32, %get3A_37, %dot_general3A_38 {dimension_numbers = #tpu.dot_dimension_numbers<[1], [0], [0], [1], [0, 0, 1, 1], [], []>, transpose_lhs_hint = false} : vector<512x64xf32>, vector<64x128xf32>, vector<512x128xf32> -> vector<512x128xf32>
    %slice3A_40 = vector.extract_strided_slice %div3A_20 {offsets = [0, 1], sizes = [512, 1], strides = [1, 1]} : vector<512x3xf32> to vector<512x1xf32>
    %mul3A_41 = vector.broadcast %slice3A_40 : vector<512x1xf32> to vector<512x128xf32>
    %mul3A_42 = arith.mulf %dot_general3A_39, %mul3A_41 : vector<512x128xf32>
    %add3A_43 = arith.addf %add3A_30, %mul3A_42 : vector<512x128xf32>
    %slice3A_44 = vector.extract_strided_slice %get3A_13 {offsets = [2, 0, 0], sizes = [1, 512, 64], strides = [1, 1, 1]} : vector<3x512x64xf32> to vector<1x512x64xf32>
    %squeeze3A_45 = vector.shape_cast %slice3A_44 : vector<1x512x64xf32> to vector<512x64xf32>
    %get3A_46 = arith.constant 2 : index
    %get3A_47 = arith.constant 0 : index
    %get3A_48 = arith.constant 0 : index
    %get3A_49 = vector.load %arg4[%get3A_46, %get3A_47, %get3A_48] : memref<3x64x128xf32, #tpu.memory_space<vmem>>, vector<1x64x128xf32>
    %get3A_50 = vector.shape_cast %get3A_49 : vector<1x64x128xf32> to vector<64x128xf32>
    %dot_general3A_51 = arith.constant dense<0.000000e+00> : vector<512x128xf32>
    %dot_general3A_52 = tpu.matmul %squeeze3A_45, %get3A_50, %dot_general3A_51 {dimension_numbers = #tpu.dot_dimension_numbers<[1], [0], [0], [1], [0, 0, 1, 1], [], []>, transpose_lhs_hint = false} : vector<512x64xf32>, vector<64x128xf32>, vector<512x128xf32> -> vector<512x128xf32>
    %slice3A_53 = vector.extract_strided_slice %div3A_20 {offsets = [0, 2], sizes = [512, 1], strides = [1, 1]} : vector<512x3xf32> to vector<512x1xf32>
    %mul3A_54 = vector.broadcast %slice3A_53 : vector<512x1xf32> to vector<512x128xf32>
    %mul3A_55 = arith.mulf %dot_general3A_52, %mul3A_54 : vector<512x128xf32>
    %add3A_56 = arith.addf %add3A_43, %mul3A_55 : vector<512x128xf32>
    %max3A_57 = arith.constant 0.000000e+00 : f32
    %max3A_58 = vector.broadcast %max3A_57 : f32 to vector<512x128xf32>
    %max3A_59 = arith.maximumf %add3A_56, %max3A_58 : vector<512x128xf32>
    %swap3A = arith.constant 0 : index
    %swap3A_60 = arith.constant 0 : index
    %swap3A_61 = vector.load %arg7[%swap3A, %swap3A_60] : memref<512x128xf32, #tpu.memory_space<vmem>>, vector<512x128xf32>
    tpu.vector_store %arg7[%swap3A, %swap3A_60], %max3A_59 {strides = array<i32>} : memref<512x128xf32, #tpu.memory_space<vmem>>, vector<512x128xf32>,
    return
  }
  func.func @transform_0(%arg0: i32) -> (i32, i32) {
    %c0_i32 = arith.constant 0 : i32
    %c0_i32_0 = arith.constant 0 : i32
    return %arg0, %c0_i32 : i32, i32
  }
  func.func @transform_1(%arg0: i32) -> (i32, i32, i32) {
    %c0_i32 = arith.constant 0 : i32
    %c0_i32_0 = arith.constant 0 : i32
    %c0_i32_1 = arith.constant 0 : i32
    return %c0_i32, %arg0, %c0_i32_0 : i32, i32, i32
  }
  func.func @transform_2(%arg0: i32) -> (i32, i32) {
    %c0_i32 = arith.constant 0 : i32
    %c0_i32_0 = arith.constant 0 : i32
    return %arg0, %c0_i32 : i32, i32
  }
  func.func @transform_3(%arg0: i32) -> (i32, i32, i32) {
    %c0_i32 = arith.constant 0 : i32
    %c0_i32_0 = arith.constant 0 : i32
    %c0_i32_1 = arith.constant 0 : i32
    %c0_i32_2 = arith.constant 0 : i32
    return %c0_i32, %c0_i32_0, %c0_i32_1 : i32, i32, i32
  }
  func.func @transform_4(%arg0: i32) -> (i32, i32) {
    %c0_i32 = arith.constant 0 : i32
    %c0_i32_0 = arith.constant 0 : i32
    %c0_i32_1 = arith.constant 0 : i32
    return %c0_i32, %c0_i32_0 : i32, i32
  }
  func.func @transform_5(%arg0: i32) -> (i32, i32) {
    %c0_i32 = arith.constant 0 : i32
    %c0_i32_0 = arith.constant 0 : i32
    %c0_i32_1 = arith.constant 0 : i32
    return %c0_i32, %c0_i32_0 : i32, i32
  }
  func.func @transform_6(%arg0: i32) -> (i32, i32) {
    %c0_i32 = arith.constant 0 : i32
    %c0_i32_0 = arith.constant 0 : i32
    return %arg0, %c0_i32 : i32, i32
  }
}

module attributes {stable_mosaic.version = 14 : i64} {
  func.func @_rgcn_pool_body(%arg0: i32, %arg1: memref<256x128xf32, #tpu.memory_space<vmem>>, %arg2: memref<3x256x128xf32, #tpu.memory_space<vmem>>, %arg3: memref<256x3xf32, #tpu.memory_space<vmem>>, %arg4: memref<3x128x128xf32, #tpu.memory_space<vmem>>, %arg5: memref<128x128xf32, #tpu.memory_space<vmem>>, %arg6: memref<1x128xf32, #tpu.memory_space<vmem>>, %arg7: memref<256x1xi32, #tpu.memory_space<vmem>>, %arg8: memref<128x10xf32, #tpu.memory_space<vmem>>, %arg9: memref<1x10xf32, #tpu.memory_space<vmem>>, %arg10: memref<64x10xf32, #tpu.memory_space<vmem>>, %arg11: memref<64x128xf32, #tpu.memory_space<vmem>>) attributes {dimension_semantics = [#tpu.dimension_semantics<arbitrary>], iteration_bounds = array<i64: 196>, scalar_prefetch = 0 : i64, scratch_operands = 1 : i64, tpu.core_type = #tpu.core_type<tc>, window_params = [{transform_indices = @transform_0, window_bounds = array<i64: 256, 128>}, {transform_indices = @transform_1, window_bounds = array<i64: 3, 256, 128>}, {transform_indices = @transform_2, window_bounds = array<i64: 256, 3>}, {pipeline_mode = #tpu.pipeline_mode<synchronous>, transform_indices = @transform_3, window_bounds = array<i64: 3, 128, 128>}, {pipeline_mode = #tpu.pipeline_mode<synchronous>, transform_indices = @transform_4, window_bounds = array<i64: 128, 128>}, {pipeline_mode = #tpu.pipeline_mode<synchronous>, transform_indices = @transform_5, window_bounds = array<i64: 1, 128>}, {transform_indices = @transform_6, window_bounds = array<i64: 256, 1>}, {pipeline_mode = #tpu.pipeline_mode<synchronous>, transform_indices = @transform_7, window_bounds = array<i64: 128, 10>}, {pipeline_mode = #tpu.pipeline_mode<synchronous>, transform_indices = @transform_8, window_bounds = array<i64: 1, 10>}, {pipeline_mode = #tpu.pipeline_mode<synchronous>, transform_indices = @transform_9, window_bounds = array<i64: 64, 10>}]} {
    %get3A = arith.constant 0 : index
    %get3A_0 = arith.constant 0 : index
    %get3A_1 = vector.load %arg1[%get3A, %get3A_0] : memref<256x128xf32, #tpu.memory_space<vmem>>, vector<256x128xf32>
    %get3A_2 = arith.constant 0 : index
    %get3A_3 = arith.constant 0 : index
    %get3A_4 = vector.load %arg5[%get3A_2, %get3A_3] : memref<128x128xf32, #tpu.memory_space<vmem>>, vector<128x128xf32>
    %dot_general3A = arith.constant dense<0.000000e+00> : vector<256x128xf32>
    %dot_general3A_5 = tpu.matmul %get3A_1, %get3A_4, %dot_general3A {dimension_numbers = #tpu.dot_dimension_numbers<[1], [0], [0], [1], [0, 0, 1, 1], [], []>, transpose_lhs_hint = false} : vector<256x128xf32>, vector<128x128xf32>, vector<256x128xf32> -> vector<256x128xf32>
    %get3A_6 = arith.constant 0 : index
    %get3A_7 = arith.constant 0 : index
    %get3A_8 = vector.load %arg6[%get3A_6, %get3A_7] : memref<1x128xf32, #tpu.memory_space<vmem>>, vector<1x128xf32>
    %add3A = vector.broadcast %get3A_8 : vector<1x128xf32> to vector<256x128xf32>
    %add3A_9 = arith.addf %dot_general3A_5, %add3A : vector<256x128xf32>
    %get3A_10 = arith.constant 0 : index
    %get3A_11 = arith.constant 0 : index
    %get3A_12 = arith.constant 0 : index
    %get3A_13 = vector.load %arg2[%get3A_10, %get3A_11, %get3A_12] : memref<3x256x128xf32, #tpu.memory_space<vmem>>, vector<3x256x128xf32>
    %get3A_14 = arith.constant 0 : index
    %get3A_15 = arith.constant 0 : index
    %get3A_16 = vector.load %arg3[%get3A_14, %get3A_15] : memref<256x3xf32, #tpu.memory_space<vmem>>, vector<256x3xf32>
    %max3A = arith.constant 1.000000e+00 : f32
    %max3A_17 = vector.broadcast %max3A : f32 to vector<256x3xf32>
    %max3A_18 = arith.maximumf %get3A_16, %max3A_17 : vector<256x3xf32>
    %div3A = arith.constant 1.000000e+00 : f32
    %div3A_19 = vector.broadcast %div3A : f32 to vector<256x3xf32>
    %div3A_20 = arith.divf %div3A_19, %max3A_18 : vector<256x3xf32>
    %slice3A = vector.extract_strided_slice %get3A_13 {offsets = [0, 0, 0], sizes = [1, 256, 128], strides = [1, 1, 1]} : vector<3x256x128xf32> to vector<1x256x128xf32>
    %squeeze3A = vector.shape_cast %slice3A : vector<1x256x128xf32> to vector<256x128xf32>
    %get3A_21 = arith.constant 0 : index
    %get3A_22 = arith.constant 0 : index
    %get3A_23 = arith.constant 0 : index
    %get3A_24 = vector.load %arg4[%get3A_21, %get3A_22, %get3A_23] : memref<3x128x128xf32, #tpu.memory_space<vmem>>, vector<1x128x128xf32>
    %get3A_25 = vector.shape_cast %get3A_24 : vector<1x128x128xf32> to vector<128x128xf32>
    %dot_general3A_26 = arith.constant dense<0.000000e+00> : vector<256x128xf32>
    %dot_general3A_27 = tpu.matmul %squeeze3A, %get3A_25, %dot_general3A_26 {dimension_numbers = #tpu.dot_dimension_numbers<[1], [0], [0], [1], [0, 0, 1, 1], [], []>, transpose_lhs_hint = false} : vector<256x128xf32>, vector<128x128xf32>, vector<256x128xf32> -> vector<256x128xf32>
    %slice3A_28 = vector.extract_strided_slice %div3A_20 {offsets = [0, 0], sizes = [256, 1], strides = [1, 1]} : vector<256x3xf32> to vector<256x1xf32>
    %mul3A = vector.broadcast %slice3A_28 : vector<256x1xf32> to vector<256x128xf32>
    %mul3A_29 = arith.mulf %dot_general3A_27, %mul3A : vector<256x128xf32>
    %add3A_30 = arith.addf %add3A_9, %mul3A_29 : vector<256x128xf32>
    %slice3A_31 = vector.extract_strided_slice %get3A_13 {offsets = [1, 0, 0], sizes = [1, 256, 128], strides = [1, 1, 1]} : vector<3x256x128xf32> to vector<1x256x128xf32>
    %squeeze3A_32 = vector.shape_cast %slice3A_31 : vector<1x256x128xf32> to vector<256x128xf32>
    %get3A_33 = arith.constant 1 : index
    %get3A_34 = arith.constant 0 : index
    %get3A_35 = arith.constant 0 : index
    %get3A_36 = vector.load %arg4[%get3A_33, %get3A_34, %get3A_35] : memref<3x128x128xf32, #tpu.memory_space<vmem>>, vector<1x128x128xf32>
    %get3A_37 = vector.shape_cast %get3A_36 : vector<1x128x128xf32> to vector<128x128xf32>
    %dot_general3A_38 = arith.constant dense<0.000000e+00> : vector<256x128xf32>
    %dot_general3A_39 = tpu.matmul %squeeze3A_32, %get3A_37, %dot_general3A_38 {dimension_numbers = #tpu.dot_dimension_numbers<[1], [0], [0], [1], [0, 0, 1, 1], [], []>, transpose_lhs_hint = false} : vector<256x128xf32>, vector<128x128xf32>, vector<256x128xf32> -> vector<256x128xf32>
    %slice3A_40 = vector.extract_strided_slice %div3A_20 {offsets = [0, 1], sizes = [256, 1], strides = [1, 1]} : vector<256x3xf32> to vector<256x1xf32>
    %mul3A_41 = vector.broadcast %slice3A_40 : vector<256x1xf32> to vector<256x128xf32>
    %mul3A_42 = arith.mulf %dot_general3A_39, %mul3A_41 : vector<256x128xf32>
    %add3A_43 = arith.addf %add3A_30, %mul3A_42 : vector<256x128xf32>
    %slice3A_44 = vector.extract_strided_slice %get3A_13 {offsets = [2, 0, 0], sizes = [1, 256, 128], strides = [1, 1, 1]} : vector<3x256x128xf32> to vector<1x256x128xf32>
    %squeeze3A_45 = vector.shape_cast %slice3A_44 : vector<1x256x128xf32> to vector<256x128xf32>
    %get3A_46 = arith.constant 2 : index
    %get3A_47 = arith.constant 0 : index
    %get3A_48 = arith.constant 0 : index
    %get3A_49 = vector.load %arg4[%get3A_46, %get3A_47, %get3A_48] : memref<3x128x128xf32, #tpu.memory_space<vmem>>, vector<1x128x128xf32>
    %get3A_50 = vector.shape_cast %get3A_49 : vector<1x128x128xf32> to vector<128x128xf32>
    %dot_general3A_51 = arith.constant dense<0.000000e+00> : vector<256x128xf32>
    %dot_general3A_52 = tpu.matmul %squeeze3A_45, %get3A_50, %dot_general3A_51 {dimension_numbers = #tpu.dot_dimension_numbers<[1], [0], [0], [1], [0, 0, 1, 1], [], []>, transpose_lhs_hint = false} : vector<256x128xf32>, vector<128x128xf32>, vector<256x128xf32> -> vector<256x128xf32>
    %slice3A_53 = vector.extract_strided_slice %div3A_20 {offsets = [0, 2], sizes = [256, 1], strides = [1, 1]} : vector<256x3xf32> to vector<256x1xf32>
    %mul3A_54 = vector.broadcast %slice3A_53 : vector<256x1xf32> to vector<256x128xf32>
    %mul3A_55 = arith.mulf %dot_general3A_52, %mul3A_54 : vector<256x128xf32>
    %add3A_56 = arith.addf %add3A_43, %mul3A_55 : vector<256x128xf32>
    %max3A_57 = arith.constant 0.000000e+00 : f32
    %max3A_58 = vector.broadcast %max3A_57 : f32 to vector<256x128xf32>
    %max3A_59 = arith.maximumf %add3A_56, %max3A_58 : vector<256x128xf32>
    %eq3A = arith.constant 0 : i32
    %eq3A_60 = arith.cmpi eq, %arg0, %eq3A : i32
    %convert_element_type3A = arith.extui %eq3A_60 : i1 to i32
    %cond3A = arith.constant 0 : i32
    %cond3A_61 = arith.cmpi ne, %convert_element_type3A, %cond3A : i32
    scf.if %cond3A_61 {
      %broadcast_in_dim3A_1228 = arith.constant 0xFF800000 : f32
      %broadcast_in_dim3A_1229 = vector.broadcast %broadcast_in_dim3A_1228 : f32 to vector<64x128xf32>
      %swap3A_1230 = arith.constant 0 : index
      %swap3A_1231 = arith.constant 0 : index
      %swap3A_1232 = vector.load %arg11[%swap3A_1230, %swap3A_1231] : memref<64x128xf32, #tpu.memory_space<vmem>>, vector<64x128xf32>
      tpu.vector_store %arg11[%swap3A_1230, %swap3A_1231], %broadcast_in_dim3A_1229 {strides = array<i32>} : memref<64x128xf32, #tpu.memory_space<vmem>>, vector<64x128xf32>,
    } else {
    }
    %mul3A_62 = arith.constant 256 : i32
    %mul3A_63 = arith.muli %arg0, %mul3A_62 : i32
    %iota3A = tpu.iota {dimensions = array<i32: 0>} : vector<256x1xi32>
    %add3A_64 = vector.broadcast %mul3A_63 : i32 to vector<256x1xi32>
    %add3A_65 = arith.addi %add3A_64, %iota3A : vector<256x1xi32>
    %lt3A = arith.constant 50000 : i32
    %lt3A_66 = vector.broadcast %lt3A : i32 to vector<256x1xi32>
    %lt3A_67 = arith.cmpi slt, %add3A_65, %lt3A_66 : vector<256x1xi32>
    %jit3A = arith.constant 0xFF800000 : f32
    %broadcast_in_dim3A = vector.shape_cast %lt3A_67 : vector<256x1xi1> to vector<256x1xi1>
    %broadcast_in_dim3A_68 = vector.broadcast %broadcast_in_dim3A : vector<256x1xi1> to vector<256x128xi1>
    %broadcast_in_dim3A_69 = vector.broadcast %jit3A : f32 to vector<256x128xf32>
    %select_n3A = arith.select %broadcast_in_dim3A_68, %max3A_59, %broadcast_in_dim3A_69 : vector<256x128xi1>, vector<256x128xf32>
    %get3A_70 = arith.constant 0 : index
    %get3A_71 = arith.constant 0 : index
    %get3A_72 = vector.load %arg7[%get3A_70, %get3A_71] : memref<256x1xi32, #tpu.memory_space<vmem>>, vector<256x1xi32>
    %eq3A_73 = arith.constant 0 : i32
    %eq3A_74 = vector.broadcast %eq3A_73 : i32 to vector<256x1xi32>
    %eq3A_75 = arith.cmpi eq, %get3A_72, %eq3A_74 : vector<256x1xi32>
    %jit3A_76 = arith.constant 0xFF800000 : f32
    %broadcast_in_dim3A_77 = vector.shape_cast %eq3A_75 : vector<256x1xi1> to vector<256x1xi1>
    %broadcast_in_dim3A_78 = vector.broadcast %broadcast_in_dim3A_77 : vector<256x1xi1> to vector<256x128xi1>
    %broadcast_in_dim3A_79 = vector.broadcast %jit3A_76 : f32 to vector<256x128xf32>
    %select_n3A_80 = arith.select %broadcast_in_dim3A_78, %select_n3A, %broadcast_in_dim3A_79 : vector<256x128xi1>, vector<256x128xf32>
    %reduce_max3A = arith.constant dense<0xFF800000> : vector<128xf32>
    %reduce_max3A_81 = vector.multi_reduction <maximumf>, %select_n3A_80, %reduce_max3A [0] : vector<256x128xf32> to vector<128xf32>
    %broadcast_in_dim3A_82 = vector.shape_cast %reduce_max3A_81 : vector<128xf32> to vector<1x128xf32>
    %get3A_83 = arith.constant 0 : index
    %get3A_84 = arith.constant 0 : index
    %get3A_85 = vector.load %arg11[%get3A_83, %get3A_84] : memref<64x128xf32, #tpu.memory_space<vmem>>, vector<1x128xf32>
    %max3A_86 = arith.maximumf %get3A_85, %broadcast_in_dim3A_82 : vector<1x128xf32>
    %swap3A = arith.constant 0 : index
    %swap3A_87 = arith.constant 0 : index
    %swap3A_88 = vector.load %arg11[%swap3A, %swap3A_87] : memref<64x128xf32, #tpu.memory_space<vmem>>, vector<1x128xf32>
    tpu.vector_store %arg11[%swap3A, %swap3A_87], %max3A_86 {strides = array<i32>} : memref<64x128xf32, #tpu.memory_space<vmem>>, vector<1x128xf32>,
    %eq3A_89 = arith.constant 1 : i32
    %eq3A_90 = vector.broadcast %eq3A_89 : i32 to vector<256x1xi32>
    %eq3A_91 = arith.cmpi eq, %get3A_72, %eq3A_90 : vector<256x1xi32>
    %jit3A_92 = arith.constant 0xFF800000 : f32
    %broadcast_in_dim3A_93 = vector.shape_cast %eq3A_91 : vector<256x1xi1> to vector<256x1xi1>
    %broadcast_in_dim3A_94 = vector.broadcast %broadcast_in_dim3A_93 : vector<256x1xi1> to vector<256x128xi1>
    %broadcast_in_dim3A_95 = vector.broadcast %jit3A_92 : f32 to vector<256x128xf32>
    %select_n3A_96 = arith.select %broadcast_in_dim3A_94, %select_n3A, %broadcast_in_dim3A_95 : vector<256x128xi1>, vector<256x128xf32>
    %reduce_max3A_97 = arith.constant dense<0xFF800000> : vector<128xf32>
    %reduce_max3A_98 = vector.multi_reduction <maximumf>, %select_n3A_96, %reduce_max3A_97 [0] : vector<256x128xf32> to vector<128xf32>
    %broadcast_in_dim3A_99 = vector.shape_cast %reduce_max3A_98 : vector<128xf32> to vector<1x128xf32>
    %get3A_100 = arith.constant 1 : index
    %get3A_101 = arith.constant 0 : index
    %get3A_102 = vector.load %arg11[%get3A_100, %get3A_101] : memref<64x128xf32, #tpu.memory_space<vmem>>, vector<1x128xf32>
    %max3A_103 = arith.maximumf %get3A_102, %broadcast_in_dim3A_99 : vector<1x128xf32>
    %swap3A_104 = arith.constant 1 : index
    %swap3A_105 = arith.constant 0 : index
    %swap3A_106 = vector.load %arg11[%swap3A_104, %swap3A_105] : memref<64x128xf32, #tpu.memory_space<vmem>>, vector<1x128xf32>
    tpu.vector_store %arg11[%swap3A_104, %swap3A_105], %max3A_103 {strides = array<i32>} : memref<64x128xf32, #tpu.memory_space<vmem>>, vector<1x128xf32>,
    %eq3A_107 = arith.constant 2 : i32
    %eq3A_108 = vector.broadcast %eq3A_107 : i32 to vector<256x1xi32>
    %eq3A_109 = arith.cmpi eq, %get3A_72, %eq3A_108 : vector<256x1xi32>
    %jit3A_110 = arith.constant 0xFF800000 : f32
    %broadcast_in_dim3A_111 = vector.shape_cast %eq3A_109 : vector<256x1xi1> to vector<256x1xi1>
    %broadcast_in_dim3A_112 = vector.broadcast %broadcast_in_dim3A_111 : vector<256x1xi1> to vector<256x128xi1>
    %broadcast_in_dim3A_113 = vector.broadcast %jit3A_110 : f32 to vector<256x128xf32>
    %select_n3A_114 = arith.select %broadcast_in_dim3A_112, %select_n3A, %broadcast_in_dim3A_113 : vector<256x128xi1>, vector<256x128xf32>
    %reduce_max3A_115 = arith.constant dense<0xFF800000> : vector<128xf32>
    %reduce_max3A_116 = vector.multi_reduction <maximumf>, %select_n3A_114, %reduce_max3A_115 [0] : vector<256x128xf32> to vector<128xf32>
    %broadcast_in_dim3A_117 = vector.shape_cast %reduce_max3A_116 : vector<128xf32> to vector<1x128xf32>
    %get3A_118 = arith.constant 2 : index
    %get3A_119 = arith.constant 0 : index
    %get3A_120 = vector.load %arg11[%get3A_118, %get3A_119] : memref<64x128xf32, #tpu.memory_space<vmem>>, vector<1x128xf32>
    %max3A_121 = arith.maximumf %get3A_120, %broadcast_in_dim3A_117 : vector<1x128xf32>
    %swap3A_122 = arith.constant 2 : index
    %swap3A_123 = arith.constant 0 : index
    %swap3A_124 = vector.load %arg11[%swap3A_122, %swap3A_123] : memref<64x128xf32, #tpu.memory_space<vmem>>, vector<1x128xf32>
    tpu.vector_store %arg11[%swap3A_122, %swap3A_123], %max3A_121 {strides = array<i32>} : memref<64x128xf32, #tpu.memory_space<vmem>>, vector<1x128xf32>,
    %eq3A_125 = arith.constant 3 : i32
    %eq3A_126 = vector.broadcast %eq3A_125 : i32 to vector<256x1xi32>
    %eq3A_127 = arith.cmpi eq, %get3A_72, %eq3A_126 : vector<256x1xi32>
    %jit3A_128 = arith.constant 0xFF800000 : f32
    %broadcast_in_dim3A_129 = vector.shape_cast %eq3A_127 : vector<256x1xi1> to vector<256x1xi1>
    %broadcast_in_dim3A_130 = vector.broadcast %broadcast_in_dim3A_129 : vector<256x1xi1> to vector<256x128xi1>
    %broadcast_in_dim3A_131 = vector.broadcast %jit3A_128 : f32 to vector<256x128xf32>
    %select_n3A_132 = arith.select %broadcast_in_dim3A_130, %select_n3A, %broadcast_in_dim3A_131 : vector<256x128xi1>, vector<256x128xf32>
    %reduce_max3A_133 = arith.constant dense<0xFF800000> : vector<128xf32>
    %reduce_max3A_134 = vector.multi_reduction <maximumf>, %select_n3A_132, %reduce_max3A_133 [0] : vector<256x128xf32> to vector<128xf32>
    %broadcast_in_dim3A_135 = vector.shape_cast %reduce_max3A_134 : vector<128xf32> to vector<1x128xf32>
    %get3A_136 = arith.constant 3 : index
    %get3A_137 = arith.constant 0 : index
    %get3A_138 = vector.load %arg11[%get3A_136, %get3A_137] : memref<64x128xf32, #tpu.memory_space<vmem>>, vector<1x128xf32>
    %max3A_139 = arith.maximumf %get3A_138, %broadcast_in_dim3A_135 : vector<1x128xf32>
    %swap3A_140 = arith.constant 3 : index
    %swap3A_141 = arith.constant 0 : index
    %swap3A_142 = vector.load %arg11[%swap3A_140, %swap3A_141] : memref<64x128xf32, #tpu.memory_space<vmem>>, vector<1x128xf32>
    tpu.vector_store %arg11[%swap3A_140, %swap3A_141], %max3A_139 {strides = array<i32>} : memref<64x128xf32, #tpu.memory_space<vmem>>, vector<1x128xf32>,
    %eq3A_143 = arith.constant 4 : i32
    %eq3A_144 = vector.broadcast %eq3A_143 : i32 to vector<256x1xi32>
    %eq3A_145 = arith.cmpi eq, %get3A_72, %eq3A_144 : vector<256x1xi32>
    %jit3A_146 = arith.constant 0xFF800000 : f32
    %broadcast_in_dim3A_147 = vector.shape_cast %eq3A_145 : vector<256x1xi1> to vector<256x1xi1>
    %broadcast_in_dim3A_148 = vector.broadcast %broadcast_in_dim3A_147 : vector<256x1xi1> to vector<256x128xi1>
    %broadcast_in_dim3A_149 = vector.broadcast %jit3A_146 : f32 to vector<256x128xf32>
    %select_n3A_150 = arith.select %broadcast_in_dim3A_148, %select_n3A, %broadcast_in_dim3A_149 : vector<256x128xi1>, vector<256x128xf32>
    %reduce_max3A_151 = arith.constant dense<0xFF800000> : vector<128xf32>
    %reduce_max3A_152 = vector.multi_reduction <maximumf>, %select_n3A_150, %reduce_max3A_151 [0] : vector<256x128xf32> to vector<128xf32>
    %broadcast_in_dim3A_153 = vector.shape_cast %reduce_max3A_152 : vector<128xf32> to vector<1x128xf32>
    %get3A_154 = arith.constant 4 : index
    %get3A_155 = arith.constant 0 : index
    %get3A_156 = vector.load %arg11[%get3A_154, %get3A_155] : memref<64x128xf32, #tpu.memory_space<vmem>>, vector<1x128xf32>
    %max3A_157 = arith.maximumf %get3A_156, %broadcast_in_dim3A_153 : vector<1x128xf32>
    %swap3A_158 = arith.constant 4 : index
    %swap3A_159 = arith.constant 0 : index
    %swap3A_160 = vector.load %arg11[%swap3A_158, %swap3A_159] : memref<64x128xf32, #tpu.memory_space<vmem>>, vector<1x128xf32>
    tpu.vector_store %arg11[%swap3A_158, %swap3A_159], %max3A_157 {strides = array<i32>} : memref<64x128xf32, #tpu.memory_space<vmem>>, vector<1x128xf32>,
    %eq3A_161 = arith.constant 5 : i32
    %eq3A_162 = vector.broadcast %eq3A_161 : i32 to vector<256x1xi32>
    %eq3A_163 = arith.cmpi eq, %get3A_72, %eq3A_162 : vector<256x1xi32>
    %jit3A_164 = arith.constant 0xFF800000 : f32
    %broadcast_in_dim3A_165 = vector.shape_cast %eq3A_163 : vector<256x1xi1> to vector<256x1xi1>
    %broadcast_in_dim3A_166 = vector.broadcast %broadcast_in_dim3A_165 : vector<256x1xi1> to vector<256x128xi1>
    %broadcast_in_dim3A_167 = vector.broadcast %jit3A_164 : f32 to vector<256x128xf32>
    %select_n3A_168 = arith.select %broadcast_in_dim3A_166, %select_n3A, %broadcast_in_dim3A_167 : vector<256x128xi1>, vector<256x128xf32>
    %reduce_max3A_169 = arith.constant dense<0xFF800000> : vector<128xf32>
    %reduce_max3A_170 = vector.multi_reduction <maximumf>, %select_n3A_168, %reduce_max3A_169 [0] : vector<256x128xf32> to vector<128xf32>
    %broadcast_in_dim3A_171 = vector.shape_cast %reduce_max3A_170 : vector<128xf32> to vector<1x128xf32>
    %get3A_172 = arith.constant 5 : index
    %get3A_173 = arith.constant 0 : index
    %get3A_174 = vector.load %arg11[%get3A_172, %get3A_173] : memref<64x128xf32, #tpu.memory_space<vmem>>, vector<1x128xf32>
    %max3A_175 = arith.maximumf %get3A_174, %broadcast_in_dim3A_171 : vector<1x128xf32>
    %swap3A_176 = arith.constant 5 : index
    %swap3A_177 = arith.constant 0 : index
    %swap3A_178 = vector.load %arg11[%swap3A_176, %swap3A_177] : memref<64x128xf32, #tpu.memory_space<vmem>>, vector<1x128xf32>
    tpu.vector_store %arg11[%swap3A_176, %swap3A_177], %max3A_175 {strides = array<i32>} : memref<64x128xf32, #tpu.memory_space<vmem>>, vector<1x128xf32>,
    %eq3A_179 = arith.constant 6 : i32
    %eq3A_180 = vector.broadcast %eq3A_179 : i32 to vector<256x1xi32>
    %eq3A_181 = arith.cmpi eq, %get3A_72, %eq3A_180 : vector<256x1xi32>
    %jit3A_182 = arith.constant 0xFF800000 : f32
    %broadcast_in_dim3A_183 = vector.shape_cast %eq3A_181 : vector<256x1xi1> to vector<256x1xi1>
    %broadcast_in_dim3A_184 = vector.broadcast %broadcast_in_dim3A_183 : vector<256x1xi1> to vector<256x128xi1>
    %broadcast_in_dim3A_185 = vector.broadcast %jit3A_182 : f32 to vector<256x128xf32>
    %select_n3A_186 = arith.select %broadcast_in_dim3A_184, %select_n3A, %broadcast_in_dim3A_185 : vector<256x128xi1>, vector<256x128xf32>
    %reduce_max3A_187 = arith.constant dense<0xFF800000> : vector<128xf32>
    %reduce_max3A_188 = vector.multi_reduction <maximumf>, %select_n3A_186, %reduce_max3A_187 [0] : vector<256x128xf32> to vector<128xf32>
    %broadcast_in_dim3A_189 = vector.shape_cast %reduce_max3A_188 : vector<128xf32> to vector<1x128xf32>
    %get3A_190 = arith.constant 6 : index
    %get3A_191 = arith.constant 0 : index
    %get3A_192 = vector.load %arg11[%get3A_190, %get3A_191] : memref<64x128xf32, #tpu.memory_space<vmem>>, vector<1x128xf32>
    %max3A_193 = arith.maximumf %get3A_192, %broadcast_in_dim3A_189 : vector<1x128xf32>
    %swap3A_194 = arith.constant 6 : index
    %swap3A_195 = arith.constant 0 : index
    %swap3A_196 = vector.load %arg11[%swap3A_194, %swap3A_195] : memref<64x128xf32, #tpu.memory_space<vmem>>, vector<1x128xf32>
    tpu.vector_store %arg11[%swap3A_194, %swap3A_195], %max3A_193 {strides = array<i32>} : memref<64x128xf32, #tpu.memory_space<vmem>>, vector<1x128xf32>,
    %eq3A_197 = arith.constant 7 : i32
    %eq3A_198 = vector.broadcast %eq3A_197 : i32 to vector<256x1xi32>
    %eq3A_199 = arith.cmpi eq, %get3A_72, %eq3A_198 : vector<256x1xi32>
    %jit3A_200 = arith.constant 0xFF800000 : f32
    %broadcast_in_dim3A_201 = vector.shape_cast %eq3A_199 : vector<256x1xi1> to vector<256x1xi1>
    %broadcast_in_dim3A_202 = vector.broadcast %broadcast_in_dim3A_201 : vector<256x1xi1> to vector<256x128xi1>
    %broadcast_in_dim3A_203 = vector.broadcast %jit3A_200 : f32 to vector<256x128xf32>
    %select_n3A_204 = arith.select %broadcast_in_dim3A_202, %select_n3A, %broadcast_in_dim3A_203 : vector<256x128xi1>, vector<256x128xf32>
    %reduce_max3A_205 = arith.constant dense<0xFF800000> : vector<128xf32>
    %reduce_max3A_206 = vector.multi_reduction <maximumf>, %select_n3A_204, %reduce_max3A_205 [0] : vector<256x128xf32> to vector<128xf32>
    %broadcast_in_dim3A_207 = vector.shape_cast %reduce_max3A_206 : vector<128xf32> to vector<1x128xf32>
    %get3A_208 = arith.constant 7 : index
    %get3A_209 = arith.constant 0 : index
    %get3A_210 = vector.load %arg11[%get3A_208, %get3A_209] : memref<64x128xf32, #tpu.memory_space<vmem>>, vector<1x128xf32>
    %max3A_211 = arith.maximumf %get3A_210, %broadcast_in_dim3A_207 : vector<1x128xf32>
    %swap3A_212 = arith.constant 7 : index
    %swap3A_213 = arith.constant 0 : index
    %swap3A_214 = vector.load %arg11[%swap3A_212, %swap3A_213] : memref<64x128xf32, #tpu.memory_space<vmem>>, vector<1x128xf32>
    tpu.vector_store %arg11[%swap3A_212, %swap3A_213], %max3A_211 {strides = array<i32>} : memref<64x128xf32, #tpu.memory_space<vmem>>, vector<1x128xf32>,
    %eq3A_215 = arith.constant 8 : i32
    %eq3A_216 = vector.broadcast %eq3A_215 : i32 to vector<256x1xi32>
    %eq3A_217 = arith.cmpi eq, %get3A_72, %eq3A_216 : vector<256x1xi32>
    %jit3A_218 = arith.constant 0xFF800000 : f32
    %broadcast_in_dim3A_219 = vector.shape_cast %eq3A_217 : vector<256x1xi1> to vector<256x1xi1>
    %broadcast_in_dim3A_220 = vector.broadcast %broadcast_in_dim3A_219 : vector<256x1xi1> to vector<256x128xi1>
    %broadcast_in_dim3A_221 = vector.broadcast %jit3A_218 : f32 to vector<256x128xf32>
    %select_n3A_222 = arith.select %broadcast_in_dim3A_220, %select_n3A, %broadcast_in_dim3A_221 : vector<256x128xi1>, vector<256x128xf32>
    %reduce_max3A_223 = arith.constant dense<0xFF800000> : vector<128xf32>
    %reduce_max3A_224 = vector.multi_reduction <maximumf>, %select_n3A_222, %reduce_max3A_223 [0] : vector<256x128xf32> to vector<128xf32>
    %broadcast_in_dim3A_225 = vector.shape_cast %reduce_max3A_224 : vector<128xf32> to vector<1x128xf32>
    %get3A_226 = arith.constant 8 : index
    %get3A_227 = arith.constant 0 : index
    %get3A_228 = vector.load %arg11[%get3A_226, %get3A_227] : memref<64x128xf32, #tpu.memory_space<vmem>>, vector<1x128xf32>
    %max3A_229 = arith.maximumf %get3A_228, %broadcast_in_dim3A_225 : vector<1x128xf32>
    %swap3A_230 = arith.constant 8 : index
    %swap3A_231 = arith.constant 0 : index
    %swap3A_232 = vector.load %arg11[%swap3A_230, %swap3A_231] : memref<64x128xf32, #tpu.memory_space<vmem>>, vector<1x128xf32>
    tpu.vector_store %arg11[%swap3A_230, %swap3A_231], %max3A_229 {strides = array<i32>} : memref<64x128xf32, #tpu.memory_space<vmem>>, vector<1x128xf32>,
    %eq3A_233 = arith.constant 9 : i32
    %eq3A_234 = vector.broadcast %eq3A_233 : i32 to vector<256x1xi32>
    %eq3A_235 = arith.cmpi eq, %get3A_72, %eq3A_234 : vector<256x1xi32>
    %jit3A_236 = arith.constant 0xFF800000 : f32
    %broadcast_in_dim3A_237 = vector.shape_cast %eq3A_235 : vector<256x1xi1> to vector<256x1xi1>
    %broadcast_in_dim3A_238 = vector.broadcast %broadcast_in_dim3A_237 : vector<256x1xi1> to vector<256x128xi1>
    %broadcast_in_dim3A_239 = vector.broadcast %jit3A_236 : f32 to vector<256x128xf32>
    %select_n3A_240 = arith.select %broadcast_in_dim3A_238, %select_n3A, %broadcast_in_dim3A_239 : vector<256x128xi1>, vector<256x128xf32>
    %reduce_max3A_241 = arith.constant dense<0xFF800000> : vector<128xf32>
    %reduce_max3A_242 = vector.multi_reduction <maximumf>, %select_n3A_240, %reduce_max3A_241 [0] : vector<256x128xf32> to vector<128xf32>
    %broadcast_in_dim3A_243 = vector.shape_cast %reduce_max3A_242 : vector<128xf32> to vector<1x128xf32>
    %get3A_244 = arith.constant 9 : index
    %get3A_245 = arith.constant 0 : index
    %get3A_246 = vector.load %arg11[%get3A_244, %get3A_245] : memref<64x128xf32, #tpu.memory_space<vmem>>, vector<1x128xf32>
    %max3A_247 = arith.maximumf %get3A_246, %broadcast_in_dim3A_243 : vector<1x128xf32>
    %swap3A_248 = arith.constant 9 : index
    %swap3A_249 = arith.constant 0 : index
    %swap3A_250 = vector.load %arg11[%swap3A_248, %swap3A_249] : memref<64x128xf32, #tpu.memory_space<vmem>>, vector<1x128xf32>
    tpu.vector_store %arg11[%swap3A_248, %swap3A_249], %max3A_247 {strides = array<i32>} : memref<64x128xf32, #tpu.memory_space<vmem>>, vector<1x128xf32>,
    %eq3A_251 = arith.constant 10 : i32
    %eq3A_252 = vector.broadcast %eq3A_251 : i32 to vector<256x1xi32>
    %eq3A_253 = arith.cmpi eq, %get3A_72, %eq3A_252 : vector<256x1xi32>
    %jit3A_254 = arith.constant 0xFF800000 : f32
    %broadcast_in_dim3A_255 = vector.shape_cast %eq3A_253 : vector<256x1xi1> to vector<256x1xi1>
    %broadcast_in_dim3A_256 = vector.broadcast %broadcast_in_dim3A_255 : vector<256x1xi1> to vector<256x128xi1>
    %broadcast_in_dim3A_257 = vector.broadcast %jit3A_254 : f32 to vector<256x128xf32>
    %select_n3A_258 = arith.select %broadcast_in_dim3A_256, %select_n3A, %broadcast_in_dim3A_257 : vector<256x128xi1>, vector<256x128xf32>
    %reduce_max3A_259 = arith.constant dense<0xFF800000> : vector<128xf32>
    %reduce_max3A_260 = vector.multi_reduction <maximumf>, %select_n3A_258, %reduce_max3A_259 [0] : vector<256x128xf32> to vector<128xf32>
    %broadcast_in_dim3A_261 = vector.shape_cast %reduce_max3A_260 : vector<128xf32> to vector<1x128xf32>
    %get3A_262 = arith.constant 10 : index
    %get3A_263 = arith.constant 0 : index
    %get3A_264 = vector.load %arg11[%get3A_262, %get3A_263] : memref<64x128xf32, #tpu.memory_space<vmem>>, vector<1x128xf32>
    %max3A_265 = arith.maximumf %get3A_264, %broadcast_in_dim3A_261 : vector<1x128xf32>
    %swap3A_266 = arith.constant 10 : index
    %swap3A_267 = arith.constant 0 : index
    %swap3A_268 = vector.load %arg11[%swap3A_266, %swap3A_267] : memref<64x128xf32, #tpu.memory_space<vmem>>, vector<1x128xf32>
    tpu.vector_store %arg11[%swap3A_266, %swap3A_267], %max3A_265 {strides = array<i32>} : memref<64x128xf32, #tpu.memory_space<vmem>>, vector<1x128xf32>,
    %eq3A_269 = arith.constant 11 : i32
    %eq3A_270 = vector.broadcast %eq3A_269 : i32 to vector<256x1xi32>
    %eq3A_271 = arith.cmpi eq, %get3A_72, %eq3A_270 : vector<256x1xi32>
    %jit3A_272 = arith.constant 0xFF800000 : f32
    %broadcast_in_dim3A_273 = vector.shape_cast %eq3A_271 : vector<256x1xi1> to vector<256x1xi1>
    %broadcast_in_dim3A_274 = vector.broadcast %broadcast_in_dim3A_273 : vector<256x1xi1> to vector<256x128xi1>
    %broadcast_in_dim3A_275 = vector.broadcast %jit3A_272 : f32 to vector<256x128xf32>
    %select_n3A_276 = arith.select %broadcast_in_dim3A_274, %select_n3A, %broadcast_in_dim3A_275 : vector<256x128xi1>, vector<256x128xf32>
    %reduce_max3A_277 = arith.constant dense<0xFF800000> : vector<128xf32>
    %reduce_max3A_278 = vector.multi_reduction <maximumf>, %select_n3A_276, %reduce_max3A_277 [0] : vector<256x128xf32> to vector<128xf32>
    %broadcast_in_dim3A_279 = vector.shape_cast %reduce_max3A_278 : vector<128xf32> to vector<1x128xf32>
    %get3A_280 = arith.constant 11 : index
    %get3A_281 = arith.constant 0 : index
    %get3A_282 = vector.load %arg11[%get3A_280, %get3A_281] : memref<64x128xf32, #tpu.memory_space<vmem>>, vector<1x128xf32>
    %max3A_283 = arith.maximumf %get3A_282, %broadcast_in_dim3A_279 : vector<1x128xf32>
    %swap3A_284 = arith.constant 11 : index
    %swap3A_285 = arith.constant 0 : index
    %swap3A_286 = vector.load %arg11[%swap3A_284, %swap3A_285] : memref<64x128xf32, #tpu.memory_space<vmem>>, vector<1x128xf32>
    tpu.vector_store %arg11[%swap3A_284, %swap3A_285], %max3A_283 {strides = array<i32>} : memref<64x128xf32, #tpu.memory_space<vmem>>, vector<1x128xf32>,
    %eq3A_287 = arith.constant 12 : i32
    %eq3A_288 = vector.broadcast %eq3A_287 : i32 to vector<256x1xi32>
    %eq3A_289 = arith.cmpi eq, %get3A_72, %eq3A_288 : vector<256x1xi32>
    %jit3A_290 = arith.constant 0xFF800000 : f32
    %broadcast_in_dim3A_291 = vector.shape_cast %eq3A_289 : vector<256x1xi1> to vector<256x1xi1>
    %broadcast_in_dim3A_292 = vector.broadcast %broadcast_in_dim3A_291 : vector<256x1xi1> to vector<256x128xi1>
    %broadcast_in_dim3A_293 = vector.broadcast %jit3A_290 : f32 to vector<256x128xf32>
    %select_n3A_294 = arith.select %broadcast_in_dim3A_292, %select_n3A, %broadcast_in_dim3A_293 : vector<256x128xi1>, vector<256x128xf32>
    %reduce_max3A_295 = arith.constant dense<0xFF800000> : vector<128xf32>
    %reduce_max3A_296 = vector.multi_reduction <maximumf>, %select_n3A_294, %reduce_max3A_295 [0] : vector<256x128xf32> to vector<128xf32>
    %broadcast_in_dim3A_297 = vector.shape_cast %reduce_max3A_296 : vector<128xf32> to vector<1x128xf32>
    %get3A_298 = arith.constant 12 : index
    %get3A_299 = arith.constant 0 : index
    %get3A_300 = vector.load %arg11[%get3A_298, %get3A_299] : memref<64x128xf32, #tpu.memory_space<vmem>>, vector<1x128xf32>
    %max3A_301 = arith.maximumf %get3A_300, %broadcast_in_dim3A_297 : vector<1x128xf32>
    %swap3A_302 = arith.constant 12 : index
    %swap3A_303 = arith.constant 0 : index
    %swap3A_304 = vector.load %arg11[%swap3A_302, %swap3A_303] : memref<64x128xf32, #tpu.memory_space<vmem>>, vector<1x128xf32>
    tpu.vector_store %arg11[%swap3A_302, %swap3A_303], %max3A_301 {strides = array<i32>} : memref<64x128xf32, #tpu.memory_space<vmem>>, vector<1x128xf32>,
    %eq3A_305 = arith.constant 13 : i32
    %eq3A_306 = vector.broadcast %eq3A_305 : i32 to vector<256x1xi32>
    %eq3A_307 = arith.cmpi eq, %get3A_72, %eq3A_306 : vector<256x1xi32>
    %jit3A_308 = arith.constant 0xFF800000 : f32
    %broadcast_in_dim3A_309 = vector.shape_cast %eq3A_307 : vector<256x1xi1> to vector<256x1xi1>
    %broadcast_in_dim3A_310 = vector.broadcast %broadcast_in_dim3A_309 : vector<256x1xi1> to vector<256x128xi1>
    %broadcast_in_dim3A_311 = vector.broadcast %jit3A_308 : f32 to vector<256x128xf32>
    %select_n3A_312 = arith.select %broadcast_in_dim3A_310, %select_n3A, %broadcast_in_dim3A_311 : vector<256x128xi1>, vector<256x128xf32>
    %reduce_max3A_313 = arith.constant dense<0xFF800000> : vector<128xf32>
    %reduce_max3A_314 = vector.multi_reduction <maximumf>, %select_n3A_312, %reduce_max3A_313 [0] : vector<256x128xf32> to vector<128xf32>
    %broadcast_in_dim3A_315 = vector.shape_cast %reduce_max3A_314 : vector<128xf32> to vector<1x128xf32>
    %get3A_316 = arith.constant 13 : index
    %get3A_317 = arith.constant 0 : index
    %get3A_318 = vector.load %arg11[%get3A_316, %get3A_317] : memref<64x128xf32, #tpu.memory_space<vmem>>, vector<1x128xf32>
    %max3A_319 = arith.maximumf %get3A_318, %broadcast_in_dim3A_315 : vector<1x128xf32>
    %swap3A_320 = arith.constant 13 : index
    %swap3A_321 = arith.constant 0 : index
    %swap3A_322 = vector.load %arg11[%swap3A_320, %swap3A_321] : memref<64x128xf32, #tpu.memory_space<vmem>>, vector<1x128xf32>
    tpu.vector_store %arg11[%swap3A_320, %swap3A_321], %max3A_319 {strides = array<i32>} : memref<64x128xf32, #tpu.memory_space<vmem>>, vector<1x128xf32>,
    %eq3A_323 = arith.constant 14 : i32
    %eq3A_324 = vector.broadcast %eq3A_323 : i32 to vector<256x1xi32>
    %eq3A_325 = arith.cmpi eq, %get3A_72, %eq3A_324 : vector<256x1xi32>
    %jit3A_326 = arith.constant 0xFF800000 : f32
    %broadcast_in_dim3A_327 = vector.shape_cast %eq3A_325 : vector<256x1xi1> to vector<256x1xi1>
    %broadcast_in_dim3A_328 = vector.broadcast %broadcast_in_dim3A_327 : vector<256x1xi1> to vector<256x128xi1>
    %broadcast_in_dim3A_329 = vector.broadcast %jit3A_326 : f32 to vector<256x128xf32>
    %select_n3A_330 = arith.select %broadcast_in_dim3A_328, %select_n3A, %broadcast_in_dim3A_329 : vector<256x128xi1>, vector<256x128xf32>
    %reduce_max3A_331 = arith.constant dense<0xFF800000> : vector<128xf32>
    %reduce_max3A_332 = vector.multi_reduction <maximumf>, %select_n3A_330, %reduce_max3A_331 [0] : vector<256x128xf32> to vector<128xf32>
    %broadcast_in_dim3A_333 = vector.shape_cast %reduce_max3A_332 : vector<128xf32> to vector<1x128xf32>
    %get3A_334 = arith.constant 14 : index
    %get3A_335 = arith.constant 0 : index
    %get3A_336 = vector.load %arg11[%get3A_334, %get3A_335] : memref<64x128xf32, #tpu.memory_space<vmem>>, vector<1x128xf32>
    %max3A_337 = arith.maximumf %get3A_336, %broadcast_in_dim3A_333 : vector<1x128xf32>
    %swap3A_338 = arith.constant 14 : index
    %swap3A_339 = arith.constant 0 : index
    %swap3A_340 = vector.load %arg11[%swap3A_338, %swap3A_339] : memref<64x128xf32, #tpu.memory_space<vmem>>, vector<1x128xf32>
    tpu.vector_store %arg11[%swap3A_338, %swap3A_339], %max3A_337 {strides = array<i32>} : memref<64x128xf32, #tpu.memory_space<vmem>>, vector<1x128xf32>,
    %eq3A_341 = arith.constant 15 : i32
    %eq3A_342 = vector.broadcast %eq3A_341 : i32 to vector<256x1xi32>
    %eq3A_343 = arith.cmpi eq, %get3A_72, %eq3A_342 : vector<256x1xi32>
    %jit3A_344 = arith.constant 0xFF800000 : f32
    %broadcast_in_dim3A_345 = vector.shape_cast %eq3A_343 : vector<256x1xi1> to vector<256x1xi1>
    %broadcast_in_dim3A_346 = vector.broadcast %broadcast_in_dim3A_345 : vector<256x1xi1> to vector<256x128xi1>
    %broadcast_in_dim3A_347 = vector.broadcast %jit3A_344 : f32 to vector<256x128xf32>
    %select_n3A_348 = arith.select %broadcast_in_dim3A_346, %select_n3A, %broadcast_in_dim3A_347 : vector<256x128xi1>, vector<256x128xf32>
    %reduce_max3A_349 = arith.constant dense<0xFF800000> : vector<128xf32>
    %reduce_max3A_350 = vector.multi_reduction <maximumf>, %select_n3A_348, %reduce_max3A_349 [0] : vector<256x128xf32> to vector<128xf32>
    %broadcast_in_dim3A_351 = vector.shape_cast %reduce_max3A_350 : vector<128xf32> to vector<1x128xf32>
    %get3A_352 = arith.constant 15 : index
    %get3A_353 = arith.constant 0 : index
    %get3A_354 = vector.load %arg11[%get3A_352, %get3A_353] : memref<64x128xf32, #tpu.memory_space<vmem>>, vector<1x128xf32>
    %max3A_355 = arith.maximumf %get3A_354, %broadcast_in_dim3A_351 : vector<1x128xf32>
    %swap3A_356 = arith.constant 15 : index
    %swap3A_357 = arith.constant 0 : index
    %swap3A_358 = vector.load %arg11[%swap3A_356, %swap3A_357] : memref<64x128xf32, #tpu.memory_space<vmem>>, vector<1x128xf32>
    tpu.vector_store %arg11[%swap3A_356, %swap3A_357], %max3A_355 {strides = array<i32>} : memref<64x128xf32, #tpu.memory_space<vmem>>, vector<1x128xf32>,
    %eq3A_359 = arith.constant 16 : i32
    %eq3A_360 = vector.broadcast %eq3A_359 : i32 to vector<256x1xi32>
    %eq3A_361 = arith.cmpi eq, %get3A_72, %eq3A_360 : vector<256x1xi32>
    %jit3A_362 = arith.constant 0xFF800000 : f32
    %broadcast_in_dim3A_363 = vector.shape_cast %eq3A_361 : vector<256x1xi1> to vector<256x1xi1>
    %broadcast_in_dim3A_364 = vector.broadcast %broadcast_in_dim3A_363 : vector<256x1xi1> to vector<256x128xi1>
    %broadcast_in_dim3A_365 = vector.broadcast %jit3A_362 : f32 to vector<256x128xf32>
    %select_n3A_366 = arith.select %broadcast_in_dim3A_364, %select_n3A, %broadcast_in_dim3A_365 : vector<256x128xi1>, vector<256x128xf32>
    %reduce_max3A_367 = arith.constant dense<0xFF800000> : vector<128xf32>
    %reduce_max3A_368 = vector.multi_reduction <maximumf>, %select_n3A_366, %reduce_max3A_367 [0] : vector<256x128xf32> to vector<128xf32>
    %broadcast_in_dim3A_369 = vector.shape_cast %reduce_max3A_368 : vector<128xf32> to vector<1x128xf32>
    %get3A_370 = arith.constant 16 : index
    %get3A_371 = arith.constant 0 : index
    %get3A_372 = vector.load %arg11[%get3A_370, %get3A_371] : memref<64x128xf32, #tpu.memory_space<vmem>>, vector<1x128xf32>
    %max3A_373 = arith.maximumf %get3A_372, %broadcast_in_dim3A_369 : vector<1x128xf32>
    %swap3A_374 = arith.constant 16 : index
    %swap3A_375 = arith.constant 0 : index
    %swap3A_376 = vector.load %arg11[%swap3A_374, %swap3A_375] : memref<64x128xf32, #tpu.memory_space<vmem>>, vector<1x128xf32>
    tpu.vector_store %arg11[%swap3A_374, %swap3A_375], %max3A_373 {strides = array<i32>} : memref<64x128xf32, #tpu.memory_space<vmem>>, vector<1x128xf32>,
    %eq3A_377 = arith.constant 17 : i32
    %eq3A_378 = vector.broadcast %eq3A_377 : i32 to vector<256x1xi32>
    %eq3A_379 = arith.cmpi eq, %get3A_72, %eq3A_378 : vector<256x1xi32>
    %jit3A_380 = arith.constant 0xFF800000 : f32
    %broadcast_in_dim3A_381 = vector.shape_cast %eq3A_379 : vector<256x1xi1> to vector<256x1xi1>
    %broadcast_in_dim3A_382 = vector.broadcast %broadcast_in_dim3A_381 : vector<256x1xi1> to vector<256x128xi1>
    %broadcast_in_dim3A_383 = vector.broadcast %jit3A_380 : f32 to vector<256x128xf32>
    %select_n3A_384 = arith.select %broadcast_in_dim3A_382, %select_n3A, %broadcast_in_dim3A_383 : vector<256x128xi1>, vector<256x128xf32>
    %reduce_max3A_385 = arith.constant dense<0xFF800000> : vector<128xf32>
    %reduce_max3A_386 = vector.multi_reduction <maximumf>, %select_n3A_384, %reduce_max3A_385 [0] : vector<256x128xf32> to vector<128xf32>
    %broadcast_in_dim3A_387 = vector.shape_cast %reduce_max3A_386 : vector<128xf32> to vector<1x128xf32>
    %get3A_388 = arith.constant 17 : index
    %get3A_389 = arith.constant 0 : index
    %get3A_390 = vector.load %arg11[%get3A_388, %get3A_389] : memref<64x128xf32, #tpu.memory_space<vmem>>, vector<1x128xf32>
    %max3A_391 = arith.maximumf %get3A_390, %broadcast_in_dim3A_387 : vector<1x128xf32>
    %swap3A_392 = arith.constant 17 : index
    %swap3A_393 = arith.constant 0 : index
    %swap3A_394 = vector.load %arg11[%swap3A_392, %swap3A_393] : memref<64x128xf32, #tpu.memory_space<vmem>>, vector<1x128xf32>
    tpu.vector_store %arg11[%swap3A_392, %swap3A_393], %max3A_391 {strides = array<i32>} : memref<64x128xf32, #tpu.memory_space<vmem>>, vector<1x128xf32>,
    %eq3A_395 = arith.constant 18 : i32
    %eq3A_396 = vector.broadcast %eq3A_395 : i32 to vector<256x1xi32>
    %eq3A_397 = arith.cmpi eq, %get3A_72, %eq3A_396 : vector<256x1xi32>
    %jit3A_398 = arith.constant 0xFF800000 : f32
    %broadcast_in_dim3A_399 = vector.shape_cast %eq3A_397 : vector<256x1xi1> to vector<256x1xi1>
    %broadcast_in_dim3A_400 = vector.broadcast %broadcast_in_dim3A_399 : vector<256x1xi1> to vector<256x128xi1>
    %broadcast_in_dim3A_401 = vector.broadcast %jit3A_398 : f32 to vector<256x128xf32>
    %select_n3A_402 = arith.select %broadcast_in_dim3A_400, %select_n3A, %broadcast_in_dim3A_401 : vector<256x128xi1>, vector<256x128xf32>
    %reduce_max3A_403 = arith.constant dense<0xFF800000> : vector<128xf32>
    %reduce_max3A_404 = vector.multi_reduction <maximumf>, %select_n3A_402, %reduce_max3A_403 [0] : vector<256x128xf32> to vector<128xf32>
    %broadcast_in_dim3A_405 = vector.shape_cast %reduce_max3A_404 : vector<128xf32> to vector<1x128xf32>
    %get3A_406 = arith.constant 18 : index
    %get3A_407 = arith.constant 0 : index
    %get3A_408 = vector.load %arg11[%get3A_406, %get3A_407] : memref<64x128xf32, #tpu.memory_space<vmem>>, vector<1x128xf32>
    %max3A_409 = arith.maximumf %get3A_408, %broadcast_in_dim3A_405 : vector<1x128xf32>
    %swap3A_410 = arith.constant 18 : index
    %swap3A_411 = arith.constant 0 : index
    %swap3A_412 = vector.load %arg11[%swap3A_410, %swap3A_411] : memref<64x128xf32, #tpu.memory_space<vmem>>, vector<1x128xf32>
    tpu.vector_store %arg11[%swap3A_410, %swap3A_411], %max3A_409 {strides = array<i32>} : memref<64x128xf32, #tpu.memory_space<vmem>>, vector<1x128xf32>,
    %eq3A_413 = arith.constant 19 : i32
    %eq3A_414 = vector.broadcast %eq3A_413 : i32 to vector<256x1xi32>
    %eq3A_415 = arith.cmpi eq, %get3A_72, %eq3A_414 : vector<256x1xi32>
    %jit3A_416 = arith.constant 0xFF800000 : f32
    %broadcast_in_dim3A_417 = vector.shape_cast %eq3A_415 : vector<256x1xi1> to vector<256x1xi1>
    %broadcast_in_dim3A_418 = vector.broadcast %broadcast_in_dim3A_417 : vector<256x1xi1> to vector<256x128xi1>
    %broadcast_in_dim3A_419 = vector.broadcast %jit3A_416 : f32 to vector<256x128xf32>
    %select_n3A_420 = arith.select %broadcast_in_dim3A_418, %select_n3A, %broadcast_in_dim3A_419 : vector<256x128xi1>, vector<256x128xf32>
    %reduce_max3A_421 = arith.constant dense<0xFF800000> : vector<128xf32>
    %reduce_max3A_422 = vector.multi_reduction <maximumf>, %select_n3A_420, %reduce_max3A_421 [0] : vector<256x128xf32> to vector<128xf32>
    %broadcast_in_dim3A_423 = vector.shape_cast %reduce_max3A_422 : vector<128xf32> to vector<1x128xf32>
    %get3A_424 = arith.constant 19 : index
    %get3A_425 = arith.constant 0 : index
    %get3A_426 = vector.load %arg11[%get3A_424, %get3A_425] : memref<64x128xf32, #tpu.memory_space<vmem>>, vector<1x128xf32>
    %max3A_427 = arith.maximumf %get3A_426, %broadcast_in_dim3A_423 : vector<1x128xf32>
    %swap3A_428 = arith.constant 19 : index
    %swap3A_429 = arith.constant 0 : index
    %swap3A_430 = vector.load %arg11[%swap3A_428, %swap3A_429] : memref<64x128xf32, #tpu.memory_space<vmem>>, vector<1x128xf32>
    tpu.vector_store %arg11[%swap3A_428, %swap3A_429], %max3A_427 {strides = array<i32>} : memref<64x128xf32, #tpu.memory_space<vmem>>, vector<1x128xf32>,
    %eq3A_431 = arith.constant 20 : i32
    %eq3A_432 = vector.broadcast %eq3A_431 : i32 to vector<256x1xi32>
    %eq3A_433 = arith.cmpi eq, %get3A_72, %eq3A_432 : vector<256x1xi32>
    %jit3A_434 = arith.constant 0xFF800000 : f32
    %broadcast_in_dim3A_435 = vector.shape_cast %eq3A_433 : vector<256x1xi1> to vector<256x1xi1>
    %broadcast_in_dim3A_436 = vector.broadcast %broadcast_in_dim3A_435 : vector<256x1xi1> to vector<256x128xi1>
    %broadcast_in_dim3A_437 = vector.broadcast %jit3A_434 : f32 to vector<256x128xf32>
    %select_n3A_438 = arith.select %broadcast_in_dim3A_436, %select_n3A, %broadcast_in_dim3A_437 : vector<256x128xi1>, vector<256x128xf32>
    %reduce_max3A_439 = arith.constant dense<0xFF800000> : vector<128xf32>
    %reduce_max3A_440 = vector.multi_reduction <maximumf>, %select_n3A_438, %reduce_max3A_439 [0] : vector<256x128xf32> to vector<128xf32>
    %broadcast_in_dim3A_441 = vector.shape_cast %reduce_max3A_440 : vector<128xf32> to vector<1x128xf32>
    %get3A_442 = arith.constant 20 : index
    %get3A_443 = arith.constant 0 : index
    %get3A_444 = vector.load %arg11[%get3A_442, %get3A_443] : memref<64x128xf32, #tpu.memory_space<vmem>>, vector<1x128xf32>
    %max3A_445 = arith.maximumf %get3A_444, %broadcast_in_dim3A_441 : vector<1x128xf32>
    %swap3A_446 = arith.constant 20 : index
    %swap3A_447 = arith.constant 0 : index
    %swap3A_448 = vector.load %arg11[%swap3A_446, %swap3A_447] : memref<64x128xf32, #tpu.memory_space<vmem>>, vector<1x128xf32>
    tpu.vector_store %arg11[%swap3A_446, %swap3A_447], %max3A_445 {strides = array<i32>} : memref<64x128xf32, #tpu.memory_space<vmem>>, vector<1x128xf32>,
    %eq3A_449 = arith.constant 21 : i32
    %eq3A_450 = vector.broadcast %eq3A_449 : i32 to vector<256x1xi32>
    %eq3A_451 = arith.cmpi eq, %get3A_72, %eq3A_450 : vector<256x1xi32>
    %jit3A_452 = arith.constant 0xFF800000 : f32
    %broadcast_in_dim3A_453 = vector.shape_cast %eq3A_451 : vector<256x1xi1> to vector<256x1xi1>
    %broadcast_in_dim3A_454 = vector.broadcast %broadcast_in_dim3A_453 : vector<256x1xi1> to vector<256x128xi1>
    %broadcast_in_dim3A_455 = vector.broadcast %jit3A_452 : f32 to vector<256x128xf32>
    %select_n3A_456 = arith.select %broadcast_in_dim3A_454, %select_n3A, %broadcast_in_dim3A_455 : vector<256x128xi1>, vector<256x128xf32>
    %reduce_max3A_457 = arith.constant dense<0xFF800000> : vector<128xf32>
    %reduce_max3A_458 = vector.multi_reduction <maximumf>, %select_n3A_456, %reduce_max3A_457 [0] : vector<256x128xf32> to vector<128xf32>
    %broadcast_in_dim3A_459 = vector.shape_cast %reduce_max3A_458 : vector<128xf32> to vector<1x128xf32>
    %get3A_460 = arith.constant 21 : index
    %get3A_461 = arith.constant 0 : index
    %get3A_462 = vector.load %arg11[%get3A_460, %get3A_461] : memref<64x128xf32, #tpu.memory_space<vmem>>, vector<1x128xf32>
    %max3A_463 = arith.maximumf %get3A_462, %broadcast_in_dim3A_459 : vector<1x128xf32>
    %swap3A_464 = arith.constant 21 : index
    %swap3A_465 = arith.constant 0 : index
    %swap3A_466 = vector.load %arg11[%swap3A_464, %swap3A_465] : memref<64x128xf32, #tpu.memory_space<vmem>>, vector<1x128xf32>
    tpu.vector_store %arg11[%swap3A_464, %swap3A_465], %max3A_463 {strides = array<i32>} : memref<64x128xf32, #tpu.memory_space<vmem>>, vector<1x128xf32>,
    %eq3A_467 = arith.constant 22 : i32
    %eq3A_468 = vector.broadcast %eq3A_467 : i32 to vector<256x1xi32>
    %eq3A_469 = arith.cmpi eq, %get3A_72, %eq3A_468 : vector<256x1xi32>
    %jit3A_470 = arith.constant 0xFF800000 : f32
    %broadcast_in_dim3A_471 = vector.shape_cast %eq3A_469 : vector<256x1xi1> to vector<256x1xi1>
    %broadcast_in_dim3A_472 = vector.broadcast %broadcast_in_dim3A_471 : vector<256x1xi1> to vector<256x128xi1>
    %broadcast_in_dim3A_473 = vector.broadcast %jit3A_470 : f32 to vector<256x128xf32>
    %select_n3A_474 = arith.select %broadcast_in_dim3A_472, %select_n3A, %broadcast_in_dim3A_473 : vector<256x128xi1>, vector<256x128xf32>
    %reduce_max3A_475 = arith.constant dense<0xFF800000> : vector<128xf32>
    %reduce_max3A_476 = vector.multi_reduction <maximumf>, %select_n3A_474, %reduce_max3A_475 [0] : vector<256x128xf32> to vector<128xf32>
    %broadcast_in_dim3A_477 = vector.shape_cast %reduce_max3A_476 : vector<128xf32> to vector<1x128xf32>
    %get3A_478 = arith.constant 22 : index
    %get3A_479 = arith.constant 0 : index
    %get3A_480 = vector.load %arg11[%get3A_478, %get3A_479] : memref<64x128xf32, #tpu.memory_space<vmem>>, vector<1x128xf32>
    %max3A_481 = arith.maximumf %get3A_480, %broadcast_in_dim3A_477 : vector<1x128xf32>
    %swap3A_482 = arith.constant 22 : index
    %swap3A_483 = arith.constant 0 : index
    %swap3A_484 = vector.load %arg11[%swap3A_482, %swap3A_483] : memref<64x128xf32, #tpu.memory_space<vmem>>, vector<1x128xf32>
    tpu.vector_store %arg11[%swap3A_482, %swap3A_483], %max3A_481 {strides = array<i32>} : memref<64x128xf32, #tpu.memory_space<vmem>>, vector<1x128xf32>,
    %eq3A_485 = arith.constant 23 : i32
    %eq3A_486 = vector.broadcast %eq3A_485 : i32 to vector<256x1xi32>
    %eq3A_487 = arith.cmpi eq, %get3A_72, %eq3A_486 : vector<256x1xi32>
    %jit3A_488 = arith.constant 0xFF800000 : f32
    %broadcast_in_dim3A_489 = vector.shape_cast %eq3A_487 : vector<256x1xi1> to vector<256x1xi1>
    %broadcast_in_dim3A_490 = vector.broadcast %broadcast_in_dim3A_489 : vector<256x1xi1> to vector<256x128xi1>
    %broadcast_in_dim3A_491 = vector.broadcast %jit3A_488 : f32 to vector<256x128xf32>
    %select_n3A_492 = arith.select %broadcast_in_dim3A_490, %select_n3A, %broadcast_in_dim3A_491 : vector<256x128xi1>, vector<256x128xf32>
    %reduce_max3A_493 = arith.constant dense<0xFF800000> : vector<128xf32>
    %reduce_max3A_494 = vector.multi_reduction <maximumf>, %select_n3A_492, %reduce_max3A_493 [0] : vector<256x128xf32> to vector<128xf32>
    %broadcast_in_dim3A_495 = vector.shape_cast %reduce_max3A_494 : vector<128xf32> to vector<1x128xf32>
    %get3A_496 = arith.constant 23 : index
    %get3A_497 = arith.constant 0 : index
    %get3A_498 = vector.load %arg11[%get3A_496, %get3A_497] : memref<64x128xf32, #tpu.memory_space<vmem>>, vector<1x128xf32>
    %max3A_499 = arith.maximumf %get3A_498, %broadcast_in_dim3A_495 : vector<1x128xf32>
    %swap3A_500 = arith.constant 23 : index
    %swap3A_501 = arith.constant 0 : index
    %swap3A_502 = vector.load %arg11[%swap3A_500, %swap3A_501] : memref<64x128xf32, #tpu.memory_space<vmem>>, vector<1x128xf32>
    tpu.vector_store %arg11[%swap3A_500, %swap3A_501], %max3A_499 {strides = array<i32>} : memref<64x128xf32, #tpu.memory_space<vmem>>, vector<1x128xf32>,
    %eq3A_503 = arith.constant 24 : i32
    %eq3A_504 = vector.broadcast %eq3A_503 : i32 to vector<256x1xi32>
    %eq3A_505 = arith.cmpi eq, %get3A_72, %eq3A_504 : vector<256x1xi32>
    %jit3A_506 = arith.constant 0xFF800000 : f32
    %broadcast_in_dim3A_507 = vector.shape_cast %eq3A_505 : vector<256x1xi1> to vector<256x1xi1>
    %broadcast_in_dim3A_508 = vector.broadcast %broadcast_in_dim3A_507 : vector<256x1xi1> to vector<256x128xi1>
    %broadcast_in_dim3A_509 = vector.broadcast %jit3A_506 : f32 to vector<256x128xf32>
    %select_n3A_510 = arith.select %broadcast_in_dim3A_508, %select_n3A, %broadcast_in_dim3A_509 : vector<256x128xi1>, vector<256x128xf32>
    %reduce_max3A_511 = arith.constant dense<0xFF800000> : vector<128xf32>
    %reduce_max3A_512 = vector.multi_reduction <maximumf>, %select_n3A_510, %reduce_max3A_511 [0] : vector<256x128xf32> to vector<128xf32>
    %broadcast_in_dim3A_513 = vector.shape_cast %reduce_max3A_512 : vector<128xf32> to vector<1x128xf32>
    %get3A_514 = arith.constant 24 : index
    %get3A_515 = arith.constant 0 : index
    %get3A_516 = vector.load %arg11[%get3A_514, %get3A_515] : memref<64x128xf32, #tpu.memory_space<vmem>>, vector<1x128xf32>
    %max3A_517 = arith.maximumf %get3A_516, %broadcast_in_dim3A_513 : vector<1x128xf32>
    %swap3A_518 = arith.constant 24 : index
    %swap3A_519 = arith.constant 0 : index
    %swap3A_520 = vector.load %arg11[%swap3A_518, %swap3A_519] : memref<64x128xf32, #tpu.memory_space<vmem>>, vector<1x128xf32>
    tpu.vector_store %arg11[%swap3A_518, %swap3A_519], %max3A_517 {strides = array<i32>} : memref<64x128xf32, #tpu.memory_space<vmem>>, vector<1x128xf32>,
    %eq3A_521 = arith.constant 25 : i32
    %eq3A_522 = vector.broadcast %eq3A_521 : i32 to vector<256x1xi32>
    %eq3A_523 = arith.cmpi eq, %get3A_72, %eq3A_522 : vector<256x1xi32>
    %jit3A_524 = arith.constant 0xFF800000 : f32
    %broadcast_in_dim3A_525 = vector.shape_cast %eq3A_523 : vector<256x1xi1> to vector<256x1xi1>
    %broadcast_in_dim3A_526 = vector.broadcast %broadcast_in_dim3A_525 : vector<256x1xi1> to vector<256x128xi1>
    %broadcast_in_dim3A_527 = vector.broadcast %jit3A_524 : f32 to vector<256x128xf32>
    %select_n3A_528 = arith.select %broadcast_in_dim3A_526, %select_n3A, %broadcast_in_dim3A_527 : vector<256x128xi1>, vector<256x128xf32>
    %reduce_max3A_529 = arith.constant dense<0xFF800000> : vector<128xf32>
    %reduce_max3A_530 = vector.multi_reduction <maximumf>, %select_n3A_528, %reduce_max3A_529 [0] : vector<256x128xf32> to vector<128xf32>
    %broadcast_in_dim3A_531 = vector.shape_cast %reduce_max3A_530 : vector<128xf32> to vector<1x128xf32>
    %get3A_532 = arith.constant 25 : index
    %get3A_533 = arith.constant 0 : index
    %get3A_534 = vector.load %arg11[%get3A_532, %get3A_533] : memref<64x128xf32, #tpu.memory_space<vmem>>, vector<1x128xf32>
    %max3A_535 = arith.maximumf %get3A_534, %broadcast_in_dim3A_531 : vector<1x128xf32>
    %swap3A_536 = arith.constant 25 : index
    %swap3A_537 = arith.constant 0 : index
    %swap3A_538 = vector.load %arg11[%swap3A_536, %swap3A_537] : memref<64x128xf32, #tpu.memory_space<vmem>>, vector<1x128xf32>
    tpu.vector_store %arg11[%swap3A_536, %swap3A_537], %max3A_535 {strides = array<i32>} : memref<64x128xf32, #tpu.memory_space<vmem>>, vector<1x128xf32>,
    %eq3A_539 = arith.constant 26 : i32
    %eq3A_540 = vector.broadcast %eq3A_539 : i32 to vector<256x1xi32>
    %eq3A_541 = arith.cmpi eq, %get3A_72, %eq3A_540 : vector<256x1xi32>
    %jit3A_542 = arith.constant 0xFF800000 : f32
    %broadcast_in_dim3A_543 = vector.shape_cast %eq3A_541 : vector<256x1xi1> to vector<256x1xi1>
    %broadcast_in_dim3A_544 = vector.broadcast %broadcast_in_dim3A_543 : vector<256x1xi1> to vector<256x128xi1>
    %broadcast_in_dim3A_545 = vector.broadcast %jit3A_542 : f32 to vector<256x128xf32>
    %select_n3A_546 = arith.select %broadcast_in_dim3A_544, %select_n3A, %broadcast_in_dim3A_545 : vector<256x128xi1>, vector<256x128xf32>
    %reduce_max3A_547 = arith.constant dense<0xFF800000> : vector<128xf32>
    %reduce_max3A_548 = vector.multi_reduction <maximumf>, %select_n3A_546, %reduce_max3A_547 [0] : vector<256x128xf32> to vector<128xf32>
    %broadcast_in_dim3A_549 = vector.shape_cast %reduce_max3A_548 : vector<128xf32> to vector<1x128xf32>
    %get3A_550 = arith.constant 26 : index
    %get3A_551 = arith.constant 0 : index
    %get3A_552 = vector.load %arg11[%get3A_550, %get3A_551] : memref<64x128xf32, #tpu.memory_space<vmem>>, vector<1x128xf32>
    %max3A_553 = arith.maximumf %get3A_552, %broadcast_in_dim3A_549 : vector<1x128xf32>
    %swap3A_554 = arith.constant 26 : index
    %swap3A_555 = arith.constant 0 : index
    %swap3A_556 = vector.load %arg11[%swap3A_554, %swap3A_555] : memref<64x128xf32, #tpu.memory_space<vmem>>, vector<1x128xf32>
    tpu.vector_store %arg11[%swap3A_554, %swap3A_555], %max3A_553 {strides = array<i32>} : memref<64x128xf32, #tpu.memory_space<vmem>>, vector<1x128xf32>,
    %eq3A_557 = arith.constant 27 : i32
    %eq3A_558 = vector.broadcast %eq3A_557 : i32 to vector<256x1xi32>
    %eq3A_559 = arith.cmpi eq, %get3A_72, %eq3A_558 : vector<256x1xi32>
    %jit3A_560 = arith.constant 0xFF800000 : f32
    %broadcast_in_dim3A_561 = vector.shape_cast %eq3A_559 : vector<256x1xi1> to vector<256x1xi1>
    %broadcast_in_dim3A_562 = vector.broadcast %broadcast_in_dim3A_561 : vector<256x1xi1> to vector<256x128xi1>
    %broadcast_in_dim3A_563 = vector.broadcast %jit3A_560 : f32 to vector<256x128xf32>
    %select_n3A_564 = arith.select %broadcast_in_dim3A_562, %select_n3A, %broadcast_in_dim3A_563 : vector<256x128xi1>, vector<256x128xf32>
    %reduce_max3A_565 = arith.constant dense<0xFF800000> : vector<128xf32>
    %reduce_max3A_566 = vector.multi_reduction <maximumf>, %select_n3A_564, %reduce_max3A_565 [0] : vector<256x128xf32> to vector<128xf32>
    %broadcast_in_dim3A_567 = vector.shape_cast %reduce_max3A_566 : vector<128xf32> to vector<1x128xf32>
    %get3A_568 = arith.constant 27 : index
    %get3A_569 = arith.constant 0 : index
    %get3A_570 = vector.load %arg11[%get3A_568, %get3A_569] : memref<64x128xf32, #tpu.memory_space<vmem>>, vector<1x128xf32>
    %max3A_571 = arith.maximumf %get3A_570, %broadcast_in_dim3A_567 : vector<1x128xf32>
    %swap3A_572 = arith.constant 27 : index
    %swap3A_573 = arith.constant 0 : index
    %swap3A_574 = vector.load %arg11[%swap3A_572, %swap3A_573] : memref<64x128xf32, #tpu.memory_space<vmem>>, vector<1x128xf32>
    tpu.vector_store %arg11[%swap3A_572, %swap3A_573], %max3A_571 {strides = array<i32>} : memref<64x128xf32, #tpu.memory_space<vmem>>, vector<1x128xf32>,
    %eq3A_575 = arith.constant 28 : i32
    %eq3A_576 = vector.broadcast %eq3A_575 : i32 to vector<256x1xi32>
    %eq3A_577 = arith.cmpi eq, %get3A_72, %eq3A_576 : vector<256x1xi32>
    %jit3A_578 = arith.constant 0xFF800000 : f32
    %broadcast_in_dim3A_579 = vector.shape_cast %eq3A_577 : vector<256x1xi1> to vector<256x1xi1>
    %broadcast_in_dim3A_580 = vector.broadcast %broadcast_in_dim3A_579 : vector<256x1xi1> to vector<256x128xi1>
    %broadcast_in_dim3A_581 = vector.broadcast %jit3A_578 : f32 to vector<256x128xf32>
    %select_n3A_582 = arith.select %broadcast_in_dim3A_580, %select_n3A, %broadcast_in_dim3A_581 : vector<256x128xi1>, vector<256x128xf32>
    %reduce_max3A_583 = arith.constant dense<0xFF800000> : vector<128xf32>
    %reduce_max3A_584 = vector.multi_reduction <maximumf>, %select_n3A_582, %reduce_max3A_583 [0] : vector<256x128xf32> to vector<128xf32>
    %broadcast_in_dim3A_585 = vector.shape_cast %reduce_max3A_584 : vector<128xf32> to vector<1x128xf32>
    %get3A_586 = arith.constant 28 : index
    %get3A_587 = arith.constant 0 : index
    %get3A_588 = vector.load %arg11[%get3A_586, %get3A_587] : memref<64x128xf32, #tpu.memory_space<vmem>>, vector<1x128xf32>
    %max3A_589 = arith.maximumf %get3A_588, %broadcast_in_dim3A_585 : vector<1x128xf32>
    %swap3A_590 = arith.constant 28 : index
    %swap3A_591 = arith.constant 0 : index
    %swap3A_592 = vector.load %arg11[%swap3A_590, %swap3A_591] : memref<64x128xf32, #tpu.memory_space<vmem>>, vector<1x128xf32>
    tpu.vector_store %arg11[%swap3A_590, %swap3A_591], %max3A_589 {strides = array<i32>} : memref<64x128xf32, #tpu.memory_space<vmem>>, vector<1x128xf32>,
    %eq3A_593 = arith.constant 29 : i32
    %eq3A_594 = vector.broadcast %eq3A_593 : i32 to vector<256x1xi32>
    %eq3A_595 = arith.cmpi eq, %get3A_72, %eq3A_594 : vector<256x1xi32>
    %jit3A_596 = arith.constant 0xFF800000 : f32
    %broadcast_in_dim3A_597 = vector.shape_cast %eq3A_595 : vector<256x1xi1> to vector<256x1xi1>
    %broadcast_in_dim3A_598 = vector.broadcast %broadcast_in_dim3A_597 : vector<256x1xi1> to vector<256x128xi1>
    %broadcast_in_dim3A_599 = vector.broadcast %jit3A_596 : f32 to vector<256x128xf32>
    %select_n3A_600 = arith.select %broadcast_in_dim3A_598, %select_n3A, %broadcast_in_dim3A_599 : vector<256x128xi1>, vector<256x128xf32>
    %reduce_max3A_601 = arith.constant dense<0xFF800000> : vector<128xf32>
    %reduce_max3A_602 = vector.multi_reduction <maximumf>, %select_n3A_600, %reduce_max3A_601 [0] : vector<256x128xf32> to vector<128xf32>
    %broadcast_in_dim3A_603 = vector.shape_cast %reduce_max3A_602 : vector<128xf32> to vector<1x128xf32>
    %get3A_604 = arith.constant 29 : index
    %get3A_605 = arith.constant 0 : index
    %get3A_606 = vector.load %arg11[%get3A_604, %get3A_605] : memref<64x128xf32, #tpu.memory_space<vmem>>, vector<1x128xf32>
    %max3A_607 = arith.maximumf %get3A_606, %broadcast_in_dim3A_603 : vector<1x128xf32>
    %swap3A_608 = arith.constant 29 : index
    %swap3A_609 = arith.constant 0 : index
    %swap3A_610 = vector.load %arg11[%swap3A_608, %swap3A_609] : memref<64x128xf32, #tpu.memory_space<vmem>>, vector<1x128xf32>
    tpu.vector_store %arg11[%swap3A_608, %swap3A_609], %max3A_607 {strides = array<i32>} : memref<64x128xf32, #tpu.memory_space<vmem>>, vector<1x128xf32>,
    %eq3A_611 = arith.constant 30 : i32
    %eq3A_612 = vector.broadcast %eq3A_611 : i32 to vector<256x1xi32>
    %eq3A_613 = arith.cmpi eq, %get3A_72, %eq3A_612 : vector<256x1xi32>
    %jit3A_614 = arith.constant 0xFF800000 : f32
    %broadcast_in_dim3A_615 = vector.shape_cast %eq3A_613 : vector<256x1xi1> to vector<256x1xi1>
    %broadcast_in_dim3A_616 = vector.broadcast %broadcast_in_dim3A_615 : vector<256x1xi1> to vector<256x128xi1>
    %broadcast_in_dim3A_617 = vector.broadcast %jit3A_614 : f32 to vector<256x128xf32>
    %select_n3A_618 = arith.select %broadcast_in_dim3A_616, %select_n3A, %broadcast_in_dim3A_617 : vector<256x128xi1>, vector<256x128xf32>
    %reduce_max3A_619 = arith.constant dense<0xFF800000> : vector<128xf32>
    %reduce_max3A_620 = vector.multi_reduction <maximumf>, %select_n3A_618, %reduce_max3A_619 [0] : vector<256x128xf32> to vector<128xf32>
    %broadcast_in_dim3A_621 = vector.shape_cast %reduce_max3A_620 : vector<128xf32> to vector<1x128xf32>
    %get3A_622 = arith.constant 30 : index
    %get3A_623 = arith.constant 0 : index
    %get3A_624 = vector.load %arg11[%get3A_622, %get3A_623] : memref<64x128xf32, #tpu.memory_space<vmem>>, vector<1x128xf32>
    %max3A_625 = arith.maximumf %get3A_624, %broadcast_in_dim3A_621 : vector<1x128xf32>
    %swap3A_626 = arith.constant 30 : index
    %swap3A_627 = arith.constant 0 : index
    %swap3A_628 = vector.load %arg11[%swap3A_626, %swap3A_627] : memref<64x128xf32, #tpu.memory_space<vmem>>, vector<1x128xf32>
    tpu.vector_store %arg11[%swap3A_626, %swap3A_627], %max3A_625 {strides = array<i32>} : memref<64x128xf32, #tpu.memory_space<vmem>>, vector<1x128xf32>,
    %eq3A_629 = arith.constant 31 : i32
    %eq3A_630 = vector.broadcast %eq3A_629 : i32 to vector<256x1xi32>
    %eq3A_631 = arith.cmpi eq, %get3A_72, %eq3A_630 : vector<256x1xi32>
    %jit3A_632 = arith.constant 0xFF800000 : f32
    %broadcast_in_dim3A_633 = vector.shape_cast %eq3A_631 : vector<256x1xi1> to vector<256x1xi1>
    %broadcast_in_dim3A_634 = vector.broadcast %broadcast_in_dim3A_633 : vector<256x1xi1> to vector<256x128xi1>
    %broadcast_in_dim3A_635 = vector.broadcast %jit3A_632 : f32 to vector<256x128xf32>
    %select_n3A_636 = arith.select %broadcast_in_dim3A_634, %select_n3A, %broadcast_in_dim3A_635 : vector<256x128xi1>, vector<256x128xf32>
    %reduce_max3A_637 = arith.constant dense<0xFF800000> : vector<128xf32>
    %reduce_max3A_638 = vector.multi_reduction <maximumf>, %select_n3A_636, %reduce_max3A_637 [0] : vector<256x128xf32> to vector<128xf32>
    %broadcast_in_dim3A_639 = vector.shape_cast %reduce_max3A_638 : vector<128xf32> to vector<1x128xf32>
    %get3A_640 = arith.constant 31 : index
    %get3A_641 = arith.constant 0 : index
    %get3A_642 = vector.load %arg11[%get3A_640, %get3A_641] : memref<64x128xf32, #tpu.memory_space<vmem>>, vector<1x128xf32>
    %max3A_643 = arith.maximumf %get3A_642, %broadcast_in_dim3A_639 : vector<1x128xf32>
    %swap3A_644 = arith.constant 31 : index
    %swap3A_645 = arith.constant 0 : index
    %swap3A_646 = vector.load %arg11[%swap3A_644, %swap3A_645] : memref<64x128xf32, #tpu.memory_space<vmem>>, vector<1x128xf32>
    tpu.vector_store %arg11[%swap3A_644, %swap3A_645], %max3A_643 {strides = array<i32>} : memref<64x128xf32, #tpu.memory_space<vmem>>, vector<1x128xf32>,
    %eq3A_647 = arith.constant 32 : i32
    %eq3A_648 = vector.broadcast %eq3A_647 : i32 to vector<256x1xi32>
    %eq3A_649 = arith.cmpi eq, %get3A_72, %eq3A_648 : vector<256x1xi32>
    %jit3A_650 = arith.constant 0xFF800000 : f32
    %broadcast_in_dim3A_651 = vector.shape_cast %eq3A_649 : vector<256x1xi1> to vector<256x1xi1>
    %broadcast_in_dim3A_652 = vector.broadcast %broadcast_in_dim3A_651 : vector<256x1xi1> to vector<256x128xi1>
    %broadcast_in_dim3A_653 = vector.broadcast %jit3A_650 : f32 to vector<256x128xf32>
    %select_n3A_654 = arith.select %broadcast_in_dim3A_652, %select_n3A, %broadcast_in_dim3A_653 : vector<256x128xi1>, vector<256x128xf32>
    %reduce_max3A_655 = arith.constant dense<0xFF800000> : vector<128xf32>
    %reduce_max3A_656 = vector.multi_reduction <maximumf>, %select_n3A_654, %reduce_max3A_655 [0] : vector<256x128xf32> to vector<128xf32>
    %broadcast_in_dim3A_657 = vector.shape_cast %reduce_max3A_656 : vector<128xf32> to vector<1x128xf32>
    %get3A_658 = arith.constant 32 : index
    %get3A_659 = arith.constant 0 : index
    %get3A_660 = vector.load %arg11[%get3A_658, %get3A_659] : memref<64x128xf32, #tpu.memory_space<vmem>>, vector<1x128xf32>
    %max3A_661 = arith.maximumf %get3A_660, %broadcast_in_dim3A_657 : vector<1x128xf32>
    %swap3A_662 = arith.constant 32 : index
    %swap3A_663 = arith.constant 0 : index
    %swap3A_664 = vector.load %arg11[%swap3A_662, %swap3A_663] : memref<64x128xf32, #tpu.memory_space<vmem>>, vector<1x128xf32>
    tpu.vector_store %arg11[%swap3A_662, %swap3A_663], %max3A_661 {strides = array<i32>} : memref<64x128xf32, #tpu.memory_space<vmem>>, vector<1x128xf32>,
    %eq3A_665 = arith.constant 33 : i32
    %eq3A_666 = vector.broadcast %eq3A_665 : i32 to vector<256x1xi32>
    %eq3A_667 = arith.cmpi eq, %get3A_72, %eq3A_666 : vector<256x1xi32>
    %jit3A_668 = arith.constant 0xFF800000 : f32
    %broadcast_in_dim3A_669 = vector.shape_cast %eq3A_667 : vector<256x1xi1> to vector<256x1xi1>
    %broadcast_in_dim3A_670 = vector.broadcast %broadcast_in_dim3A_669 : vector<256x1xi1> to vector<256x128xi1>
    %broadcast_in_dim3A_671 = vector.broadcast %jit3A_668 : f32 to vector<256x128xf32>
    %select_n3A_672 = arith.select %broadcast_in_dim3A_670, %select_n3A, %broadcast_in_dim3A_671 : vector<256x128xi1>, vector<256x128xf32>
    %reduce_max3A_673 = arith.constant dense<0xFF800000> : vector<128xf32>
    %reduce_max3A_674 = vector.multi_reduction <maximumf>, %select_n3A_672, %reduce_max3A_673 [0] : vector<256x128xf32> to vector<128xf32>
    %broadcast_in_dim3A_675 = vector.shape_cast %reduce_max3A_674 : vector<128xf32> to vector<1x128xf32>
    %get3A_676 = arith.constant 33 : index
    %get3A_677 = arith.constant 0 : index
    %get3A_678 = vector.load %arg11[%get3A_676, %get3A_677] : memref<64x128xf32, #tpu.memory_space<vmem>>, vector<1x128xf32>
    %max3A_679 = arith.maximumf %get3A_678, %broadcast_in_dim3A_675 : vector<1x128xf32>
    %swap3A_680 = arith.constant 33 : index
    %swap3A_681 = arith.constant 0 : index
    %swap3A_682 = vector.load %arg11[%swap3A_680, %swap3A_681] : memref<64x128xf32, #tpu.memory_space<vmem>>, vector<1x128xf32>
    tpu.vector_store %arg11[%swap3A_680, %swap3A_681], %max3A_679 {strides = array<i32>} : memref<64x128xf32, #tpu.memory_space<vmem>>, vector<1x128xf32>,
    %eq3A_683 = arith.constant 34 : i32
    %eq3A_684 = vector.broadcast %eq3A_683 : i32 to vector<256x1xi32>
    %eq3A_685 = arith.cmpi eq, %get3A_72, %eq3A_684 : vector<256x1xi32>
    %jit3A_686 = arith.constant 0xFF800000 : f32
    %broadcast_in_dim3A_687 = vector.shape_cast %eq3A_685 : vector<256x1xi1> to vector<256x1xi1>
    %broadcast_in_dim3A_688 = vector.broadcast %broadcast_in_dim3A_687 : vector<256x1xi1> to vector<256x128xi1>
    %broadcast_in_dim3A_689 = vector.broadcast %jit3A_686 : f32 to vector<256x128xf32>
    %select_n3A_690 = arith.select %broadcast_in_dim3A_688, %select_n3A, %broadcast_in_dim3A_689 : vector<256x128xi1>, vector<256x128xf32>
    %reduce_max3A_691 = arith.constant dense<0xFF800000> : vector<128xf32>
    %reduce_max3A_692 = vector.multi_reduction <maximumf>, %select_n3A_690, %reduce_max3A_691 [0] : vector<256x128xf32> to vector<128xf32>
    %broadcast_in_dim3A_693 = vector.shape_cast %reduce_max3A_692 : vector<128xf32> to vector<1x128xf32>
    %get3A_694 = arith.constant 34 : index
    %get3A_695 = arith.constant 0 : index
    %get3A_696 = vector.load %arg11[%get3A_694, %get3A_695] : memref<64x128xf32, #tpu.memory_space<vmem>>, vector<1x128xf32>
    %max3A_697 = arith.maximumf %get3A_696, %broadcast_in_dim3A_693 : vector<1x128xf32>
    %swap3A_698 = arith.constant 34 : index
    %swap3A_699 = arith.constant 0 : index
    %swap3A_700 = vector.load %arg11[%swap3A_698, %swap3A_699] : memref<64x128xf32, #tpu.memory_space<vmem>>, vector<1x128xf32>
    tpu.vector_store %arg11[%swap3A_698, %swap3A_699], %max3A_697 {strides = array<i32>} : memref<64x128xf32, #tpu.memory_space<vmem>>, vector<1x128xf32>,
    %eq3A_701 = arith.constant 35 : i32
    %eq3A_702 = vector.broadcast %eq3A_701 : i32 to vector<256x1xi32>
    %eq3A_703 = arith.cmpi eq, %get3A_72, %eq3A_702 : vector<256x1xi32>
    %jit3A_704 = arith.constant 0xFF800000 : f32
    %broadcast_in_dim3A_705 = vector.shape_cast %eq3A_703 : vector<256x1xi1> to vector<256x1xi1>
    %broadcast_in_dim3A_706 = vector.broadcast %broadcast_in_dim3A_705 : vector<256x1xi1> to vector<256x128xi1>
    %broadcast_in_dim3A_707 = vector.broadcast %jit3A_704 : f32 to vector<256x128xf32>
    %select_n3A_708 = arith.select %broadcast_in_dim3A_706, %select_n3A, %broadcast_in_dim3A_707 : vector<256x128xi1>, vector<256x128xf32>
    %reduce_max3A_709 = arith.constant dense<0xFF800000> : vector<128xf32>
    %reduce_max3A_710 = vector.multi_reduction <maximumf>, %select_n3A_708, %reduce_max3A_709 [0] : vector<256x128xf32> to vector<128xf32>
    %broadcast_in_dim3A_711 = vector.shape_cast %reduce_max3A_710 : vector<128xf32> to vector<1x128xf32>
    %get3A_712 = arith.constant 35 : index
    %get3A_713 = arith.constant 0 : index
    %get3A_714 = vector.load %arg11[%get3A_712, %get3A_713] : memref<64x128xf32, #tpu.memory_space<vmem>>, vector<1x128xf32>
    %max3A_715 = arith.maximumf %get3A_714, %broadcast_in_dim3A_711 : vector<1x128xf32>
    %swap3A_716 = arith.constant 35 : index
    %swap3A_717 = arith.constant 0 : index
    %swap3A_718 = vector.load %arg11[%swap3A_716, %swap3A_717] : memref<64x128xf32, #tpu.memory_space<vmem>>, vector<1x128xf32>
    tpu.vector_store %arg11[%swap3A_716, %swap3A_717], %max3A_715 {strides = array<i32>} : memref<64x128xf32, #tpu.memory_space<vmem>>, vector<1x128xf32>,
    %eq3A_719 = arith.constant 36 : i32
    %eq3A_720 = vector.broadcast %eq3A_719 : i32 to vector<256x1xi32>
    %eq3A_721 = arith.cmpi eq, %get3A_72, %eq3A_720 : vector<256x1xi32>
    %jit3A_722 = arith.constant 0xFF800000 : f32
    %broadcast_in_dim3A_723 = vector.shape_cast %eq3A_721 : vector<256x1xi1> to vector<256x1xi1>
    %broadcast_in_dim3A_724 = vector.broadcast %broadcast_in_dim3A_723 : vector<256x1xi1> to vector<256x128xi1>
    %broadcast_in_dim3A_725 = vector.broadcast %jit3A_722 : f32 to vector<256x128xf32>
    %select_n3A_726 = arith.select %broadcast_in_dim3A_724, %select_n3A, %broadcast_in_dim3A_725 : vector<256x128xi1>, vector<256x128xf32>
    %reduce_max3A_727 = arith.constant dense<0xFF800000> : vector<128xf32>
    %reduce_max3A_728 = vector.multi_reduction <maximumf>, %select_n3A_726, %reduce_max3A_727 [0] : vector<256x128xf32> to vector<128xf32>
    %broadcast_in_dim3A_729 = vector.shape_cast %reduce_max3A_728 : vector<128xf32> to vector<1x128xf32>
    %get3A_730 = arith.constant 36 : index
    %get3A_731 = arith.constant 0 : index
    %get3A_732 = vector.load %arg11[%get3A_730, %get3A_731] : memref<64x128xf32, #tpu.memory_space<vmem>>, vector<1x128xf32>
    %max3A_733 = arith.maximumf %get3A_732, %broadcast_in_dim3A_729 : vector<1x128xf32>
    %swap3A_734 = arith.constant 36 : index
    %swap3A_735 = arith.constant 0 : index
    %swap3A_736 = vector.load %arg11[%swap3A_734, %swap3A_735] : memref<64x128xf32, #tpu.memory_space<vmem>>, vector<1x128xf32>
    tpu.vector_store %arg11[%swap3A_734, %swap3A_735], %max3A_733 {strides = array<i32>} : memref<64x128xf32, #tpu.memory_space<vmem>>, vector<1x128xf32>,
    %eq3A_737 = arith.constant 37 : i32
    %eq3A_738 = vector.broadcast %eq3A_737 : i32 to vector<256x1xi32>
    %eq3A_739 = arith.cmpi eq, %get3A_72, %eq3A_738 : vector<256x1xi32>
    %jit3A_740 = arith.constant 0xFF800000 : f32
    %broadcast_in_dim3A_741 = vector.shape_cast %eq3A_739 : vector<256x1xi1> to vector<256x1xi1>
    %broadcast_in_dim3A_742 = vector.broadcast %broadcast_in_dim3A_741 : vector<256x1xi1> to vector<256x128xi1>
    %broadcast_in_dim3A_743 = vector.broadcast %jit3A_740 : f32 to vector<256x128xf32>
    %select_n3A_744 = arith.select %broadcast_in_dim3A_742, %select_n3A, %broadcast_in_dim3A_743 : vector<256x128xi1>, vector<256x128xf32>
    %reduce_max3A_745 = arith.constant dense<0xFF800000> : vector<128xf32>
    %reduce_max3A_746 = vector.multi_reduction <maximumf>, %select_n3A_744, %reduce_max3A_745 [0] : vector<256x128xf32> to vector<128xf32>
    %broadcast_in_dim3A_747 = vector.shape_cast %reduce_max3A_746 : vector<128xf32> to vector<1x128xf32>
    %get3A_748 = arith.constant 37 : index
    %get3A_749 = arith.constant 0 : index
    %get3A_750 = vector.load %arg11[%get3A_748, %get3A_749] : memref<64x128xf32, #tpu.memory_space<vmem>>, vector<1x128xf32>
    %max3A_751 = arith.maximumf %get3A_750, %broadcast_in_dim3A_747 : vector<1x128xf32>
    %swap3A_752 = arith.constant 37 : index
    %swap3A_753 = arith.constant 0 : index
    %swap3A_754 = vector.load %arg11[%swap3A_752, %swap3A_753] : memref<64x128xf32, #tpu.memory_space<vmem>>, vector<1x128xf32>
    tpu.vector_store %arg11[%swap3A_752, %swap3A_753], %max3A_751 {strides = array<i32>} : memref<64x128xf32, #tpu.memory_space<vmem>>, vector<1x128xf32>,
    %eq3A_755 = arith.constant 38 : i32
    %eq3A_756 = vector.broadcast %eq3A_755 : i32 to vector<256x1xi32>
    %eq3A_757 = arith.cmpi eq, %get3A_72, %eq3A_756 : vector<256x1xi32>
    %jit3A_758 = arith.constant 0xFF800000 : f32
    %broadcast_in_dim3A_759 = vector.shape_cast %eq3A_757 : vector<256x1xi1> to vector<256x1xi1>
    %broadcast_in_dim3A_760 = vector.broadcast %broadcast_in_dim3A_759 : vector<256x1xi1> to vector<256x128xi1>
    %broadcast_in_dim3A_761 = vector.broadcast %jit3A_758 : f32 to vector<256x128xf32>
    %select_n3A_762 = arith.select %broadcast_in_dim3A_760, %select_n3A, %broadcast_in_dim3A_761 : vector<256x128xi1>, vector<256x128xf32>
    %reduce_max3A_763 = arith.constant dense<0xFF800000> : vector<128xf32>
    %reduce_max3A_764 = vector.multi_reduction <maximumf>, %select_n3A_762, %reduce_max3A_763 [0] : vector<256x128xf32> to vector<128xf32>
    %broadcast_in_dim3A_765 = vector.shape_cast %reduce_max3A_764 : vector<128xf32> to vector<1x128xf32>
    %get3A_766 = arith.constant 38 : index
    %get3A_767 = arith.constant 0 : index
    %get3A_768 = vector.load %arg11[%get3A_766, %get3A_767] : memref<64x128xf32, #tpu.memory_space<vmem>>, vector<1x128xf32>
    %max3A_769 = arith.maximumf %get3A_768, %broadcast_in_dim3A_765 : vector<1x128xf32>
    %swap3A_770 = arith.constant 38 : index
    %swap3A_771 = arith.constant 0 : index
    %swap3A_772 = vector.load %arg11[%swap3A_770, %swap3A_771] : memref<64x128xf32, #tpu.memory_space<vmem>>, vector<1x128xf32>
    tpu.vector_store %arg11[%swap3A_770, %swap3A_771], %max3A_769 {strides = array<i32>} : memref<64x128xf32, #tpu.memory_space<vmem>>, vector<1x128xf32>,
    %eq3A_773 = arith.constant 39 : i32
    %eq3A_774 = vector.broadcast %eq3A_773 : i32 to vector<256x1xi32>
    %eq3A_775 = arith.cmpi eq, %get3A_72, %eq3A_774 : vector<256x1xi32>
    %jit3A_776 = arith.constant 0xFF800000 : f32
    %broadcast_in_dim3A_777 = vector.shape_cast %eq3A_775 : vector<256x1xi1> to vector<256x1xi1>
    %broadcast_in_dim3A_778 = vector.broadcast %broadcast_in_dim3A_777 : vector<256x1xi1> to vector<256x128xi1>
    %broadcast_in_dim3A_779 = vector.broadcast %jit3A_776 : f32 to vector<256x128xf32>
    %select_n3A_780 = arith.select %broadcast_in_dim3A_778, %select_n3A, %broadcast_in_dim3A_779 : vector<256x128xi1>, vector<256x128xf32>
    %reduce_max3A_781 = arith.constant dense<0xFF800000> : vector<128xf32>
    %reduce_max3A_782 = vector.multi_reduction <maximumf>, %select_n3A_780, %reduce_max3A_781 [0] : vector<256x128xf32> to vector<128xf32>
    %broadcast_in_dim3A_783 = vector.shape_cast %reduce_max3A_782 : vector<128xf32> to vector<1x128xf32>
    %get3A_784 = arith.constant 39 : index
    %get3A_785 = arith.constant 0 : index
    %get3A_786 = vector.load %arg11[%get3A_784, %get3A_785] : memref<64x128xf32, #tpu.memory_space<vmem>>, vector<1x128xf32>
    %max3A_787 = arith.maximumf %get3A_786, %broadcast_in_dim3A_783 : vector<1x128xf32>
    %swap3A_788 = arith.constant 39 : index
    %swap3A_789 = arith.constant 0 : index
    %swap3A_790 = vector.load %arg11[%swap3A_788, %swap3A_789] : memref<64x128xf32, #tpu.memory_space<vmem>>, vector<1x128xf32>
    tpu.vector_store %arg11[%swap3A_788, %swap3A_789], %max3A_787 {strides = array<i32>} : memref<64x128xf32, #tpu.memory_space<vmem>>, vector<1x128xf32>,
    %eq3A_791 = arith.constant 40 : i32
    %eq3A_792 = vector.broadcast %eq3A_791 : i32 to vector<256x1xi32>
    %eq3A_793 = arith.cmpi eq, %get3A_72, %eq3A_792 : vector<256x1xi32>
    %jit3A_794 = arith.constant 0xFF800000 : f32
    %broadcast_in_dim3A_795 = vector.shape_cast %eq3A_793 : vector<256x1xi1> to vector<256x1xi1>
    %broadcast_in_dim3A_796 = vector.broadcast %broadcast_in_dim3A_795 : vector<256x1xi1> to vector<256x128xi1>
    %broadcast_in_dim3A_797 = vector.broadcast %jit3A_794 : f32 to vector<256x128xf32>
    %select_n3A_798 = arith.select %broadcast_in_dim3A_796, %select_n3A, %broadcast_in_dim3A_797 : vector<256x128xi1>, vector<256x128xf32>
    %reduce_max3A_799 = arith.constant dense<0xFF800000> : vector<128xf32>
    %reduce_max3A_800 = vector.multi_reduction <maximumf>, %select_n3A_798, %reduce_max3A_799 [0] : vector<256x128xf32> to vector<128xf32>
    %broadcast_in_dim3A_801 = vector.shape_cast %reduce_max3A_800 : vector<128xf32> to vector<1x128xf32>
    %get3A_802 = arith.constant 40 : index
    %get3A_803 = arith.constant 0 : index
    %get3A_804 = vector.load %arg11[%get3A_802, %get3A_803] : memref<64x128xf32, #tpu.memory_space<vmem>>, vector<1x128xf32>
    %max3A_805 = arith.maximumf %get3A_804, %broadcast_in_dim3A_801 : vector<1x128xf32>
    %swap3A_806 = arith.constant 40 : index
    %swap3A_807 = arith.constant 0 : index
    %swap3A_808 = vector.load %arg11[%swap3A_806, %swap3A_807] : memref<64x128xf32, #tpu.memory_space<vmem>>, vector<1x128xf32>
    tpu.vector_store %arg11[%swap3A_806, %swap3A_807], %max3A_805 {strides = array<i32>} : memref<64x128xf32, #tpu.memory_space<vmem>>, vector<1x128xf32>,
    %eq3A_809 = arith.constant 41 : i32
    %eq3A_810 = vector.broadcast %eq3A_809 : i32 to vector<256x1xi32>
    %eq3A_811 = arith.cmpi eq, %get3A_72, %eq3A_810 : vector<256x1xi32>
    %jit3A_812 = arith.constant 0xFF800000 : f32
    %broadcast_in_dim3A_813 = vector.shape_cast %eq3A_811 : vector<256x1xi1> to vector<256x1xi1>
    %broadcast_in_dim3A_814 = vector.broadcast %broadcast_in_dim3A_813 : vector<256x1xi1> to vector<256x128xi1>
    %broadcast_in_dim3A_815 = vector.broadcast %jit3A_812 : f32 to vector<256x128xf32>
    %select_n3A_816 = arith.select %broadcast_in_dim3A_814, %select_n3A, %broadcast_in_dim3A_815 : vector<256x128xi1>, vector<256x128xf32>
    %reduce_max3A_817 = arith.constant dense<0xFF800000> : vector<128xf32>
    %reduce_max3A_818 = vector.multi_reduction <maximumf>, %select_n3A_816, %reduce_max3A_817 [0] : vector<256x128xf32> to vector<128xf32>
    %broadcast_in_dim3A_819 = vector.shape_cast %reduce_max3A_818 : vector<128xf32> to vector<1x128xf32>
    %get3A_820 = arith.constant 41 : index
    %get3A_821 = arith.constant 0 : index
    %get3A_822 = vector.load %arg11[%get3A_820, %get3A_821] : memref<64x128xf32, #tpu.memory_space<vmem>>, vector<1x128xf32>
    %max3A_823 = arith.maximumf %get3A_822, %broadcast_in_dim3A_819 : vector<1x128xf32>
    %swap3A_824 = arith.constant 41 : index
    %swap3A_825 = arith.constant 0 : index
    %swap3A_826 = vector.load %arg11[%swap3A_824, %swap3A_825] : memref<64x128xf32, #tpu.memory_space<vmem>>, vector<1x128xf32>
    tpu.vector_store %arg11[%swap3A_824, %swap3A_825], %max3A_823 {strides = array<i32>} : memref<64x128xf32, #tpu.memory_space<vmem>>, vector<1x128xf32>,
    %eq3A_827 = arith.constant 42 : i32
    %eq3A_828 = vector.broadcast %eq3A_827 : i32 to vector<256x1xi32>
    %eq3A_829 = arith.cmpi eq, %get3A_72, %eq3A_828 : vector<256x1xi32>
    %jit3A_830 = arith.constant 0xFF800000 : f32
    %broadcast_in_dim3A_831 = vector.shape_cast %eq3A_829 : vector<256x1xi1> to vector<256x1xi1>
    %broadcast_in_dim3A_832 = vector.broadcast %broadcast_in_dim3A_831 : vector<256x1xi1> to vector<256x128xi1>
    %broadcast_in_dim3A_833 = vector.broadcast %jit3A_830 : f32 to vector<256x128xf32>
    %select_n3A_834 = arith.select %broadcast_in_dim3A_832, %select_n3A, %broadcast_in_dim3A_833 : vector<256x128xi1>, vector<256x128xf32>
    %reduce_max3A_835 = arith.constant dense<0xFF800000> : vector<128xf32>
    %reduce_max3A_836 = vector.multi_reduction <maximumf>, %select_n3A_834, %reduce_max3A_835 [0] : vector<256x128xf32> to vector<128xf32>
    %broadcast_in_dim3A_837 = vector.shape_cast %reduce_max3A_836 : vector<128xf32> to vector<1x128xf32>
    %get3A_838 = arith.constant 42 : index
    %get3A_839 = arith.constant 0 : index
    %get3A_840 = vector.load %arg11[%get3A_838, %get3A_839] : memref<64x128xf32, #tpu.memory_space<vmem>>, vector<1x128xf32>
    %max3A_841 = arith.maximumf %get3A_840, %broadcast_in_dim3A_837 : vector<1x128xf32>
    %swap3A_842 = arith.constant 42 : index
    %swap3A_843 = arith.constant 0 : index
    %swap3A_844 = vector.load %arg11[%swap3A_842, %swap3A_843] : memref<64x128xf32, #tpu.memory_space<vmem>>, vector<1x128xf32>
    tpu.vector_store %arg11[%swap3A_842, %swap3A_843], %max3A_841 {strides = array<i32>} : memref<64x128xf32, #tpu.memory_space<vmem>>, vector<1x128xf32>,
    %eq3A_845 = arith.constant 43 : i32
    %eq3A_846 = vector.broadcast %eq3A_845 : i32 to vector<256x1xi32>
    %eq3A_847 = arith.cmpi eq, %get3A_72, %eq3A_846 : vector<256x1xi32>
    %jit3A_848 = arith.constant 0xFF800000 : f32
    %broadcast_in_dim3A_849 = vector.shape_cast %eq3A_847 : vector<256x1xi1> to vector<256x1xi1>
    %broadcast_in_dim3A_850 = vector.broadcast %broadcast_in_dim3A_849 : vector<256x1xi1> to vector<256x128xi1>
    %broadcast_in_dim3A_851 = vector.broadcast %jit3A_848 : f32 to vector<256x128xf32>
    %select_n3A_852 = arith.select %broadcast_in_dim3A_850, %select_n3A, %broadcast_in_dim3A_851 : vector<256x128xi1>, vector<256x128xf32>
    %reduce_max3A_853 = arith.constant dense<0xFF800000> : vector<128xf32>
    %reduce_max3A_854 = vector.multi_reduction <maximumf>, %select_n3A_852, %reduce_max3A_853 [0] : vector<256x128xf32> to vector<128xf32>
    %broadcast_in_dim3A_855 = vector.shape_cast %reduce_max3A_854 : vector<128xf32> to vector<1x128xf32>
    %get3A_856 = arith.constant 43 : index
    %get3A_857 = arith.constant 0 : index
    %get3A_858 = vector.load %arg11[%get3A_856, %get3A_857] : memref<64x128xf32, #tpu.memory_space<vmem>>, vector<1x128xf32>
    %max3A_859 = arith.maximumf %get3A_858, %broadcast_in_dim3A_855 : vector<1x128xf32>
    %swap3A_860 = arith.constant 43 : index
    %swap3A_861 = arith.constant 0 : index
    %swap3A_862 = vector.load %arg11[%swap3A_860, %swap3A_861] : memref<64x128xf32, #tpu.memory_space<vmem>>, vector<1x128xf32>
    tpu.vector_store %arg11[%swap3A_860, %swap3A_861], %max3A_859 {strides = array<i32>} : memref<64x128xf32, #tpu.memory_space<vmem>>, vector<1x128xf32>,
    %eq3A_863 = arith.constant 44 : i32
    %eq3A_864 = vector.broadcast %eq3A_863 : i32 to vector<256x1xi32>
    %eq3A_865 = arith.cmpi eq, %get3A_72, %eq3A_864 : vector<256x1xi32>
    %jit3A_866 = arith.constant 0xFF800000 : f32
    %broadcast_in_dim3A_867 = vector.shape_cast %eq3A_865 : vector<256x1xi1> to vector<256x1xi1>
    %broadcast_in_dim3A_868 = vector.broadcast %broadcast_in_dim3A_867 : vector<256x1xi1> to vector<256x128xi1>
    %broadcast_in_dim3A_869 = vector.broadcast %jit3A_866 : f32 to vector<256x128xf32>
    %select_n3A_870 = arith.select %broadcast_in_dim3A_868, %select_n3A, %broadcast_in_dim3A_869 : vector<256x128xi1>, vector<256x128xf32>
    %reduce_max3A_871 = arith.constant dense<0xFF800000> : vector<128xf32>
    %reduce_max3A_872 = vector.multi_reduction <maximumf>, %select_n3A_870, %reduce_max3A_871 [0] : vector<256x128xf32> to vector<128xf32>
    %broadcast_in_dim3A_873 = vector.shape_cast %reduce_max3A_872 : vector<128xf32> to vector<1x128xf32>
    %get3A_874 = arith.constant 44 : index
    %get3A_875 = arith.constant 0 : index
    %get3A_876 = vector.load %arg11[%get3A_874, %get3A_875] : memref<64x128xf32, #tpu.memory_space<vmem>>, vector<1x128xf32>
    %max3A_877 = arith.maximumf %get3A_876, %broadcast_in_dim3A_873 : vector<1x128xf32>
    %swap3A_878 = arith.constant 44 : index
    %swap3A_879 = arith.constant 0 : index
    %swap3A_880 = vector.load %arg11[%swap3A_878, %swap3A_879] : memref<64x128xf32, #tpu.memory_space<vmem>>, vector<1x128xf32>
    tpu.vector_store %arg11[%swap3A_878, %swap3A_879], %max3A_877 {strides = array<i32>} : memref<64x128xf32, #tpu.memory_space<vmem>>, vector<1x128xf32>,
    %eq3A_881 = arith.constant 45 : i32
    %eq3A_882 = vector.broadcast %eq3A_881 : i32 to vector<256x1xi32>
    %eq3A_883 = arith.cmpi eq, %get3A_72, %eq3A_882 : vector<256x1xi32>
    %jit3A_884 = arith.constant 0xFF800000 : f32
    %broadcast_in_dim3A_885 = vector.shape_cast %eq3A_883 : vector<256x1xi1> to vector<256x1xi1>
    %broadcast_in_dim3A_886 = vector.broadcast %broadcast_in_dim3A_885 : vector<256x1xi1> to vector<256x128xi1>
    %broadcast_in_dim3A_887 = vector.broadcast %jit3A_884 : f32 to vector<256x128xf32>
    %select_n3A_888 = arith.select %broadcast_in_dim3A_886, %select_n3A, %broadcast_in_dim3A_887 : vector<256x128xi1>, vector<256x128xf32>
    %reduce_max3A_889 = arith.constant dense<0xFF800000> : vector<128xf32>
    %reduce_max3A_890 = vector.multi_reduction <maximumf>, %select_n3A_888, %reduce_max3A_889 [0] : vector<256x128xf32> to vector<128xf32>
    %broadcast_in_dim3A_891 = vector.shape_cast %reduce_max3A_890 : vector<128xf32> to vector<1x128xf32>
    %get3A_892 = arith.constant 45 : index
    %get3A_893 = arith.constant 0 : index
    %get3A_894 = vector.load %arg11[%get3A_892, %get3A_893] : memref<64x128xf32, #tpu.memory_space<vmem>>, vector<1x128xf32>
    %max3A_895 = arith.maximumf %get3A_894, %broadcast_in_dim3A_891 : vector<1x128xf32>
    %swap3A_896 = arith.constant 45 : index
    %swap3A_897 = arith.constant 0 : index
    %swap3A_898 = vector.load %arg11[%swap3A_896, %swap3A_897] : memref<64x128xf32, #tpu.memory_space<vmem>>, vector<1x128xf32>
    tpu.vector_store %arg11[%swap3A_896, %swap3A_897], %max3A_895 {strides = array<i32>} : memref<64x128xf32, #tpu.memory_space<vmem>>, vector<1x128xf32>,
    %eq3A_899 = arith.constant 46 : i32
    %eq3A_900 = vector.broadcast %eq3A_899 : i32 to vector<256x1xi32>
    %eq3A_901 = arith.cmpi eq, %get3A_72, %eq3A_900 : vector<256x1xi32>
    %jit3A_902 = arith.constant 0xFF800000 : f32
    %broadcast_in_dim3A_903 = vector.shape_cast %eq3A_901 : vector<256x1xi1> to vector<256x1xi1>
    %broadcast_in_dim3A_904 = vector.broadcast %broadcast_in_dim3A_903 : vector<256x1xi1> to vector<256x128xi1>
    %broadcast_in_dim3A_905 = vector.broadcast %jit3A_902 : f32 to vector<256x128xf32>
    %select_n3A_906 = arith.select %broadcast_in_dim3A_904, %select_n3A, %broadcast_in_dim3A_905 : vector<256x128xi1>, vector<256x128xf32>
    %reduce_max3A_907 = arith.constant dense<0xFF800000> : vector<128xf32>
    %reduce_max3A_908 = vector.multi_reduction <maximumf>, %select_n3A_906, %reduce_max3A_907 [0] : vector<256x128xf32> to vector<128xf32>
    %broadcast_in_dim3A_909 = vector.shape_cast %reduce_max3A_908 : vector<128xf32> to vector<1x128xf32>
    %get3A_910 = arith.constant 46 : index
    %get3A_911 = arith.constant 0 : index
    %get3A_912 = vector.load %arg11[%get3A_910, %get3A_911] : memref<64x128xf32, #tpu.memory_space<vmem>>, vector<1x128xf32>
    %max3A_913 = arith.maximumf %get3A_912, %broadcast_in_dim3A_909 : vector<1x128xf32>
    %swap3A_914 = arith.constant 46 : index
    %swap3A_915 = arith.constant 0 : index
    %swap3A_916 = vector.load %arg11[%swap3A_914, %swap3A_915] : memref<64x128xf32, #tpu.memory_space<vmem>>, vector<1x128xf32>
    tpu.vector_store %arg11[%swap3A_914, %swap3A_915], %max3A_913 {strides = array<i32>} : memref<64x128xf32, #tpu.memory_space<vmem>>, vector<1x128xf32>,
    %eq3A_917 = arith.constant 47 : i32
    %eq3A_918 = vector.broadcast %eq3A_917 : i32 to vector<256x1xi32>
    %eq3A_919 = arith.cmpi eq, %get3A_72, %eq3A_918 : vector<256x1xi32>
    %jit3A_920 = arith.constant 0xFF800000 : f32
    %broadcast_in_dim3A_921 = vector.shape_cast %eq3A_919 : vector<256x1xi1> to vector<256x1xi1>
    %broadcast_in_dim3A_922 = vector.broadcast %broadcast_in_dim3A_921 : vector<256x1xi1> to vector<256x128xi1>
    %broadcast_in_dim3A_923 = vector.broadcast %jit3A_920 : f32 to vector<256x128xf32>
    %select_n3A_924 = arith.select %broadcast_in_dim3A_922, %select_n3A, %broadcast_in_dim3A_923 : vector<256x128xi1>, vector<256x128xf32>
    %reduce_max3A_925 = arith.constant dense<0xFF800000> : vector<128xf32>
    %reduce_max3A_926 = vector.multi_reduction <maximumf>, %select_n3A_924, %reduce_max3A_925 [0] : vector<256x128xf32> to vector<128xf32>
    %broadcast_in_dim3A_927 = vector.shape_cast %reduce_max3A_926 : vector<128xf32> to vector<1x128xf32>
    %get3A_928 = arith.constant 47 : index
    %get3A_929 = arith.constant 0 : index
    %get3A_930 = vector.load %arg11[%get3A_928, %get3A_929] : memref<64x128xf32, #tpu.memory_space<vmem>>, vector<1x128xf32>
    %max3A_931 = arith.maximumf %get3A_930, %broadcast_in_dim3A_927 : vector<1x128xf32>
    %swap3A_932 = arith.constant 47 : index
    %swap3A_933 = arith.constant 0 : index
    %swap3A_934 = vector.load %arg11[%swap3A_932, %swap3A_933] : memref<64x128xf32, #tpu.memory_space<vmem>>, vector<1x128xf32>
    tpu.vector_store %arg11[%swap3A_932, %swap3A_933], %max3A_931 {strides = array<i32>} : memref<64x128xf32, #tpu.memory_space<vmem>>, vector<1x128xf32>,
    %eq3A_935 = arith.constant 48 : i32
    %eq3A_936 = vector.broadcast %eq3A_935 : i32 to vector<256x1xi32>
    %eq3A_937 = arith.cmpi eq, %get3A_72, %eq3A_936 : vector<256x1xi32>
    %jit3A_938 = arith.constant 0xFF800000 : f32
    %broadcast_in_dim3A_939 = vector.shape_cast %eq3A_937 : vector<256x1xi1> to vector<256x1xi1>
    %broadcast_in_dim3A_940 = vector.broadcast %broadcast_in_dim3A_939 : vector<256x1xi1> to vector<256x128xi1>
    %broadcast_in_dim3A_941 = vector.broadcast %jit3A_938 : f32 to vector<256x128xf32>
    %select_n3A_942 = arith.select %broadcast_in_dim3A_940, %select_n3A, %broadcast_in_dim3A_941 : vector<256x128xi1>, vector<256x128xf32>
    %reduce_max3A_943 = arith.constant dense<0xFF800000> : vector<128xf32>
    %reduce_max3A_944 = vector.multi_reduction <maximumf>, %select_n3A_942, %reduce_max3A_943 [0] : vector<256x128xf32> to vector<128xf32>
    %broadcast_in_dim3A_945 = vector.shape_cast %reduce_max3A_944 : vector<128xf32> to vector<1x128xf32>
    %get3A_946 = arith.constant 48 : index
    %get3A_947 = arith.constant 0 : index
    %get3A_948 = vector.load %arg11[%get3A_946, %get3A_947] : memref<64x128xf32, #tpu.memory_space<vmem>>, vector<1x128xf32>
    %max3A_949 = arith.maximumf %get3A_948, %broadcast_in_dim3A_945 : vector<1x128xf32>
    %swap3A_950 = arith.constant 48 : index
    %swap3A_951 = arith.constant 0 : index
    %swap3A_952 = vector.load %arg11[%swap3A_950, %swap3A_951] : memref<64x128xf32, #tpu.memory_space<vmem>>, vector<1x128xf32>
    tpu.vector_store %arg11[%swap3A_950, %swap3A_951], %max3A_949 {strides = array<i32>} : memref<64x128xf32, #tpu.memory_space<vmem>>, vector<1x128xf32>,
    %eq3A_953 = arith.constant 49 : i32
    %eq3A_954 = vector.broadcast %eq3A_953 : i32 to vector<256x1xi32>
    %eq3A_955 = arith.cmpi eq, %get3A_72, %eq3A_954 : vector<256x1xi32>
    %jit3A_956 = arith.constant 0xFF800000 : f32
    %broadcast_in_dim3A_957 = vector.shape_cast %eq3A_955 : vector<256x1xi1> to vector<256x1xi1>
    %broadcast_in_dim3A_958 = vector.broadcast %broadcast_in_dim3A_957 : vector<256x1xi1> to vector<256x128xi1>
    %broadcast_in_dim3A_959 = vector.broadcast %jit3A_956 : f32 to vector<256x128xf32>
    %select_n3A_960 = arith.select %broadcast_in_dim3A_958, %select_n3A, %broadcast_in_dim3A_959 : vector<256x128xi1>, vector<256x128xf32>
    %reduce_max3A_961 = arith.constant dense<0xFF800000> : vector<128xf32>
    %reduce_max3A_962 = vector.multi_reduction <maximumf>, %select_n3A_960, %reduce_max3A_961 [0] : vector<256x128xf32> to vector<128xf32>
    %broadcast_in_dim3A_963 = vector.shape_cast %reduce_max3A_962 : vector<128xf32> to vector<1x128xf32>
    %get3A_964 = arith.constant 49 : index
    %get3A_965 = arith.constant 0 : index
    %get3A_966 = vector.load %arg11[%get3A_964, %get3A_965] : memref<64x128xf32, #tpu.memory_space<vmem>>, vector<1x128xf32>
    %max3A_967 = arith.maximumf %get3A_966, %broadcast_in_dim3A_963 : vector<1x128xf32>
    %swap3A_968 = arith.constant 49 : index
    %swap3A_969 = arith.constant 0 : index
    %swap3A_970 = vector.load %arg11[%swap3A_968, %swap3A_969] : memref<64x128xf32, #tpu.memory_space<vmem>>, vector<1x128xf32>
    tpu.vector_store %arg11[%swap3A_968, %swap3A_969], %max3A_967 {strides = array<i32>} : memref<64x128xf32, #tpu.memory_space<vmem>>, vector<1x128xf32>,
    %eq3A_971 = arith.constant 50 : i32
    %eq3A_972 = vector.broadcast %eq3A_971 : i32 to vector<256x1xi32>
    %eq3A_973 = arith.cmpi eq, %get3A_72, %eq3A_972 : vector<256x1xi32>
    %jit3A_974 = arith.constant 0xFF800000 : f32
    %broadcast_in_dim3A_975 = vector.shape_cast %eq3A_973 : vector<256x1xi1> to vector<256x1xi1>
    %broadcast_in_dim3A_976 = vector.broadcast %broadcast_in_dim3A_975 : vector<256x1xi1> to vector<256x128xi1>
    %broadcast_in_dim3A_977 = vector.broadcast %jit3A_974 : f32 to vector<256x128xf32>
    %select_n3A_978 = arith.select %broadcast_in_dim3A_976, %select_n3A, %broadcast_in_dim3A_977 : vector<256x128xi1>, vector<256x128xf32>
    %reduce_max3A_979 = arith.constant dense<0xFF800000> : vector<128xf32>
    %reduce_max3A_980 = vector.multi_reduction <maximumf>, %select_n3A_978, %reduce_max3A_979 [0] : vector<256x128xf32> to vector<128xf32>
    %broadcast_in_dim3A_981 = vector.shape_cast %reduce_max3A_980 : vector<128xf32> to vector<1x128xf32>
    %get3A_982 = arith.constant 50 : index
    %get3A_983 = arith.constant 0 : index
    %get3A_984 = vector.load %arg11[%get3A_982, %get3A_983] : memref<64x128xf32, #tpu.memory_space<vmem>>, vector<1x128xf32>
    %max3A_985 = arith.maximumf %get3A_984, %broadcast_in_dim3A_981 : vector<1x128xf32>
    %swap3A_986 = arith.constant 50 : index
    %swap3A_987 = arith.constant 0 : index
    %swap3A_988 = vector.load %arg11[%swap3A_986, %swap3A_987] : memref<64x128xf32, #tpu.memory_space<vmem>>, vector<1x128xf32>
    tpu.vector_store %arg11[%swap3A_986, %swap3A_987], %max3A_985 {strides = array<i32>} : memref<64x128xf32, #tpu.memory_space<vmem>>, vector<1x128xf32>,
    %eq3A_989 = arith.constant 51 : i32
    %eq3A_990 = vector.broadcast %eq3A_989 : i32 to vector<256x1xi32>
    %eq3A_991 = arith.cmpi eq, %get3A_72, %eq3A_990 : vector<256x1xi32>
    %jit3A_992 = arith.constant 0xFF800000 : f32
    %broadcast_in_dim3A_993 = vector.shape_cast %eq3A_991 : vector<256x1xi1> to vector<256x1xi1>
    %broadcast_in_dim3A_994 = vector.broadcast %broadcast_in_dim3A_993 : vector<256x1xi1> to vector<256x128xi1>
    %broadcast_in_dim3A_995 = vector.broadcast %jit3A_992 : f32 to vector<256x128xf32>
    %select_n3A_996 = arith.select %broadcast_in_dim3A_994, %select_n3A, %broadcast_in_dim3A_995 : vector<256x128xi1>, vector<256x128xf32>
    %reduce_max3A_997 = arith.constant dense<0xFF800000> : vector<128xf32>
    %reduce_max3A_998 = vector.multi_reduction <maximumf>, %select_n3A_996, %reduce_max3A_997 [0] : vector<256x128xf32> to vector<128xf32>
    %broadcast_in_dim3A_999 = vector.shape_cast %reduce_max3A_998 : vector<128xf32> to vector<1x128xf32>
    %get3A_1000 = arith.constant 51 : index
    %get3A_1001 = arith.constant 0 : index
    %get3A_1002 = vector.load %arg11[%get3A_1000, %get3A_1001] : memref<64x128xf32, #tpu.memory_space<vmem>>, vector<1x128xf32>
    %max3A_1003 = arith.maximumf %get3A_1002, %broadcast_in_dim3A_999 : vector<1x128xf32>
    %swap3A_1004 = arith.constant 51 : index
    %swap3A_1005 = arith.constant 0 : index
    %swap3A_1006 = vector.load %arg11[%swap3A_1004, %swap3A_1005] : memref<64x128xf32, #tpu.memory_space<vmem>>, vector<1x128xf32>
    tpu.vector_store %arg11[%swap3A_1004, %swap3A_1005], %max3A_1003 {strides = array<i32>} : memref<64x128xf32, #tpu.memory_space<vmem>>, vector<1x128xf32>,
    %eq3A_1007 = arith.constant 52 : i32
    %eq3A_1008 = vector.broadcast %eq3A_1007 : i32 to vector<256x1xi32>
    %eq3A_1009 = arith.cmpi eq, %get3A_72, %eq3A_1008 : vector<256x1xi32>
    %jit3A_1010 = arith.constant 0xFF800000 : f32
    %broadcast_in_dim3A_1011 = vector.shape_cast %eq3A_1009 : vector<256x1xi1> to vector<256x1xi1>
    %broadcast_in_dim3A_1012 = vector.broadcast %broadcast_in_dim3A_1011 : vector<256x1xi1> to vector<256x128xi1>
    %broadcast_in_dim3A_1013 = vector.broadcast %jit3A_1010 : f32 to vector<256x128xf32>
    %select_n3A_1014 = arith.select %broadcast_in_dim3A_1012, %select_n3A, %broadcast_in_dim3A_1013 : vector<256x128xi1>, vector<256x128xf32>
    %reduce_max3A_1015 = arith.constant dense<0xFF800000> : vector<128xf32>
    %reduce_max3A_1016 = vector.multi_reduction <maximumf>, %select_n3A_1014, %reduce_max3A_1015 [0] : vector<256x128xf32> to vector<128xf32>
    %broadcast_in_dim3A_1017 = vector.shape_cast %reduce_max3A_1016 : vector<128xf32> to vector<1x128xf32>
    %get3A_1018 = arith.constant 52 : index
    %get3A_1019 = arith.constant 0 : index
    %get3A_1020 = vector.load %arg11[%get3A_1018, %get3A_1019] : memref<64x128xf32, #tpu.memory_space<vmem>>, vector<1x128xf32>
    %max3A_1021 = arith.maximumf %get3A_1020, %broadcast_in_dim3A_1017 : vector<1x128xf32>
    %swap3A_1022 = arith.constant 52 : index
    %swap3A_1023 = arith.constant 0 : index
    %swap3A_1024 = vector.load %arg11[%swap3A_1022, %swap3A_1023] : memref<64x128xf32, #tpu.memory_space<vmem>>, vector<1x128xf32>
    tpu.vector_store %arg11[%swap3A_1022, %swap3A_1023], %max3A_1021 {strides = array<i32>} : memref<64x128xf32, #tpu.memory_space<vmem>>, vector<1x128xf32>,
    %eq3A_1025 = arith.constant 53 : i32
    %eq3A_1026 = vector.broadcast %eq3A_1025 : i32 to vector<256x1xi32>
    %eq3A_1027 = arith.cmpi eq, %get3A_72, %eq3A_1026 : vector<256x1xi32>
    %jit3A_1028 = arith.constant 0xFF800000 : f32
    %broadcast_in_dim3A_1029 = vector.shape_cast %eq3A_1027 : vector<256x1xi1> to vector<256x1xi1>
    %broadcast_in_dim3A_1030 = vector.broadcast %broadcast_in_dim3A_1029 : vector<256x1xi1> to vector<256x128xi1>
    %broadcast_in_dim3A_1031 = vector.broadcast %jit3A_1028 : f32 to vector<256x128xf32>
    %select_n3A_1032 = arith.select %broadcast_in_dim3A_1030, %select_n3A, %broadcast_in_dim3A_1031 : vector<256x128xi1>, vector<256x128xf32>
    %reduce_max3A_1033 = arith.constant dense<0xFF800000> : vector<128xf32>
    %reduce_max3A_1034 = vector.multi_reduction <maximumf>, %select_n3A_1032, %reduce_max3A_1033 [0] : vector<256x128xf32> to vector<128xf32>
    %broadcast_in_dim3A_1035 = vector.shape_cast %reduce_max3A_1034 : vector<128xf32> to vector<1x128xf32>
    %get3A_1036 = arith.constant 53 : index
    %get3A_1037 = arith.constant 0 : index
    %get3A_1038 = vector.load %arg11[%get3A_1036, %get3A_1037] : memref<64x128xf32, #tpu.memory_space<vmem>>, vector<1x128xf32>
    %max3A_1039 = arith.maximumf %get3A_1038, %broadcast_in_dim3A_1035 : vector<1x128xf32>
    %swap3A_1040 = arith.constant 53 : index
    %swap3A_1041 = arith.constant 0 : index
    %swap3A_1042 = vector.load %arg11[%swap3A_1040, %swap3A_1041] : memref<64x128xf32, #tpu.memory_space<vmem>>, vector<1x128xf32>
    tpu.vector_store %arg11[%swap3A_1040, %swap3A_1041], %max3A_1039 {strides = array<i32>} : memref<64x128xf32, #tpu.memory_space<vmem>>, vector<1x128xf32>,
    %eq3A_1043 = arith.constant 54 : i32
    %eq3A_1044 = vector.broadcast %eq3A_1043 : i32 to vector<256x1xi32>
    %eq3A_1045 = arith.cmpi eq, %get3A_72, %eq3A_1044 : vector<256x1xi32>
    %jit3A_1046 = arith.constant 0xFF800000 : f32
    %broadcast_in_dim3A_1047 = vector.shape_cast %eq3A_1045 : vector<256x1xi1> to vector<256x1xi1>
    %broadcast_in_dim3A_1048 = vector.broadcast %broadcast_in_dim3A_1047 : vector<256x1xi1> to vector<256x128xi1>
    %broadcast_in_dim3A_1049 = vector.broadcast %jit3A_1046 : f32 to vector<256x128xf32>
    %select_n3A_1050 = arith.select %broadcast_in_dim3A_1048, %select_n3A, %broadcast_in_dim3A_1049 : vector<256x128xi1>, vector<256x128xf32>
    %reduce_max3A_1051 = arith.constant dense<0xFF800000> : vector<128xf32>
    %reduce_max3A_1052 = vector.multi_reduction <maximumf>, %select_n3A_1050, %reduce_max3A_1051 [0] : vector<256x128xf32> to vector<128xf32>
    %broadcast_in_dim3A_1053 = vector.shape_cast %reduce_max3A_1052 : vector<128xf32> to vector<1x128xf32>
    %get3A_1054 = arith.constant 54 : index
    %get3A_1055 = arith.constant 0 : index
    %get3A_1056 = vector.load %arg11[%get3A_1054, %get3A_1055] : memref<64x128xf32, #tpu.memory_space<vmem>>, vector<1x128xf32>
    %max3A_1057 = arith.maximumf %get3A_1056, %broadcast_in_dim3A_1053 : vector<1x128xf32>
    %swap3A_1058 = arith.constant 54 : index
    %swap3A_1059 = arith.constant 0 : index
    %swap3A_1060 = vector.load %arg11[%swap3A_1058, %swap3A_1059] : memref<64x128xf32, #tpu.memory_space<vmem>>, vector<1x128xf32>
    tpu.vector_store %arg11[%swap3A_1058, %swap3A_1059], %max3A_1057 {strides = array<i32>} : memref<64x128xf32, #tpu.memory_space<vmem>>, vector<1x128xf32>,
    %eq3A_1061 = arith.constant 55 : i32
    %eq3A_1062 = vector.broadcast %eq3A_1061 : i32 to vector<256x1xi32>
    %eq3A_1063 = arith.cmpi eq, %get3A_72, %eq3A_1062 : vector<256x1xi32>
    %jit3A_1064 = arith.constant 0xFF800000 : f32
    %broadcast_in_dim3A_1065 = vector.shape_cast %eq3A_1063 : vector<256x1xi1> to vector<256x1xi1>
    %broadcast_in_dim3A_1066 = vector.broadcast %broadcast_in_dim3A_1065 : vector<256x1xi1> to vector<256x128xi1>
    %broadcast_in_dim3A_1067 = vector.broadcast %jit3A_1064 : f32 to vector<256x128xf32>
    %select_n3A_1068 = arith.select %broadcast_in_dim3A_1066, %select_n3A, %broadcast_in_dim3A_1067 : vector<256x128xi1>, vector<256x128xf32>
    %reduce_max3A_1069 = arith.constant dense<0xFF800000> : vector<128xf32>
    %reduce_max3A_1070 = vector.multi_reduction <maximumf>, %select_n3A_1068, %reduce_max3A_1069 [0] : vector<256x128xf32> to vector<128xf32>
    %broadcast_in_dim3A_1071 = vector.shape_cast %reduce_max3A_1070 : vector<128xf32> to vector<1x128xf32>
    %get3A_1072 = arith.constant 55 : index
    %get3A_1073 = arith.constant 0 : index
    %get3A_1074 = vector.load %arg11[%get3A_1072, %get3A_1073] : memref<64x128xf32, #tpu.memory_space<vmem>>, vector<1x128xf32>
    %max3A_1075 = arith.maximumf %get3A_1074, %broadcast_in_dim3A_1071 : vector<1x128xf32>
    %swap3A_1076 = arith.constant 55 : index
    %swap3A_1077 = arith.constant 0 : index
    %swap3A_1078 = vector.load %arg11[%swap3A_1076, %swap3A_1077] : memref<64x128xf32, #tpu.memory_space<vmem>>, vector<1x128xf32>
    tpu.vector_store %arg11[%swap3A_1076, %swap3A_1077], %max3A_1075 {strides = array<i32>} : memref<64x128xf32, #tpu.memory_space<vmem>>, vector<1x128xf32>,
    %eq3A_1079 = arith.constant 56 : i32
    %eq3A_1080 = vector.broadcast %eq3A_1079 : i32 to vector<256x1xi32>
    %eq3A_1081 = arith.cmpi eq, %get3A_72, %eq3A_1080 : vector<256x1xi32>
    %jit3A_1082 = arith.constant 0xFF800000 : f32
    %broadcast_in_dim3A_1083 = vector.shape_cast %eq3A_1081 : vector<256x1xi1> to vector<256x1xi1>
    %broadcast_in_dim3A_1084 = vector.broadcast %broadcast_in_dim3A_1083 : vector<256x1xi1> to vector<256x128xi1>
    %broadcast_in_dim3A_1085 = vector.broadcast %jit3A_1082 : f32 to vector<256x128xf32>
    %select_n3A_1086 = arith.select %broadcast_in_dim3A_1084, %select_n3A, %broadcast_in_dim3A_1085 : vector<256x128xi1>, vector<256x128xf32>
    %reduce_max3A_1087 = arith.constant dense<0xFF800000> : vector<128xf32>
    %reduce_max3A_1088 = vector.multi_reduction <maximumf>, %select_n3A_1086, %reduce_max3A_1087 [0] : vector<256x128xf32> to vector<128xf32>
    %broadcast_in_dim3A_1089 = vector.shape_cast %reduce_max3A_1088 : vector<128xf32> to vector<1x128xf32>
    %get3A_1090 = arith.constant 56 : index
    %get3A_1091 = arith.constant 0 : index
    %get3A_1092 = vector.load %arg11[%get3A_1090, %get3A_1091] : memref<64x128xf32, #tpu.memory_space<vmem>>, vector<1x128xf32>
    %max3A_1093 = arith.maximumf %get3A_1092, %broadcast_in_dim3A_1089 : vector<1x128xf32>
    %swap3A_1094 = arith.constant 56 : index
    %swap3A_1095 = arith.constant 0 : index
    %swap3A_1096 = vector.load %arg11[%swap3A_1094, %swap3A_1095] : memref<64x128xf32, #tpu.memory_space<vmem>>, vector<1x128xf32>
    tpu.vector_store %arg11[%swap3A_1094, %swap3A_1095], %max3A_1093 {strides = array<i32>} : memref<64x128xf32, #tpu.memory_space<vmem>>, vector<1x128xf32>,
    %eq3A_1097 = arith.constant 57 : i32
    %eq3A_1098 = vector.broadcast %eq3A_1097 : i32 to vector<256x1xi32>
    %eq3A_1099 = arith.cmpi eq, %get3A_72, %eq3A_1098 : vector<256x1xi32>
    %jit3A_1100 = arith.constant 0xFF800000 : f32
    %broadcast_in_dim3A_1101 = vector.shape_cast %eq3A_1099 : vector<256x1xi1> to vector<256x1xi1>
    %broadcast_in_dim3A_1102 = vector.broadcast %broadcast_in_dim3A_1101 : vector<256x1xi1> to vector<256x128xi1>
    %broadcast_in_dim3A_1103 = vector.broadcast %jit3A_1100 : f32 to vector<256x128xf32>
    %select_n3A_1104 = arith.select %broadcast_in_dim3A_1102, %select_n3A, %broadcast_in_dim3A_1103 : vector<256x128xi1>, vector<256x128xf32>
    %reduce_max3A_1105 = arith.constant dense<0xFF800000> : vector<128xf32>
    %reduce_max3A_1106 = vector.multi_reduction <maximumf>, %select_n3A_1104, %reduce_max3A_1105 [0] : vector<256x128xf32> to vector<128xf32>
    %broadcast_in_dim3A_1107 = vector.shape_cast %reduce_max3A_1106 : vector<128xf32> to vector<1x128xf32>
    %get3A_1108 = arith.constant 57 : index
    %get3A_1109 = arith.constant 0 : index
    %get3A_1110 = vector.load %arg11[%get3A_1108, %get3A_1109] : memref<64x128xf32, #tpu.memory_space<vmem>>, vector<1x128xf32>
    %max3A_1111 = arith.maximumf %get3A_1110, %broadcast_in_dim3A_1107 : vector<1x128xf32>
    %swap3A_1112 = arith.constant 57 : index
    %swap3A_1113 = arith.constant 0 : index
    %swap3A_1114 = vector.load %arg11[%swap3A_1112, %swap3A_1113] : memref<64x128xf32, #tpu.memory_space<vmem>>, vector<1x128xf32>
    tpu.vector_store %arg11[%swap3A_1112, %swap3A_1113], %max3A_1111 {strides = array<i32>} : memref<64x128xf32, #tpu.memory_space<vmem>>, vector<1x128xf32>,
    %eq3A_1115 = arith.constant 58 : i32
    %eq3A_1116 = vector.broadcast %eq3A_1115 : i32 to vector<256x1xi32>
    %eq3A_1117 = arith.cmpi eq, %get3A_72, %eq3A_1116 : vector<256x1xi32>
    %jit3A_1118 = arith.constant 0xFF800000 : f32
    %broadcast_in_dim3A_1119 = vector.shape_cast %eq3A_1117 : vector<256x1xi1> to vector<256x1xi1>
    %broadcast_in_dim3A_1120 = vector.broadcast %broadcast_in_dim3A_1119 : vector<256x1xi1> to vector<256x128xi1>
    %broadcast_in_dim3A_1121 = vector.broadcast %jit3A_1118 : f32 to vector<256x128xf32>
    %select_n3A_1122 = arith.select %broadcast_in_dim3A_1120, %select_n3A, %broadcast_in_dim3A_1121 : vector<256x128xi1>, vector<256x128xf32>
    %reduce_max3A_1123 = arith.constant dense<0xFF800000> : vector<128xf32>
    %reduce_max3A_1124 = vector.multi_reduction <maximumf>, %select_n3A_1122, %reduce_max3A_1123 [0] : vector<256x128xf32> to vector<128xf32>
    %broadcast_in_dim3A_1125 = vector.shape_cast %reduce_max3A_1124 : vector<128xf32> to vector<1x128xf32>
    %get3A_1126 = arith.constant 58 : index
    %get3A_1127 = arith.constant 0 : index
    %get3A_1128 = vector.load %arg11[%get3A_1126, %get3A_1127] : memref<64x128xf32, #tpu.memory_space<vmem>>, vector<1x128xf32>
    %max3A_1129 = arith.maximumf %get3A_1128, %broadcast_in_dim3A_1125 : vector<1x128xf32>
    %swap3A_1130 = arith.constant 58 : index
    %swap3A_1131 = arith.constant 0 : index
    %swap3A_1132 = vector.load %arg11[%swap3A_1130, %swap3A_1131] : memref<64x128xf32, #tpu.memory_space<vmem>>, vector<1x128xf32>
    tpu.vector_store %arg11[%swap3A_1130, %swap3A_1131], %max3A_1129 {strides = array<i32>} : memref<64x128xf32, #tpu.memory_space<vmem>>, vector<1x128xf32>,
    %eq3A_1133 = arith.constant 59 : i32
    %eq3A_1134 = vector.broadcast %eq3A_1133 : i32 to vector<256x1xi32>
    %eq3A_1135 = arith.cmpi eq, %get3A_72, %eq3A_1134 : vector<256x1xi32>
    %jit3A_1136 = arith.constant 0xFF800000 : f32
    %broadcast_in_dim3A_1137 = vector.shape_cast %eq3A_1135 : vector<256x1xi1> to vector<256x1xi1>
    %broadcast_in_dim3A_1138 = vector.broadcast %broadcast_in_dim3A_1137 : vector<256x1xi1> to vector<256x128xi1>
    %broadcast_in_dim3A_1139 = vector.broadcast %jit3A_1136 : f32 to vector<256x128xf32>
    %select_n3A_1140 = arith.select %broadcast_in_dim3A_1138, %select_n3A, %broadcast_in_dim3A_1139 : vector<256x128xi1>, vector<256x128xf32>
    %reduce_max3A_1141 = arith.constant dense<0xFF800000> : vector<128xf32>
    %reduce_max3A_1142 = vector.multi_reduction <maximumf>, %select_n3A_1140, %reduce_max3A_1141 [0] : vector<256x128xf32> to vector<128xf32>
    %broadcast_in_dim3A_1143 = vector.shape_cast %reduce_max3A_1142 : vector<128xf32> to vector<1x128xf32>
    %get3A_1144 = arith.constant 59 : index
    %get3A_1145 = arith.constant 0 : index
    %get3A_1146 = vector.load %arg11[%get3A_1144, %get3A_1145] : memref<64x128xf32, #tpu.memory_space<vmem>>, vector<1x128xf32>
    %max3A_1147 = arith.maximumf %get3A_1146, %broadcast_in_dim3A_1143 : vector<1x128xf32>
    %swap3A_1148 = arith.constant 59 : index
    %swap3A_1149 = arith.constant 0 : index
    %swap3A_1150 = vector.load %arg11[%swap3A_1148, %swap3A_1149] : memref<64x128xf32, #tpu.memory_space<vmem>>, vector<1x128xf32>
    tpu.vector_store %arg11[%swap3A_1148, %swap3A_1149], %max3A_1147 {strides = array<i32>} : memref<64x128xf32, #tpu.memory_space<vmem>>, vector<1x128xf32>,
    %eq3A_1151 = arith.constant 60 : i32
    %eq3A_1152 = vector.broadcast %eq3A_1151 : i32 to vector<256x1xi32>
    %eq3A_1153 = arith.cmpi eq, %get3A_72, %eq3A_1152 : vector<256x1xi32>
    %jit3A_1154 = arith.constant 0xFF800000 : f32
    %broadcast_in_dim3A_1155 = vector.shape_cast %eq3A_1153 : vector<256x1xi1> to vector<256x1xi1>
    %broadcast_in_dim3A_1156 = vector.broadcast %broadcast_in_dim3A_1155 : vector<256x1xi1> to vector<256x128xi1>
    %broadcast_in_dim3A_1157 = vector.broadcast %jit3A_1154 : f32 to vector<256x128xf32>
    %select_n3A_1158 = arith.select %broadcast_in_dim3A_1156, %select_n3A, %broadcast_in_dim3A_1157 : vector<256x128xi1>, vector<256x128xf32>
    %reduce_max3A_1159 = arith.constant dense<0xFF800000> : vector<128xf32>
    %reduce_max3A_1160 = vector.multi_reduction <maximumf>, %select_n3A_1158, %reduce_max3A_1159 [0] : vector<256x128xf32> to vector<128xf32>
    %broadcast_in_dim3A_1161 = vector.shape_cast %reduce_max3A_1160 : vector<128xf32> to vector<1x128xf32>
    %get3A_1162 = arith.constant 60 : index
    %get3A_1163 = arith.constant 0 : index
    %get3A_1164 = vector.load %arg11[%get3A_1162, %get3A_1163] : memref<64x128xf32, #tpu.memory_space<vmem>>, vector<1x128xf32>
    %max3A_1165 = arith.maximumf %get3A_1164, %broadcast_in_dim3A_1161 : vector<1x128xf32>
    %swap3A_1166 = arith.constant 60 : index
    %swap3A_1167 = arith.constant 0 : index
    %swap3A_1168 = vector.load %arg11[%swap3A_1166, %swap3A_1167] : memref<64x128xf32, #tpu.memory_space<vmem>>, vector<1x128xf32>
    tpu.vector_store %arg11[%swap3A_1166, %swap3A_1167], %max3A_1165 {strides = array<i32>} : memref<64x128xf32, #tpu.memory_space<vmem>>, vector<1x128xf32>,
    %eq3A_1169 = arith.constant 61 : i32
    %eq3A_1170 = vector.broadcast %eq3A_1169 : i32 to vector<256x1xi32>
    %eq3A_1171 = arith.cmpi eq, %get3A_72, %eq3A_1170 : vector<256x1xi32>
    %jit3A_1172 = arith.constant 0xFF800000 : f32
    %broadcast_in_dim3A_1173 = vector.shape_cast %eq3A_1171 : vector<256x1xi1> to vector<256x1xi1>
    %broadcast_in_dim3A_1174 = vector.broadcast %broadcast_in_dim3A_1173 : vector<256x1xi1> to vector<256x128xi1>
    %broadcast_in_dim3A_1175 = vector.broadcast %jit3A_1172 : f32 to vector<256x128xf32>
    %select_n3A_1176 = arith.select %broadcast_in_dim3A_1174, %select_n3A, %broadcast_in_dim3A_1175 : vector<256x128xi1>, vector<256x128xf32>
    %reduce_max3A_1177 = arith.constant dense<0xFF800000> : vector<128xf32>
    %reduce_max3A_1178 = vector.multi_reduction <maximumf>, %select_n3A_1176, %reduce_max3A_1177 [0] : vector<256x128xf32> to vector<128xf32>
    %broadcast_in_dim3A_1179 = vector.shape_cast %reduce_max3A_1178 : vector<128xf32> to vector<1x128xf32>
    %get3A_1180 = arith.constant 61 : index
    %get3A_1181 = arith.constant 0 : index
    %get3A_1182 = vector.load %arg11[%get3A_1180, %get3A_1181] : memref<64x128xf32, #tpu.memory_space<vmem>>, vector<1x128xf32>
    %max3A_1183 = arith.maximumf %get3A_1182, %broadcast_in_dim3A_1179 : vector<1x128xf32>
    %swap3A_1184 = arith.constant 61 : index
    %swap3A_1185 = arith.constant 0 : index
    %swap3A_1186 = vector.load %arg11[%swap3A_1184, %swap3A_1185] : memref<64x128xf32, #tpu.memory_space<vmem>>, vector<1x128xf32>
    tpu.vector_store %arg11[%swap3A_1184, %swap3A_1185], %max3A_1183 {strides = array<i32>} : memref<64x128xf32, #tpu.memory_space<vmem>>, vector<1x128xf32>,
    %eq3A_1187 = arith.constant 62 : i32
    %eq3A_1188 = vector.broadcast %eq3A_1187 : i32 to vector<256x1xi32>
    %eq3A_1189 = arith.cmpi eq, %get3A_72, %eq3A_1188 : vector<256x1xi32>
    %jit3A_1190 = arith.constant 0xFF800000 : f32
    %broadcast_in_dim3A_1191 = vector.shape_cast %eq3A_1189 : vector<256x1xi1> to vector<256x1xi1>
    %broadcast_in_dim3A_1192 = vector.broadcast %broadcast_in_dim3A_1191 : vector<256x1xi1> to vector<256x128xi1>
    %broadcast_in_dim3A_1193 = vector.broadcast %jit3A_1190 : f32 to vector<256x128xf32>
    %select_n3A_1194 = arith.select %broadcast_in_dim3A_1192, %select_n3A, %broadcast_in_dim3A_1193 : vector<256x128xi1>, vector<256x128xf32>
    %reduce_max3A_1195 = arith.constant dense<0xFF800000> : vector<128xf32>
    %reduce_max3A_1196 = vector.multi_reduction <maximumf>, %select_n3A_1194, %reduce_max3A_1195 [0] : vector<256x128xf32> to vector<128xf32>
    %broadcast_in_dim3A_1197 = vector.shape_cast %reduce_max3A_1196 : vector<128xf32> to vector<1x128xf32>
    %get3A_1198 = arith.constant 62 : index
    %get3A_1199 = arith.constant 0 : index
    %get3A_1200 = vector.load %arg11[%get3A_1198, %get3A_1199] : memref<64x128xf32, #tpu.memory_space<vmem>>, vector<1x128xf32>
    %max3A_1201 = arith.maximumf %get3A_1200, %broadcast_in_dim3A_1197 : vector<1x128xf32>
    %swap3A_1202 = arith.constant 62 : index
    %swap3A_1203 = arith.constant 0 : index
    %swap3A_1204 = vector.load %arg11[%swap3A_1202, %swap3A_1203] : memref<64x128xf32, #tpu.memory_space<vmem>>, vector<1x128xf32>
    tpu.vector_store %arg11[%swap3A_1202, %swap3A_1203], %max3A_1201 {strides = array<i32>} : memref<64x128xf32, #tpu.memory_space<vmem>>, vector<1x128xf32>,
    %eq3A_1205 = arith.constant 63 : i32
    %eq3A_1206 = vector.broadcast %eq3A_1205 : i32 to vector<256x1xi32>
    %eq3A_1207 = arith.cmpi eq, %get3A_72, %eq3A_1206 : vector<256x1xi32>
    %jit3A_1208 = arith.constant 0xFF800000 : f32
    %broadcast_in_dim3A_1209 = vector.shape_cast %eq3A_1207 : vector<256x1xi1> to vector<256x1xi1>
    %broadcast_in_dim3A_1210 = vector.broadcast %broadcast_in_dim3A_1209 : vector<256x1xi1> to vector<256x128xi1>
    %broadcast_in_dim3A_1211 = vector.broadcast %jit3A_1208 : f32 to vector<256x128xf32>
    %select_n3A_1212 = arith.select %broadcast_in_dim3A_1210, %select_n3A, %broadcast_in_dim3A_1211 : vector<256x128xi1>, vector<256x128xf32>
    %reduce_max3A_1213 = arith.constant dense<0xFF800000> : vector<128xf32>
    %reduce_max3A_1214 = vector.multi_reduction <maximumf>, %select_n3A_1212, %reduce_max3A_1213 [0] : vector<256x128xf32> to vector<128xf32>
    %broadcast_in_dim3A_1215 = vector.shape_cast %reduce_max3A_1214 : vector<128xf32> to vector<1x128xf32>
    %get3A_1216 = arith.constant 63 : index
    %get3A_1217 = arith.constant 0 : index
    %get3A_1218 = vector.load %arg11[%get3A_1216, %get3A_1217] : memref<64x128xf32, #tpu.memory_space<vmem>>, vector<1x128xf32>
    %max3A_1219 = arith.maximumf %get3A_1218, %broadcast_in_dim3A_1215 : vector<1x128xf32>
    %swap3A_1220 = arith.constant 63 : index
    %swap3A_1221 = arith.constant 0 : index
    %swap3A_1222 = vector.load %arg11[%swap3A_1220, %swap3A_1221] : memref<64x128xf32, #tpu.memory_space<vmem>>, vector<1x128xf32>
    tpu.vector_store %arg11[%swap3A_1220, %swap3A_1221], %max3A_1219 {strides = array<i32>} : memref<64x128xf32, #tpu.memory_space<vmem>>, vector<1x128xf32>,
    %eq3A_1223 = arith.constant 195 : i32
    %eq3A_1224 = arith.cmpi eq, %arg0, %eq3A_1223 : i32
    %convert_element_type3A_1225 = arith.extui %eq3A_1224 : i1 to i32
    %cond3A_1226 = arith.constant 0 : i32
    %cond3A_1227 = arith.cmpi ne, %convert_element_type3A_1225, %cond3A_1226 : i32
    scf.if %cond3A_1227 {
      %get3A_1228 = arith.constant 0 : index
      %get3A_1229 = arith.constant 0 : index
      %get3A_1230 = vector.load %arg11[%get3A_1228, %get3A_1229] : memref<64x128xf32, #tpu.memory_space<vmem>>, vector<64x128xf32>
      %get3A_1231 = arith.constant 0 : index
      %get3A_1232 = arith.constant 0 : index
      %get3A_1233 = vector.load %arg8[%get3A_1231, %get3A_1232] : memref<128x10xf32, #tpu.memory_space<vmem>>, vector<128x10xf32>
      %dot_general3A_1234 = arith.constant dense<0.000000e+00> : vector<64x10xf32>
      %dot_general3A_1235 = tpu.matmul %get3A_1230, %get3A_1233, %dot_general3A_1234 {dimension_numbers = #tpu.dot_dimension_numbers<[1], [0], [0], [1], [0, 0, 1, 1], [], []>, transpose_lhs_hint = false} : vector<64x128xf32>, vector<128x10xf32>, vector<64x10xf32> -> vector<64x10xf32>
      %get3A_1236 = arith.constant 0 : index
      %get3A_1237 = arith.constant 0 : index
      %get3A_1238 = vector.load %arg9[%get3A_1236, %get3A_1237] : memref<1x10xf32, #tpu.memory_space<vmem>>, vector<1x10xf32>
      %add3A_1239 = vector.broadcast %get3A_1238 : vector<1x10xf32> to vector<64x10xf32>
      %add3A_1240 = arith.addf %dot_general3A_1235, %add3A_1239 : vector<64x10xf32>
      %swap3A_1241 = arith.constant 0 : index
      %swap3A_1242 = arith.constant 0 : index
      %swap3A_1243 = vector.load %arg10[%swap3A_1241, %swap3A_1242] : memref<64x10xf32, #tpu.memory_space<vmem>>, vector<64x10xf32>
      tpu.vector_store %arg10[%swap3A_1241, %swap3A_1242], %add3A_1240 {strides = array<i32>} : memref<64x10xf32, #tpu.memory_space<vmem>>, vector<64x10xf32>,
    } else {
    }
    return
  }
  func.func @transform_0(%arg0: i32) -> (i32, i32) {
    %c0_i32 = arith.constant 0 : i32
    %c0_i32_0 = arith.constant 0 : i32
    return %arg0, %c0_i32 : i32, i32
  }
  func.func @transform_1(%arg0: i32) -> (i32, i32, i32) {
    %c0_i32 = arith.constant 0 : i32
    %c0_i32_0 = arith.constant 0 : i32
    %c0_i32_1 = arith.constant 0 : i32
    return %c0_i32, %arg0, %c0_i32_0 : i32, i32, i32
  }
  func.func @transform_2(%arg0: i32) -> (i32, i32) {
    %c0_i32 = arith.constant 0 : i32
    %c0_i32_0 = arith.constant 0 : i32
    return %arg0, %c0_i32 : i32, i32
  }
  func.func @transform_3(%arg0: i32) -> (i32, i32, i32) {
    %c0_i32 = arith.constant 0 : i32
    %c0_i32_0 = arith.constant 0 : i32
    %c0_i32_1 = arith.constant 0 : i32
    %c0_i32_2 = arith.constant 0 : i32
    return %c0_i32, %c0_i32_0, %c0_i32_1 : i32, i32, i32
  }
  func.func @transform_4(%arg0: i32) -> (i32, i32) {
    %c0_i32 = arith.constant 0 : i32
    %c0_i32_0 = arith.constant 0 : i32
    %c0_i32_1 = arith.constant 0 : i32
    return %c0_i32, %c0_i32_0 : i32, i32
  }
  func.func @transform_5(%arg0: i32) -> (i32, i32) {
    %c0_i32 = arith.constant 0 : i32
    %c0_i32_0 = arith.constant 0 : i32
    %c0_i32_1 = arith.constant 0 : i32
    return %c0_i32, %c0_i32_0 : i32, i32
  }
  func.func @transform_6(%arg0: i32) -> (i32, i32) {
    %c0_i32 = arith.constant 0 : i32
    %c0_i32_0 = arith.constant 0 : i32
    return %arg0, %c0_i32 : i32, i32
  }
  func.func @transform_7(%arg0: i32) -> (i32, i32) {
    %c0_i32 = arith.constant 0 : i32
    %c0_i32_0 = arith.constant 0 : i32
    %c0_i32_1 = arith.constant 0 : i32
    return %c0_i32, %c0_i32_0 : i32, i32
  }
  func.func @transform_8(%arg0: i32) -> (i32, i32) {
    %c0_i32 = arith.constant 0 : i32
    %c0_i32_0 = arith.constant 0 : i32
    %c0_i32_1 = arith.constant 0 : i32
    return %c0_i32, %c0_i32_0 : i32, i32
  }
  func.func @transform_9(%arg0: i32) -> (i32, i32) {
    %c0_i32 = arith.constant 0 : i32
    %c0_i32_0 = arith.constant 0 : i32
    %c0_i32_1 = arith.constant 0 : i32
    return %c0_i32, %c0_i32_0 : i32, i32
  }
}

</mosaic_0001>

<sc_bundles>
// kernel: scatter_offload_async_start.1
scs
__scs_entry_jumppad:
0x0: {  	(pc) =	sbr.rel $0x88, $3  }
0x1: {  	(tag) =	ssettag $0x0;
	lr =	simm.s32 $0x1  }
0x2: {  	[smem:$0x3F94] =	sst lr;
	_ =	strace $0xD0000000  }
0x3: {  	_ = 	snop  }
0x4: {  	_ = 	snop  }
0x5: {  	_ = 	snop  }
0x6: {  	_ = 	snop  }
0x7: {  	_ = 	snop  }
__scs_overlays_trampoline_lowered:
0x8: {  	[smem:$0x3FA3] =	sst s0  }
0x9: {  	[smem:$0x3FA4] =	sst s1  }
0xa: {  	[smem:$0x3FA5] =	sst s2  }
0xb: {  	[smem:$0x3FA6] =	sst s3  }
0xc: {  	[smem:$0x3FA7] =	sst s4  }
0xd: {  	[smem:$0x3FA8] =	sst s5  }
0xe: {  	[smem:$0x3FA9] =	sst s6  }
0xf: {  	[smem:$0x3FAA] =	sst s7  }
0x10: {  	[smem:$0x3FAB] =	sst s8  }
0x11: {  	[smem:$0x3FAC] =	sst s9;
	s0 =	simm.s32 @!p0 $0x0  }
0x12: {  	s1 =	sld [smem:$0x3F92];
	s0 =	simm.s32 @p0 $0x1  }
0x13: {  	[smem:$0x3FAD] =	sst s0;
	s0 =	simm.s32 @!p1 $0x0  }
0x14: {  	s2 =	sld [smem:$0x3F91];
	s0 =	simm.s32 @p1 $0x1  }
0x15: {  	[smem:$0x3FAE] =	sst s0;
	s0 =	simm.s32 @!p2 $0x0  }
0x16: {  	s3 =	sld [smem:$0x3FDB];
	s0 =	simm.s32 @p2 $0x1  }
0x17: {  	s4 =	simm.s32 $0x1BF5;
	[smem:$0x3FB0] =	sst s0  }
0x18: {  	s0 =	sld [smem:$0x3F93];
	_ =	swait.ge [sflag:s4], $0x0  }
0x19: {  	s7 =	sld [smem:$0x3F94]  }
0x1a: {  	s8 =	sadd.s32 $0xFFFFE003, lr  }
0x1b: {  	s9 =	sadd.s32 $0xFFFFFEF7, lr;
	s5 =	simm.s32 $0xFFFFFFFF;
	p2 =	slt.u32 s8, $0xFFFFF086  }
0x1c: {  	p1 =	slt.u32 s9, $0xF7A;
	s5 =	simm.s32 @!p2 $0x0  }
0x1d: {  	s5 =	simm.s32 @p1 $0x1;
	p0 =	seq.s32 s7, s2  }
0x1e: {  	s7 =	smul.u32 @!p0 $0xF7A, s2;
	p2 =	seq.s32 @!p0 s5, $0x0  }
0x1f: {  	s9 =	smul.u32 $0xF7A, s1;
	s8 =	simm.s32 @!p0 $0x1BF5;
	p2 =	por !p2, p0  }
0x20: {  	[sflag:s8] =	ssyncset.s32 @!p0 $0xFFFFF086;
	s6 =	sadd.s32 @!p0 s3, s7;
	s7 =	simm.s32 @!p0 $0x108  }
0x21: {  	s3 =	sadd.s32 s3, s9;
	s6 =	sadd.s32 @!p0 $0x88, s6;
	s7 =	simm.s32 @p2 $0x1082  }
0x22: {  	[simem:s7], [sflag:s8] =	dma.local @!p0 [hbm:s6], $0xF7A  }
0x23: {  	s9 =	sor.u32 $0xD0000000, s2;
	s6 =	simm.s32 $0x108;
	_ =	swait.ge @!p0 [sflag:s8], $0x0  }
0x24: {  	s3 =	sadd.s32 $0x88, s3;
	s6 =	simm.s32 @!p1 $0x1082;
	[sflag:s4] =	ssyncset.s32 $0xFFFFF086  }
0x25: {  	[simem:s6], [sflag:s4] =	dma.local [hbm:s3], $0xF7A  }
0x26: {  	[smem:$0x3F94] =	sst s1;
	(tag) =	ssettag s2;
	_ =	strace s9  }
0x27: {  	s1 =	sld [smem:$0x3FA4]  }
0x28: {  	s2 =	sld [smem:$0x3FA5]  }
0x29: {  	s4 =	sld [smem:$0x3FA7]  }
0x2a: {  	p0 =	seq.s32 s5, $0x0;
	s5 =	sld [smem:$0x3FA8]  }
0x2b: {  	s6 =	sld [smem:$0x3FA9]  }
0x2c: {  	s7 =	sld [smem:$0x3FAA]  }
0x2d: {  	s3 =	simm.s32 $0x108;
	s8 =	sld [smem:$0x3FAB]  }
0x2e: {  	s3 =	simm.s32 @!p0 $0x1082;
	s9 =	sld [smem:$0x3FAC]  }
0x2f: {  	lr =	sadd.s32 s0, s3;
	s0 =	sld [smem:$0x3FA3]  }
0x30: {  	s3 =	sld [smem:$0x3FA6]  }
0x31: {  	[smem:$0x3FAF] =	sst s10  }
0x32: {  	s10 =	sld [smem:$0x3FAD];
	_ =	sdelay $0x3  }
0x33: {  	p0 =	seq.s32 s10, $0x1;
	s10 =	sld [smem:$0x3FAF];
	_ =	sdelay $0x3  }
0x34: {  	[smem:$0x3FAF] =	sst s10  }
0x35: {  	s10 =	sld [smem:$0x3FAE];
	_ =	sdelay $0x3  }
0x36: {  	p1 =	seq.s32 s10, $0x1;
	s10 =	sld [smem:$0x3FAF];
	_ =	sdelay $0x3  }
0x37: {  	[smem:$0x3FAF] =	sst s10  }
0x38: {  	s10 =	sld [smem:$0x3FB0]  }
0x39: {  	_ = 	snop;
	(pc) =	sbr.ind lr, $3  }
0x3a: {  	_ = 	snop  }
0x3b: {  	_ = 	snop  }
0x3c: {  	p2 =	seq.s32 s10, $0x1;
	s10 =	sld [smem:$0x3FAF]  }
0x3d: {  	_ =	shalt  }
0x3e: {  	_ =	shalt  }
0x3f: {  	_ =	shalt  }
0x40: {  	_ =	shalt  }
0x41: {  	_ =	shalt  }
0x42: {  	_ =	shalt  }
0x43: {  	_ =	shalt  }
0x44: {  	_ =	shalt  }
0x45: {  	_ =	shalt  }
0x46: {  	_ =	shalt  }
0x47: {  	_ =	shalt  }
0x48: {  	_ =	shalt  }
0x49: {  	_ =	shalt  }
0x4a: {  	_ =	shalt  }
0x4b: {  	_ =	shalt  }
0x4c: {  	_ =	shalt  }
0x4d: {  	_ =	shalt  }
0x4e: {  	_ =	shalt  }
0x4f: {  	_ =	shalt  }
0x50: {  	_ =	shalt  }
0x51: {  	_ =	shalt  }
0x52: {  	_ =	shalt  }
0x53: {  	_ =	shalt  }
0x54: {  	_ =	shalt  }
0x55: {  	_ =	shalt  }
0x56: {  	_ =	shalt  }
0x57: {  	_ =	shalt  }
0x58: {  	_ =	shalt  }
0x59: {  	_ =	shalt  }
0x5a: {  	_ =	shalt  }
0x5b: {  	_ =	shalt  }
0x5c: {  	_ =	shalt  }
0x5d: {  	_ =	shalt  }
0x5e: {  	_ =	shalt  }
0x5f: {  	_ =	shalt  }
0x60: {  	_ =	shalt  }
0x61: {  	_ =	shalt  }
0x62: {  	_ =	shalt  }
0x63: {  	_ =	shalt  }
0x64: {  	_ =	shalt  }
0x65: {  	_ =	shalt  }
0x66: {  	_ =	shalt  }
0x67: {  	_ =	shalt  }
0x68: {  	_ =	shalt  }
0x69: {  	_ =	shalt  }
0x6a: {  	_ =	shalt  }
0x6b: {  	_ =	shalt  }
0x6c: {  	_ =	shalt  }
0x6d: {  	_ =	shalt  }
0x6e: {  	_ =	shalt  }
0x6f: {  	_ =	shalt  }
0x70: {  	_ =	shalt  }
0x71: {  	_ =	shalt  }
0x72: {  	_ =	shalt  }
0x73: {  	_ =	shalt  }
0x74: {  	_ =	shalt  }
0x75: {  	_ =	shalt  }
0x76: {  	_ =	shalt  }
0x77: {  	_ =	shalt  }
0x78: {  	_ =	shalt  }
0x79: {  	_ =	shalt  }
0x7a: {  	_ =	shalt  }
0x7b: {  	_ =	shalt  }
0x7c: {  	_ =	shalt  }
0x7d: {  	_ =	shalt  }
0x7e: {  	_ =	shalt  }
0x7f: {  	_ =	shalt  }
0x80: {  	_ =	shalt  }
0x81: {  	_ =	shalt  }
0x82: {  	_ =	shalt  }
0x83: {  	_ =	shalt  }
0x84: {  	_ =	shalt  }
0x85: {  	_ =	shalt  }
0x86: {  	_ =	shalt  }
0x87: {  	_ =	shalt  }
.Lfunc_end0:
.L_simem_size_0:
called_computation.1_lowered:
.L_overlay_start_0:
0x88: {  	s2 =	sld [smem:$0x3FD9]  }
0x89: {  	s3 =	sld [smem:$0x3FFE];
	_ =	sdelay $0x1  }
0x8a: {  	s1 =	srdreg.scid  }
0x8b: {  	s0 =	sand.u32 $0x1, s1  }
0x8c: {  	s15 =	sshll.u32 s0, $0xA;
	s2 =	sadd.s32 s3, s2  }
0x8d: {  	s2 =	sadd.s32 s2, s15  }
0x8e: {  	[smem:$0x3FBB] =	sst s2  }
0x8f: {  	_ = 	snop  }
0x90: {  	(tm) =	ssettm $0x1  }
0x91: {  	s16 =	sld [smem:$0x3FFB];
	_ =	sdelay $0x3  }
0x92: {  	_ =	strace s16  }
0x93: {  	s2 =	sld [smem:$0x3FFC];
	_ =	sdelay $0x3  }
0x94: {  	_ =	strace s2  }
0x95: {  	s2 =	sld [smem:$0x3FFD];
	_ =	sdelay $0x3  }
0x96: {  	_ =	strace s2  }
0x97: {  	_ =	strace $0x8FFFFFFF  }
0x98: {  	s17 =	sld [smem:$0x3FDB];
	_ =	sdelay $0x1  }
0x99: {  	s18 =	simm.s32 $_scs_section_size  }
0x9a: {  	s4 =	simm.s32 $_size__tile_overlayer_lowered;
	s5 =	simm.s32 $_tile_overlayer_lowered  }
0x9b: {  	s21 =	simm.s32 $0x1BFF;
	s20 =	sshll.u32 s5, $0x1;
	s2 =	sadd.s32 s18, s17  }
0x9c: {  	s6 =	simm.s32 $0x0;
	s19 =	sshll.u32 s4, $0x1;
	s4 =	sadd.s32 s20, s2  }
0x9d: {  	[timem:s6], [sflag:s21] =	dma.local [hbm:s4], s19  }
0x9e: {  	_ =	swait.ge [sflag:s21], s19  }
0x9f: {  	s3 =	ssub.s32 $0x0, s19;
	[sflag:s21] =	ssyncset.done $0x0  }
0xa0: {  	[sflag:s21] =	ssyncadd.s32 s3;
	_ =	sdelay $0x1  }
0xa1: {  	s22 =	simm.s32 $0x1B8B  }
0xa2: {  	_ =	swait.ge [sflag:s22], $0x1  }
0xa3: {  	[sflag:s22] =	ssyncset.done $0x0  }
0xa4: {  	s23 =	sld [smem:$0x3FFE];
	[sflag:s22] =	ssyncadd.s32 $0xFFFFFFFF  }
0xa5: {  	s25 =	simm.s32 $0x1B8E;
	s24 =	sld [smem:$0x0]  }
0xa6: {  	s26 =	simm.s32 $execute0_lowered;
	[smem:$0x3FD2] =	sst s25  }
0xa7: {  	s5 =	sshll.u32 s26, $0x1;
	_ =	strace $0x80000049;
	[dreg:$0x1] =	wrdreg $0xFFFFFFFF  }
0xa8: {  	s28 =	simm.s32 $_size_execute0_lowered;
	s2 =	sadd.s32 s2, s5;
	[dreg:$0x0] =	wrdreg $0x0  }
0xa9: {  	s5 =	sshll.u32 s28, $0x1;
	[dreg:$0x2] =	wrdreg s2  }
0xaa: {  	[dreg:$0x3] =	wrdreg s5  }
0xab: {  	[dreg:$0x4] =	wrdreg $0xC0  }
0xac: {  	_ =	task [dreg:s6], $0x5FFFF  }
0xad: {  	[dreg:$0x1] =	wrdreg $0xFFFFFFFF  }
0xae: {  	[dreg:$0x0] =	wrdreg $0x60  }
0xaf: {  	[dreg:$0x2] =	wrdreg s23  }
0xb0: {  	[dreg:$0x3] =	wrdreg s1  }
0xb1: {  	[dreg:$0x4] =	wrdreg s24  }
0xb2: {  	[dreg:$0x5] =	wrdreg $0x9  }
0xb3: {  	_ =	task.clear_ibuf [dreg:s6], $0x6FFFF;
	_ =	strace $0x90000049  }
0xb4: {  	s29 =	simm.s32 $0x9;
	_ =	strace $0x8000004B  }
0xb5: {  	_ =	swait.ge [sflag:s29], $0x1  }
0xb6: {  	[sflag:s29] =	ssyncadd.s32 $0xFFFFFFFF  }
0xb7: {  	_ =	strace $0x9000004B  }
0xb8: {  	_ =	sfence  }
0xb9: {  	s30 =	sld [smem:$0x0];
	_ =	sdelay $0x2  }
0xba: {  	s31 =	sshll.u32 s1, $0xD;
	s1 =	sshrl.u32 s1, $0x2  }
0xbb: {  	s3 =	sand.u32 $0x4000, s31;
	s1 =	sadd.s32 s1, s30  }
0xbc: {  	s0 =	sor.u32 s3, s0;
	s1 =	sshll.u32 s1, $0x11  }
0xbd: {  	s0 =	sor.u32 s1, s0  }
0xbe: {  	s0 =	sadd.s32 $0x8F2B, s0  }
0xbf: {  	[sflag:s0] =	ssyncadd.remote.s32 $0x1  }
0xc0: {  	_ =	sfence.sel $0xFFFF  }
0xc1: {  	[dreg:$0x0] =	wrdreg $0xFFFFFFFF;
	(pc) =	sbr.abs _section_cstart, $3  }
0xc2: {  	[dreg:$0x1] =	wrdreg $0xFFFFFFFF  }
0xc3: {  	_ =	task.clear_ibuf [dreg:s6], $0x2FFFF;
	_ =	strace $0x9FFFFFFF  }
0xc4: {  	(tm) =	ssettm $0x7FFFFFFF  }
0xc5: {  	_ =	shalt  }
tec
execute0_lowered:
.L_overlay_start_1:
0x0: {  	(tag) =	ssettag $0x1  }
0x1: {  	s2 =	rddreg [dreg:$0x0]  }
0x2: {  	s3 =	rddreg [dreg:$0x1];
	_ =	strace $0x8000004A;
	s0 =	simm.s32 $0x1  }
0x3: {  	v0 =	vimm.s32 $0x0;
	[sflag:s0] =	ssyncpa.u1 $0x0;
	s0 =	simm.s32 $0x108  }
0x4: {  	[tilespmem:s0+$0x70] =	vst v0  }
0x5: {  	[tilespmem:s0+$0x60] =	vst v0  }
0x6: {  	[tilespmem:s0+$0x50] =	vst v0  }
0x7: {  	[tilespmem:s0+$0x40] =	vst v0  }
0x8: {  	s1 =	sadd.s32 $0x1DD400, s2;
	[tilespmem:s0+$0x30] =	vst v0  }
0x9: {  	s15 =	sadd.s32 $0x200, s2;
	s6 =	sadd.s32 $0x4EB400, s2;
	[tilespmem:s0+$0x20] =	vst v0  }
0xa: {  	s14 =	sadd.s32 $0x100C00, s2;
	s5 =	sand.u32 $0x1, s3;
	s3 =	simm.s32 $0x40;
	[tilespmem:s0+$0x10] =	vst v0  }
.LBB2_1:
0xb: {  	s3 =	sadd.s32 $0x40, s3;
	[tilespmem:s0+$0x0] =	vst v0;
	s0 =	sadd.s32 $0x80, s0  }
0xc: {  	p0 =	slt.u32 s3, $0x3C40;
	[tilespmem:s0+$0x70] =	vst v0  }
0xd: {  	[tilespmem:s0+$0x60] =	vst v0  }
.Ltmp0:
0xe: {  	[tilespmem:s0+$0x50] =	vst v0;
	(pc) =	sbr.rel @p0 .LBB2_1-.Ltmp0, $4  }
0xf: {  	[tilespmem:s0+$0x40] =	vst v0  }
0x10: {  	[tilespmem:s0+$0x30] =	vst v0  }
0x11: {  	[tilespmem:s0+$0x20] =	vst v0  }
0x12: {  	[tilespmem:s0+$0x10] =	vst v0  }
0x13: {  	s9 =	stileid.u32  }
0x14: {  	s2 =	smul.u32 $0x68, s9  }
0x15: {  	s3 =	smin.u32 s9, $0x3  }
0x16: {  	s2 =	sor.u32 s3, s2  }
0x17: {  	p0 =	slt.u32 s9, $0x3;
	s7 =	smul.u32 $0xF0, s2;
	s2 =	simm.s32 $0x6270  }
0x18: {  	s2 =	simm.s32 @!p0 $0x6180  }
0x19: {  	s2 =	sadd.s32 s2, s7  }
0x1a: {  	s8 =	smin.u32 s2, $0x61A80  }
0x1b: {  	s2 =	ssub.s32 s8, s7  }
0x1c: {  	p0 =	sgt.s32 s2, $0x0  }
0x1d: {  	s29 =	simm.s32 $0x2;
	s10 =	simm.s32 $0x9;
	s2 =	simm.s32 @!p0 $0x0  }
0x1e: {  	s4 =	simm.s32 $0xA;
	s11 =	simm.s32 $0xB;
	s28 =	smulhi.u32 $0x88888889, s2  }
0x1f: {  	[dreg:$0x4] =	wrdreg s5;
	s31 =	smul.u32 $0xC350, s5;
	s12 =	simm.s32 $0x1  }
0x20: {  	s22 =	simm.s32 $0x0;
	s18 =	simm.s32 $0xC;
	s30 =	sshrl.u32 s28, $0x7  }
0x21: {  	s20 =	simm.s32 $0x0;
	s21 =	simm.s32 $0x0;
	s3 =	smul.u32 $0xF0, s30  }
.Ltmp1:
0x22: {  	[tilespmem:s0+$0x0] =	vst v0;
	v0 =	vimm.s32 $0xFFFFFFFF;
	[sflag:s29] =	ssyncpa.u1 $0x0;
	s16 =	sshll.u32 s9, $0x8;
	(pc) =	sbr.rel .LBB2_3-.Ltmp1, $4  }
0x23: {  	[tilespmem:$0xF208] =	vst v0;
	[sflag:s10] =	ssyncpa.u1 $0x0;
	p0 =	sne.s32 s2, s3;
	s2 =	simm.s32 $0x1  }
0x24: {  	s14 =	sadd.s32 s31, s14;
	[sflag:s4] =	ssyncpa.u1 $0x0;
	s2 =	simm.s32 @!p0 $0x0  }
0x25: {  	s15 =	sadd.s32 s31, s15;
	[sflag:s11] =	ssyncpa.u1 $0x0;
	s13 =	sadd.s32 s2, s30  }
0x26: {  	v0 =	vlaneseq.u32;
	s19 =	smov.u32 s7;
	p0 =	por $0x0, $0x0;
	s17 =	sadd.s32 $0x1, s13  }
.LBB2_18:
0x27: {  	s0 =	sshrl.u32 s31, $0x2  }
.LBB2_20:
0x28: {  	_ =	swait.ge [sflag:s18], s0  }
0x29: {  	s31 =	ssub.s32 $0x0, s0;
	v1 =	vmov s24;
	vm0 =	veq.s32 v0, $0x0;
	[sflag:s18] =	ssyncset.done $0x0  }
0x2a: {  	vm15 =	veq.s32 v0, $0x2;
	v1 =	vsel vm0, s30, v1;
	[sflag:s18] =	ssyncadd.s32 s31  }
0x2b: {  	v1 =	vsel vm15, s22, v1;
	[sflag:s18] =	ssyncpa.u1 $0x1  }
0x2c: {  	[tilespmem:$0xF208] =	vst v1  }
.LBB2_21:
0x2d: {  	s0 =	sadd.s32 $0xF0, s19  }
0x2e: {  	s2 =	smov.u32 s7;
	p1 =	slt.s32 s0, s8  }
0x2f: {  	s2 =	smov.u32 @p1 s0;
	p1 =	sne.s32 s21, s17  }
.Ltmp2:
0x30: {  	_ = 	snop;
	(pc) =	sbr.rel @!p1 .LBB2_22-.Ltmp2, $3  }
0x31: {  	_ =	sdelay $0x1  }
0x32: {  	s22 =	smov.u32 s20;
	s31 =	sadd.s32 $0x1, s21;
	s20 =	smov.u32 s19  }
0x33: {  	p0 =	por !p0, !p0;
	s21 =	smov.u32 s31;
	s19 =	smov.u32 s2  }
.LBB2_3:
0x34: {  	p1 =	sge.u32 s21, s13  }
0x35: {  	s0 =	smulhi.u32 @!p1 $0xAAAAAAAB, s21  }
0x36: {  	s2 =	smov.u32 s19;
	p2 =	sgt.s32 @!p1 s19, $0x61990  }
0x37: {  	s3 =	sshra.s32 @!p1 s19, $0x1F;
	p2 =	por !p2, p1;
	s0 =	sshrl.u32 @!p1 s0, $0x1  }
0x38: {  	s3 =	sand.u32 @!p1 s3, s19;
	s2 =	simm.s32 @p2 $0x61990;
	s0 =	smul.u32 @!p1 $0x3, s0  }
0x39: {  	s2 =	ssub.s32 @!p1 s2, s3  }
0x3a: {  	s2 =	sadd.s32 @!p1 $0xFFF9E670, s2;
	s0 =	ssub.s32 @!p1 s21, s0  }
0x3b: {  	s3 =	sshll.u32 @!p1 s2, $0x2;
	p2 =	sgt.s32 @!p1 s2, $0xEF;
	s0 =	smul.u32 @!p1 $0x3C0, s0  }
0x3c: {  	s4 =	sand.u32 @!p1 $0x7, s19;
	s2 =	ssub.s32 @!p1 $0x3C0, s3;
	p2 =	por !p2, p1  }
0x3d: {  	s3 =	sshrl.u32 @!p1 s19, $0x3;
	s2 =	sshrl.u32 @!p1 s2, $0x2;
	s0 =	sshrl.u32 @!p1 s0, $0x2  }
0x3e: {  	s3 =	sadd.s32 @!p1 s3, s14;
	s2 =	simm.s32 @!p2 $0x0;
	s0 =	sadd.s32 @!p1 $0x10248, s0  }
0x3f: {  	[tilespmem:s0], [sflag:$0xA] =	stream.linear.gather @!p1 [hbm4b:s3+s4], s2, $0x38;
	[tilespmem:$0x1F6F8] =	vst v63  }
0x40: {  	s0 =	sadd.s32 $0xFFFFFFFF, s21  }
0x41: {  	p1 =	sge.u32 s0, s13  }
0x42: {  	p2 =	sgt.s32 @!p1 s20, $0x61990  }
0x43: {  	s2 =	smov.u32 s20;
	s3 =	sshra.s32 @!p1 s20, $0x1F;
	p2 =	por !p2, p1  }
0x44: {  	s3 =	sand.u32 @!p1 s3, s20;
	s2 =	simm.s32 @p2 $0x61990  }
0x45: {  	s2 =	ssub.s32 @!p1 s2, s3  }
0x46: {  	s2 =	sadd.s32 @!p1 $0xFFF9E670, s2  }
0x47: {  	s4 =	sand.u32 @!p1 $0x1, s0;
	s3 =	sshll.u32 @!p1 s2, $0x2  }
0x48: {  	p2 =	sgt.s32 @!p1 s2, $0xEF;
	s2 =	ssub.s32 @!p1 $0x3C0, s3;
	s3 =	smulhi.u32 @!p1 $0xAAAAAAAB, s0  }
0x49: {  	s23 =	smul.u32 @!p1 $0x3C0, s4;
	p2 =	por !p2, p1;
	s2 =	sshrl.u32 @!p1 s2, $0x2  }
0x4a: {  	s5 =	simm.s32 @!p1 $0xA;
	s2 =	simm.s32 @!p2 $0x0;
	s3 =	sshrl.u32 @!p1 s3, $0x1  }
0x4b: {  	s23 =	sshrl.u32 @!p1 s23, $0x2;
	_ =	swait.ge @!p1 [sflag:s5], s2;
	s3 =	smul.u32 @!p1 $0x3, s3  }
0x4c: {  	s23 =	sadd.s32 @!p1 $0x10518, s23;
	s24 =	ssub.s32 @!p1 $0x0, s2;
	[sflag:s5] =	ssyncset.done @!p1 $0x0  }
0x4d: {  	[sflag:s5] =	ssyncadd.s32 @!p1 s24;
	s5 =	sshrl.u32 @!p1 s20, $0x3;
	s0 =	ssub.s32 @!p1 s0, s3  }
0x4e: {  	s24 =	sand.u32 @!p1 $0x7, s20;
	s5 =	sadd.s32 @!p1 s5, s15;
	s0 =	smul.u32 @!p1 $0x3C0, s0  }
0x4f: {  	[tilespmem:s23], [sflag:$0xB] =	stream.linear.gather @!p1 [hbm4b:s5+s24], s2, $0x38;
	[tilespmem:$0x1F6F8] =	vst v63  }
0x50: {  	s3 =	ssub.s32 @!p1 $0x61A80, s20;
	s2 =	smul.u32 @!p1 $0x1E000, s4  }
0x51: {  	p2 =	slt.s32 @!p1 s3, $0xF0  }
0x52: {  	p2 =	por !p2, p1;
	s0 =	sshrl.u32 @!p1 s0, $0x2;
	s2 =	sshrl.u32 @!p1 s2, $0x2  }
0x53: {  	s3 =	simm.s32 @p2 $0xF0;
	s0 =	sadd.s32 @!p1 $0x10248, s0;
	s2 =	sor.u32 @!p1 $0x106F8, s2  }
0x54: {  	[tilespmem:s2], [sflag:$0x9] =	stream.indirect.gather @!p1 [hbm4b:s6+s3], $0x80, s0, s3, $0xb8;
	[tilespmem:$0x1F6F8] =	vst v63  }
0x55: {  	p1 =	slt.u32 s21, $0x2  }
.Ltmp3:
0x56: {  	_ = 	snop;
	(pc) =	sbr.rel @p1 .LBB2_21-.Ltmp3, $1  }
0x57: {  	_ =	sdelay $0x3  }
0x58: {  	p1 =	sgt.s32 s22, $0x61990  }
0x59: {  	s0 =	smov.u32 s22;
	s2 =	sshra.s32 s22, $0x1F;
	s3 =	ssub.s32 $0x61A80, s22  }
0x5a: {  	s0 =	simm.s32 @!p1 $0x61990;
	s2 =	sand.u32 s2, s22;
	p1 =	slt.s32 s3, $0xF0  }
0x5b: {  	s0 =	ssub.s32 s0, s2;
	s3 =	simm.s32 @!p1 $0xF0  }
0x5c: {  	s0 =	sadd.s32 $0xFFF9E670, s0;
	s25 =	sshll.u32 s3, $0x7  }
0x5d: {  	s26 =	sshll.u32 s0, $0x2;
	s2 =	sand.u32 $0x3FFFFF80, s25  }
0x5e: {  	p1 =	sgt.s32 s0, $0xEF;
	s29 =	ssub.s32 $0x3C0, s26;
	_ =	swait.ge [sflag:s10], s2  }
0x5f: {  	s2 =	ssub.s32 $0x0, s2;
	[sflag:s10] =	ssyncset.done $0x0;
	s0 =	sshrl.u32 s29, $0x2  }
0x60: {  	[sflag:s10] =	ssyncadd.s32 s2;
	s0 =	simm.s32 @p1 $0x0  }
0x61: {  	_ =	swait.ge [sflag:s11], s0  }
0x62: {  	s0 =	ssub.s32 $0x0, s0;
	[sflag:s11] =	ssyncset.done $0x0  }
0x63: {  	[sflag:s11] =	ssyncadd.s32 s0  }
0x64: {  	v1 =	vld [tilespmem:$0xF208];
	_ =	sdelay $0x4  }
0x65: {  	(v2sf) =	vpush v1, $0x0  }
0x66: {  	(v2sf) =	vpush v1, $0x1  }
0x67: {  	(v2sf) =	vpush v1, $0x2;
	_ =	sdelay $0x3  }
0x68: {  	s0 =	sadd.s32 $0xF0, s22  }
0x69: {  	s2 =	ssub.s32 $0xC3500, s22;
	p1 =	slt.s32 s8, s0  }
0x6a: {  	s0 =	smov.u32 @p1 s8;
	p1 =	sgt.s32 s2, $0x0  }
0x6b: {  	s26 =	ssub.s32 s0, s22;
	s2 =	simm.s32 @!p1 $0x0  }
0x6c: {  	p1 =	slt.s32 s2, s26  }
0x6d: {  	s26 =	smov.u32 @p1 s2  }
0x6e: {  	s25 =	simm.s32 $0x1;
	p1 =	slt.s32 s26, $0x1  }
.Ltmp4:
0x6f: {  	s25 =	simm.s32 @!p0 $0x0;
	(pc) =	sbr.rel @p1 .LBB2_8-.Ltmp4, $4  }
0x70: {  	s31 =	smul.u32 $0x3C0, s25  }
0x71: {  	s28 =	spop (v2sf)  }
0x72: {  	s0 =	sshrl.u32 s31, $0x2;
	s30 =	spop (v2sf)  }
0x73: {  	s23 =	sadd.s32 $0x10518, s0;
	s22 =	spop (v2sf)  }
0x74: {  	s0 =	smin.u32 s26, $0x10  }
0x75: {  	v1 =	vmov s0  }
0x76: {  	p2 =	sgt.s32 s26, $0x10;
	vm1 =	vgt.u32 v1, v0  }
.Ltmp5:
0x77: {  	_ = 	snop;
	(pc) =	sbr.rel @!p2 .LBB2_7-.Ltmp5, $2  }
0x78: {  	_ =	sdelay $0x2  }
0x79: {  	s4 =	simm.s32 $0x10;
	s24 =	sadd.s32 $0xFFFFFFF0, s26;
	s0 =	smov.u32 s23;
	vm0 =	vmmov vm1  }
.LBB2_6:
0x7a: {  	s2 =	smin.u32 s24, $0x10;
	s4 =	sadd.s32 $0x10, s4;
	v1 =	vld.msk [tilespmem:s0+$0x0 ss:$0x1], vm1  }
0x7b: {  	v2 =	vmov s2;
	p2 =	slt.s32 s4, s26  }
0x7c: {  	vm1 =	vgt.u32 v2, v0  }
.Ltmp6:
0x7d: {  	(pc) =	sbr.rel @p2 .LBB2_6-.Ltmp6, $3  }
0x7e: {  	_ =	sdelay $0x1  }
0x7f: {  	v1 =	vshll.u32 v1, $0x4  }
0x80: {  	s24 =	sadd.s32 $0xFFFFFFF0, s24;
	[tilespmem:s0+$0x0] =	vst.msk vm0, v1;
	s0 =	sadd.s32 $0x10, s0;
	vm0 =	vmmov vm1  }
.LBB2_7:
0x81: {  	_ =	sdelay $0x4  }
0x82: {  	v1 =	vld.msk [tilespmem:s0+$0x0 ss:$0x1], vm1;
	_ =	sdelay $0x4  }
0x83: {  	v1 =	vshll.u32 v1, $0x4  }
0x84: {  	[tilespmem:s0+$0x0] =	vst.msk vm0, v1  }
.LBB2_8:
0x85: {  	s0 =	sand.u32 $0x1, s21  }
0x86: {  	s0 =	smul.u32 $0xF0, s0  }
0x87: {  	p2 =	sne.s32 s30, $0xFFFFFFFF  }
0x88: {  	v1 =	vld.msk @!p2 [tilespmem:s0+$0x10518], $0x1;
	_ =	sdelay $0x4  }
0x89: {  	(v2sf) =	vpush @!p2 v1, $0x0;
	_ =	sdelay $0xc  }
.Ltmp7:
0x8a: {  	_ = 	snop;
	(pc) =	sbr.rel @p1 .LBB2_19-.Ltmp7, $4  }
0x8b: {  	_ = 	snop  }
0x8c: {  	s29 =	spop @!p2 (v2sf)  }
0x8d: {  	s22 =	simm.s32 @!p2 $0x0;
	s24 =	smov.u32 s29  }
0x8e: {  	[sflag:s18] =	ssyncpa.u1 $0x0;
	s29 =	smov.u32 @p2 s28;
	s24 =	smov.u32 @p2 s30  }
0x8f: {  	v1 =	vld.msk [tilespmem:s23+$0x0], $0x1;
	_ =	sdelay $0x4  }
0x90: {  	(v2sf) =	vpush v1, $0x0;
	_ =	sdelay $0xe  }
0x91: {  	s2 =	smul.u32 $0x1E000, s25;
	s0 =	spop (v2sf)  }
0x92: {  	s26 =	ssub.s32 $0x0, s26;
	p1 =	seq.s32 s29, s0  }
0x93: {  	s30 =	sadd.s32 $0x1, s26;
	s2 =	sshrl.u32 s2, $0x2;
	p2 =	sgt.s32 @!p1 s29, $0x0  }
0x94: {  	s25 =	sor.u32 $0x10738, s2;
	s2 =	smov.u32 s29;
	p2 =	por !p2, p1  }
0x95: {  	s2 =	simm.s32 @p2 $0x0;
	p2 =	seq.s32 s30, $0x0  }
.Ltmp8:
0x96: {  	_ = 	snop;
	(pc) =	sbr.rel @p2 .LBB2_11-.Ltmp8, $4  }
0x97: {  	_ = 	snop  }
0x98: {  	s28 =	simm.s32 $0x0;
	s31 =	sadd.s32 $0x1, s23;
	s2 =	smin.u32 @!p1 s2, $0x249EF0  }
0x99: {  	s4 =	simm.s32 @!p1 $0x1;
	s5 =	simm.s32 @!p1 $0x7988;
	s3 =	sand.u32 @!p1 $0x3FFFF8, s2  }
0x9a: {  	s4 =	smov.u32 @p1 s28;
	s2 =	sand.u32 @!p1 $0x7, s2;
	s3 =	sadd.s32 @!p1 s1, s3  }
.LBB2_10:
0x9b: {  	s9 =	smov.u32 s4  }
0x9c: {  	[tilespmem:s5], [sflag:$0x2] =	stream.linear.gather @!p1 [hbm4b:s3+s2], $0x80, $0x38;
	[tilespmem:$0x1F6F8] =	vst v63  }
0x9d: {  	s30 =	sadd.s32 $0x1, s30;
	s2 =	smov.u32 s0;
	v1 =	vld.msk [tilespmem:s31+$0x0], $0x1  }
0x9e: {  	p2 =	seq.s32 s30, $0x0;
	_ =	sdelay $0x3  }
0x9f: {  	(v2sf) =	vpush v1, $0x0;
	_ =	sdelay $0xe  }
0xa0: {  	s0 =	spop (v2sf)  }
0xa1: {  	p1 =	seq.s32 s2, s0  }
0xa2: {  	p3 =	sgt.s32 @!p1 s2, $0x0;
	s3 =	sshll.u32 @!p1 s4, $0x9;
	s4 =	sadd.s32 @!p1 $0x1, s4  }
.Ltmp9:
0xa3: {  	p3 =	por !p3, p1;
	s3 =	sshra.s32 @!p1 s3, $0x2;
	(pc) =	sbr.rel @!p2 .LBB2_10-.Ltmp9, $4  }
0xa4: {  	s4 =	smov.u32 @p1 s9;
	s2 =	simm.s32 @p3 $0x0;
	s5 =	sadd.s32 @!p1 $0x7988, s3  }
0xa5: {  	s2 =	smin.u32 @!p1 s2, $0x249EF0  }
0xa6: {  	s3 =	sand.u32 @!p1 $0x3FFFF8, s2;
	s2 =	sand.u32 @!p1 $0x7, s2  }
0xa7: {  	s31 =	sadd.s32 $0x1, s31;
	s3 =	sadd.s32 @!p1 s1, s3  }
.LBB2_11:
0xa8: {  	[tilespmem:s5], [sflag:$0x2] =	stream.linear.gather @!p1 [hbm4b:s3+s2], $0x80, $0x38;
	[tilespmem:$0x1F6F8] =	vst v63  }
.Ltmp10:
0xa9: {  	s0 =	sshll.u32 s4, $0x7;
	(pc) =	sbr.rel .LBB2_12-.Ltmp10, $4  }
0xaa: {  	s30 =	simm.s32 $0x2;
	s0 =	sand.u32 $0x3FFFFF80, s0  }
0xab: {  	_ =	swait.ge [sflag:s30], s0  }
0xac: {  	s0 =	ssub.s32 $0x0, s0;
	[sflag:s30] =	ssyncset.done $0x0  }
0xad: {  	s31 =	simm.s32 $0x0;
	[sflag:s30] =	ssyncadd.s32 s0  }
.LBB2_13:
0xae: {  	v1 =	vld [tilespmem:s25+$0xFFFFFFC0];
	_ =	sdelay $0x3  }
0xaf: {  	s0 =	sshra.s32 s0, $0x2  }
0xb0: {  	[tilespmem:s0+$0x108] =	vst.add.f32.msk $0xffff, v1  }
0xb1: {  	v1 =	vld [tilespmem:s25+$0xFFFFFFD0];
	_ =	sdelay $0x4  }
0xb2: {  	[tilespmem:s0+$0x118] =	vst.add.f32.msk $0xffff, v1  }
0xb3: {  	v1 =	vld [tilespmem:s25+$0xFFFFFFE0];
	_ =	sdelay $0x4  }
0xb4: {  	[tilespmem:s0+$0x128] =	vst.add.f32.msk $0xffff, v1  }
0xb5: {  	v1 =	vld [tilespmem:s25+$0xFFFFFFF0];
	_ =	sdelay $0x4  }
0xb6: {  	[tilespmem:s0+$0x138] =	vst.add.f32.msk $0xffff, v1  }
0xb7: {  	v1 =	vld [tilespmem:s25+$0x0];
	_ =	sdelay $0x4  }
0xb8: {  	[tilespmem:s0+$0x148] =	vst.add.f32.msk $0xffff, v1  }
0xb9: {  	v1 =	vld [tilespmem:s25+$0x10];
	_ =	sdelay $0x4  }
0xba: {  	[tilespmem:s0+$0x158] =	vst.add.f32.msk $0xffff, v1  }
0xbb: {  	v1 =	vld [tilespmem:s25+$0x20];
	_ =	sdelay $0x4  }
0xbc: {  	[tilespmem:s0+$0x168] =	vst.add.f32.msk $0xffff, v1  }
0xbd: {  	v1 =	vld [tilespmem:s25+$0x30];
	_ =	sdelay $0x4  }
0xbe: {  	[tilespmem:s0+$0x178] =	vst.add.f32.msk $0xffff, v1  }
.LBB2_17:
0xbf: {  	s26 =	sadd.s32 $0x1, s26  }
0xc0: {  	p1 =	seq.s32 s26, $0x0  }
.Ltmp11:
0xc1: {  	_ = 	snop;
	(pc) =	sbr.rel @p1 .LBB2_18-.Ltmp11, $2  }
0xc2: {  	_ =	sdelay $0x2  }
0xc3: {  	s23 =	sadd.s32 $0x1, s23;
	s25 =	sadd.s32 $0x80, s25;
	s29 =	smov.u32 s30  }
.LBB2_12:
0xc4: {  	v1 =	vld.msk [tilespmem:s23+$0x0], $0x1;
	_ =	sdelay $0x4  }
0xc5: {  	(v2sf) =	vpush v1, $0x0;
	_ =	sdelay $0xe  }
0xc6: {  	s30 =	spop (v2sf)  }
0xc7: {  	p1 =	sne.s32 s29, s30  }
.Ltmp12:
0xc8: {  	_ = 	snop;
	(pc) =	sbr.rel @!p1 .LBB2_13-.Ltmp12, $2  }
0xc9: {  	_ =	sdelay $0x2  }
0xca: {  	s0 =	sshll.u32 s22, $0x9  }
0xcb: {  	p1 =	seq.s32 s29, s24  }
.Ltmp13:
0xcc: {  	_ = 	snop;
	(pc) =	sbr.rel @!p1 .LBB2_15-.Ltmp13, $1  }
0xcd: {  	_ =	sdelay $0x3  }
0xce: {  	s0 =	sshra.s32 s0, $0x2  }
.Ltmp14:
0xcf: {  	s0 =	sadd.s32 $0x108, s0;
	(pc) =	sbr.rel .LBB2_16-.Ltmp14, $4  }
0xd0: {  	[spmem:s16] =	stream.linear.scatter [tilespmem:s0], [sflag:$0x1], $0x80, $0x38;
	[tilespmem:$0x1F6F8] =	vst v63  }
0xd1: {  	_ =	swait.ge [sflag:s12], $0x80  }
0xd2: {  	[sflag:s12] =	ssyncset.done $0x0  }
0xd3: {  	[sflag:s12] =	ssyncadd.s32 $0xFFFFFF80  }
.LBB2_15:
0xd4: {  	s2 =	sshll.u32 s28, $0x9  }
0xd5: {  	s2 =	sshra.s32 s2, $0x2  }
0xd6: {  	v1 =	vld [tilespmem:s2+$0x7988];
	_ =	sdelay $0x3  }
0xd7: {  	s0 =	sshra.s32 s0, $0x2  }
0xd8: {  	[tilespmem:s0+$0x108] =	vst.add.f32.msk $0xffff, v1  }
0xd9: {  	v1 =	vld [tilespmem:s2+$0x7998];
	_ =	sdelay $0x4  }
0xda: {  	[tilespmem:s0+$0x118] =	vst.add.f32.msk $0xffff, v1  }
0xdb: {  	v1 =	vld [tilespmem:s2+$0x79A8];
	_ =	sdelay $0x4  }
0xdc: {  	[tilespmem:s0+$0x128] =	vst.add.f32.msk $0xffff, v1  }
0xdd: {  	v1 =	vld [tilespmem:s2+$0x79B8];
	_ =	sdelay $0x4  }
0xde: {  	[tilespmem:s0+$0x138] =	vst.add.f32.msk $0xffff, v1  }
0xdf: {  	v1 =	vld [tilespmem:s2+$0x79C8];
	_ =	sdelay $0x4  }
0xe0: {  	[tilespmem:s0+$0x148] =	vst.add.f32.msk $0xffff, v1  }
0xe1: {  	v1 =	vld [tilespmem:s2+$0x79D8];
	_ =	sdelay $0x4  }
0xe2: {  	[tilespmem:s0+$0x158] =	vst.add.f32.msk $0xffff, v1  }
0xe3: {  	v1 =	vld [tilespmem:s2+$0x79E8];
	_ =	sdelay $0x4  }
0xe4: {  	[tilespmem:s0+$0x168] =	vst.add.f32.msk $0xffff, v1  }
0xe5: {  	v1 =	vld [tilespmem:s2+$0x79F8];
	_ =	sdelay $0x2  }
0xe6: {  	p1 =	sgt.u32 s29, $0x249EF0  }
0xe7: {  	s2 =	sand.u32 @!p1 $0x3FFFF8, s29  }
0xe8: {  	s3 =	sadd.s32 $0x108, s0;
	[tilespmem:s0+$0x178] =	vst.add.f32.msk $0xffff, v1;
	s0 =	sadd.s32 @!p1 s1, s2;
	s2 =	sand.u32 @!p1 $0x7, s29  }
0xe9: {  	[hbm4b:s0+s2] =	stream.linear.scatter @!p1 [tilespmem:s3], [sflag:$0xC], $0x80, $0x38;
	[tilespmem:$0x1F6F8] =	vst v63  }
0xea: {  	s0 =	simm.s32 $0x0  }
0xeb: {  	s0 =	simm.s32 @!p1 $0x200  }
0xec: {  	s31 =	sadd.s32 s0, s31  }
.LBB2_16:
0xed: {  	s0 =	sadd.s32 $0x1, s22  }
0xee: {  	s2 =	smulhi.u32 $0x88888889, s0;
	_ =	sdelay $0x1  }
0xef: {  	v1 =	vld [tilespmem:s25+$0xFFFFFFC0];
	s2 =	sshrl.u32 s2, $0x7  }
0xf0: {  	s2 =	smul.u32 $0xF0, s2;
	_ =	sdelay $0x1  }
0xf1: {  	s22 =	ssub.s32 s0, s2  }
0xf2: {  	s0 =	sshll.u32 s22, $0x7  }
0xf3: {  	[tilespmem:s0+$0x108] =	vst v1  }
0xf4: {  	v1 =	vld [tilespmem:s25+$0xFFFFFFD0];
	_ =	sdelay $0x4  }
0xf5: {  	[tilespmem:s0+$0x118] =	vst v1  }
0xf6: {  	v1 =	vld [tilespmem:s25+$0xFFFFFFE0];
	_ =	sdelay $0x4  }
0xf7: {  	[tilespmem:s0+$0x128] =	vst v1  }
0xf8: {  	v1 =	vld [tilespmem:s25+$0xFFFFFFF0];
	_ =	sdelay $0x4  }
0xf9: {  	[tilespmem:s0+$0x138] =	vst v1  }
0xfa: {  	v1 =	vld [tilespmem:s25+$0x0];
	_ =	sdelay $0x4  }
0xfb: {  	[tilespmem:s0+$0x148] =	vst v1  }
0xfc: {  	v1 =	vld [tilespmem:s25+$0x10];
	_ =	sdelay $0x4  }
0xfd: {  	[tilespmem:s0+$0x158] =	vst v1  }
0xfe: {  	v1 =	vld [tilespmem:s25+$0x20];
	_ =	sdelay $0x4  }
0xff: {  	[tilespmem:s0+$0x168] =	vst v1  }
0x100: {  	v1 =	vld [tilespmem:s25+$0x30]  }
.Ltmp15:
0x101: {  	_ = 	snop;
	(pc) =	sbr.rel .LBB2_17-.Ltmp15, $2  }
0x102: {  	_ =	sdelay $0x2  }
0x103: {  	s28 =	sadd.s32 $0x1, s28;
	[tilespmem:s0+$0x178] =	vst v1  }
.LBB2_19:
.Ltmp16:
0x104: {  	(pc) =	sbr.rel .LBB2_20-.Ltmp16, $4  }
0x105: {  	_ = 	snop  }
0x106: {  	s0 =	simm.s32 $0x2  }
0x107: {  	_ =	swait.ge [sflag:s0], $0x0  }
0x108: {  	s30 =	smov.u32 s29;
	[sflag:s0] =	ssyncset.done $0x0;
	s0 =	simm.s32 $0x0  }
.LBB2_22:
0x109: {  	_ =	sfence.sel $0x180000  }
0x10a: {  	s0 =	simm.s32 $0x9;
	[bflag:$0x0] =	sbarrier.arrive $0xFFFF  }
0x10b: {  	s24 =	simm.s32 $0xA;
	[sflag:s0] =	ssyncpa.u1 $0x1  }
0x10c: {  	s25 =	simm.s32 $0xB;
	[sflag:s24] =	ssyncpa.u1 $0x1  }
0x10d: {  	s26 =	simm.s32 $0x2;
	[sflag:s25] =	ssyncpa.u1 $0x1  }
0x10e: {  	[sflag:s26] =	ssyncpa.u1 $0x1  }
0x10f: {  	v0 =	vld [tilespmem:$0xF208];
	_ =	sdelay $0x4  }
0x110: {  	(v2sf) =	vpush v0, $0x0  }
0x111: {  	(v2sf) =	vpush v0, $0x1;
	_ =	sdelay $0x1  }
0x112: {  	(v2sf) =	vpush v0, $0x2;
	_ =	sdelay $0xb  }
0x113: {  	s0 =	spop (v2sf)  }
0x114: {  	s2 =	spop (v2sf)  }
0x115: {  	s3 =	smov.u32 s0;
	p0 =	sne.s32 s0, s2  }
0x116: {  	s4 =	spop (v2sf);
	s3 =	simm.s32 @!p0 $0xFFFFFFFF  }
0x117: {  	v2 =	vimm.s32 $0x1;
	v3 =	vlaneseq.u32;
	p0 =	seq.s32 s4, $0xFFFFFFFF;
	v1 =	vmov s3  }
0x118: {  	s16 =	stileid.u32;
	v0 =	vperm.xlane v0, v2;
	p1 =	sne.s32 @!p0 s0, s2;
	v1 =	vperm.xlane v1, v3  }
0x119: {  	vm0 =	vcmask $0x3F04;
	s6 =	simm.s32 $0xF208;
	s0 =	simm.s32 @!p0 $0x1;
	p1 =	por !p1, p0  }
0x11a: {  	s3 =	sshll.u32 s16, $0x1;
	s2 =	sshll.u32 @!p0 s4, $0x9;
	s0 =	simm.s32 @p1 $0x0;
	v0 =	vsel vm0, v1, v0  }
0x11b: {  	s5 =	sor.u32 $0x1000, s3;
	s2 =	sshra.s32 @!p0 s2, $0x2;
	s0 =	sor.u32 @!p0 s0, s3;
	[tilespmem:$0xF208] =	vst v0  }
0x11c: {  	[spmem:s5] =	stream.linear.scatter [tilespmem:s6], [sflag:$0x1], $0x2, $0x38;
	[tilespmem:$0x1F6F8] =	vst v63  }
0x11d: {  	s2 =	sadd.s32 @!p0 $0x108, s2;
	s0 =	sshll.u32 @!p0 s0, $0x7  }
0x11e: {  	[spmem:s0] =	stream.linear.scatter @!p0 [tilespmem:s2], [sflag:$0x1], $0x80, $0x38;
	[tilespmem:$0x1F6F8] =	vst v63  }
0x11f: {  	s0 =	simm.s32 @!p0 $0x82  }
0x120: {  	s28 =	simm.s32 $0x1;
	s0 =	simm.s32 @p0 $0x2  }
0x121: {  	_ =	swait.ge [sflag:s28], s0  }
0x122: {  	s0 =	ssub.s32 $0x0, s0;
	[sflag:s28] =	ssyncset.done $0x0  }
0x123: {  	p0 =	sne.s32 s16, $0x0;
	[sflag:s28] =	ssyncadd.s32 s0  }
.Ltmp17:
0x124: {  	_ =	sfence.stream.spmem;
	(pc) =	sbr.rel @p0 .LBB2_39-.Ltmp17, $4  }
0x125: {  	s29 =	simm.s32 $0x3;
	[bflag:$0x0] =	sbarrier.arrive $0xFFFF  }
0x126: {  	s30 =	simm.s32 $0x4;
	[sflag:s29] =	ssyncpa.u1 $0x1  }
0x127: {  	s31 =	simm.s32 $0x3C;
	[sflag:s30] =	ssyncpa.u1 $0x1  }
0x128: {  	s15 =	rddreg [dreg:$0x4];
	[sflag:s31] =	ssyncpa.u1 $0x1  }
0x129: {  	_ =	sfence.stream.spmem;
	s0 =	simm.s32 $0x5  }
0x12a: {  	s2 =	simm.s32 $0x1000;
	s3 =	simm.s32 $0xF218;
	[sflag:s0] =	ssyncpa.u1 $0x0  }
0x12b: {  	[tilespmem:s3], [sflag:$0x5] =	stream.linear.gather [spmem:s2], $0x20, $0x38;
	[tilespmem:$0x1F6F8] =	vst v63  }
0x12c: {  	s26 =	simm.s32 $0x0;
	s28 =	simm.s32 $0xF238  }
0x12d: {  	[tilespmem:s28], [sflag:$0x5] =	stream.linear.gather [spmem:s26], $0x1000, $0x38;
	[tilespmem:$0x1F6F8] =	vst v63  }
0x12e: {  	_ =	swait.ge [sflag:s0], $0x1020  }
0x12f: {  	[sflag:s0] =	ssyncset.done $0x0  }
0x130: {  	s29 =	simm.s32 $0x0;
	[sflag:s0] =	ssyncadd.s32 $0xFFFFEFE0  }
0x131: {  	v0 =	vld.msk [tilespmem:s29+$0xF218], $0x1;
	_ =	sdelay $0x1  }
0x132: {  	s30 =	simm.s32 $0x1  }
0x133: {  	v1 =	vld.msk [tilespmem:s30+$0xF218], $0x1;
	_ =	sdelay $0x1  }
0x134: {  	(v2sf) =	vpush v0, $0x0;
	_ =	sdelay $0x2  }
0x135: {  	(v2sf) =	vpush v1, $0x0;
	_ =	sdelay $0x2  }
0x136: {  	s31 =	simm.s32 $0x2  }
0x137: {  	v0 =	vld.msk [tilespmem:s31+$0xF218], $0x1;
	_ =	sdelay $0x2  }
0x138: {  	s4 =	simm.s32 $0xFFFFFFFF;
	s5 =	simm.s32 $0xFFFFFFFF;
	s0 =	simm.s32 $0xC  }
.LBB2_24:
0x139: {  	s2 =	smov.u32 s5;
	s3 =	smov.u32 s4  }
0x13a: {  	s4 =	sshra.s32 s0, $0x2;
	p1 =	sne.s32 s0, $0x7C;
	s0 =	sadd.s32 $0x4, s0;
	(v2sf) =	vpush v0, $0x0  }
0x13b: {  	v0 =	vld.msk [tilespmem:s4+$0xF218], $0x1  }
.Ltmp18:
0x13c: {  	(pc) =	sbr.rel @p1 .LBB2_24-.Ltmp18, $4  }
0x13d: {  	s5 =	spop (v2sf)  }
0x13e: {  	p2 =	sne.s32 s3, $0xFFFFFFFF;
	s4 =	smov.u32 s5  }
0x13f: {  	p3 =	seq.s32 s5, $0xFFFFFFFF;
	s4 =	smov.u32 @p2 s3  }
0x140: {  	s5 =	smov.u32 @p3 s2;
	s4 =	smov.u32 @p3 s3  }
0x141: {  	(v2sf) =	vpush v0, $0x0;
	_ =	sdelay $0x8  }
0x142: {  	s0 =	spop (v2sf)  }
0x143: {  	p1 =	sne.s32 s4, $0xFFFFFFFF;
	s2 =	smov.u32 s0  }
0x144: {  	s9 =	simm.s32 $0x6;
	p2 =	seq.s32 s0, $0xFFFFFFFF;
	s2 =	smov.u32 @p1 s4  }
0x145: {  	s6 =	simm.s32 $0x0;
	s2 =	smov.u32 @p2 s4;
	s3 =	spop (v2sf)  }
0x146: {  	s0 =	smov.u32 @p2 s5;
	p1 =	sne.s32 s2, $0xFFFFFFFF;
	s4 =	smov.u32 s3  }
.Ltmp19:
0x147: {  	p2 =	seq.s32 s3, $0xFFFFFFFF;
	s4 =	smov.u32 @p1 s2;
	(pc) =	sbr.rel .LBB2_26-.Ltmp19, $4  }
0x148: {  	s10 =	simm.s32 $0xF188;
	s4 =	smov.u32 @p2 s2;
	s7 =	spop (v2sf)  }
0x149: {  	s11 =	simm.s32 $0x0;
	p1 =	sne.s32 s4, $0xFFFFFFFF;
	s8 =	smov.u32 s7  }
0x14a: {  	s3 =	smov.u32 @p2 s0;
	p2 =	seq.s32 s7, $0xFFFFFFFF;
	s8 =	smov.u32 @p1 s4  }
0x14b: {  	[sflag:s9] =	ssyncpa.u1 $0x0;
	s7 =	smov.u32 @p2 s3;
	s8 =	smov.u32 @p2 s4  }
.LBB2_32:
0x14c: {  	p1 =	sgt.u32 s12, $0x249EF0  }
0x14d: {  	p2 =	seq.s32 @!p1 s12, s8  }
0x14e: {  	p1 =	por p1, p2  }
0x14f: {  	p2 =	sne.s32 @!p1 s12, s7  }
0x150: {  	p1 =	por p1, !p2  }
0x151: {  	s0 =	sshll.u32 @p1 s11, $0x9  }
0x152: {  	s0 =	sand.u32 @!p1 $0x3FFFF8, s12  }
0x153: {  	s2 =	sand.u32 @!p1 $0x7, s12;
	s0 =	sadd.s32 @!p1 s1, s0  }
0x154: {  	[tilespmem:s10], [sflag:$0x6] =	stream.linear.gather @!p1 [hbm4b:s0+s2], $0x80, $0x38;
	[tilespmem:$0x1F6F8] =	vst v63  }
0x155: {  	_ =	swait.ge @!p1 [sflag:s9], $0x80  }
0x156: {  	[sflag:s9] =	ssyncset.done @!p1 $0x0  }
0x157: {  	[sflag:s9] =	ssyncadd.s32 @!p1 $0xFFFFFF80  }
0x158: {  	v1 =	vld @!p1 [tilespmem:$0xF188];
	_ =	sdelay $0x2  }
0x159: {  	s0 =	sshll.u32 @!p1 s11, $0x9  }
0x15a: {  	s2 =	sshrl.u32 @!p1 s0, $0x2  }
0x15b: {  	[tilespmem:s2+$0xF238] =	vst.add.f32.msk @!p1 $0xffff, v1  }
0x15c: {  	v1 =	vld @!p1 [tilespmem:$0xF198];
	_ =	sdelay $0x4  }
0x15d: {  	[tilespmem:s2+$0xF248] =	vst.add.f32.msk @!p1 $0xffff, v1  }
0x15e: {  	v1 =	vld @!p1 [tilespmem:$0xF1A8];
	_ =	sdelay $0x4  }
0x15f: {  	[tilespmem:s2+$0xF258] =	vst.add.f32.msk @!p1 $0xffff, v1  }
0x160: {  	v1 =	vld @!p1 [tilespmem:$0xF1B8];
	_ =	sdelay $0x4  }
0x161: {  	[tilespmem:s2+$0xF268] =	vst.add.f32.msk @!p1 $0xffff, v1  }
0x162: {  	v1 =	vld @!p1 [tilespmem:$0xF1C8];
	_ =	sdelay $0x4  }
0x163: {  	[tilespmem:s2+$0xF278] =	vst.add.f32.msk @!p1 $0xffff, v1  }
0x164: {  	v1 =	vld @!p1 [tilespmem:$0xF1D8];
	_ =	sdelay $0x4  }
0x165: {  	[tilespmem:s2+$0xF288] =	vst.add.f32.msk @!p1 $0xffff, v1  }
0x166: {  	v1 =	vld @!p1 [tilespmem:$0xF1E8];
	_ =	sdelay $0x4  }
0x167: {  	[tilespmem:s2+$0xF298] =	vst.add.f32.msk @!p1 $0xffff, v1  }
0x168: {  	v1 =	vld @!p1 [tilespmem:$0xF1F8];
	_ =	sdelay $0x4  }
0x169: {  	[tilespmem:s2+$0xF2A8] =	vst.add.f32.msk @!p1 $0xffff, v1  }
0x16a: {  	s0 =	sshrl.u32 s0, $0x2;
	[tilespmem:s6+$0xF218] =	vst.msk $0x1, v0  }
0x16b: {  	v0 =	vld [tilespmem:s0+$0xF238];
	_ =	sdelay $0x2  }
0x16c: {  	s31 =	sshll.u32 s6, $0x9  }
0x16d: {  	s2 =	sshra.s32 s31, $0x2  }
0x16e: {  	[tilespmem:s2+$0xF238] =	vst v0  }
0x16f: {  	v0 =	vld [tilespmem:s0+$0xF248];
	_ =	sdelay $0x4  }
0x170: {  	[tilespmem:s2+$0xF248] =	vst v0  }
0x171: {  	v0 =	vld [tilespmem:s0+$0xF258];
	_ =	sdelay $0x4  }
0x172: {  	[tilespmem:s2+$0xF258] =	vst v0  }
0x173: {  	v0 =	vld [tilespmem:s0+$0xF268];
	_ =	sdelay $0x4  }
0x174: {  	[tilespmem:s2+$0xF268] =	vst v0  }
0x175: {  	v0 =	vld [tilespmem:s0+$0xF278];
	_ =	sdelay $0x4  }
0x176: {  	[tilespmem:s2+$0xF278] =	vst v0  }
0x177: {  	v0 =	vld [tilespmem:s0+$0xF288];
	_ =	sdelay $0x4  }
0x178: {  	[tilespmem:s2+$0xF288] =	vst v0  }
0x179: {  	v0 =	vld [tilespmem:s0+$0xF298];
	_ =	sdelay $0x4  }
0x17a: {  	[tilespmem:s2+$0xF298] =	vst v0  }
0x17b: {  	v0 =	vld [tilespmem:s0+$0xF2A8];
	_ =	sdelay $0x4  }
0x17c: {  	s6 =	sadd.s32 $0x1, s6;
	[tilespmem:s2+$0xF2A8] =	vst v0  }
.LBB2_33:
0x17d: {  	s11 =	sadd.s32 $0x1, s11  }
0x17e: {  	p1 =	sne.s32 s11, $0x20  }
.Ltmp20:
0x17f: {  	_ = 	snop;
	(pc) =	sbr.rel @!p1 .LBB2_34-.Ltmp20, $1  }
0x180: {  	_ =	sdelay $0x3  }
.LBB2_26:
0x181: {  	v0 =	vld.msk [tilespmem:s11+$0xF218], $0x1;
	_ =	sdelay $0x4  }
0x182: {  	(v2sf) =	vpush v0, $0x0;
	_ =	sdelay $0xe  }
0x183: {  	s12 =	spop (v2sf)  }
0x184: {  	p1 =	seq.s32 s12, $0xFFFFFFFF  }
.Ltmp21:
0x185: {  	_ = 	snop;
	(pc) =	sbr.rel @p1 .LBB2_33-.Ltmp21, $1  }
0x186: {  	_ =	sdelay $0x3  }
0x187: {  	p1 =	slt.s32 s6, $0x1  }
.Ltmp22:
0x188: {  	_ = 	snop;
	(pc) =	sbr.rel @p1 .LBB2_32-.Ltmp22, $1  }
0x189: {  	_ =	sdelay $0x3  }
0x18a: {  	s13 =	simm.s32 $0xF218;
	p1 =	por $0x0, $0x0  }
0x18b: {  	v1 =	vld.msk @!p1 [tilespmem:s13+$0x0], $0x1;
	_ =	sdelay $0x4  }
0x18c: {  	(v2sf) =	vpush @!p1 v1, $0x0;
	_ =	sdelay $0xd  }
0x18d: {  	p3 =	sne.s32 s6, $0x1  }
.Ltmp23:
0x18e: {  	s0 =	spop @!p1 (v2sf);
	(pc) =	sbr.rel @!p3 .LBB2_30-.Ltmp23, $4  }
0x18f: {  	p2 =	seq.s32 @!p1 s12, s0  }
0x190: {  	s14 =	simm.s32 $0x0;
	p2 =	por !p2, p1  }
0x191: {  	s2 =	simm.s32 $0xFFFFFFFF;
	s14 =	simm.s32 @p2 $0xFFFFFFFF  }
0x192: {  	s0 =	simm.s32 $0x1;
	s14 =	smov.u32 @p1 s2  }
.LBB2_29:
0x193: {  	s2 =	smov.u32 s14;
	p1 =	sne.s32 s14, $0xFFFFFFFF  }
0x194: {  	s13 =	sadd.s32 $0x1, s13;
	s14 =	smov.u32 s0;
	s0 =	sadd.s32 $0x1, s0  }
0x195: {  	p2 =	sne.s32 s6, s0;
	v1 =	vld.msk @!p1 [tilespmem:s13+$0x0], $0x1;
	_ =	sdelay $0x4  }
0x196: {  	(v2sf) =	vpush @!p1 v1, $0x0;
	_ =	sdelay $0xe  }
.Ltmp24:
0x197: {  	s3 =	spop @!p1 (v2sf);
	(pc) =	sbr.rel @p2 .LBB2_29-.Ltmp24, $4  }
0x198: {  	p3 =	seq.s32 @!p1 s12, s3  }
0x199: {  	p3 =	por !p3, p1  }
0x19a: {  	s14 =	simm.s32 @p3 $0xFFFFFFFF  }
0x19b: {  	s14 =	smov.u32 @p1 s2  }
.LBB2_30:
0x19c: {  	p1 =	seq.s32 s14, $0xFFFFFFFF  }
.Ltmp25:
0x19d: {  	_ = 	snop;
	(pc) =	sbr.rel @p1 .LBB2_32-.Ltmp25, $1  }
0x19e: {  	_ =	sdelay $0x3  }
0x19f: {  	s0 =	sshll.u32 s11, $0x7  }
0x1a0: {  	s0 =	sand.u32 $0x3FFFFF80, s0  }
0x1a1: {  	v0 =	vld [tilespmem:s0+$0xF238];
	_ =	sdelay $0x2  }
0x1a2: {  	s2 =	sshll.u32 s14, $0x9  }
0x1a3: {  	s2 =	sshra.s32 s2, $0x2  }
0x1a4: {  	[tilespmem:s2+$0xF238] =	vst.add.f32.msk $0xffff, v0  }
0x1a5: {  	v0 =	vld [tilespmem:s0+$0xF248];
	_ =	sdelay $0x4  }
0x1a6: {  	[tilespmem:s2+$0xF248] =	vst.add.f32.msk $0xffff, v0  }
0x1a7: {  	v0 =	vld [tilespmem:s0+$0xF258];
	_ =	sdelay $0x4  }
0x1a8: {  	[tilespmem:s2+$0xF258] =	vst.add.f32.msk $0xffff, v0  }
0x1a9: {  	v0 =	vld [tilespmem:s0+$0xF268];
	_ =	sdelay $0x4  }
0x1aa: {  	[tilespmem:s2+$0xF268] =	vst.add.f32.msk $0xffff, v0  }
0x1ab: {  	v0 =	vld [tilespmem:s0+$0xF278];
	_ =	sdelay $0x4  }
0x1ac: {  	[tilespmem:s2+$0xF278] =	vst.add.f32.msk $0xffff, v0  }
0x1ad: {  	v0 =	vld [tilespmem:s0+$0xF288];
	_ =	sdelay $0x4  }
0x1ae: {  	[tilespmem:s2+$0xF288] =	vst.add.f32.msk $0xffff, v0  }
0x1af: {  	v0 =	vld [tilespmem:s0+$0xF298];
	_ =	sdelay $0x4  }
0x1b0: {  	[tilespmem:s2+$0xF298] =	vst.add.f32.msk $0xffff, v0  }
0x1b1: {  	v0 =	vld [tilespmem:s0+$0xF2A8]  }
.Ltmp26:
0x1b2: {  	_ = 	snop;
	(pc) =	sbr.rel .LBB2_33-.Ltmp26, $2  }
0x1b3: {  	_ =	sdelay $0x2  }
0x1b4: {  	[tilespmem:s2+$0xF2A8] =	vst.add.f32.msk $0xffff, v0  }
.LBB2_34:
0x1b5: {  	s0 =	simm.s32 $0x6;
	p1 =	seq.s32 s6, $0x0  }
0x1b6: {  	[sflag:s0] =	ssyncpa.u1 $0x1;
	v0 =	vimm.s32 @p1 $0xFFFFFFFF  }
0x1b7: {  	s9 =	sadd.s32 $0xFFFFFFFF, s6;
	[tilespmem:$0x10238] =	vst @p1 v0  }
0x1b8: {  	v0 =	vld.msk @!p1 [tilespmem:s9+$0xF218], $0x1;
	_ =	sdelay $0x1  }
0x1b9: {  	v1 =	vld.msk @!p1 [tilespmem:$0xF218], $0x1;
	_ =	sdelay $0x2  }
0x1ba: {  	p2 =	seq.s32 @!p1 s9, $0x0;
	v0 =	vbroadcast @!p1 v0, $0x0  }
0x1bb: {  	vm0 =	vmmov @!p1 $0x1;
	p2 =	por !p2, p1  }
0x1bc: {  	v1 =	vnsel @!p1 vm0, $0xFFFFFFFF, v1;
	vm0 =	vcmask @!p1 $0x308;
	v0 =	vpsel !p2, $0xFFFFFFFF, v0  }
0x1bd: {  	p2 =	sne.s32 @!p1 s8, s7;
	v0 =	vsel @!p1 vm0, v1, v0  }
0x1be: {  	s0 =	simm.s32 @!p1 $0xF238;
	s2 =	simm.s32 @!p1 $0x0;
	p3 =	por !p2, p1;
	[tilespmem:$0x10238] =	vst @!p1 v0  }
0x1bf: {  	[spmem:s2] =	stream.linear.scatter @!p1 [tilespmem:s0], [sflag:$0x1], $0x80, $0x38;
	[tilespmem:$0x1F6F8] =	vst v63  }
0x1c0: {  	s0 =	sshll.u32 @!p3 s9, $0x9  }
0x1c1: {  	s0 =	sshra.s32 @!p3 s0, $0x2  }
0x1c2: {  	s2 =	simm.s32 @!p3 $0x80;
	s0 =	sadd.s32 @!p3 $0xF238, s0  }
0x1c3: {  	[spmem:s2] =	stream.linear.scatter @!p3 [tilespmem:s0], [sflag:$0x1], $0x80, $0x38;
	[tilespmem:$0x1F6F8] =	vst v63  }
0x1c4: {  	s0 =	simm.s32 @!p3 $0x1  }
0x1c5: {  	_ =	swait.ge @!p3 [sflag:s0], $0x100  }
0x1c6: {  	p1 =	por p2, p1;
	[sflag:s0] =	ssyncset.done @!p3 $0x0  }
0x1c7: {  	[sflag:s0] =	ssyncadd.s32 @!p3 $0xFFFFFF00;
	s0 =	simm.s32 @!p1 $0x1  }
0x1c8: {  	_ =	swait.ge @!p1 [sflag:s0], $0x80  }
0x1c9: {  	s29 =	simm.s32 $0x10238;
	[sflag:s0] =	ssyncset.done @!p1 $0x0  }
0x1ca: {  	s30 =	simm.s32 $0x1000;
	s31 =	simm.s32 $0x1;
	[sflag:s0] =	ssyncadd.s32 @!p1 $0xFFFFFF80  }
0x1cb: {  	[spmem:s30] =	stream.linear.scatter [tilespmem:s29], [sflag:$0x1], $0x10, $0x38;
	[tilespmem:$0x1F6F8] =	vst v63  }
0x1cc: {  	_ =	swait.ge [sflag:s31], $0x10  }
0x1cd: {  	[sflag:s31] =	ssyncset.done $0x0  }
0x1ce: {  	p1 =	seq.s32 s15, $0x0;
	s8 =	rddreg [dreg:$0x1];
	[sflag:s31] =	ssyncadd.s32 $0xFFFFFFF0  }
0x1cf: {  	s2 =	sshll.u32 @p1 s8, $0xE;
	s7 =	rddreg [dreg:$0x2]  }
0x1d0: {  	s0 =	sadd.s32 @p1 $0x15C3C, s2;
	s2 =	sshll.u32 @p1 s7, $0x11  }
0x1d1: {  	_ =	sfence.stream.spmem;
	s0 =	sor.u32 @p1 s2, s0  }
0x1d2: {  	[sflag:s0] =	ssyncadd.remote.s32 @p1 $0x1;
	s0 =	simm.s32 @p1 $0x4  }
0x1d3: {  	s3 =	simm.s32 @!p1 $0x3C;
	s2 =	sand.u32 $0xFFFFFFFE, s8;
	_ =	swait.ge @p1 [sflag:s0], $0x22  }
0x1d4: {  	s4 =	simm.s32 @!p1 $0x0;
	s2 =	sadd.s32 @!p1 $0x4, s2;
	[sflag:s0] =	ssyncset.done @p1 $0x0  }
0x1d5: {  	s5 =	simm.s32 @!p1 $0x100;
	[sflag:s0] =	ssyncadd.s32 @p1 $0xFFFFFFDE;
	s0 =	sshll.u32 @!p1 s2, $0x1A  }
0x1d6: {  	s2 =	sshll.u32 @!p1 s2, $0xD;
	s0 =	sor.u32 @!p1 s0, s7;
	_ =	swait.eq @!p1 [sflag:s3], $0x1  }
0x1d7: {  	s2 =	sor.u32 @!p1 $0x1C04, s2;
	s3 =	simm.s32 @!p1 $0x1C03;
	s0 =	sor.u32 @!p1 $0x80004000, s0  }
0x1d8: {  	[spmem:s5], [sflag:s2] =	dma.general @!p1 [spmem:s4], [sflag:s3], length:$0x20, [dreg:$0x0], stride_count:$0x0, ici_dest:s0, dma_misc:DstOpCode:WRITE  }
0x1d9: {  	p2 =	slt.s32 s9, $0x2;
	s4 =	simm.s32 @!p1 $0x200;
	s5 =	simm.s32 @!p1 $0x202  }
0x1da: {  	[spmem:s5], [sflag:s2] =	dma.general @!p1 [spmem:s4], [sflag:s3], length:$0x2, [dreg:$0x0], stride_count:$0x0, ici_dest:s0, dma_misc:DstOpCode:WRITE  }
.Ltmp27:
0x1db: {  	s0 =	simm.s32 @!p1 $0x3;
	(pc) =	sbr.rel @p2 .LBB2_38-.Ltmp27, $4  }
0x1dc: {  	s2 =	sshll.u32 @!p1 s8, $0xE;
	_ =	swait.ge @!p1 [sflag:s0], $0x22  }
0x1dd: {  	s3 =	sshll.u32 @!p1 s7, $0x11;
	s2 =	sadd.s32 @!p1 $0x11C3C, s2;
	[sflag:s0] =	ssyncset.done @!p1 $0x0  }
0x1de: {  	[sflag:s0] =	ssyncadd.s32 @!p1 $0xFFFFFFDE;
	s0 =	sor.u32 @!p1 s3, s2  }
0x1df: {  	[sflag:s0] =	ssyncadd.remote.s32 @!p1 $0xFFFFFFFF;
	s0 =	simm.s32 $0x0  }
0x1e0: {  	s0 =	simm.s32 $0xF219  }
0x1e1: {  	v0 =	vld.msk [tilespmem:s0+$0x0], $0x1;
	_ =	sdelay $0x4  }
0x1e2: {  	(v2sf) =	vpush v0, $0x0;
	_ =	sdelay $0xb  }
0x1e3: {  	s31 =	sadd.s32 $0xFFFFFFFE, s6  }
0x1e4: {  	s0 =	sadd.s32 $0xFFFFFFFF, s31  }
0x1e5: {  	p2 =	sne.s32 s0, $0x0  }
.Ltmp28:
0x1e6: {  	s2 =	spop (v2sf);
	(pc) =	sbr.rel @!p2 .LBB2_37-.Ltmp28, $4  }
0x1e7: {  	s4 =	simm.s32 $0xF2B8;
	s7 =	simm.s32 $0x0;
	p1 =	sgt.u32 s2, $0x249EF0  }
0x1e8: {  	s5 =	simm.s32 $0x0;
	s6 =	simm.s32 $0xF21A;
	s3 =	sand.u32 @!p1 $0x3FFFF8, s2  }
0x1e9: {  	s2 =	sand.u32 @!p1 $0x7, s2;
	s7 =	simm.s32 @!p1 $0x200;
	s3 =	sadd.s32 @!p1 s1, s3  }
0x1ea: {  	[hbm4b:s3+s2] =	stream.linear.scatter @!p1 [tilespmem:s4], [sflag:$0x5], $0x80, $0x38;
	[tilespmem:$0x1F6F8] =	vst v63  }
.LBB2_36:
0x1eb: {  	v0 =	vld.msk [tilespmem:s6+$0x0], $0x1;
	s0 =	sadd.s32 $0xFFFFFFFF, s0;
	s5 =	sadd.s32 s5, s7  }
0x1ec: {  	p1 =	sne.s32 s0, $0x0;
	_ =	sdelay $0x3  }
0x1ed: {  	(v2sf) =	vpush v0, $0x0;
	_ =	sdelay $0xe  }
.Ltmp29:
0x1ee: {  	s2 =	spop (v2sf);
	(pc) =	sbr.rel @p1 .LBB2_36-.Ltmp29, $4  }
0x1ef: {  	s7 =	simm.s32 $0x0;
	p2 =	sgt.u32 s2, $0x249EF0  }
0x1f0: {  	s4 =	sadd.s32 $0x80, s4;
	s7 =	simm.s32 @!p2 $0x200;
	s3 =	sand.u32 @!p2 $0x3FFFF8, s2  }
0x1f1: {  	s6 =	sadd.s32 $0x1, s6;
	s2 =	sand.u32 @!p2 $0x7, s2;
	s3 =	sadd.s32 @!p2 s1, s3  }
0x1f2: {  	[hbm4b:s3+s2] =	stream.linear.scatter @!p2 [tilespmem:s4], [sflag:$0x5], $0x80, $0x38;
	[tilespmem:$0x1F6F8] =	vst v63  }
.LBB2_37:
0x1f3: {  	s0 =	sadd.s32 s5, s7  }
0x1f4: {  	s0 =	sshrl.u32 s0, $0x2  }
.LBB2_38:
0x1f5: {  	s2 =	simm.s32 $0x5  }
0x1f6: {  	_ =	swait.ge [sflag:s2], s0  }
0x1f7: {  	s31 =	ssub.s32 $0x0, s0;
	[sflag:s2] =	ssyncset.done $0x0  }
0x1f8: {  	[sflag:s2] =	ssyncadd.s32 s31  }
0x1f9: {  	[sflag:s2] =	ssyncpa.u1 $0x1  }
.LBB2_39:
0x1fa: {  	s0 =	sor.u32 s15, s16  }
0x1fb: {  	p1 =	sne.s32 s0, $0x0  }
.Ltmp30:
0x1fc: {  	_ = 	snop;
	(pc) =	sbr.rel @p1 .LBB2_54-.Ltmp30, $3  }
0x1fd: {  	_ =	sdelay $0x1  }
0x1fe: {  	[bflag:$0x0] =	sbarrier.arrive $0xFFFF  }
0x1ff: {  	_ =	sfence  }
0x200: {  	s0 =	simm.s32 $0x7  }
0x201: {  	s2 =	simm.s32 $0x1000;
	s3 =	simm.s32 $0xF218;
	[sflag:s0] =	ssyncpa.u1 $0x0  }
0x202: {  	[tilespmem:s3], [sflag:$0x7] =	stream.linear.gather [spmem:s2], $0x20, $0x38;
	[tilespmem:$0x1F6F8] =	vst v63  }
0x203: {  	s30 =	simm.s32 $0xF238;
	s2 =	simm.s32 $0x0  }
0x204: {  	[tilespmem:s30], [sflag:$0x7] =	stream.linear.gather [spmem:s2], $0x1000, $0x38;
	[tilespmem:$0x1F6F8] =	vst v63  }
.Ltmp31:
0x205: {  	_ = 	snop;
	(pc) =	sbr.rel .LBB2_41-.Ltmp31, $4  }
0x206: {  	_ =	swait.ge [sflag:s0], $0x1020  }
0x207: {  	[sflag:s0] =	ssyncset.done $0x0  }
0x208: {  	s31 =	simm.s32 $0x8;
	[sflag:s0] =	ssyncadd.s32 $0xFFFFEFE0  }
0x209: {  	s3 =	simm.s32 $0x0;
	[sflag:s31] =	ssyncpa.u1 $0x0  }
.LBB2_47:
0x20a: {  	p1 =	slt.u32 s4, $0x249EF1  }
0x20b: {  	s0 =	sand.u32 @p1 $0x3FFFF8, s4  }
0x20c: {  	s4 =	sand.u32 @p1 $0x7, s4;
	s5 =	simm.s32 @p1 $0xF188;
	s0 =	sadd.s32 @p1 s1, s0  }
0x20d: {  	[tilespmem:s5], [sflag:$0x8] =	stream.linear.gather @p1 [hbm4b:s0+s4], $0x80, $0x38;
	[tilespmem:$0x1F6F8] =	vst v63  }
0x20e: {  	s0 =	simm.s32 @p1 $0x8  }
0x20f: {  	_ =	swait.ge @p1 [sflag:s0], $0x80  }
0x210: {  	[sflag:s0] =	ssyncset.done @p1 $0x0  }
0x211: {  	[sflag:s0] =	ssyncadd.s32 @p1 $0xFFFFFF80  }
0x212: {  	v1 =	vld @p1 [tilespmem:$0xF188];
	_ =	sdelay $0x2  }
0x213: {  	s0 =	sshll.u32 @p1 s3, $0x9  }
0x214: {  	s4 =	sshrl.u32 @p1 s0, $0x2  }
0x215: {  	[tilespmem:s4+$0xF238] =	vst.add.f32.msk @p1 $0xffff, v1  }
0x216: {  	v1 =	vld @p1 [tilespmem:$0xF198];
	_ =	sdelay $0x4  }
0x217: {  	[tilespmem:s4+$0xF248] =	vst.add.f32.msk @p1 $0xffff, v1  }
0x218: {  	v1 =	vld @p1 [tilespmem:$0xF1A8];
	_ =	sdelay $0x4  }
0x219: {  	[tilespmem:s4+$0xF258] =	vst.add.f32.msk @p1 $0xffff, v1  }
0x21a: {  	v1 =	vld @p1 [tilespmem:$0xF1B8];
	_ =	sdelay $0x4  }
0x21b: {  	[tilespmem:s4+$0xF268] =	vst.add.f32.msk @p1 $0xffff, v1  }
0x21c: {  	v1 =	vld @p1 [tilespmem:$0xF1C8];
	_ =	sdelay $0x4  }
0x21d: {  	[tilespmem:s4+$0xF278] =	vst.add.f32.msk @p1 $0xffff, v1  }
0x21e: {  	v1 =	vld @p1 [tilespmem:$0xF1D8];
	_ =	sdelay $0x4  }
0x21f: {  	[tilespmem:s4+$0xF288] =	vst.add.f32.msk @p1 $0xffff, v1  }
0x220: {  	v1 =	vld @p1 [tilespmem:$0xF1E8];
	_ =	sdelay $0x4  }
0x221: {  	[tilespmem:s4+$0xF298] =	vst.add.f32.msk @p1 $0xffff, v1  }
0x222: {  	v1 =	vld @p1 [tilespmem:$0xF1F8];
	_ =	sdelay $0x3  }
0x223: {  	s5 =	sshll.u32 @!p1 s3, $0x9  }
0x224: {  	s5 =	smov.u32 @p1 s0;
	[tilespmem:s4+$0xF2A8] =	vst.add.f32.msk @p1 $0xffff, v1  }
0x225: {  	s0 =	sshrl.u32 s5, $0x2;
	[tilespmem:s2+$0xF218] =	vst.msk $0x1, v0  }
0x226: {  	v0 =	vld [tilespmem:s0+$0xF238];
	_ =	sdelay $0x2  }
0x227: {  	s31 =	sshll.u32 s2, $0x9  }
0x228: {  	s4 =	sshra.s32 s31, $0x2  }
0x229: {  	[tilespmem:s4+$0xF238] =	vst v0  }
0x22a: {  	v0 =	vld [tilespmem:s0+$0xF248];
	_ =	sdelay $0x4  }
0x22b: {  	[tilespmem:s4+$0xF248] =	vst v0  }
0x22c: {  	v0 =	vld [tilespmem:s0+$0xF258];
	_ =	sdelay $0x4  }
0x22d: {  	[tilespmem:s4+$0xF258] =	vst v0  }
0x22e: {  	v0 =	vld [tilespmem:s0+$0xF268];
	_ =	sdelay $0x4  }
0x22f: {  	[tilespmem:s4+$0xF268] =	vst v0  }
0x230: {  	v0 =	vld [tilespmem:s0+$0xF278];
	_ =	sdelay $0x4  }
0x231: {  	[tilespmem:s4+$0xF278] =	vst v0  }
0x232: {  	v0 =	vld [tilespmem:s0+$0xF288];
	_ =	sdelay $0x4  }
0x233: {  	[tilespmem:s4+$0xF288] =	vst v0  }
0x234: {  	v0 =	vld [tilespmem:s0+$0xF298];
	_ =	sdelay $0x4  }
0x235: {  	[tilespmem:s4+$0xF298] =	vst v0  }
0x236: {  	v0 =	vld [tilespmem:s0+$0xF2A8];
	_ =	sdelay $0x4  }
0x237: {  	s2 =	sadd.s32 $0x1, s2;
	[tilespmem:s4+$0xF2A8] =	vst v0  }
.LBB2_48:
0x238: {  	s3 =	sadd.s32 $0x1, s3  }
0x239: {  	p1 =	sne.s32 s3, $0x20  }
.Ltmp32:
0x23a: {  	_ = 	snop;
	(pc) =	sbr.rel @!p1 .LBB2_49-.Ltmp32, $1  }
0x23b: {  	_ =	sdelay $0x3  }
.LBB2_41:
0x23c: {  	v0 =	vld.msk [tilespmem:s3+$0xF218], $0x1;
	_ =	sdelay $0x4  }
0x23d: {  	(v2sf) =	vpush v0, $0x0;
	_ =	sdelay $0xe  }
0x23e: {  	s4 =	spop (v2sf)  }
0x23f: {  	p1 =	seq.s32 s4, $0xFFFFFFFF  }
.Ltmp33:
0x240: {  	_ = 	snop;
	(pc) =	sbr.rel @p1 .LBB2_48-.Ltmp33, $1  }
0x241: {  	_ =	sdelay $0x3  }
0x242: {  	p1 =	slt.s32 s2, $0x1  }
.Ltmp34:
0x243: {  	_ = 	snop;
	(pc) =	sbr.rel @p1 .LBB2_47-.Ltmp34, $1  }
0x244: {  	_ =	sdelay $0x3  }
0x245: {  	s5 =	simm.s32 $0xF218;
	p1 =	por $0x0, $0x0  }
0x246: {  	v1 =	vld.msk @!p1 [tilespmem:s5+$0x0], $0x1;
	_ =	sdelay $0x4  }
0x247: {  	(v2sf) =	vpush @!p1 v1, $0x0;
	_ =	sdelay $0xd  }
0x248: {  	p3 =	sne.s32 s2, $0x1  }
.Ltmp35:
0x249: {  	s0 =	spop @!p1 (v2sf);
	(pc) =	sbr.rel @!p3 .LBB2_45-.Ltmp35, $4  }
0x24a: {  	p2 =	seq.s32 @!p1 s4, s0  }
0x24b: {  	s6 =	simm.s32 $0x0;
	p2 =	por !p2, p1  }
0x24c: {  	s7 =	simm.s32 $0xFFFFFFFF;
	s6 =	simm.s32 @p2 $0xFFFFFFFF  }
0x24d: {  	s0 =	simm.s32 $0x1;
	s6 =	smov.u32 @p1 s7  }
.LBB2_44:
0x24e: {  	s7 =	smov.u32 s6;
	p1 =	sne.s32 s6, $0xFFFFFFFF  }
0x24f: {  	s5 =	sadd.s32 $0x1, s5;
	s6 =	smov.u32 s0;
	s0 =	sadd.s32 $0x1, s0  }
0x250: {  	p2 =	sne.s32 s2, s0;
	v1 =	vld.msk @!p1 [tilespmem:s5+$0x0], $0x1;
	_ =	sdelay $0x4  }
0x251: {  	(v2sf) =	vpush @!p1 v1, $0x0;
	_ =	sdelay $0xe  }
.Ltmp36:
0x252: {  	s8 =	spop @!p1 (v2sf);
	(pc) =	sbr.rel @p2 .LBB2_44-.Ltmp36, $4  }
0x253: {  	p3 =	seq.s32 @!p1 s4, s8  }
0x254: {  	p3 =	por !p3, p1  }
0x255: {  	s6 =	simm.s32 @p3 $0xFFFFFFFF  }
0x256: {  	s6 =	smov.u32 @p1 s7  }
.LBB2_45:
0x257: {  	p1 =	seq.s32 s6, $0xFFFFFFFF  }
.Ltmp37:
0x258: {  	_ = 	snop;
	(pc) =	sbr.rel @p1 .LBB2_47-.Ltmp37, $1  }
0x259: {  	_ =	sdelay $0x3  }
0x25a: {  	s0 =	sshll.u32 s3, $0x7  }
0x25b: {  	s0 =	sand.u32 $0x3FFFFF80, s0  }
0x25c: {  	v0 =	vld [tilespmem:s0+$0xF238];
	_ =	sdelay $0x2  }
0x25d: {  	s4 =	sshll.u32 s6, $0x9  }
0x25e: {  	s4 =	sshra.s32 s4, $0x2  }
0x25f: {  	[tilespmem:s4+$0xF238] =	vst.add.f32.msk $0xffff, v0  }
0x260: {  	v0 =	vld [tilespmem:s0+$0xF248];
	_ =	sdelay $0x4  }
0x261: {  	[tilespmem:s4+$0xF248] =	vst.add.f32.msk $0xffff, v0  }
0x262: {  	v0 =	vld [tilespmem:s0+$0xF258];
	_ =	sdelay $0x4  }
0x263: {  	[tilespmem:s4+$0xF258] =	vst.add.f32.msk $0xffff, v0  }
0x264: {  	v0 =	vld [tilespmem:s0+$0xF268];
	_ =	sdelay $0x4  }
0x265: {  	[tilespmem:s4+$0xF268] =	vst.add.f32.msk $0xffff, v0  }
0x266: {  	v0 =	vld [tilespmem:s0+$0xF278];
	_ =	sdelay $0x4  }
0x267: {  	[tilespmem:s4+$0xF278] =	vst.add.f32.msk $0xffff, v0  }
0x268: {  	v0 =	vld [tilespmem:s0+$0xF288];
	_ =	sdelay $0x4  }
0x269: {  	[tilespmem:s4+$0xF288] =	vst.add.f32.msk $0xffff, v0  }
0x26a: {  	v0 =	vld [tilespmem:s0+$0xF298];
	_ =	sdelay $0x4  }
0x26b: {  	[tilespmem:s4+$0xF298] =	vst.add.f32.msk $0xffff, v0  }
0x26c: {  	v0 =	vld [tilespmem:s0+$0xF2A8]  }
.Ltmp38:
0x26d: {  	_ = 	snop;
	(pc) =	sbr.rel .LBB2_48-.Ltmp38, $2  }
0x26e: {  	_ =	sdelay $0x2  }
0x26f: {  	[tilespmem:s4+$0xF2A8] =	vst.add.f32.msk $0xffff, v0  }
.LBB2_49:
0x270: {  	p1 =	slt.s32 s2, $0x1  }
.Ltmp39:
0x271: {  	_ = 	snop;
	(pc) =	sbr.rel @p1 .LBB2_53-.Ltmp39, $3  }
0x272: {  	_ =	sdelay $0x1  }
0x273: {  	s0 =	simm.s32 $0x8  }
0x274: {  	s3 =	simm.s32 $0x0;
	[sflag:s0] =	ssyncpa.u1 $0x1  }
0x275: {  	s0 =	simm.s32 $0xF218  }
0x276: {  	v0 =	vld.msk [tilespmem:s0+$0x0], $0x1;
	_ =	sdelay $0x4  }
0x277: {  	(v2sf) =	vpush v0, $0x0;
	_ =	sdelay $0xe  }
0x278: {  	s0 =	sadd.s32 $0xFFFFFFFF, s2;
	s5 =	spop (v2sf)  }
0x279: {  	p2 =	sne.s32 s0, $0x0;
	p1 =	sgt.u32 s5, $0x249EF0  }
.Ltmp40:
0x27a: {  	s6 =	sand.u32 @!p1 $0x3FFFF8, s5;
	(pc) =	sbr.rel @!p2 .LBB2_52-.Ltmp40, $4  }
0x27b: {  	s4 =	simm.s32 $0xF238;
	s5 =	sand.u32 @!p1 $0x7, s5;
	s2 =	sadd.s32 @!p1 s1, s6  }
0x27c: {  	[hbm4b:s2+s5] =	stream.linear.scatter @!p1 [tilespmem:s4], [sflag:$0x7], $0x80, $0x38;
	[tilespmem:$0x1F6F8] =	vst v63  }
0x27d: {  	s5 =	simm.s32 $0x0  }
0x27e: {  	s2 =	simm.s32 $0xF219;
	s5 =	simm.s32 @!p1 $0x200  }
.LBB2_51:
0x27f: {  	v0 =	vld.msk [tilespmem:s2+$0x0], $0x1;
	s0 =	sadd.s32 $0xFFFFFFFF, s0;
	s3 =	sadd.s32 s3, s5  }
0x280: {  	p1 =	sne.s32 s0, $0x0;
	_ =	sdelay $0x3  }
0x281: {  	(v2sf) =	vpush v0, $0x0;
	_ =	sdelay $0xe  }
.Ltmp41:
0x282: {  	s6 =	spop (v2sf);
	(pc) =	sbr.rel @p1 .LBB2_51-.Ltmp41, $4  }
0x283: {  	s5 =	simm.s32 $0x0;
	p2 =	sgt.u32 s6, $0x249EF0  }
0x284: {  	s4 =	sadd.s32 $0x80, s4;
	s5 =	simm.s32 @!p2 $0x200;
	s7 =	sand.u32 @!p2 $0x3FFFF8, s6  }
0x285: {  	s2 =	sadd.s32 $0x1, s2;
	s6 =	sand.u32 @!p2 $0x7, s6;
	s7 =	sadd.s32 @!p2 s1, s7  }
0x286: {  	[hbm4b:s7+s6] =	stream.linear.scatter @!p2 [tilespmem:s4], [sflag:$0x7], $0x80, $0x38;
	[tilespmem:$0x1F6F8] =	vst v63  }
.LBB2_52:
0x287: {  	s0 =	sadd.s32 s3, s5  }
0x288: {  	s3 =	sshrl.u32 s0, $0x2  }
.LBB2_53:
0x289: {  	s0 =	simm.s32 $0x7  }
0x28a: {  	_ =	swait.ge [sflag:s0], s3  }
0x28b: {  	s1 =	ssub.s32 $0x0, s3;
	[sflag:s0] =	ssyncset.done $0x0  }
0x28c: {  	[sflag:s0] =	ssyncadd.s32 s1  }
0x28d: {  	[sflag:s0] =	ssyncpa.u1 $0x1  }
.LBB2_54:
0x28e: {  	_ =	sfence;
	s0 =	simm.s32 $0x1  }
0x28f: {  	[sflag:s0] =	ssyncpa.u1 $0x1  }
0x290: {  	_ =	strace $0x9000004A  }
0x291: {  	[bflag:$0x2] =	sbarrier.arrive $0xFFFF  }
0x292: {  	s0 =	rddreg [dreg:$0x3]  }
0x293: {  	s0 =	sadd.s32 @!p0 $0x100000, s0  }
0x294: {  	[sflag:s0] =	ssyncadd.tile.s32 @!p0 $0x1;
	_ =	shalt  }
.Lfunc_end2:
_tile_overlayer_lowered:
.L_overlay_start_2:
0x295: {  	(tag) =	ssettag $0x2  }
0x296: {  	s0 =	rddreg [dreg:$0x0];
	s2 =	stileid.u32  }
0x297: {  	s1 =	rddreg [dreg:$0x1];
	p0 =	sne.s32 s2, $0x0  }
0x298: {  	s3 =	rddreg [dreg:$0x2];
	[bflag:$0x3] =	sbarrier.arrive $0xFFFF;
	s2 =	simm.s32 @!p0 $0x1C01  }
0x299: {  	[timem:s3], [sflag:s2] =	dma.local @!p0 [hbm:s0], s1  }
0x29a: {  	s0 =	simm.s32 @!p0 $0x1  }
0x29b: {  	_ =	swait.ge @!p0 [sflag:s0], s1  }
0x29c: {  	s1 =	ssub.s32 @!p0 $0x0, s1;
	[sflag:s0] =	ssyncset.done @!p0 $0x0  }
0x29d: {  	[sflag:s0] =	ssyncadd.s32 @!p0 s1  }
0x29e: {  	[bflag:$0x3] =	sbarrier.arrive $0xFFFF  }
0x29f: {  	_ =	shalt  }

// kernel: scatter_offload_async_start
scs
__scs_entry_jumppad:
0x0: {  	(pc) =	sbr.rel $0x88, $3  }
0x1: {  	(tag) =	ssettag $0x0;
	lr =	simm.s32 $0x1  }
0x2: {  	[smem:$0x3F94] =	sst lr;
	_ =	strace $0xD0000000  }
0x3: {  	_ = 	snop  }
0x4: {  	_ = 	snop  }
0x5: {  	_ = 	snop  }
0x6: {  	_ = 	snop  }
0x7: {  	_ = 	snop  }
__scs_overlays_trampoline_lowered:
0x8: {  	[smem:$0x3FA3] =	sst s0  }
0x9: {  	[smem:$0x3FA4] =	sst s1  }
0xa: {  	[smem:$0x3FA5] =	sst s2  }
0xb: {  	[smem:$0x3FA6] =	sst s3  }
0xc: {  	[smem:$0x3FA7] =	sst s4  }
0xd: {  	[smem:$0x3FA8] =	sst s5  }
0xe: {  	[smem:$0x3FA9] =	sst s6  }
0xf: {  	[smem:$0x3FAA] =	sst s7  }
0x10: {  	[smem:$0x3FAB] =	sst s8  }
0x11: {  	[smem:$0x3FAC] =	sst s9;
	s0 =	simm.s32 @!p0 $0x0  }
0x12: {  	s1 =	sld [smem:$0x3F92];
	s0 =	simm.s32 @p0 $0x1  }
0x13: {  	[smem:$0x3FAD] =	sst s0;
	s0 =	simm.s32 @!p1 $0x0  }
0x14: {  	s2 =	sld [smem:$0x3F91];
	s0 =	simm.s32 @p1 $0x1  }
0x15: {  	[smem:$0x3FAE] =	sst s0;
	s0 =	simm.s32 @!p2 $0x0  }
0x16: {  	s3 =	sld [smem:$0x3FDB];
	s0 =	simm.s32 @p2 $0x1  }
0x17: {  	s4 =	simm.s32 $0x1BF5;
	[smem:$0x3FB0] =	sst s0  }
0x18: {  	s0 =	sld [smem:$0x3F93];
	_ =	swait.ge [sflag:s4], $0x0  }
0x19: {  	s7 =	sld [smem:$0x3F94]  }
0x1a: {  	s8 =	sadd.s32 $0xFFFFE003, lr  }
0x1b: {  	s9 =	sadd.s32 $0xFFFFFEF7, lr;
	s5 =	simm.s32 $0xFFFFFFFF;
	p2 =	slt.u32 s8, $0xFFFFF086  }
0x1c: {  	p1 =	slt.u32 s9, $0xF7A;
	s5 =	simm.s32 @!p2 $0x0  }
0x1d: {  	s5 =	simm.s32 @p1 $0x1;
	p0 =	seq.s32 s7, s2  }
0x1e: {  	s7 =	smul.u32 @!p0 $0xF7A, s2;
	p2 =	seq.s32 @!p0 s5, $0x0  }
0x1f: {  	s9 =	smul.u32 $0xF7A, s1;
	s8 =	simm.s32 @!p0 $0x1BF5;
	p2 =	por !p2, p0  }
0x20: {  	[sflag:s8] =	ssyncset.s32 @!p0 $0xFFFFF086;
	s6 =	sadd.s32 @!p0 s3, s7;
	s7 =	simm.s32 @!p0 $0x108  }
0x21: {  	s3 =	sadd.s32 s3, s9;
	s6 =	sadd.s32 @!p0 $0x88, s6;
	s7 =	simm.s32 @p2 $0x1082  }
0x22: {  	[simem:s7], [sflag:s8] =	dma.local @!p0 [hbm:s6], $0xF7A  }
0x23: {  	s9 =	sor.u32 $0xD0000000, s2;
	s6 =	simm.s32 $0x108;
	_ =	swait.ge @!p0 [sflag:s8], $0x0  }
0x24: {  	s3 =	sadd.s32 $0x88, s3;
	s6 =	simm.s32 @!p1 $0x1082;
	[sflag:s4] =	ssyncset.s32 $0xFFFFF086  }
0x25: {  	[simem:s6], [sflag:s4] =	dma.local [hbm:s3], $0xF7A  }
0x26: {  	[smem:$0x3F94] =	sst s1;
	(tag) =	ssettag s2;
	_ =	strace s9  }
0x27: {  	s1 =	sld [smem:$0x3FA4]  }
0x28: {  	s2 =	sld [smem:$0x3FA5]  }
0x29: {  	s4 =	sld [smem:$0x3FA7]  }
0x2a: {  	p0 =	seq.s32 s5, $0x0;
	s5 =	sld [smem:$0x3FA8]  }
0x2b: {  	s6 =	sld [smem:$0x3FA9]  }
0x2c: {  	s7 =	sld [smem:$0x3FAA]  }
0x2d: {  	s3 =	simm.s32 $0x108;
	s8 =	sld [smem:$0x3FAB]  }
0x2e: {  	s3 =	simm.s32 @!p0 $0x1082;
	s9 =	sld [smem:$0x3FAC]  }
0x2f: {  	lr =	sadd.s32 s0, s3;
	s0 =	sld [smem:$0x3FA3]  }
0x30: {  	s3 =	sld [smem:$0x3FA6]  }
0x31: {  	[smem:$0x3FAF] =	sst s10  }
0x32: {  	s10 =	sld [smem:$0x3FAD];
	_ =	sdelay $0x3  }
0x33: {  	p0 =	seq.s32 s10, $0x1;
	s10 =	sld [smem:$0x3FAF];
	_ =	sdelay $0x3  }
0x34: {  	[smem:$0x3FAF] =	sst s10  }
0x35: {  	s10 =	sld [smem:$0x3FAE];
	_ =	sdelay $0x3  }
0x36: {  	p1 =	seq.s32 s10, $0x1;
	s10 =	sld [smem:$0x3FAF];
	_ =	sdelay $0x3  }
0x37: {  	[smem:$0x3FAF] =	sst s10  }
0x38: {  	s10 =	sld [smem:$0x3FB0]  }
0x39: {  	_ = 	snop;
	(pc) =	sbr.ind lr, $3  }
0x3a: {  	_ = 	snop  }
0x3b: {  	_ = 	snop  }
0x3c: {  	p2 =	seq.s32 s10, $0x1;
	s10 =	sld [smem:$0x3FAF]  }
0x3d: {  	_ =	shalt  }
0x3e: {  	_ =	shalt  }
0x3f: {  	_ =	shalt  }
0x40: {  	_ =	shalt  }
0x41: {  	_ =	shalt  }
0x42: {  	_ =	shalt  }
0x43: {  	_ =	shalt  }
0x44: {  	_ =	shalt  }
0x45: {  	_ =	shalt  }
0x46: {  	_ =	shalt  }
0x47: {  	_ =	shalt  }
0x48: {  	_ =	shalt  }
0x49: {  	_ =	shalt  }
0x4a: {  	_ =	shalt  }
0x4b: {  	_ =	shalt  }
0x4c: {  	_ =	shalt  }
0x4d: {  	_ =	shalt  }
0x4e: {  	_ =	shalt  }
0x4f: {  	_ =	shalt  }
0x50: {  	_ =	shalt  }
0x51: {  	_ =	shalt  }
0x52: {  	_ =	shalt  }
0x53: {  	_ =	shalt  }
0x54: {  	_ =	shalt  }
0x55: {  	_ =	shalt  }
0x56: {  	_ =	shalt  }
0x57: {  	_ =	shalt  }
0x58: {  	_ =	shalt  }
0x59: {  	_ =	shalt  }
0x5a: {  	_ =	shalt  }
0x5b: {  	_ =	shalt  }
0x5c: {  	_ =	shalt  }
0x5d: {  	_ =	shalt  }
0x5e: {  	_ =	shalt  }
0x5f: {  	_ =	shalt  }
0x60: {  	_ =	shalt  }
0x61: {  	_ =	shalt  }
0x62: {  	_ =	shalt  }
0x63: {  	_ =	shalt  }
0x64: {  	_ =	shalt  }
0x65: {  	_ =	shalt  }
0x66: {  	_ =	shalt  }
0x67: {  	_ =	shalt  }
0x68: {  	_ =	shalt  }
0x69: {  	_ =	shalt  }
0x6a: {  	_ =	shalt  }
0x6b: {  	_ =	shalt  }
0x6c: {  	_ =	shalt  }
0x6d: {  	_ =	shalt  }
0x6e: {  	_ =	shalt  }
0x6f: {  	_ =	shalt  }
0x70: {  	_ =	shalt  }
0x71: {  	_ =	shalt  }
0x72: {  	_ =	shalt  }
0x73: {  	_ =	shalt  }
0x74: {  	_ =	shalt  }
0x75: {  	_ =	shalt  }
0x76: {  	_ =	shalt  }
0x77: {  	_ =	shalt  }
0x78: {  	_ =	shalt  }
0x79: {  	_ =	shalt  }
0x7a: {  	_ =	shalt  }
0x7b: {  	_ =	shalt  }
0x7c: {  	_ =	shalt  }
0x7d: {  	_ =	shalt  }
0x7e: {  	_ =	shalt  }
0x7f: {  	_ =	shalt  }
0x80: {  	_ =	shalt  }
0x81: {  	_ =	shalt  }
0x82: {  	_ =	shalt  }
0x83: {  	_ =	shalt  }
0x84: {  	_ =	shalt  }
0x85: {  	_ =	shalt  }
0x86: {  	_ =	shalt  }
0x87: {  	_ =	shalt  }
.Lfunc_end0:
.L_simem_size_0:
called_computation_lowered:
.L_overlay_start_0:
0x88: {  	s2 =	sld [smem:$0x3FD9]  }
0x89: {  	s3 =	sld [smem:$0x3FFE];
	_ =	sdelay $0x1  }
0x8a: {  	s1 =	srdreg.scid  }
0x8b: {  	s0 =	sand.u32 $0x1, s1  }
0x8c: {  	s15 =	sshll.u32 s0, $0xA;
	s2 =	sadd.s32 s3, s2  }
0x8d: {  	s2 =	sadd.s32 s2, s15  }
0x8e: {  	[smem:$0x3FBB] =	sst s2  }
0x8f: {  	_ = 	snop  }
0x90: {  	(tm) =	ssettm $0x1  }
0x91: {  	s16 =	sld [smem:$0x3FFB];
	_ =	sdelay $0x3  }
0x92: {  	_ =	strace s16  }
0x93: {  	s2 =	sld [smem:$0x3FFC];
	_ =	sdelay $0x3  }
0x94: {  	_ =	strace s2  }
0x95: {  	s2 =	sld [smem:$0x3FFD];
	_ =	sdelay $0x3  }
0x96: {  	_ =	strace s2  }
0x97: {  	_ =	strace $0x8FFFFFFF  }
0x98: {  	s17 =	sld [smem:$0x3FDB];
	_ =	sdelay $0x1  }
0x99: {  	s18 =	simm.s32 $_scs_section_size  }
0x9a: {  	s4 =	simm.s32 $_size__tile_overlayer_lowered;
	s5 =	simm.s32 $_tile_overlayer_lowered  }
0x9b: {  	s21 =	simm.s32 $0x1BFF;
	s20 =	sshll.u32 s5, $0x1;
	s2 =	sadd.s32 s18, s17  }
0x9c: {  	s6 =	simm.s32 $0x0;
	s19 =	sshll.u32 s4, $0x1;
	s4 =	sadd.s32 s20, s2  }
0x9d: {  	[timem:s6], [sflag:s21] =	dma.local [hbm:s4], s19  }
0x9e: {  	_ =	swait.ge [sflag:s21], s19  }
0x9f: {  	s3 =	ssub.s32 $0x0, s19;
	[sflag:s21] =	ssyncset.done $0x0  }
0xa0: {  	[sflag:s21] =	ssyncadd.s32 s3;
	_ =	sdelay $0x1  }
0xa1: {  	s22 =	simm.s32 $0x1B8B  }
0xa2: {  	_ =	swait.ge [sflag:s22], $0x1  }
0xa3: {  	[sflag:s22] =	ssyncset.done $0x0  }
0xa4: {  	s23 =	sld [smem:$0x3FFE];
	[sflag:s22] =	ssyncadd.s32 $0xFFFFFFFF  }
0xa5: {  	s25 =	simm.s32 $0x1B8E;
	s24 =	sld [smem:$0x0]  }
0xa6: {  	s26 =	simm.s32 $execute0_lowered;
	[smem:$0x3FD2] =	sst s25  }
0xa7: {  	s5 =	sshll.u32 s26, $0x1;
	_ =	strace $0x80000046;
	[dreg:$0x1] =	wrdreg $0xFFFFFFFF  }
0xa8: {  	s28 =	simm.s32 $_size_execute0_lowered;
	s2 =	sadd.s32 s2, s5;
	[dreg:$0x0] =	wrdreg $0x0  }
0xa9: {  	s5 =	sshll.u32 s28, $0x1;
	[dreg:$0x2] =	wrdreg s2  }
0xaa: {  	[dreg:$0x3] =	wrdreg s5  }
0xab: {  	[dreg:$0x4] =	wrdreg $0xC0  }
0xac: {  	_ =	task [dreg:s6], $0x5FFFF  }
0xad: {  	[dreg:$0x1] =	wrdreg $0xFFFFFFFF  }
0xae: {  	[dreg:$0x0] =	wrdreg $0x60  }
0xaf: {  	[dreg:$0x2] =	wrdreg s23  }
0xb0: {  	[dreg:$0x3] =	wrdreg s1  }
0xb1: {  	[dreg:$0x4] =	wrdreg s24  }
0xb2: {  	[dreg:$0x5] =	wrdreg $0x9  }
0xb3: {  	_ =	task.clear_ibuf [dreg:s6], $0x6FFFF;
	_ =	strace $0x90000046  }
0xb4: {  	s29 =	simm.s32 $0x9;
	_ =	strace $0x80000048  }
0xb5: {  	_ =	swait.ge [sflag:s29], $0x1  }
0xb6: {  	[sflag:s29] =	ssyncadd.s32 $0xFFFFFFFF  }
0xb7: {  	_ =	strace $0x90000048  }
0xb8: {  	_ =	sfence  }
0xb9: {  	s30 =	sld [smem:$0x0];
	_ =	sdelay $0x2  }
0xba: {  	s31 =	sshll.u32 s1, $0xD;
	s1 =	sshrl.u32 s1, $0x2  }
0xbb: {  	s3 =	sand.u32 $0x4000, s31;
	s1 =	sadd.s32 s1, s30  }
0xbc: {  	s0 =	sor.u32 s3, s0;
	s1 =	sshll.u32 s1, $0x11  }
0xbd: {  	s0 =	sor.u32 s1, s0  }
0xbe: {  	s0 =	sadd.s32 $0x8F2B, s0  }
0xbf: {  	[sflag:s0] =	ssyncadd.remote.s32 $0x1  }
0xc0: {  	_ =	sfence.sel $0xFFFF  }
0xc1: {  	[dreg:$0x0] =	wrdreg $0xFFFFFFFF;
	(pc) =	sbr.abs _section_cstart, $3  }
0xc2: {  	[dreg:$0x1] =	wrdreg $0xFFFFFFFF  }
0xc3: {  	_ =	task.clear_ibuf [dreg:s6], $0x2FFFF;
	_ =	strace $0x9FFFFFFF  }
0xc4: {  	(tm) =	ssettm $0x7FFFFFFF  }
0xc5: {  	_ =	shalt  }
tec
execute0_lowered:
.L_overlay_start_1:
0x0: {  	(tag) =	ssettag $0x1  }
0x1: {  	s4 =	rddreg [dreg:$0x0]  }
0x2: {  	s2 =	rddreg [dreg:$0x1];
	_ =	strace $0x80000047;
	s3 =	simm.s32 $0x1  }
0x3: {  	v0 =	vimm.s32 $0x0;
	[sflag:s3] =	ssyncpa.u1 $0x0  }
0x4: {  	[tilespmem:$0xA8] =	vst v0  }
0x5: {  	[tilespmem:$0xB8] =	vst v0  }
0x6: {  	[tilespmem:$0xC8] =	vst v0  }
0x7: {  	[tilespmem:$0xD8] =	vst v0  }
0x8: {  	[tilespmem:$0xE8] =	vst v0  }
0x9: {  	[tilespmem:$0xF8] =	vst v0  }
0xa: {  	[tilespmem:$0x108] =	vst v0  }
0xb: {  	[tilespmem:$0x118] =	vst v0  }
0xc: {  	[tilespmem:$0x128] =	vst v0  }
0xd: {  	[tilespmem:$0x138] =	vst v0  }
0xe: {  	[tilespmem:$0x148] =	vst v0  }
0xf: {  	[tilespmem:$0x158] =	vst v0  }
0x10: {  	[tilespmem:$0x168] =	vst v0  }
0x11: {  	[tilespmem:$0x178] =	vst v0  }
0x12: {  	[tilespmem:$0x188] =	vst v0  }
0x13: {  	[tilespmem:$0x198] =	vst v0  }
0x14: {  	[tilespmem:$0x1A8] =	vst v0  }
0x15: {  	[tilespmem:$0x1B8] =	vst v0  }
0x16: {  	[tilespmem:$0x1C8] =	vst v0  }
0x17: {  	[tilespmem:$0x1D8] =	vst v0  }
0x18: {  	[tilespmem:$0x1E8] =	vst v0  }
0x19: {  	[tilespmem:$0x1F8] =	vst v0  }
0x1a: {  	[tilespmem:$0x208] =	vst v0  }
0x1b: {  	[tilespmem:$0x218] =	vst v0  }
0x1c: {  	[tilespmem:$0x228] =	vst v0  }
0x1d: {  	[tilespmem:$0x238] =	vst v0  }
0x1e: {  	[tilespmem:$0x248] =	vst v0  }
0x1f: {  	[tilespmem:$0x258] =	vst v0  }
0x20: {  	[tilespmem:$0x268] =	vst v0  }
0x21: {  	[tilespmem:$0x278] =	vst v0  }
0x22: {  	[tilespmem:$0x288] =	vst v0  }
0x23: {  	[tilespmem:$0x298] =	vst v0  }
0x24: {  	[tilespmem:$0x2A8] =	vst v0  }
0x25: {  	[tilespmem:$0x2B8] =	vst v0  }
0x26: {  	[tilespmem:$0x2C8] =	vst v0  }
0x27: {  	[tilespmem:$0x2D8] =	vst v0  }
0x28: {  	[tilespmem:$0x2E8] =	vst v0  }
0x29: {  	[tilespmem:$0x2F8] =	vst v0  }
0x2a: {  	[tilespmem:$0x308] =	vst v0  }
0x2b: {  	[tilespmem:$0x318] =	vst v0  }
0x2c: {  	[tilespmem:$0x328] =	vst v0  }
0x2d: {  	[tilespmem:$0x338] =	vst v0  }
0x2e: {  	[tilespmem:$0x348] =	vst v0  }
0x2f: {  	[tilespmem:$0x358] =	vst v0  }
0x30: {  	[tilespmem:$0x368] =	vst v0  }
0x31: {  	[tilespmem:$0x378] =	vst v0  }
0x32: {  	[tilespmem:$0x388] =	vst v0  }
0x33: {  	[tilespmem:$0x398] =	vst v0  }
0x34: {  	[tilespmem:$0x3A8] =	vst v0  }
0x35: {  	[tilespmem:$0x3B8] =	vst v0  }
0x36: {  	[tilespmem:$0x3C8] =	vst v0  }
0x37: {  	[tilespmem:$0x3D8] =	vst v0  }
0x38: {  	[tilespmem:$0x3E8] =	vst v0  }
0x39: {  	[tilespmem:$0x3F8] =	vst v0  }
0x3a: {  	[tilespmem:$0x408] =	vst v0  }
0x3b: {  	[tilespmem:$0x418] =	vst v0  }
0x3c: {  	[tilespmem:$0x428] =	vst v0  }
0x3d: {  	[tilespmem:$0x438] =	vst v0  }
0x3e: {  	[tilespmem:$0x448] =	vst v0  }
0x3f: {  	[tilespmem:$0x458] =	vst v0  }
0x40: {  	[tilespmem:$0x468] =	vst v0  }
0x41: {  	[tilespmem:$0x478] =	vst v0  }
0x42: {  	[tilespmem:$0x488] =	vst v0  }
0x43: {  	[tilespmem:$0x498] =	vst v0  }
0x44: {  	[tilespmem:$0x4A8] =	vst v0  }
0x45: {  	[tilespmem:$0x4B8] =	vst v0  }
0x46: {  	[tilespmem:$0x4C8] =	vst v0  }
0x47: {  	[tilespmem:$0x4D8] =	vst v0  }
0x48: {  	[tilespmem:$0x4E8] =	vst v0  }
0x49: {  	[tilespmem:$0x4F8] =	vst v0  }
0x4a: {  	[tilespmem:$0x508] =	vst v0  }
0x4b: {  	[tilespmem:$0x518] =	vst v0  }
0x4c: {  	[tilespmem:$0x528] =	vst v0  }
0x4d: {  	[tilespmem:$0x538] =	vst v0  }
0x4e: {  	[tilespmem:$0x548] =	vst v0  }
0x4f: {  	[tilespmem:$0x558] =	vst v0  }
0x50: {  	[tilespmem:$0x568] =	vst v0  }
0x51: {  	[tilespmem:$0x578] =	vst v0  }
0x52: {  	[tilespmem:$0x588] =	vst v0  }
0x53: {  	[tilespmem:$0x598] =	vst v0  }
0x54: {  	[tilespmem:$0x5A8] =	vst v0  }
0x55: {  	[tilespmem:$0x5B8] =	vst v0  }
0x56: {  	[tilespmem:$0x5C8] =	vst v0  }
0x57: {  	[tilespmem:$0x5D8] =	vst v0  }
0x58: {  	[tilespmem:$0x5E8] =	vst v0  }
0x59: {  	[tilespmem:$0x5F8] =	vst v0  }
0x5a: {  	[tilespmem:$0x608] =	vst v0  }
0x5b: {  	[tilespmem:$0x618] =	vst v0  }
0x5c: {  	[tilespmem:$0x628] =	vst v0  }
0x5d: {  	[tilespmem:$0x638] =	vst v0  }
0x5e: {  	[tilespmem:$0x648] =	vst v0  }
0x5f: {  	[tilespmem:$0x658] =	vst v0  }
0x60: {  	[tilespmem:$0x668] =	vst v0  }
0x61: {  	[tilespmem:$0x678] =	vst v0  }
0x62: {  	[tilespmem:$0x688] =	vst v0  }
0x63: {  	[tilespmem:$0x698] =	vst v0  }
0x64: {  	[tilespmem:$0x6A8] =	vst v0  }
0x65: {  	[tilespmem:$0x6B8] =	vst v0  }
0x66: {  	[tilespmem:$0x6C8] =	vst v0  }
0x67: {  	[tilespmem:$0x6D8] =	vst v0  }
0x68: {  	[tilespmem:$0x6E8] =	vst v0  }
0x69: {  	[tilespmem:$0x6F8] =	vst v0  }
0x6a: {  	[tilespmem:$0x708] =	vst v0  }
0x6b: {  	[tilespmem:$0x718] =	vst v0  }
0x6c: {  	[tilespmem:$0x728] =	vst v0  }
0x6d: {  	[tilespmem:$0x738] =	vst v0  }
0x6e: {  	[tilespmem:$0x748] =	vst v0  }
0x6f: {  	[tilespmem:$0x758] =	vst v0  }
0x70: {  	[tilespmem:$0x768] =	vst v0  }
0x71: {  	[tilespmem:$0x778] =	vst v0  }
0x72: {  	[tilespmem:$0x788] =	vst v0  }
0x73: {  	[tilespmem:$0x798] =	vst v0  }
0x74: {  	[tilespmem:$0x7A8] =	vst v0  }
0x75: {  	[tilespmem:$0x7B8] =	vst v0  }
0x76: {  	[tilespmem:$0x7C8] =	vst v0  }
0x77: {  	[tilespmem:$0x7D8] =	vst v0  }
0x78: {  	[tilespmem:$0x7E8] =	vst v0  }
0x79: {  	[tilespmem:$0x7F8] =	vst v0  }
0x7a: {  	[tilespmem:$0x808] =	vst v0  }
0x7b: {  	[tilespmem:$0x818] =	vst v0  }
0x7c: {  	[tilespmem:$0x828] =	vst v0  }
0x7d: {  	[tilespmem:$0x838] =	vst v0  }
0x7e: {  	[tilespmem:$0x848] =	vst v0  }
0x7f: {  	[tilespmem:$0x858] =	vst v0  }
0x80: {  	[tilespmem:$0x868] =	vst v0  }
0x81: {  	[tilespmem:$0x878] =	vst v0  }
0x82: {  	[tilespmem:$0x888] =	vst v0  }
0x83: {  	[tilespmem:$0x898] =	vst v0  }
0x84: {  	[tilespmem:$0x8A8] =	vst v0  }
0x85: {  	[tilespmem:$0x8B8] =	vst v0  }
0x86: {  	[tilespmem:$0x8C8] =	vst v0  }
0x87: {  	[tilespmem:$0x8D8] =	vst v0  }
0x88: {  	[tilespmem:$0x8E8] =	vst v0  }
0x89: {  	[tilespmem:$0x8F8] =	vst v0  }
0x8a: {  	[tilespmem:$0x908] =	vst v0  }
0x8b: {  	[tilespmem:$0x918] =	vst v0  }
0x8c: {  	[tilespmem:$0x928] =	vst v0  }
0x8d: {  	[tilespmem:$0x938] =	vst v0  }
0x8e: {  	[tilespmem:$0x948] =	vst v0  }
0x8f: {  	[tilespmem:$0x958] =	vst v0  }
0x90: {  	[tilespmem:$0x968] =	vst v0  }
0x91: {  	[tilespmem:$0x978] =	vst v0  }
0x92: {  	[tilespmem:$0x988] =	vst v0  }
0x93: {  	[tilespmem:$0x998] =	vst v0  }
0x94: {  	[tilespmem:$0x9A8] =	vst v0  }
0x95: {  	[tilespmem:$0x9B8] =	vst v0  }
0x96: {  	[tilespmem:$0x9C8] =	vst v0  }
0x97: {  	[tilespmem:$0x9D8] =	vst v0  }
0x98: {  	[tilespmem:$0x9E8] =	vst v0  }
0x99: {  	[tilespmem:$0x9F8] =	vst v0  }
0x9a: {  	[tilespmem:$0xA08] =	vst v0  }
0x9b: {  	[tilespmem:$0xA18] =	vst v0  }
0x9c: {  	[tilespmem:$0xA28] =	vst v0  }
0x9d: {  	[tilespmem:$0xA38] =	vst v0  }
0x9e: {  	[tilespmem:$0xA48] =	vst v0  }
0x9f: {  	[tilespmem:$0xA58] =	vst v0  }
0xa0: {  	[tilespmem:$0xA68] =	vst v0  }
0xa1: {  	[tilespmem:$0xA78] =	vst v0  }
0xa2: {  	[tilespmem:$0xA88] =	vst v0  }
0xa3: {  	[tilespmem:$0xA98] =	vst v0  }
0xa4: {  	[tilespmem:$0xAA8] =	vst v0  }
0xa5: {  	[tilespmem:$0xAB8] =	vst v0  }
0xa6: {  	[tilespmem:$0xAC8] =	vst v0  }
0xa7: {  	[tilespmem:$0xAD8] =	vst v0  }
0xa8: {  	[tilespmem:$0xAE8] =	vst v0  }
0xa9: {  	[tilespmem:$0xAF8] =	vst v0  }
0xaa: {  	[tilespmem:$0xB08] =	vst v0  }
0xab: {  	[tilespmem:$0xB18] =	vst v0  }
0xac: {  	[tilespmem:$0xB28] =	vst v0  }
0xad: {  	[tilespmem:$0xB38] =	vst v0  }
0xae: {  	[tilespmem:$0xB48] =	vst v0  }
0xaf: {  	[tilespmem:$0xB58] =	vst v0  }
0xb0: {  	[tilespmem:$0xB68] =	vst v0  }
0xb1: {  	[tilespmem:$0xB78] =	vst v0  }
0xb2: {  	[tilespmem:$0xB88] =	vst v0  }
0xb3: {  	[tilespmem:$0xB98] =	vst v0  }
0xb4: {  	[tilespmem:$0xBA8] =	vst v0  }
0xb5: {  	[tilespmem:$0xBB8] =	vst v0  }
0xb6: {  	[tilespmem:$0xBC8] =	vst v0  }
0xb7: {  	[tilespmem:$0xBD8] =	vst v0  }
0xb8: {  	[tilespmem:$0xBE8] =	vst v0  }
0xb9: {  	[tilespmem:$0xBF8] =	vst v0  }
0xba: {  	[tilespmem:$0xC08] =	vst v0  }
0xbb: {  	[tilespmem:$0xC18] =	vst v0  }
0xbc: {  	[tilespmem:$0xC28] =	vst v0  }
0xbd: {  	[tilespmem:$0xC38] =	vst v0  }
0xbe: {  	[tilespmem:$0xC48] =	vst v0  }
0xbf: {  	[tilespmem:$0xC58] =	vst v0  }
0xc0: {  	[tilespmem:$0xC68] =	vst v0  }
0xc1: {  	[tilespmem:$0xC78] =	vst v0  }
0xc2: {  	[tilespmem:$0xC88] =	vst v0  }
0xc3: {  	[tilespmem:$0xC98] =	vst v0  }
0xc4: {  	[tilespmem:$0xCA8] =	vst v0  }
0xc5: {  	[tilespmem:$0xCB8] =	vst v0  }
0xc6: {  	[tilespmem:$0xCC8] =	vst v0  }
0xc7: {  	[tilespmem:$0xCD8] =	vst v0  }
0xc8: {  	[tilespmem:$0xCE8] =	vst v0  }
0xc9: {  	[tilespmem:$0xCF8] =	vst v0  }
0xca: {  	[tilespmem:$0xD08] =	vst v0  }
0xcb: {  	[tilespmem:$0xD18] =	vst v0  }
0xcc: {  	[tilespmem:$0xD28] =	vst v0  }
0xcd: {  	[tilespmem:$0xD38] =	vst v0  }
0xce: {  	[tilespmem:$0xD48] =	vst v0  }
0xcf: {  	[tilespmem:$0xD58] =	vst v0  }
0xd0: {  	[tilespmem:$0xD68] =	vst v0  }
0xd1: {  	[tilespmem:$0xD78] =	vst v0  }
0xd2: {  	[tilespmem:$0xD88] =	vst v0  }
0xd3: {  	[tilespmem:$0xD98] =	vst v0  }
0xd4: {  	[tilespmem:$0xDA8] =	vst v0  }
0xd5: {  	[tilespmem:$0xDB8] =	vst v0  }
0xd6: {  	[tilespmem:$0xDC8] =	vst v0  }
0xd7: {  	[tilespmem:$0xDD8] =	vst v0  }
0xd8: {  	[tilespmem:$0xDE8] =	vst v0  }
0xd9: {  	[tilespmem:$0xDF8] =	vst v0  }
0xda: {  	[tilespmem:$0xE08] =	vst v0  }
0xdb: {  	[tilespmem:$0xE18] =	vst v0  }
0xdc: {  	[tilespmem:$0xE28] =	vst v0  }
0xdd: {  	[tilespmem:$0xE38] =	vst v0  }
0xde: {  	[tilespmem:$0xE48] =	vst v0  }
0xdf: {  	[tilespmem:$0xE58] =	vst v0  }
0xe0: {  	[tilespmem:$0xE68] =	vst v0  }
0xe1: {  	[tilespmem:$0xE78] =	vst v0  }
0xe2: {  	[tilespmem:$0xE88] =	vst v0  }
0xe3: {  	[tilespmem:$0xE98] =	vst v0  }
0xe4: {  	[tilespmem:$0xEA8] =	vst v0  }
0xe5: {  	[tilespmem:$0xEB8] =	vst v0  }
0xe6: {  	[tilespmem:$0xEC8] =	vst v0  }
0xe7: {  	[tilespmem:$0xED8] =	vst v0  }
0xe8: {  	[tilespmem:$0xEE8] =	vst v0  }
0xe9: {  	[tilespmem:$0xEF8] =	vst v0  }
0xea: {  	[tilespmem:$0xF08] =	vst v0  }
0xeb: {  	[tilespmem:$0xF18] =	vst v0  }
0xec: {  	[tilespmem:$0xF28] =	vst v0  }
0xed: {  	[tilespmem:$0xF38] =	vst v0  }
0xee: {  	[tilespmem:$0xF48] =	vst v0  }
0xef: {  	[tilespmem:$0xF58] =	vst v0  }
0xf0: {  	[tilespmem:$0xF68] =	vst v0  }
0xf1: {  	[tilespmem:$0xF78] =	vst v0  }
0xf2: {  	[tilespmem:$0xF88] =	vst v0  }
0xf3: {  	[tilespmem:$0xF98] =	vst v0  }
0xf4: {  	[tilespmem:$0xFA8] =	vst v0  }
0xf5: {  	[tilespmem:$0xFB8] =	vst v0  }
0xf6: {  	[tilespmem:$0xFC8] =	vst v0  }
0xf7: {  	[tilespmem:$0xFD8] =	vst v0  }
0xf8: {  	[tilespmem:$0xFE8] =	vst v0  }
0xf9: {  	[tilespmem:$0xFF8] =	vst v0  }
0xfa: {  	[tilespmem:$0x1008] =	vst v0  }
0xfb: {  	[tilespmem:$0x1018] =	vst v0  }
0xfc: {  	[tilespmem:$0x1028] =	vst v0  }
0xfd: {  	[tilespmem:$0x1038] =	vst v0  }
0xfe: {  	[tilespmem:$0x1048] =	vst v0  }
0xff: {  	[tilespmem:$0x1058] =	vst v0  }
0x100: {  	[tilespmem:$0x1068] =	vst v0  }
0x101: {  	[tilespmem:$0x1078] =	vst v0  }
0x102: {  	[tilespmem:$0x1088] =	vst v0  }
0x103: {  	[tilespmem:$0x1098] =	vst v0  }
0x104: {  	[tilespmem:$0x10A8] =	vst v0  }
0x105: {  	[tilespmem:$0x10B8] =	vst v0  }
0x106: {  	[tilespmem:$0x10C8] =	vst v0  }
0x107: {  	[tilespmem:$0x10D8] =	vst v0  }
0x108: {  	[tilespmem:$0x10E8] =	vst v0  }
0x109: {  	[tilespmem:$0x10F8] =	vst v0  }
0x10a: {  	[tilespmem:$0x1108] =	vst v0  }
0x10b: {  	[tilespmem:$0x1118] =	vst v0  }
0x10c: {  	[tilespmem:$0x1128] =	vst v0  }
0x10d: {  	[tilespmem:$0x1138] =	vst v0  }
0x10e: {  	[tilespmem:$0x1148] =	vst v0  }
0x10f: {  	[tilespmem:$0x1158] =	vst v0  }
0x110: {  	[tilespmem:$0x1168] =	vst v0  }
0x111: {  	[tilespmem:$0x1178] =	vst v0  }
0x112: {  	[tilespmem:$0x1188] =	vst v0  }
0x113: {  	[tilespmem:$0x1198] =	vst v0  }
0x114: {  	[tilespmem:$0x11A8] =	vst v0  }
0x115: {  	[tilespmem:$0x11B8] =	vst v0  }
0x116: {  	[tilespmem:$0x11C8] =	vst v0  }
0x117: {  	[tilespmem:$0x11D8] =	vst v0  }
0x118: {  	[tilespmem:$0x11E8] =	vst v0  }
0x119: {  	[tilespmem:$0x11F8] =	vst v0  }
0x11a: {  	[tilespmem:$0x1208] =	vst v0  }
0x11b: {  	[tilespmem:$0x1218] =	vst v0  }
0x11c: {  	[tilespmem:$0x1228] =	vst v0  }
0x11d: {  	[tilespmem:$0x1238] =	vst v0  }
0x11e: {  	[tilespmem:$0x1248] =	vst v0  }
0x11f: {  	[tilespmem:$0x1258] =	vst v0  }
0x120: {  	[tilespmem:$0x1268] =	vst v0  }
0x121: {  	[tilespmem:$0x1278] =	vst v0  }
0x122: {  	[tilespmem:$0x21A8] =	vst v0  }
0x123: {  	[tilespmem:$0x21B8] =	vst v0  }
0x124: {  	[tilespmem:$0x1288] =	vst v0  }
0x125: {  	[tilespmem:$0x1298] =	vst v0  }
0x126: {  	[tilespmem:$0x12A8] =	vst v0  }
0x127: {  	[tilespmem:$0x12B8] =	vst v0  }
0x128: {  	[tilespmem:$0x12C8] =	vst v0  }
0x129: {  	[tilespmem:$0x12D8] =	vst v0  }
0x12a: {  	[tilespmem:$0x12E8] =	vst v0  }
0x12b: {  	[tilespmem:$0x12F8] =	vst v0  }
0x12c: {  	[tilespmem:$0x1308] =	vst v0  }
0x12d: {  	[tilespmem:$0x1318] =	vst v0  }
0x12e: {  	[tilespmem:$0x1328] =	vst v0  }
0x12f: {  	[tilespmem:$0x1338] =	vst v0  }
0x130: {  	[tilespmem:$0x1348] =	vst v0  }
0x131: {  	[tilespmem:$0x1358] =	vst v0  }
0x132: {  	[tilespmem:$0x1368] =	vst v0  }
0x133: {  	[tilespmem:$0x1378] =	vst v0  }
0x134: {  	[tilespmem:$0x1388] =	vst v0  }
0x135: {  	[tilespmem:$0x1398] =	vst v0  }
0x136: {  	[tilespmem:$0x13A8] =	vst v0  }
0x137: {  	[tilespmem:$0x13B8] =	vst v0  }
0x138: {  	[tilespmem:$0x13C8] =	vst v0  }
0x139: {  	[tilespmem:$0x13D8] =	vst v0  }
0x13a: {  	[tilespmem:$0x13E8] =	vst v0  }
0x13b: {  	[tilespmem:$0x13F8] =	vst v0  }
0x13c: {  	[tilespmem:$0x1408] =	vst v0  }
0x13d: {  	[tilespmem:$0x1418] =	vst v0  }
0x13e: {  	[tilespmem:$0x1428] =	vst v0  }
0x13f: {  	[tilespmem:$0x1438] =	vst v0  }
0x140: {  	[tilespmem:$0x1448] =	vst v0  }
0x141: {  	[tilespmem:$0x1458] =	vst v0  }
0x142: {  	[tilespmem:$0x1468] =	vst v0  }
0x143: {  	[tilespmem:$0x1478] =	vst v0  }
0x144: {  	[tilespmem:$0x1488] =	vst v0  }
0x145: {  	[tilespmem:$0x1498] =	vst v0  }
0x146: {  	[tilespmem:$0x14A8] =	vst v0  }
0x147: {  	[tilespmem:$0x14B8] =	vst v0  }
0x148: {  	[tilespmem:$0x14C8] =	vst v0  }
0x149: {  	[tilespmem:$0x14D8] =	vst v0  }
0x14a: {  	[tilespmem:$0x14E8] =	vst v0  }
0x14b: {  	[tilespmem:$0x14F8] =	vst v0  }
0x14c: {  	[tilespmem:$0x1508] =	vst v0  }
0x14d: {  	[tilespmem:$0x1518] =	vst v0  }
0x14e: {  	[tilespmem:$0x1528] =	vst v0  }
0x14f: {  	[tilespmem:$0x1538] =	vst v0  }
0x150: {  	[tilespmem:$0x1548] =	vst v0  }
0x151: {  	[tilespmem:$0x1558] =	vst v0  }
0x152: {  	[tilespmem:$0x1568] =	vst v0  }
0x153: {  	[tilespmem:$0x1578] =	vst v0  }
0x154: {  	[tilespmem:$0x1588] =	vst v0  }
0x155: {  	[tilespmem:$0x1598] =	vst v0  }
0x156: {  	[tilespmem:$0x15A8] =	vst v0  }
0x157: {  	[tilespmem:$0x15B8] =	vst v0  }
0x158: {  	[tilespmem:$0x15C8] =	vst v0  }
0x159: {  	[tilespmem:$0x15D8] =	vst v0  }
0x15a: {  	[tilespmem:$0x15E8] =	vst v0  }
0x15b: {  	[tilespmem:$0x15F8] =	vst v0  }
0x15c: {  	[tilespmem:$0x1608] =	vst v0  }
0x15d: {  	[tilespmem:$0x1618] =	vst v0  }
0x15e: {  	[tilespmem:$0x1628] =	vst v0  }
0x15f: {  	[tilespmem:$0x1638] =	vst v0  }
0x160: {  	[tilespmem:$0x1648] =	vst v0  }
0x161: {  	[tilespmem:$0x1658] =	vst v0  }
0x162: {  	[tilespmem:$0x1668] =	vst v0  }
0x163: {  	[tilespmem:$0x1678] =	vst v0  }
0x164: {  	[tilespmem:$0x1688] =	vst v0  }
0x165: {  	[tilespmem:$0x1698] =	vst v0  }
0x166: {  	[tilespmem:$0x16A8] =	vst v0  }
0x167: {  	[tilespmem:$0x16B8] =	vst v0  }
0x168: {  	[tilespmem:$0x16C8] =	vst v0  }
0x169: {  	[tilespmem:$0x16D8] =	vst v0  }
0x16a: {  	[tilespmem:$0x16E8] =	vst v0  }
0x16b: {  	[tilespmem:$0x16F8] =	vst v0  }
0x16c: {  	[tilespmem:$0x1708] =	vst v0  }
0x16d: {  	[tilespmem:$0x1718] =	vst v0  }
0x16e: {  	[tilespmem:$0x1728] =	vst v0  }
0x16f: {  	[tilespmem:$0x1738] =	vst v0  }
0x170: {  	[tilespmem:$0x1748] =	vst v0  }
0x171: {  	[tilespmem:$0x1758] =	vst v0  }
0x172: {  	[tilespmem:$0x1768] =	vst v0  }
0x173: {  	[tilespmem:$0x1778] =	vst v0  }
0x174: {  	[tilespmem:$0x1788] =	vst v0  }
0x175: {  	[tilespmem:$0x1798] =	vst v0  }
0x176: {  	[tilespmem:$0x17A8] =	vst v0  }
0x177: {  	[tilespmem:$0x17B8] =	vst v0  }
0x178: {  	[tilespmem:$0x17C8] =	vst v0  }
0x179: {  	[tilespmem:$0x17D8] =	vst v0  }
0x17a: {  	[tilespmem:$0x17E8] =	vst v0  }
0x17b: {  	[tilespmem:$0x17F8] =	vst v0  }
0x17c: {  	[tilespmem:$0x1808] =	vst v0  }
0x17d: {  	[tilespmem:$0x1818] =	vst v0  }
0x17e: {  	[tilespmem:$0x1828] =	vst v0  }
0x17f: {  	[tilespmem:$0x1838] =	vst v0  }
0x180: {  	[tilespmem:$0x1848] =	vst v0  }
0x181: {  	[tilespmem:$0x1858] =	vst v0  }
0x182: {  	[tilespmem:$0x1868] =	vst v0  }
0x183: {  	[tilespmem:$0x1878] =	vst v0  }
0x184: {  	[tilespmem:$0x1888] =	vst v0  }
0x185: {  	[tilespmem:$0x1898] =	vst v0  }
0x186: {  	[tilespmem:$0x18A8] =	vst v0  }
0x187: {  	[tilespmem:$0x18B8] =	vst v0  }
0x188: {  	[tilespmem:$0x18C8] =	vst v0  }
0x189: {  	[tilespmem:$0x18D8] =	vst v0  }
0x18a: {  	[tilespmem:$0x18E8] =	vst v0  }
0x18b: {  	[tilespmem:$0x18F8] =	vst v0  }
0x18c: {  	[tilespmem:$0x1908] =	vst v0  }
0x18d: {  	[tilespmem:$0x1918] =	vst v0  }
0x18e: {  	[tilespmem:$0x1928] =	vst v0  }
0x18f: {  	[tilespmem:$0x1938] =	vst v0  }
0x190: {  	[tilespmem:$0x1948] =	vst v0  }
0x191: {  	[tilespmem:$0x1958] =	vst v0  }
0x192: {  	[tilespmem:$0x1968] =	vst v0  }
0x193: {  	[tilespmem:$0x1978] =	vst v0  }
0x194: {  	[tilespmem:$0x1988] =	vst v0  }
0x195: {  	[tilespmem:$0x1998] =	vst v0  }
0x196: {  	[tilespmem:$0x19A8] =	vst v0  }
0x197: {  	[tilespmem:$0x19B8] =	vst v0  }
0x198: {  	[tilespmem:$0x19C8] =	vst v0  }
0x199: {  	[tilespmem:$0x19D8] =	vst v0  }
0x19a: {  	[tilespmem:$0x19E8] =	vst v0  }
0x19b: {  	[tilespmem:$0x19F8] =	vst v0  }
0x19c: {  	[tilespmem:$0x1A08] =	vst v0  }
0x19d: {  	[tilespmem:$0x1A18] =	vst v0  }
0x19e: {  	[tilespmem:$0x1A28] =	vst v0  }
0x19f: {  	[tilespmem:$0x1A38] =	vst v0  }
0x1a0: {  	[tilespmem:$0x1A48] =	vst v0  }
0x1a1: {  	[tilespmem:$0x1A58] =	vst v0  }
0x1a2: {  	[tilespmem:$0x1A68] =	vst v0  }
0x1a3: {  	[tilespmem:$0x1A78] =	vst v0  }
0x1a4: {  	[tilespmem:$0x1A88] =	vst v0  }
0x1a5: {  	[tilespmem:$0x1A98] =	vst v0  }
0x1a6: {  	[tilespmem:$0x1AA8] =	vst v0  }
0x1a7: {  	[tilespmem:$0x1AB8] =	vst v0  }
0x1a8: {  	[tilespmem:$0x1AC8] =	vst v0  }
0x1a9: {  	[tilespmem:$0x1AD8] =	vst v0  }
0x1aa: {  	[tilespmem:$0x1AE8] =	vst v0  }
0x1ab: {  	[tilespmem:$0x1AF8] =	vst v0  }
0x1ac: {  	[tilespmem:$0x1B08] =	vst v0  }
0x1ad: {  	[tilespmem:$0x1B18] =	vst v0  }
0x1ae: {  	[tilespmem:$0x1B28] =	vst v0  }
0x1af: {  	[tilespmem:$0x1B38] =	vst v0  }
0x1b0: {  	[tilespmem:$0x1B48] =	vst v0  }
0x1b1: {  	[tilespmem:$0x1B58] =	vst v0  }
0x1b2: {  	[tilespmem:$0x1B68] =	vst v0  }
0x1b3: {  	[tilespmem:$0x1B78] =	vst v0  }
0x1b4: {  	[tilespmem:$0x1B88] =	vst v0  }
0x1b5: {  	[tilespmem:$0x1B98] =	vst v0  }
0x1b6: {  	[tilespmem:$0x1BA8] =	vst v0  }
0x1b7: {  	[tilespmem:$0x1BB8] =	vst v0  }
0x1b8: {  	[tilespmem:$0x1BC8] =	vst v0  }
0x1b9: {  	[tilespmem:$0x1BD8] =	vst v0  }
0x1ba: {  	[tilespmem:$0x1BE8] =	vst v0  }
0x1bb: {  	[tilespmem:$0x1BF8] =	vst v0  }
0x1bc: {  	[tilespmem:$0x1C08] =	vst v0  }
0x1bd: {  	[tilespmem:$0x1C18] =	vst v0  }
0x1be: {  	[tilespmem:$0x1C28] =	vst v0  }
0x1bf: {  	[tilespmem:$0x1C38] =	vst v0  }
0x1c0: {  	[tilespmem:$0x1C48] =	vst v0  }
0x1c1: {  	[tilespmem:$0x1C58] =	vst v0  }
0x1c2: {  	[tilespmem:$0x1C68] =	vst v0  }
0x1c3: {  	[tilespmem:$0x1C78] =	vst v0  }
0x1c4: {  	[tilespmem:$0x1C88] =	vst v0  }
0x1c5: {  	[tilespmem:$0x1C98] =	vst v0  }
0x1c6: {  	[tilespmem:$0x1CA8] =	vst v0  }
0x1c7: {  	[tilespmem:$0x1CB8] =	vst v0  }
0x1c8: {  	[tilespmem:$0x1CC8] =	vst v0  }
0x1c9: {  	[tilespmem:$0x1CD8] =	vst v0  }
0x1ca: {  	[tilespmem:$0x1CE8] =	vst v0  }
0x1cb: {  	[tilespmem:$0x1CF8] =	vst v0  }
0x1cc: {  	[tilespmem:$0x1D08] =	vst v0  }
0x1cd: {  	[tilespmem:$0x1D18] =	vst v0  }
0x1ce: {  	[tilespmem:$0x1D28] =	vst v0  }
0x1cf: {  	[tilespmem:$0x1D38] =	vst v0  }
0x1d0: {  	[tilespmem:$0x1D48] =	vst v0  }
0x1d1: {  	[tilespmem:$0x1D58] =	vst v0  }
0x1d2: {  	[tilespmem:$0x1D68] =	vst v0  }
0x1d3: {  	[tilespmem:$0x1D78] =	vst v0  }
0x1d4: {  	[tilespmem:$0x1D88] =	vst v0  }
0x1d5: {  	[tilespmem:$0x1D98] =	vst v0  }
0x1d6: {  	[tilespmem:$0x1DA8] =	vst v0  }
0x1d7: {  	[tilespmem:$0x1DB8] =	vst v0  }
0x1d8: {  	[tilespmem:$0x1DC8] =	vst v0  }
0x1d9: {  	[tilespmem:$0x1DD8] =	vst v0  }
0x1da: {  	[tilespmem:$0x1DE8] =	vst v0  }
0x1db: {  	[tilespmem:$0x1DF8] =	vst v0  }
0x1dc: {  	[tilespmem:$0x1E08] =	vst v0  }
0x1dd: {  	[tilespmem:$0x1E18] =	vst v0  }
0x1de: {  	[tilespmem:$0x1E28] =	vst v0  }
0x1df: {  	[tilespmem:$0x1E38] =	vst v0  }
0x1e0: {  	[tilespmem:$0x1E48] =	vst v0  }
0x1e1: {  	[tilespmem:$0x1E58] =	vst v0  }
0x1e2: {  	[tilespmem:$0x1E68] =	vst v0  }
0x1e3: {  	[tilespmem:$0x1E78] =	vst v0  }
0x1e4: {  	[tilespmem:$0x1E88] =	vst v0  }
0x1e5: {  	[tilespmem:$0x1E98] =	vst v0  }
0x1e6: {  	[tilespmem:$0x1EA8] =	vst v0  }
0x1e7: {  	[tilespmem:$0x1EB8] =	vst v0  }
0x1e8: {  	[tilespmem:$0x1EC8] =	vst v0  }
0x1e9: {  	[tilespmem:$0x1ED8] =	vst v0  }
0x1ea: {  	[tilespmem:$0x1EE8] =	vst v0  }
0x1eb: {  	[tilespmem:$0x1EF8] =	vst v0  }
0x1ec: {  	[tilespmem:$0x1F08] =	vst v0  }
0x1ed: {  	[tilespmem:$0x1F18] =	vst v0  }
0x1ee: {  	[tilespmem:$0x1F28] =	vst v0  }
0x1ef: {  	[tilespmem:$0x1F38] =	vst v0  }
0x1f0: {  	[tilespmem:$0x1F48] =	vst v0  }
0x1f1: {  	[tilespmem:$0x1F58] =	vst v0  }
0x1f2: {  	[tilespmem:$0x1F68] =	vst v0  }
0x1f3: {  	[tilespmem:$0x1F78] =	vst v0  }
0x1f4: {  	[tilespmem:$0x1F88] =	vst v0  }
0x1f5: {  	[tilespmem:$0x1F98] =	vst v0  }
0x1f6: {  	[tilespmem:$0x1FA8] =	vst v0  }
0x1f7: {  	[tilespmem:$0x1FB8] =	vst v0  }
0x1f8: {  	[tilespmem:$0x1FC8] =	vst v0  }
0x1f9: {  	[tilespmem:$0x1FD8] =	vst v0  }
0x1fa: {  	[tilespmem:$0x1FE8] =	vst v0  }
0x1fb: {  	[tilespmem:$0x1FF8] =	vst v0  }
0x1fc: {  	[tilespmem:$0x2008] =	vst v0  }
0x1fd: {  	[tilespmem:$0x2018] =	vst v0  }
0x1fe: {  	[tilespmem:$0x2028] =	vst v0  }
0x1ff: {  	[tilespmem:$0x2038] =	vst v0  }
0x200: {  	[tilespmem:$0x2048] =	vst v0  }
0x201: {  	[tilespmem:$0x2058] =	vst v0  }
0x202: {  	[tilespmem:$0x2068] =	vst v0  }
0x203: {  	[tilespmem:$0x2078] =	vst v0  }
0x204: {  	[tilespmem:$0x2088] =	vst v0  }
0x205: {  	[tilespmem:$0x2098] =	vst v0  }
0x206: {  	[tilespmem:$0x20A8] =	vst v0  }
0x207: {  	[tilespmem:$0x20B8] =	vst v0  }
0x208: {  	[tilespmem:$0x20C8] =	vst v0  }
0x209: {  	[tilespmem:$0x20D8] =	vst v0  }
0x20a: {  	[tilespmem:$0x20E8] =	vst v0  }
0x20b: {  	[tilespmem:$0x20F8] =	vst v0  }
0x20c: {  	[tilespmem:$0x2108] =	vst v0  }
0x20d: {  	[tilespmem:$0x2118] =	vst v0  }
0x20e: {  	[tilespmem:$0x2128] =	vst v0  }
0x20f: {  	[tilespmem:$0x2138] =	vst v0  }
0x210: {  	[tilespmem:$0x2148] =	vst v0  }
0x211: {  	[tilespmem:$0x2158] =	vst v0  }
0x212: {  	[tilespmem:$0x2168] =	vst v0  }
0x213: {  	[tilespmem:$0x2178] =	vst v0  }
0x214: {  	[tilespmem:$0x2188] =	vst v0  }
0x215: {  	[tilespmem:$0x2198] =	vst v0  }
0x216: {  	[tilespmem:$0x21C8] =	vst v0  }
0x217: {  	[tilespmem:$0x21D8] =	vst v0  }
0x218: {  	[tilespmem:$0x21E8] =	vst v0  }
0x219: {  	[tilespmem:$0x21F8] =	vst v0  }
0x21a: {  	[tilespmem:$0x2208] =	vst v0  }
0x21b: {  	[tilespmem:$0x2218] =	vst v0  }
0x21c: {  	[tilespmem:$0x2228] =	vst v0  }
0x21d: {  	[tilespmem:$0x2238] =	vst v0  }
0x21e: {  	[tilespmem:$0x2248] =	vst v0  }
0x21f: {  	[tilespmem:$0x2258] =	vst v0  }
0x220: {  	[tilespmem:$0x2268] =	vst v0  }
0x221: {  	[tilespmem:$0x2278] =	vst v0  }
0x222: {  	[tilespmem:$0x2288] =	vst v0  }
0x223: {  	[tilespmem:$0x2298] =	vst v0  }
0x224: {  	[tilespmem:$0x22A8] =	vst v0  }
0x225: {  	[tilespmem:$0x22B8] =	vst v0  }
0x226: {  	[tilespmem:$0x22C8] =	vst v0  }
0x227: {  	[tilespmem:$0x22D8] =	vst v0  }
0x228: {  	[tilespmem:$0x22E8] =	vst v0  }
0x229: {  	[tilespmem:$0x22F8] =	vst v0  }
0x22a: {  	[tilespmem:$0x2308] =	vst v0  }
0x22b: {  	[tilespmem:$0x2318] =	vst v0  }
0x22c: {  	[tilespmem:$0x2328] =	vst v0  }
0x22d: {  	[tilespmem:$0x2338] =	vst v0  }
0x22e: {  	[tilespmem:$0x2348] =	vst v0  }
0x22f: {  	[tilespmem:$0x2358] =	vst v0  }
0x230: {  	[tilespmem:$0x2368] =	vst v0  }
0x231: {  	[tilespmem:$0x2378] =	vst v0  }
0x232: {  	[tilespmem:$0x2388] =	vst v0  }
0x233: {  	[tilespmem:$0x2398] =	vst v0  }
0x234: {  	[tilespmem:$0x23A8] =	vst v0  }
0x235: {  	[tilespmem:$0x23B8] =	vst v0  }
0x236: {  	[tilespmem:$0x23C8] =	vst v0  }
0x237: {  	[tilespmem:$0x23D8] =	vst v0  }
0x238: {  	[tilespmem:$0x23E8] =	vst v0  }
0x239: {  	[tilespmem:$0x23F8] =	vst v0  }
0x23a: {  	[tilespmem:$0x2408] =	vst v0  }
0x23b: {  	[tilespmem:$0x2418] =	vst v0  }
0x23c: {  	[tilespmem:$0x2428] =	vst v0  }
0x23d: {  	[tilespmem:$0x2438] =	vst v0  }
0x23e: {  	[tilespmem:$0x2448] =	vst v0  }
0x23f: {  	[tilespmem:$0x2458] =	vst v0  }
0x240: {  	[tilespmem:$0x2468] =	vst v0  }
0x241: {  	[tilespmem:$0x2478] =	vst v0  }
0x242: {  	[tilespmem:$0x2488] =	vst v0  }
0x243: {  	[tilespmem:$0x2498] =	vst v0  }
0x244: {  	[tilespmem:$0x24A8] =	vst v0  }
0x245: {  	[tilespmem:$0x24B8] =	vst v0  }
0x246: {  	[tilespmem:$0x24C8] =	vst v0  }
0x247: {  	[tilespmem:$0x24D8] =	vst v0  }
0x248: {  	[tilespmem:$0x24E8] =	vst v0  }
0x249: {  	[tilespmem:$0x24F8] =	vst v0  }
0x24a: {  	[tilespmem:$0x2508] =	vst v0  }
0x24b: {  	[tilespmem:$0x2518] =	vst v0  }
0x24c: {  	[tilespmem:$0x2528] =	vst v0  }
0x24d: {  	[tilespmem:$0x2538] =	vst v0  }
0x24e: {  	[tilespmem:$0x2548] =	vst v0  }
0x24f: {  	[tilespmem:$0x2558] =	vst v0  }
0x250: {  	[tilespmem:$0x2568] =	vst v0  }
0x251: {  	[tilespmem:$0x2578] =	vst v0  }
0x252: {  	[tilespmem:$0x2588] =	vst v0  }
0x253: {  	[tilespmem:$0x2598] =	vst v0  }
0x254: {  	[tilespmem:$0x25A8] =	vst v0  }
0x255: {  	[tilespmem:$0x25B8] =	vst v0  }
0x256: {  	[tilespmem:$0x25C8] =	vst v0  }
0x257: {  	[tilespmem:$0x25D8] =	vst v0  }
0x258: {  	[tilespmem:$0x25E8] =	vst v0  }
0x259: {  	[tilespmem:$0x25F8] =	vst v0  }
0x25a: {  	[tilespmem:$0x2608] =	vst v0  }
0x25b: {  	[tilespmem:$0x2618] =	vst v0  }
0x25c: {  	[tilespmem:$0x2628] =	vst v0  }
0x25d: {  	[tilespmem:$0x2638] =	vst v0  }
0x25e: {  	[tilespmem:$0x2648] =	vst v0  }
0x25f: {  	[tilespmem:$0x2658] =	vst v0  }
0x260: {  	[tilespmem:$0x2668] =	vst v0  }
0x261: {  	[tilespmem:$0x2678] =	vst v0  }
0x262: {  	[tilespmem:$0x2688] =	vst v0  }
0x263: {  	[tilespmem:$0x2698] =	vst v0  }
0x264: {  	[tilespmem:$0x26A8] =	vst v0  }
0x265: {  	[tilespmem:$0x26B8] =	vst v0  }
0x266: {  	[tilespmem:$0x26C8] =	vst v0  }
0x267: {  	[tilespmem:$0x26D8] =	vst v0  }
0x268: {  	[tilespmem:$0x26E8] =	vst v0  }
0x269: {  	[tilespmem:$0x26F8] =	vst v0  }
0x26a: {  	[tilespmem:$0x2708] =	vst v0  }
0x26b: {  	[tilespmem:$0x2718] =	vst v0  }
0x26c: {  	[tilespmem:$0x2728] =	vst v0  }
0x26d: {  	[tilespmem:$0x2738] =	vst v0  }
0x26e: {  	[tilespmem:$0x2748] =	vst v0  }
0x26f: {  	[tilespmem:$0x2758] =	vst v0  }
0x270: {  	[tilespmem:$0x2768] =	vst v0  }
0x271: {  	[tilespmem:$0x2778] =	vst v0  }
0x272: {  	[tilespmem:$0x2788] =	vst v0  }
0x273: {  	[tilespmem:$0x2798] =	vst v0  }
0x274: {  	[tilespmem:$0x27A8] =	vst v0  }
0x275: {  	[tilespmem:$0x27B8] =	vst v0  }
0x276: {  	[tilespmem:$0x27C8] =	vst v0  }
0x277: {  	[tilespmem:$0x27D8] =	vst v0  }
0x278: {  	[tilespmem:$0x27E8] =	vst v0  }
0x279: {  	[tilespmem:$0x27F8] =	vst v0  }
0x27a: {  	[tilespmem:$0x2808] =	vst v0  }
0x27b: {  	[tilespmem:$0x2818] =	vst v0  }
0x27c: {  	[tilespmem:$0x2828] =	vst v0  }
0x27d: {  	[tilespmem:$0x2838] =	vst v0  }
0x27e: {  	[tilespmem:$0x2848] =	vst v0  }
0x27f: {  	[tilespmem:$0x2858] =	vst v0  }
0x280: {  	[tilespmem:$0x2868] =	vst v0  }
0x281: {  	[tilespmem:$0x2878] =	vst v0  }
0x282: {  	[tilespmem:$0x2888] =	vst v0  }
0x283: {  	[tilespmem:$0x2898] =	vst v0  }
0x284: {  	[tilespmem:$0x28A8] =	vst v0  }
0x285: {  	[tilespmem:$0x28B8] =	vst v0  }
0x286: {  	[tilespmem:$0x28C8] =	vst v0  }
0x287: {  	[tilespmem:$0x28D8] =	vst v0  }
0x288: {  	[tilespmem:$0x28E8] =	vst v0  }
0x289: {  	[tilespmem:$0x28F8] =	vst v0  }
0x28a: {  	[tilespmem:$0x2908] =	vst v0  }
0x28b: {  	[tilespmem:$0x2918] =	vst v0  }
0x28c: {  	[tilespmem:$0x2928] =	vst v0  }
0x28d: {  	[tilespmem:$0x2938] =	vst v0  }
0x28e: {  	[tilespmem:$0x2948] =	vst v0  }
0x28f: {  	[tilespmem:$0x2958] =	vst v0  }
0x290: {  	[tilespmem:$0x2968] =	vst v0  }
0x291: {  	[tilespmem:$0x2978] =	vst v0  }
0x292: {  	[tilespmem:$0x2988] =	vst v0  }
0x293: {  	[tilespmem:$0x2998] =	vst v0  }
0x294: {  	[tilespmem:$0x29A8] =	vst v0  }
0x295: {  	[tilespmem:$0x29B8] =	vst v0  }
0x296: {  	[tilespmem:$0x29C8] =	vst v0  }
0x297: {  	[tilespmem:$0x29D8] =	vst v0  }
0x298: {  	[tilespmem:$0x29E8] =	vst v0  }
0x299: {  	[tilespmem:$0x29F8] =	vst v0  }
0x29a: {  	[tilespmem:$0x2A08] =	vst v0  }
0x29b: {  	[tilespmem:$0x2A18] =	vst v0  }
0x29c: {  	[tilespmem:$0x2A28] =	vst v0  }
0x29d: {  	[tilespmem:$0x2A38] =	vst v0  }
0x29e: {  	[tilespmem:$0x2A48] =	vst v0  }
0x29f: {  	[tilespmem:$0x2A58] =	vst v0  }
0x2a0: {  	[tilespmem:$0x2A68] =	vst v0  }
0x2a1: {  	[tilespmem:$0x2A78] =	vst v0  }
0x2a2: {  	[tilespmem:$0x2A88] =	vst v0  }
0x2a3: {  	[tilespmem:$0x2A98] =	vst v0  }
0x2a4: {  	[tilespmem:$0x2AA8] =	vst v0  }
0x2a5: {  	[tilespmem:$0x2AB8] =	vst v0  }
0x2a6: {  	[tilespmem:$0x2AC8] =	vst v0  }
0x2a7: {  	[tilespmem:$0x2AD8] =	vst v0  }
0x2a8: {  	[tilespmem:$0x2AE8] =	vst v0  }
0x2a9: {  	[tilespmem:$0x2AF8] =	vst v0  }
0x2aa: {  	[tilespmem:$0x2B08] =	vst v0  }
0x2ab: {  	[tilespmem:$0x2B18] =	vst v0  }
0x2ac: {  	[tilespmem:$0x2B28] =	vst v0  }
0x2ad: {  	[tilespmem:$0x2B38] =	vst v0  }
0x2ae: {  	[tilespmem:$0x2B48] =	vst v0  }
0x2af: {  	[tilespmem:$0x2B58] =	vst v0  }
0x2b0: {  	[tilespmem:$0x2B68] =	vst v0  }
0x2b1: {  	[tilespmem:$0x2B78] =	vst v0  }
0x2b2: {  	[tilespmem:$0x2B88] =	vst v0  }
0x2b3: {  	[tilespmem:$0x2B98] =	vst v0  }
0x2b4: {  	[tilespmem:$0x2BA8] =	vst v0  }
0x2b5: {  	[tilespmem:$0x2BB8] =	vst v0  }
0x2b6: {  	[tilespmem:$0x2BC8] =	vst v0  }
0x2b7: {  	[tilespmem:$0x2BD8] =	vst v0  }
0x2b8: {  	[tilespmem:$0x2BE8] =	vst v0  }
0x2b9: {  	[tilespmem:$0x2BF8] =	vst v0  }
0x2ba: {  	[tilespmem:$0x2C08] =	vst v0  }
0x2bb: {  	[tilespmem:$0x2C18] =	vst v0  }
0x2bc: {  	[tilespmem:$0x2C28] =	vst v0  }
0x2bd: {  	[tilespmem:$0x2C38] =	vst v0  }
0x2be: {  	[tilespmem:$0x2C48] =	vst v0  }
0x2bf: {  	[tilespmem:$0x2C58] =	vst v0  }
0x2c0: {  	[tilespmem:$0x2C68] =	vst v0  }
0x2c1: {  	[tilespmem:$0x2C78] =	vst v0  }
0x2c2: {  	[tilespmem:$0x2C88] =	vst v0  }
0x2c3: {  	[tilespmem:$0x2C98] =	vst v0  }
0x2c4: {  	[tilespmem:$0x2CA8] =	vst v0  }
0x2c5: {  	[tilespmem:$0x2CB8] =	vst v0  }
0x2c6: {  	[tilespmem:$0x2CC8] =	vst v0  }
0x2c7: {  	[tilespmem:$0x2CD8] =	vst v0  }
0x2c8: {  	[tilespmem:$0x2CE8] =	vst v0  }
0x2c9: {  	[tilespmem:$0x2CF8] =	vst v0  }
0x2ca: {  	[tilespmem:$0x2D08] =	vst v0  }
0x2cb: {  	[tilespmem:$0x2D18] =	vst v0  }
0x2cc: {  	[tilespmem:$0x2D28] =	vst v0  }
0x2cd: {  	[tilespmem:$0x2D38] =	vst v0  }
0x2ce: {  	[tilespmem:$0x2D48] =	vst v0  }
0x2cf: {  	[tilespmem:$0x2D58] =	vst v0  }
0x2d0: {  	[tilespmem:$0x2D68] =	vst v0  }
0x2d1: {  	[tilespmem:$0x2D78] =	vst v0  }
0x2d2: {  	[tilespmem:$0x2D88] =	vst v0  }
0x2d3: {  	[tilespmem:$0x2D98] =	vst v0  }
0x2d4: {  	[tilespmem:$0x2DA8] =	vst v0  }
0x2d5: {  	[tilespmem:$0x2DB8] =	vst v0  }
0x2d6: {  	[tilespmem:$0x2DC8] =	vst v0  }
0x2d7: {  	[tilespmem:$0x2DD8] =	vst v0  }
0x2d8: {  	[tilespmem:$0x2DE8] =	vst v0  }
0x2d9: {  	[tilespmem:$0x2DF8] =	vst v0  }
0x2da: {  	[tilespmem:$0x2E08] =	vst v0  }
0x2db: {  	[tilespmem:$0x2E18] =	vst v0  }
0x2dc: {  	[tilespmem:$0x2E28] =	vst v0  }
0x2dd: {  	[tilespmem:$0x2E38] =	vst v0  }
0x2de: {  	[tilespmem:$0x2E48] =	vst v0  }
0x2df: {  	[tilespmem:$0x2E58] =	vst v0  }
0x2e0: {  	[tilespmem:$0x2E68] =	vst v0  }
0x2e1: {  	[tilespmem:$0x2E78] =	vst v0  }
0x2e2: {  	[tilespmem:$0x2E88] =	vst v0  }
0x2e3: {  	[tilespmem:$0x2E98] =	vst v0  }
0x2e4: {  	[tilespmem:$0x2EA8] =	vst v0  }
0x2e5: {  	[tilespmem:$0x2EB8] =	vst v0  }
0x2e6: {  	[tilespmem:$0x2EC8] =	vst v0  }
0x2e7: {  	[tilespmem:$0x2ED8] =	vst v0  }
0x2e8: {  	[tilespmem:$0x2EE8] =	vst v0  }
0x2e9: {  	[tilespmem:$0x2EF8] =	vst v0  }
0x2ea: {  	[tilespmem:$0x2F08] =	vst v0  }
0x2eb: {  	[tilespmem:$0x2F18] =	vst v0  }
0x2ec: {  	[tilespmem:$0x2F28] =	vst v0  }
0x2ed: {  	[tilespmem:$0x2F38] =	vst v0  }
0x2ee: {  	[tilespmem:$0x2F48] =	vst v0  }
0x2ef: {  	[tilespmem:$0x2F58] =	vst v0  }
0x2f0: {  	[tilespmem:$0x2F68] =	vst v0  }
0x2f1: {  	[tilespmem:$0x2F78] =	vst v0  }
0x2f2: {  	[tilespmem:$0x2F88] =	vst v0  }
0x2f3: {  	[tilespmem:$0x2F98] =	vst v0  }
0x2f4: {  	[tilespmem:$0x2FA8] =	vst v0  }
0x2f5: {  	[tilespmem:$0x2FB8] =	vst v0  }
0x2f6: {  	[tilespmem:$0x2FC8] =	vst v0  }
0x2f7: {  	[tilespmem:$0x2FD8] =	vst v0  }
0x2f8: {  	[tilespmem:$0x2FE8] =	vst v0  }
0x2f9: {  	[tilespmem:$0x2FF8] =	vst v0  }
0x2fa: {  	[tilespmem:$0x3008] =	vst v0  }
0x2fb: {  	[tilespmem:$0x3018] =	vst v0  }
0x2fc: {  	[tilespmem:$0x3028] =	vst v0  }
0x2fd: {  	[tilespmem:$0x3038] =	vst v0  }
0x2fe: {  	[tilespmem:$0x3048] =	vst v0  }
0x2ff: {  	[tilespmem:$0x3058] =	vst v0  }
0x300: {  	[tilespmem:$0x3068] =	vst v0  }
0x301: {  	[tilespmem:$0x3078] =	vst v0  }
0x302: {  	[tilespmem:$0x3088] =	vst v0  }
0x303: {  	[tilespmem:$0x3098] =	vst v0  }
0x304: {  	[tilespmem:$0x30A8] =	vst v0  }
0x305: {  	[tilespmem:$0x30B8] =	vst v0  }
0x306: {  	[tilespmem:$0x30C8] =	vst v0  }
0x307: {  	[tilespmem:$0x30D8] =	vst v0  }
0x308: {  	[tilespmem:$0x30E8] =	vst v0  }
0x309: {  	[tilespmem:$0x30F8] =	vst v0  }
0x30a: {  	[tilespmem:$0x3108] =	vst v0  }
0x30b: {  	[tilespmem:$0x3118] =	vst v0  }
0x30c: {  	[tilespmem:$0x3128] =	vst v0  }
0x30d: {  	[tilespmem:$0x3138] =	vst v0  }
0x30e: {  	[tilespmem:$0x3148] =	vst v0  }
0x30f: {  	[tilespmem:$0x3158] =	vst v0  }
0x310: {  	[tilespmem:$0x3168] =	vst v0  }
0x311: {  	[tilespmem:$0x3178] =	vst v0  }
0x312: {  	[tilespmem:$0x3188] =	vst v0  }
0x313: {  	[tilespmem:$0x3198] =	vst v0  }
0x314: {  	[tilespmem:$0x31A8] =	vst v0  }
0x315: {  	[tilespmem:$0x31B8] =	vst v0  }
0x316: {  	[tilespmem:$0x40E8] =	vst v0  }
0x317: {  	[tilespmem:$0x40F8] =	vst v0  }
0x318: {  	[tilespmem:$0x31C8] =	vst v0  }
0x319: {  	[tilespmem:$0x31D8] =	vst v0  }
0x31a: {  	[tilespmem:$0x31E8] =	vst v0  }
0x31b: {  	[tilespmem:$0x31F8] =	vst v0  }
0x31c: {  	[tilespmem:$0x3208] =	vst v0  }
0x31d: {  	[tilespmem:$0x3218] =	vst v0  }
0x31e: {  	[tilespmem:$0x3228] =	vst v0  }
0x31f: {  	[tilespmem:$0x3238] =	vst v0  }
0x320: {  	[tilespmem:$0x3248] =	vst v0  }
0x321: {  	[tilespmem:$0x3258] =	vst v0  }
0x322: {  	[tilespmem:$0x3268] =	vst v0  }
0x323: {  	[tilespmem:$0x3278] =	vst v0  }
0x324: {  	[tilespmem:$0x3288] =	vst v0  }
0x325: {  	[tilespmem:$0x3298] =	vst v0  }
0x326: {  	[tilespmem:$0x32A8] =	vst v0  }
0x327: {  	[tilespmem:$0x32B8] =	vst v0  }
0x328: {  	[tilespmem:$0x32C8] =	vst v0  }
0x329: {  	[tilespmem:$0x32D8] =	vst v0  }
0x32a: {  	[tilespmem:$0x32E8] =	vst v0  }
0x32b: {  	[tilespmem:$0x32F8] =	vst v0  }
0x32c: {  	[tilespmem:$0x3308] =	vst v0  }
0x32d: {  	[tilespmem:$0x3318] =	vst v0  }
0x32e: {  	[tilespmem:$0x3328] =	vst v0  }
0x32f: {  	[tilespmem:$0x3338] =	vst v0  }
0x330: {  	[tilespmem:$0x3348] =	vst v0  }
0x331: {  	[tilespmem:$0x3358] =	vst v0  }
0x332: {  	[tilespmem:$0x3368] =	vst v0  }
0x333: {  	[tilespmem:$0x3378] =	vst v0  }
0x334: {  	[tilespmem:$0x3388] =	vst v0  }
0x335: {  	[tilespmem:$0x3398] =	vst v0  }
0x336: {  	[tilespmem:$0x33A8] =	vst v0  }
0x337: {  	[tilespmem:$0x33B8] =	vst v0  }
0x338: {  	[tilespmem:$0x33C8] =	vst v0  }
0x339: {  	[tilespmem:$0x33D8] =	vst v0  }
0x33a: {  	[tilespmem:$0x33E8] =	vst v0  }
0x33b: {  	[tilespmem:$0x33F8] =	vst v0  }
0x33c: {  	[tilespmem:$0x3408] =	vst v0  }
0x33d: {  	[tilespmem:$0x3418] =	vst v0  }
0x33e: {  	[tilespmem:$0x3428] =	vst v0  }
0x33f: {  	[tilespmem:$0x3438] =	vst v0  }
0x340: {  	[tilespmem:$0x3448] =	vst v0  }
0x341: {  	[tilespmem:$0x3458] =	vst v0  }
0x342: {  	[tilespmem:$0x3468] =	vst v0  }
0x343: {  	[tilespmem:$0x3478] =	vst v0  }
0x344: {  	[tilespmem:$0x3488] =	vst v0  }
0x345: {  	[tilespmem:$0x3498] =	vst v0  }
0x346: {  	[tilespmem:$0x34A8] =	vst v0  }
0x347: {  	[tilespmem:$0x34B8] =	vst v0  }
0x348: {  	[tilespmem:$0x34C8] =	vst v0  }
0x349: {  	[tilespmem:$0x34D8] =	vst v0  }
0x34a: {  	[tilespmem:$0x34E8] =	vst v0  }
0x34b: {  	[tilespmem:$0x34F8] =	vst v0  }
0x34c: {  	[tilespmem:$0x3508] =	vst v0  }
0x34d: {  	[tilespmem:$0x3518] =	vst v0  }
0x34e: {  	[tilespmem:$0x3528] =	vst v0  }
0x34f: {  	[tilespmem:$0x3538] =	vst v0  }
0x350: {  	[tilespmem:$0x3548] =	vst v0  }
0x351: {  	[tilespmem:$0x3558] =	vst v0  }
0x352: {  	[tilespmem:$0x3568] =	vst v0  }
0x353: {  	[tilespmem:$0x3578] =	vst v0  }
0x354: {  	[tilespmem:$0x3588] =	vst v0  }
0x355: {  	[tilespmem:$0x3598] =	vst v0  }
0x356: {  	[tilespmem:$0x35A8] =	vst v0  }
0x357: {  	[tilespmem:$0x35B8] =	vst v0  }
0x358: {  	[tilespmem:$0x35C8] =	vst v0  }
0x359: {  	[tilespmem:$0x35D8] =	vst v0  }
0x35a: {  	[tilespmem:$0x35E8] =	vst v0  }
0x35b: {  	[tilespmem:$0x35F8] =	vst v0  }
0x35c: {  	[tilespmem:$0x3608] =	vst v0  }
0x35d: {  	[tilespmem:$0x3618] =	vst v0  }
0x35e: {  	[tilespmem:$0x3628] =	vst v0  }
0x35f: {  	[tilespmem:$0x3638] =	vst v0  }
0x360: {  	[tilespmem:$0x3648] =	vst v0  }
0x361: {  	[tilespmem:$0x3658] =	vst v0  }
0x362: {  	[tilespmem:$0x3668] =	vst v0  }
0x363: {  	[tilespmem:$0x3678] =	vst v0  }
0x364: {  	[tilespmem:$0x3688] =	vst v0  }
0x365: {  	[tilespmem:$0x3698] =	vst v0  }
0x366: {  	[tilespmem:$0x36A8] =	vst v0  }
0x367: {  	[tilespmem:$0x36B8] =	vst v0  }
0x368: {  	[tilespmem:$0x36C8] =	vst v0  }
0x369: {  	[tilespmem:$0x36D8] =	vst v0  }
0x36a: {  	[tilespmem:$0x36E8] =	vst v0  }
0x36b: {  	[tilespmem:$0x36F8] =	vst v0  }
0x36c: {  	[tilespmem:$0x3708] =	vst v0  }
0x36d: {  	[tilespmem:$0x3718] =	vst v0  }
0x36e: {  	[tilespmem:$0x3728] =	vst v0  }
0x36f: {  	[tilespmem:$0x3738] =	vst v0  }
0x370: {  	[tilespmem:$0x3748] =	vst v0  }
0x371: {  	[tilespmem:$0x3758] =	vst v0  }
0x372: {  	[tilespmem:$0x3768] =	vst v0  }
0x373: {  	[tilespmem:$0x3778] =	vst v0  }
0x374: {  	[tilespmem:$0x3788] =	vst v0  }
0x375: {  	[tilespmem:$0x3798] =	vst v0  }
0x376: {  	[tilespmem:$0x37A8] =	vst v0  }
0x377: {  	[tilespmem:$0x37B8] =	vst v0  }
0x378: {  	[tilespmem:$0x37C8] =	vst v0  }
0x379: {  	[tilespmem:$0x37D8] =	vst v0  }
0x37a: {  	[tilespmem:$0x37E8] =	vst v0  }
0x37b: {  	[tilespmem:$0x37F8] =	vst v0  }
0x37c: {  	[tilespmem:$0x3808] =	vst v0  }
0x37d: {  	[tilespmem:$0x3818] =	vst v0  }
0x37e: {  	[tilespmem:$0x3828] =	vst v0  }
0x37f: {  	[tilespmem:$0x3838] =	vst v0  }
0x380: {  	[tilespmem:$0x3848] =	vst v0  }
0x381: {  	[tilespmem:$0x3858] =	vst v0  }
0x382: {  	[tilespmem:$0x3868] =	vst v0  }
0x383: {  	[tilespmem:$0x3878] =	vst v0  }
0x384: {  	[tilespmem:$0x3888] =	vst v0  }
0x385: {  	[tilespmem:$0x3898] =	vst v0  }
0x386: {  	[tilespmem:$0x38A8] =	vst v0  }
0x387: {  	[tilespmem:$0x38B8] =	vst v0  }
0x388: {  	[tilespmem:$0x38C8] =	vst v0  }
0x389: {  	[tilespmem:$0x38D8] =	vst v0  }
0x38a: {  	[tilespmem:$0x38E8] =	vst v0  }
0x38b: {  	[tilespmem:$0x38F8] =	vst v0  }
0x38c: {  	[tilespmem:$0x3908] =	vst v0  }
0x38d: {  	[tilespmem:$0x3918] =	vst v0  }
0x38e: {  	[tilespmem:$0x3928] =	vst v0  }
0x38f: {  	[tilespmem:$0x3938] =	vst v0  }
0x390: {  	[tilespmem:$0x3948] =	vst v0  }
0x391: {  	[tilespmem:$0x3958] =	vst v0  }
0x392: {  	[tilespmem:$0x3968] =	vst v0  }
0x393: {  	[tilespmem:$0x3978] =	vst v0  }
0x394: {  	[tilespmem:$0x3988] =	vst v0  }
0x395: {  	[tilespmem:$0x3998] =	vst v0  }
0x396: {  	[tilespmem:$0x39A8] =	vst v0  }
0x397: {  	[tilespmem:$0x39B8] =	vst v0  }
0x398: {  	[tilespmem:$0x39C8] =	vst v0  }
0x399: {  	[tilespmem:$0x39D8] =	vst v0  }
0x39a: {  	[tilespmem:$0x39E8] =	vst v0  }
0x39b: {  	[tilespmem:$0x39F8] =	vst v0  }
0x39c: {  	[tilespmem:$0x3A08] =	vst v0  }
0x39d: {  	[tilespmem:$0x3A18] =	vst v0  }
0x39e: {  	[tilespmem:$0x3A28] =	vst v0  }
0x39f: {  	[tilespmem:$0x3A38] =	vst v0  }
0x3a0: {  	[tilespmem:$0x3A48] =	vst v0  }
0x3a1: {  	[tilespmem:$0x3A58] =	vst v0  }
0x3a2: {  	[tilespmem:$0x3A68] =	vst v0  }
0x3a3: {  	[tilespmem:$0x3A78] =	vst v0  }
0x3a4: {  	[tilespmem:$0x3A88] =	vst v0  }
0x3a5: {  	[tilespmem:$0x3A98] =	vst v0  }
0x3a6: {  	[tilespmem:$0x3AA8] =	vst v0  }
0x3a7: {  	[tilespmem:$0x3AB8] =	vst v0  }
0x3a8: {  	[tilespmem:$0x3AC8] =	vst v0  }
0x3a9: {  	[tilespmem:$0x3AD8] =	vst v0  }
0x3aa: {  	[tilespmem:$0x3AE8] =	vst v0  }
0x3ab: {  	[tilespmem:$0x3AF8] =	vst v0  }
0x3ac: {  	[tilespmem:$0x3B08] =	vst v0  }
0x3ad: {  	[tilespmem:$0x3B18] =	vst v0  }
0x3ae: {  	[tilespmem:$0x3B28] =	vst v0  }
0x3af: {  	[tilespmem:$0x3B38] =	vst v0  }
0x3b0: {  	[tilespmem:$0x3B48] =	vst v0  }
0x3b1: {  	[tilespmem:$0x3B58] =	vst v0  }
0x3b2: {  	[tilespmem:$0x3B68] =	vst v0  }
0x3b3: {  	[tilespmem:$0x3B78] =	vst v0  }
0x3b4: {  	[tilespmem:$0x3B88] =	vst v0  }
0x3b5: {  	[tilespmem:$0x3B98] =	vst v0  }
0x3b6: {  	[tilespmem:$0x3BA8] =	vst v0  }
0x3b7: {  	[tilespmem:$0x3BB8] =	vst v0  }
0x3b8: {  	[tilespmem:$0x3BC8] =	vst v0  }
0x3b9: {  	[tilespmem:$0x3BD8] =	vst v0  }
0x3ba: {  	[tilespmem:$0x3BE8] =	vst v0  }
0x3bb: {  	[tilespmem:$0x3BF8] =	vst v0  }
0x3bc: {  	[tilespmem:$0x3C08] =	vst v0  }
0x3bd: {  	[tilespmem:$0x3C18] =	vst v0  }
0x3be: {  	[tilespmem:$0x3C28] =	vst v0  }
0x3bf: {  	[tilespmem:$0x3C38] =	vst v0  }
0x3c0: {  	[tilespmem:$0x3C48] =	vst v0  }
0x3c1: {  	[tilespmem:$0x3C58] =	vst v0  }
0x3c2: {  	[tilespmem:$0x3C68] =	vst v0  }
0x3c3: {  	[tilespmem:$0x3C78] =	vst v0  }
0x3c4: {  	[tilespmem:$0x3C88] =	vst v0  }
0x3c5: {  	[tilespmem:$0x3C98] =	vst v0  }
0x3c6: {  	[tilespmem:$0x3CA8] =	vst v0  }
0x3c7: {  	[tilespmem:$0x3CB8] =	vst v0  }
0x3c8: {  	[tilespmem:$0x3CC8] =	vst v0  }
0x3c9: {  	[tilespmem:$0x3CD8] =	vst v0  }
0x3ca: {  	[tilespmem:$0x3CE8] =	vst v0  }
0x3cb: {  	[tilespmem:$0x3CF8] =	vst v0  }
0x3cc: {  	[tilespmem:$0x3D08] =	vst v0  }
0x3cd: {  	[tilespmem:$0x3D18] =	vst v0  }
0x3ce: {  	[tilespmem:$0x3D28] =	vst v0  }
0x3cf: {  	[tilespmem:$0x3D38] =	vst v0  }
0x3d0: {  	[tilespmem:$0x3D48] =	vst v0  }
0x3d1: {  	[tilespmem:$0x3D58] =	vst v0  }
0x3d2: {  	[tilespmem:$0x3D68] =	vst v0  }
0x3d3: {  	[tilespmem:$0x3D78] =	vst v0  }
0x3d4: {  	[tilespmem:$0x3D88] =	vst v0  }
0x3d5: {  	[tilespmem:$0x3D98] =	vst v0  }
0x3d6: {  	[tilespmem:$0x3DA8] =	vst v0  }
0x3d7: {  	[tilespmem:$0x3DB8] =	vst v0  }
0x3d8: {  	[tilespmem:$0x3DC8] =	vst v0  }
0x3d9: {  	[tilespmem:$0x3DD8] =	vst v0  }
0x3da: {  	[tilespmem:$0x3DE8] =	vst v0  }
0x3db: {  	[tilespmem:$0x3DF8] =	vst v0  }
0x3dc: {  	[tilespmem:$0x3E08] =	vst v0  }
0x3dd: {  	[tilespmem:$0x3E18] =	vst v0  }
0x3de: {  	[tilespmem:$0x3E28] =	vst v0  }
0x3df: {  	[tilespmem:$0x3E38] =	vst v0  }
0x3e0: {  	[tilespmem:$0x3E48] =	vst v0  }
0x3e1: {  	[tilespmem:$0x3E58] =	vst v0  }
0x3e2: {  	[tilespmem:$0x3E68] =	vst v0  }
0x3e3: {  	[tilespmem:$0x3E78] =	vst v0  }
0x3e4: {  	[tilespmem:$0x3E88] =	vst v0  }
0x3e5: {  	[tilespmem:$0x3E98] =	vst v0  }
0x3e6: {  	[tilespmem:$0x3EA8] =	vst v0  }
0x3e7: {  	[tilespmem:$0x3EB8] =	vst v0  }
0x3e8: {  	[tilespmem:$0x3EC8] =	vst v0  }
0x3e9: {  	[tilespmem:$0x3ED8] =	vst v0  }
0x3ea: {  	[tilespmem:$0x3EE8] =	vst v0  }
0x3eb: {  	[tilespmem:$0x3EF8] =	vst v0  }
0x3ec: {  	[tilespmem:$0x3F08] =	vst v0  }
0x3ed: {  	[tilespmem:$0x3F18] =	vst v0  }
0x3ee: {  	[tilespmem:$0x3F28] =	vst v0  }
0x3ef: {  	[tilespmem:$0x3F38] =	vst v0  }
0x3f0: {  	[tilespmem:$0x3F48] =	vst v0  }
0x3f1: {  	[tilespmem:$0x3F58] =	vst v0  }
0x3f2: {  	[tilespmem:$0x3F68] =	vst v0  }
0x3f3: {  	[tilespmem:$0x3F78] =	vst v0  }
0x3f4: {  	[tilespmem:$0x3F88] =	vst v0  }
0x3f5: {  	[tilespmem:$0x3F98] =	vst v0  }
0x3f6: {  	[tilespmem:$0x3FA8] =	vst v0  }
0x3f7: {  	[tilespmem:$0x3FB8] =	vst v0  }
0x3f8: {  	[tilespmem:$0x3FC8] =	vst v0  }
0x3f9: {  	[tilespmem:$0x3FD8] =	vst v0  }
0x3fa: {  	[tilespmem:$0x3FE8] =	vst v0  }
0x3fb: {  	[tilespmem:$0x3FF8] =	vst v0  }
0x3fc: {  	[tilespmem:$0x4008] =	vst v0  }
0x3fd: {  	[tilespmem:$0x4018] =	vst v0  }
0x3fe: {  	[tilespmem:$0x4028] =	vst v0  }
0x3ff: {  	[tilespmem:$0x4038] =	vst v0  }
0x400: {  	[tilespmem:$0x4048] =	vst v0  }
0x401: {  	[tilespmem:$0x4058] =	vst v0  }
0x402: {  	[tilespmem:$0x4068] =	vst v0  }
0x403: {  	[tilespmem:$0x4078] =	vst v0  }
0x404: {  	[tilespmem:$0x4088] =	vst v0  }
0x405: {  	[tilespmem:$0x4098] =	vst v0  }
0x406: {  	[tilespmem:$0x40A8] =	vst v0  }
0x407: {  	[tilespmem:$0x40B8] =	vst v0  }
0x408: {  	[tilespmem:$0x40C8] =	vst v0  }
0x409: {  	[tilespmem:$0x40D8] =	vst v0  }
0x40a: {  	[tilespmem:$0x4108] =	vst v0  }
0x40b: {  	[tilespmem:$0x4118] =	vst v0  }
0x40c: {  	[tilespmem:$0x4128] =	vst v0  }
0x40d: {  	[tilespmem:$0x4138] =	vst v0  }
0x40e: {  	[tilespmem:$0x4148] =	vst v0  }
0x40f: {  	[tilespmem:$0x4158] =	vst v0  }
0x410: {  	[tilespmem:$0x4168] =	vst v0  }
0x411: {  	[tilespmem:$0x4178] =	vst v0  }
0x412: {  	[tilespmem:$0x4188] =	vst v0  }
0x413: {  	[tilespmem:$0x4198] =	vst v0  }
0x414: {  	[tilespmem:$0x41A8] =	vst v0  }
0x415: {  	[tilespmem:$0x41B8] =	vst v0  }
0x416: {  	[tilespmem:$0x41C8] =	vst v0  }
0x417: {  	[tilespmem:$0x41D8] =	vst v0  }
0x418: {  	[tilespmem:$0x41E8] =	vst v0  }
0x419: {  	[tilespmem:$0x41F8] =	vst v0  }
0x41a: {  	[tilespmem:$0x4208] =	vst v0  }
0x41b: {  	[tilespmem:$0x4218] =	vst v0  }
0x41c: {  	[tilespmem:$0x4228] =	vst v0  }
0x41d: {  	[tilespmem:$0x4238] =	vst v0  }
0x41e: {  	[tilespmem:$0x4248] =	vst v0  }
0x41f: {  	[tilespmem:$0x4258] =	vst v0  }
0x420: {  	[tilespmem:$0x4268] =	vst v0  }
0x421: {  	[tilespmem:$0x4278] =	vst v0  }
0x422: {  	[tilespmem:$0x4288] =	vst v0  }
0x423: {  	[tilespmem:$0x4298] =	vst v0  }
0x424: {  	[tilespmem:$0x42A8] =	vst v0  }
0x425: {  	[tilespmem:$0x42B8] =	vst v0  }
0x426: {  	[tilespmem:$0x42C8] =	vst v0  }
0x427: {  	[tilespmem:$0x42D8] =	vst v0  }
0x428: {  	[tilespmem:$0x42E8] =	vst v0  }
0x429: {  	[tilespmem:$0x42F8] =	vst v0  }
0x42a: {  	[tilespmem:$0x4308] =	vst v0  }
0x42b: {  	[tilespmem:$0x4318] =	vst v0  }
0x42c: {  	[tilespmem:$0x4328] =	vst v0  }
0x42d: {  	[tilespmem:$0x4338] =	vst v0  }
0x42e: {  	[tilespmem:$0x4348] =	vst v0  }
0x42f: {  	[tilespmem:$0x4358] =	vst v0  }
0x430: {  	[tilespmem:$0x4368] =	vst v0  }
0x431: {  	[tilespmem:$0x4378] =	vst v0  }
0x432: {  	[tilespmem:$0x4388] =	vst v0  }
0x433: {  	[tilespmem:$0x4398] =	vst v0  }
0x434: {  	[tilespmem:$0x43A8] =	vst v0  }
0x435: {  	[tilespmem:$0x43B8] =	vst v0  }
0x436: {  	[tilespmem:$0x43C8] =	vst v0  }
0x437: {  	[tilespmem:$0x43D8] =	vst v0  }
0x438: {  	[tilespmem:$0x43E8] =	vst v0  }
0x439: {  	[tilespmem:$0x43F8] =	vst v0  }
0x43a: {  	[tilespmem:$0x4408] =	vst v0  }
0x43b: {  	[tilespmem:$0x4418] =	vst v0  }
0x43c: {  	[tilespmem:$0x4428] =	vst v0  }
0x43d: {  	[tilespmem:$0x4438] =	vst v0  }
0x43e: {  	[tilespmem:$0x4448] =	vst v0  }
0x43f: {  	[tilespmem:$0x4458] =	vst v0  }
0x440: {  	[tilespmem:$0x4468] =	vst v0  }
0x441: {  	[tilespmem:$0x4478] =	vst v0  }
0x442: {  	[tilespmem:$0x4488] =	vst v0  }
0x443: {  	[tilespmem:$0x4498] =	vst v0  }
0x444: {  	[tilespmem:$0x44A8] =	vst v0  }
0x445: {  	[tilespmem:$0x44B8] =	vst v0  }
0x446: {  	[tilespmem:$0x44C8] =	vst v0  }
0x447: {  	[tilespmem:$0x44D8] =	vst v0  }
0x448: {  	[tilespmem:$0x44E8] =	vst v0  }
0x449: {  	[tilespmem:$0x44F8] =	vst v0  }
0x44a: {  	[tilespmem:$0x4508] =	vst v0  }
0x44b: {  	[tilespmem:$0x4518] =	vst v0  }
0x44c: {  	[tilespmem:$0x4528] =	vst v0  }
0x44d: {  	[tilespmem:$0x4538] =	vst v0  }
0x44e: {  	[tilespmem:$0x4548] =	vst v0  }
0x44f: {  	[tilespmem:$0x4558] =	vst v0  }
0x450: {  	[tilespmem:$0x4568] =	vst v0  }
0x451: {  	[tilespmem:$0x4578] =	vst v0  }
0x452: {  	[tilespmem:$0x4588] =	vst v0  }
0x453: {  	[tilespmem:$0x4598] =	vst v0  }
0x454: {  	[tilespmem:$0x45A8] =	vst v0  }
0x455: {  	[tilespmem:$0x45B8] =	vst v0  }
0x456: {  	[tilespmem:$0x45C8] =	vst v0  }
0x457: {  	[tilespmem:$0x45D8] =	vst v0  }
0x458: {  	[tilespmem:$0x45E8] =	vst v0  }
0x459: {  	[tilespmem:$0x45F8] =	vst v0  }
0x45a: {  	[tilespmem:$0x4608] =	vst v0  }
0x45b: {  	[tilespmem:$0x4618] =	vst v0  }
0x45c: {  	[tilespmem:$0x4628] =	vst v0  }
0x45d: {  	[tilespmem:$0x4638] =	vst v0  }
0x45e: {  	[tilespmem:$0x4648] =	vst v0  }
0x45f: {  	[tilespmem:$0x4658] =	vst v0  }
0x460: {  	[tilespmem:$0x4668] =	vst v0  }
0x461: {  	[tilespmem:$0x4678] =	vst v0  }
0x462: {  	[tilespmem:$0x4688] =	vst v0  }
0x463: {  	[tilespmem:$0x4698] =	vst v0  }
0x464: {  	[tilespmem:$0x46A8] =	vst v0  }
0x465: {  	[tilespmem:$0x46B8] =	vst v0  }
0x466: {  	[tilespmem:$0x46C8] =	vst v0  }
0x467: {  	[tilespmem:$0x46D8] =	vst v0  }
0x468: {  	[tilespmem:$0x46E8] =	vst v0  }
0x469: {  	[tilespmem:$0x46F8] =	vst v0  }
0x46a: {  	[tilespmem:$0x4708] =	vst v0  }
0x46b: {  	[tilespmem:$0x4718] =	vst v0  }
0x46c: {  	[tilespmem:$0x4728] =	vst v0  }
0x46d: {  	[tilespmem:$0x4738] =	vst v0  }
0x46e: {  	[tilespmem:$0x4748] =	vst v0  }
0x46f: {  	[tilespmem:$0x4758] =	vst v0  }
0x470: {  	[tilespmem:$0x4768] =	vst v0  }
0x471: {  	[tilespmem:$0x4778] =	vst v0  }
0x472: {  	[tilespmem:$0x4788] =	vst v0  }
0x473: {  	[tilespmem:$0x4798] =	vst v0  }
0x474: {  	[tilespmem:$0x47A8] =	vst v0  }
0x475: {  	[tilespmem:$0x47B8] =	vst v0  }
0x476: {  	[tilespmem:$0x47C8] =	vst v0  }
0x477: {  	[tilespmem:$0x47D8] =	vst v0  }
0x478: {  	[tilespmem:$0x47E8] =	vst v0  }
0x479: {  	[tilespmem:$0x47F8] =	vst v0  }
0x47a: {  	[tilespmem:$0x4808] =	vst v0  }
0x47b: {  	[tilespmem:$0x4818] =	vst v0  }
0x47c: {  	[tilespmem:$0x4828] =	vst v0  }
0x47d: {  	[tilespmem:$0x4838] =	vst v0  }
0x47e: {  	[tilespmem:$0x4848] =	vst v0  }
0x47f: {  	[tilespmem:$0x4858] =	vst v0  }
0x480: {  	[tilespmem:$0x4868] =	vst v0  }
0x481: {  	[tilespmem:$0x4878] =	vst v0  }
0x482: {  	[tilespmem:$0x4888] =	vst v0  }
0x483: {  	[tilespmem:$0x4898] =	vst v0  }
0x484: {  	[tilespmem:$0x48A8] =	vst v0  }
0x485: {  	[tilespmem:$0x48B8] =	vst v0  }
0x486: {  	[tilespmem:$0x48C8] =	vst v0  }
0x487: {  	[tilespmem:$0x48D8] =	vst v0  }
0x488: {  	[tilespmem:$0x48E8] =	vst v0  }
0x489: {  	[tilespmem:$0x48F8] =	vst v0  }
0x48a: {  	[tilespmem:$0x4908] =	vst v0  }
0x48b: {  	[tilespmem:$0x4918] =	vst v0  }
0x48c: {  	[tilespmem:$0x4928] =	vst v0  }
0x48d: {  	[tilespmem:$0x4938] =	vst v0  }
0x48e: {  	[tilespmem:$0x4948] =	vst v0  }
0x48f: {  	[tilespmem:$0x4958] =	vst v0  }
0x490: {  	[tilespmem:$0x4968] =	vst v0  }
0x491: {  	[tilespmem:$0x4978] =	vst v0  }
0x492: {  	[tilespmem:$0x4988] =	vst v0  }
0x493: {  	[tilespmem:$0x4998] =	vst v0  }
0x494: {  	[tilespmem:$0x49A8] =	vst v0  }
0x495: {  	[tilespmem:$0x49B8] =	vst v0  }
0x496: {  	[tilespmem:$0x49C8] =	vst v0  }
0x497: {  	[tilespmem:$0x49D8] =	vst v0  }
0x498: {  	[tilespmem:$0x49E8] =	vst v0  }
0x499: {  	[tilespmem:$0x49F8] =	vst v0  }
0x49a: {  	[tilespmem:$0x4A08] =	vst v0  }
0x49b: {  	[tilespmem:$0x4A18] =	vst v0  }
0x49c: {  	[tilespmem:$0x4A28] =	vst v0  }
0x49d: {  	[tilespmem:$0x4A38] =	vst v0  }
0x49e: {  	[tilespmem:$0x4A48] =	vst v0  }
0x49f: {  	[tilespmem:$0x4A58] =	vst v0  }
0x4a0: {  	[tilespmem:$0x4A68] =	vst v0  }
0x4a1: {  	[tilespmem:$0x4A78] =	vst v0  }
0x4a2: {  	[tilespmem:$0x4A88] =	vst v0  }
0x4a3: {  	[tilespmem:$0x4A98] =	vst v0  }
0x4a4: {  	[tilespmem:$0x4AA8] =	vst v0  }
0x4a5: {  	[tilespmem:$0x4AB8] =	vst v0  }
0x4a6: {  	[tilespmem:$0x4AC8] =	vst v0  }
0x4a7: {  	[tilespmem:$0x4AD8] =	vst v0  }
0x4a8: {  	[tilespmem:$0x4AE8] =	vst v0  }
0x4a9: {  	[tilespmem:$0x4AF8] =	vst v0  }
0x4aa: {  	[tilespmem:$0x4B08] =	vst v0  }
0x4ab: {  	[tilespmem:$0x4B18] =	vst v0  }
0x4ac: {  	[tilespmem:$0x4B28] =	vst v0  }
0x4ad: {  	[tilespmem:$0x4B38] =	vst v0  }
0x4ae: {  	[tilespmem:$0x4B48] =	vst v0  }
0x4af: {  	[tilespmem:$0x4B58] =	vst v0  }
0x4b0: {  	[tilespmem:$0x4B68] =	vst v0  }
0x4b1: {  	[tilespmem:$0x4B78] =	vst v0  }
0x4b2: {  	[tilespmem:$0x4B88] =	vst v0  }
0x4b3: {  	[tilespmem:$0x4B98] =	vst v0  }
0x4b4: {  	[tilespmem:$0x4BA8] =	vst v0  }
0x4b5: {  	[tilespmem:$0x4BB8] =	vst v0  }
0x4b6: {  	[tilespmem:$0x4BC8] =	vst v0  }
0x4b7: {  	[tilespmem:$0x4BD8] =	vst v0  }
0x4b8: {  	[tilespmem:$0x4BE8] =	vst v0  }
0x4b9: {  	[tilespmem:$0x4BF8] =	vst v0  }
0x4ba: {  	[tilespmem:$0x4C08] =	vst v0  }
0x4bb: {  	[tilespmem:$0x4C18] =	vst v0  }
0x4bc: {  	[tilespmem:$0x4C28] =	vst v0  }
0x4bd: {  	[tilespmem:$0x4C38] =	vst v0  }
0x4be: {  	[tilespmem:$0x4C48] =	vst v0  }
0x4bf: {  	[tilespmem:$0x4C58] =	vst v0  }
0x4c0: {  	[tilespmem:$0x4C68] =	vst v0  }
0x4c1: {  	[tilespmem:$0x4C78] =	vst v0  }
0x4c2: {  	[tilespmem:$0x4C88] =	vst v0  }
0x4c3: {  	[tilespmem:$0x4C98] =	vst v0  }
0x4c4: {  	[tilespmem:$0x4CA8] =	vst v0  }
0x4c5: {  	[tilespmem:$0x4CB8] =	vst v0  }
0x4c6: {  	[tilespmem:$0x4CC8] =	vst v0  }
0x4c7: {  	[tilespmem:$0x4CD8] =	vst v0  }
0x4c8: {  	[tilespmem:$0x4CE8] =	vst v0  }
0x4c9: {  	[tilespmem:$0x4CF8] =	vst v0  }
0x4ca: {  	[tilespmem:$0x4D08] =	vst v0  }
0x4cb: {  	[tilespmem:$0x4D18] =	vst v0  }
0x4cc: {  	[tilespmem:$0x4D28] =	vst v0  }
0x4cd: {  	[tilespmem:$0x4D38] =	vst v0  }
0x4ce: {  	[tilespmem:$0x4D48] =	vst v0  }
0x4cf: {  	[tilespmem:$0x4D58] =	vst v0  }
0x4d0: {  	[tilespmem:$0x4D68] =	vst v0  }
0x4d1: {  	[tilespmem:$0x4D78] =	vst v0  }
0x4d2: {  	[tilespmem:$0x4D88] =	vst v0  }
0x4d3: {  	[tilespmem:$0x4D98] =	vst v0  }
0x4d4: {  	[tilespmem:$0x4DA8] =	vst v0  }
0x4d5: {  	[tilespmem:$0x4DB8] =	vst v0  }
0x4d6: {  	[tilespmem:$0x4DC8] =	vst v0  }
0x4d7: {  	[tilespmem:$0x4DD8] =	vst v0  }
0x4d8: {  	[tilespmem:$0x4DE8] =	vst v0  }
0x4d9: {  	[tilespmem:$0x4DF8] =	vst v0  }
0x4da: {  	[tilespmem:$0x4E08] =	vst v0  }
0x4db: {  	[tilespmem:$0x4E18] =	vst v0  }
0x4dc: {  	[tilespmem:$0x4E28] =	vst v0  }
0x4dd: {  	[tilespmem:$0x4E38] =	vst v0  }
0x4de: {  	[tilespmem:$0x4E48] =	vst v0  }
0x4df: {  	[tilespmem:$0x4E58] =	vst v0  }
0x4e0: {  	[tilespmem:$0x4E68] =	vst v0  }
0x4e1: {  	[tilespmem:$0x4E78] =	vst v0  }
0x4e2: {  	[tilespmem:$0x4E88] =	vst v0  }
0x4e3: {  	[tilespmem:$0x4E98] =	vst v0  }
0x4e4: {  	[tilespmem:$0x4EA8] =	vst v0  }
0x4e5: {  	[tilespmem:$0x4EB8] =	vst v0  }
0x4e6: {  	[tilespmem:$0x4EC8] =	vst v0  }
0x4e7: {  	[tilespmem:$0x4ED8] =	vst v0  }
0x4e8: {  	[tilespmem:$0x4EE8] =	vst v0  }
0x4e9: {  	[tilespmem:$0x4EF8] =	vst v0  }
0x4ea: {  	[tilespmem:$0x4F08] =	vst v0  }
0x4eb: {  	[tilespmem:$0x4F18] =	vst v0  }
0x4ec: {  	[tilespmem:$0x4F28] =	vst v0  }
0x4ed: {  	[tilespmem:$0x4F38] =	vst v0  }
0x4ee: {  	[tilespmem:$0x4F48] =	vst v0  }
0x4ef: {  	[tilespmem:$0x4F58] =	vst v0  }
0x4f0: {  	[tilespmem:$0x4F68] =	vst v0  }
0x4f1: {  	[tilespmem:$0x4F78] =	vst v0  }
0x4f2: {  	[tilespmem:$0x4F88] =	vst v0  }
0x4f3: {  	[tilespmem:$0x4F98] =	vst v0  }
0x4f4: {  	[tilespmem:$0x4FA8] =	vst v0  }
0x4f5: {  	[tilespmem:$0x4FB8] =	vst v0  }
0x4f6: {  	[tilespmem:$0x4FC8] =	vst v0  }
0x4f7: {  	[tilespmem:$0x4FD8] =	vst v0  }
0x4f8: {  	[tilespmem:$0x4FE8] =	vst v0  }
0x4f9: {  	[tilespmem:$0x4FF8] =	vst v0  }
0x4fa: {  	[tilespmem:$0x5008] =	vst v0  }
0x4fb: {  	[tilespmem:$0x5018] =	vst v0  }
0x4fc: {  	[tilespmem:$0x5028] =	vst v0  }
0x4fd: {  	[tilespmem:$0x5038] =	vst v0  }
0x4fe: {  	[tilespmem:$0x5048] =	vst v0  }
0x4ff: {  	[tilespmem:$0x5058] =	vst v0  }
0x500: {  	[tilespmem:$0x5068] =	vst v0  }
0x501: {  	[tilespmem:$0x5078] =	vst v0  }
0x502: {  	[tilespmem:$0x5088] =	vst v0  }
0x503: {  	[tilespmem:$0x5098] =	vst v0  }
0x504: {  	[tilespmem:$0x50A8] =	vst v0  }
0x505: {  	[tilespmem:$0x50B8] =	vst v0  }
0x506: {  	[tilespmem:$0x50C8] =	vst v0  }
0x507: {  	[tilespmem:$0x50D8] =	vst v0  }
0x508: {  	[tilespmem:$0x50E8] =	vst v0  }
0x509: {  	[tilespmem:$0x50F8] =	vst v0  }
0x50a: {  	[tilespmem:$0x51A8] =	vst v0  }
0x50b: {  	[tilespmem:$0x5FE8] =	vst v0  }
0x50c: {  	[tilespmem:$0x5FD8] =	vst v0  }
0x50d: {  	[tilespmem:$0x5FC8] =	vst v0  }
0x50e: {  	[tilespmem:$0x5FB8] =	vst v0  }
0x50f: {  	[tilespmem:$0x5FA8] =	vst v0  }
0x510: {  	[tilespmem:$0x5F98] =	vst v0  }
0x511: {  	[tilespmem:$0x5F88] =	vst v0  }
0x512: {  	[tilespmem:$0x5F78] =	vst v0  }
0x513: {  	[tilespmem:$0x5F68] =	vst v0  }
0x514: {  	[tilespmem:$0x5F58] =	vst v0  }
0x515: {  	[tilespmem:$0x5F48] =	vst v0  }
0x516: {  	[tilespmem:$0x5F38] =	vst v0  }
0x517: {  	[tilespmem:$0x5F28] =	vst v0  }
0x518: {  	[tilespmem:$0x5F18] =	vst v0  }
0x519: {  	[tilespmem:$0x5F08] =	vst v0  }
0x51a: {  	[tilespmem:$0x5EF8] =	vst v0  }
0x51b: {  	[tilespmem:$0x5EE8] =	vst v0  }
0x51c: {  	[tilespmem:$0x5ED8] =	vst v0  }
0x51d: {  	[tilespmem:$0x5EC8] =	vst v0  }
0x51e: {  	[tilespmem:$0x5EB8] =	vst v0  }
0x51f: {  	[tilespmem:$0x5EA8] =	vst v0  }
0x520: {  	[tilespmem:$0x5E98] =	vst v0  }
0x521: {  	[tilespmem:$0x5E88] =	vst v0  }
0x522: {  	[tilespmem:$0x5E78] =	vst v0  }
0x523: {  	[tilespmem:$0x5E68] =	vst v0  }
0x524: {  	[tilespmem:$0x5E58] =	vst v0  }
0x525: {  	[tilespmem:$0x5E48] =	vst v0  }
0x526: {  	[tilespmem:$0x5E38] =	vst v0  }
0x527: {  	[tilespmem:$0x5E28] =	vst v0  }
0x528: {  	[tilespmem:$0x5E18] =	vst v0  }
0x529: {  	[tilespmem:$0x5E08] =	vst v0  }
0x52a: {  	[tilespmem:$0x5DF8] =	vst v0  }
0x52b: {  	[tilespmem:$0x5DE8] =	vst v0  }
0x52c: {  	[tilespmem:$0x5DD8] =	vst v0  }
0x52d: {  	[tilespmem:$0x5DC8] =	vst v0  }
0x52e: {  	[tilespmem:$0x5DB8] =	vst v0  }
0x52f: {  	[tilespmem:$0x5DA8] =	vst v0  }
0x530: {  	[tilespmem:$0x5D98] =	vst v0  }
0x531: {  	[tilespmem:$0x5D88] =	vst v0  }
0x532: {  	[tilespmem:$0x5D78] =	vst v0  }
0x533: {  	[tilespmem:$0x5D68] =	vst v0  }
0x534: {  	[tilespmem:$0x5D58] =	vst v0  }
0x535: {  	[tilespmem:$0x5D48] =	vst v0  }
0x536: {  	[tilespmem:$0x5D38] =	vst v0  }
0x537: {  	[tilespmem:$0x5D28] =	vst v0  }
0x538: {  	[tilespmem:$0x5D18] =	vst v0  }
0x539: {  	[tilespmem:$0x5D08] =	vst v0  }
0x53a: {  	[tilespmem:$0x5CF8] =	vst v0  }
0x53b: {  	[tilespmem:$0x5CE8] =	vst v0  }
0x53c: {  	[tilespmem:$0x5CD8] =	vst v0  }
0x53d: {  	[tilespmem:$0x5CC8] =	vst v0  }
0x53e: {  	[tilespmem:$0x5CB8] =	vst v0  }
0x53f: {  	[tilespmem:$0x5CA8] =	vst v0  }
0x540: {  	[tilespmem:$0x5C98] =	vst v0  }
0x541: {  	[tilespmem:$0x5C88] =	vst v0  }
0x542: {  	[tilespmem:$0x5C78] =	vst v0  }
0x543: {  	[tilespmem:$0x5C68] =	vst v0  }
0x544: {  	[tilespmem:$0x5C58] =	vst v0  }
0x545: {  	[tilespmem:$0x5C48] =	vst v0  }
0x546: {  	[tilespmem:$0x5C38] =	vst v0  }
0x547: {  	[tilespmem:$0x5C28] =	vst v0  }
0x548: {  	[tilespmem:$0x5C18] =	vst v0  }
0x549: {  	[tilespmem:$0x5C08] =	vst v0  }
0x54a: {  	[tilespmem:$0x5BF8] =	vst v0  }
0x54b: {  	[tilespmem:$0x5BE8] =	vst v0  }
0x54c: {  	[tilespmem:$0x5BD8] =	vst v0  }
0x54d: {  	[tilespmem:$0x5BC8] =	vst v0  }
0x54e: {  	[tilespmem:$0x5BB8] =	vst v0  }
0x54f: {  	[tilespmem:$0x5BA8] =	vst v0  }
0x550: {  	[tilespmem:$0x5B98] =	vst v0  }
0x551: {  	[tilespmem:$0x5B88] =	vst v0  }
0x552: {  	[tilespmem:$0x5B78] =	vst v0  }
0x553: {  	[tilespmem:$0x5B68] =	vst v0  }
0x554: {  	[tilespmem:$0x5B58] =	vst v0  }
0x555: {  	[tilespmem:$0x5B48] =	vst v0  }
0x556: {  	[tilespmem:$0x5B38] =	vst v0  }
0x557: {  	[tilespmem:$0x5B28] =	vst v0  }
0x558: {  	[tilespmem:$0x5B18] =	vst v0  }
0x559: {  	[tilespmem:$0x5B08] =	vst v0  }
0x55a: {  	[tilespmem:$0x5AF8] =	vst v0  }
0x55b: {  	[tilespmem:$0x5AE8] =	vst v0  }
0x55c: {  	[tilespmem:$0x5AD8] =	vst v0  }
0x55d: {  	[tilespmem:$0x5AC8] =	vst v0  }
0x55e: {  	[tilespmem:$0x5AB8] =	vst v0  }
0x55f: {  	[tilespmem:$0x5AA8] =	vst v0  }
0x560: {  	[tilespmem:$0x5A98] =	vst v0  }
0x561: {  	[tilespmem:$0x5A88] =	vst v0  }
0x562: {  	[tilespmem:$0x5A78] =	vst v0  }
0x563: {  	[tilespmem:$0x5A68] =	vst v0  }
0x564: {  	[tilespmem:$0x5A58] =	vst v0  }
0x565: {  	[tilespmem:$0x5A48] =	vst v0  }
0x566: {  	[tilespmem:$0x5A38] =	vst v0  }
0x567: {  	[tilespmem:$0x5A28] =	vst v0  }
0x568: {  	[tilespmem:$0x5A18] =	vst v0  }
0x569: {  	[tilespmem:$0x5A08] =	vst v0  }
0x56a: {  	[tilespmem:$0x59F8] =	vst v0  }
0x56b: {  	[tilespmem:$0x59E8] =	vst v0  }
0x56c: {  	[tilespmem:$0x59D8] =	vst v0  }
0x56d: {  	[tilespmem:$0x59C8] =	vst v0  }
0x56e: {  	[tilespmem:$0x59B8] =	vst v0  }
0x56f: {  	[tilespmem:$0x59A8] =	vst v0  }
0x570: {  	[tilespmem:$0x5998] =	vst v0  }
0x571: {  	[tilespmem:$0x5988] =	vst v0  }
0x572: {  	[tilespmem:$0x5978] =	vst v0  }
0x573: {  	[tilespmem:$0x5968] =	vst v0  }
0x574: {  	[tilespmem:$0x5958] =	vst v0  }
0x575: {  	[tilespmem:$0x5948] =	vst v0  }
0x576: {  	[tilespmem:$0x5938] =	vst v0  }
0x577: {  	[tilespmem:$0x5928] =	vst v0  }
0x578: {  	[tilespmem:$0x5918] =	vst v0  }
0x579: {  	[tilespmem:$0x5908] =	vst v0  }
0x57a: {  	[tilespmem:$0x58F8] =	vst v0  }
0x57b: {  	[tilespmem:$0x58E8] =	vst v0  }
0x57c: {  	[tilespmem:$0x58D8] =	vst v0  }
0x57d: {  	[tilespmem:$0x58C8] =	vst v0  }
0x57e: {  	[tilespmem:$0x58B8] =	vst v0  }
0x57f: {  	[tilespmem:$0x58A8] =	vst v0  }
0x580: {  	[tilespmem:$0x5898] =	vst v0  }
0x581: {  	[tilespmem:$0x5888] =	vst v0  }
0x582: {  	[tilespmem:$0x5878] =	vst v0  }
0x583: {  	[tilespmem:$0x5868] =	vst v0  }
0x584: {  	[tilespmem:$0x5858] =	vst v0  }
0x585: {  	[tilespmem:$0x5848] =	vst v0  }
0x586: {  	[tilespmem:$0x5838] =	vst v0  }
0x587: {  	[tilespmem:$0x5828] =	vst v0  }
0x588: {  	[tilespmem:$0x5818] =	vst v0  }
0x589: {  	[tilespmem:$0x5808] =	vst v0  }
0x58a: {  	[tilespmem:$0x57F8] =	vst v0  }
0x58b: {  	[tilespmem:$0x57E8] =	vst v0  }
0x58c: {  	[tilespmem:$0x57D8] =	vst v0  }
0x58d: {  	[tilespmem:$0x57C8] =	vst v0  }
0x58e: {  	[tilespmem:$0x57B8] =	vst v0  }
0x58f: {  	[tilespmem:$0x57A8] =	vst v0  }
0x590: {  	[tilespmem:$0x5798] =	vst v0  }
0x591: {  	[tilespmem:$0x5788] =	vst v0  }
0x592: {  	[tilespmem:$0x5778] =	vst v0  }
0x593: {  	[tilespmem:$0x5768] =	vst v0  }
0x594: {  	[tilespmem:$0x5758] =	vst v0  }
0x595: {  	[tilespmem:$0x5748] =	vst v0  }
0x596: {  	[tilespmem:$0x5738] =	vst v0  }
0x597: {  	[tilespmem:$0x5728] =	vst v0  }
0x598: {  	[tilespmem:$0x5718] =	vst v0  }
0x599: {  	[tilespmem:$0x5708] =	vst v0  }
0x59a: {  	[tilespmem:$0x56F8] =	vst v0  }
0x59b: {  	[tilespmem:$0x56E8] =	vst v0  }
0x59c: {  	[tilespmem:$0x56D8] =	vst v0  }
0x59d: {  	[tilespmem:$0x56C8] =	vst v0  }
0x59e: {  	[tilespmem:$0x56B8] =	vst v0  }
0x59f: {  	[tilespmem:$0x56A8] =	vst v0  }
0x5a0: {  	[tilespmem:$0x5698] =	vst v0  }
0x5a1: {  	[tilespmem:$0x5688] =	vst v0  }
0x5a2: {  	[tilespmem:$0x5678] =	vst v0  }
0x5a3: {  	[tilespmem:$0x5668] =	vst v0  }
0x5a4: {  	[tilespmem:$0x5658] =	vst v0  }
0x5a5: {  	[tilespmem:$0x5648] =	vst v0  }
0x5a6: {  	[tilespmem:$0x5638] =	vst v0  }
0x5a7: {  	[tilespmem:$0x5628] =	vst v0  }
0x5a8: {  	[tilespmem:$0x5618] =	vst v0  }
0x5a9: {  	[tilespmem:$0x5608] =	vst v0  }
0x5aa: {  	[tilespmem:$0x55F8] =	vst v0  }
0x5ab: {  	[tilespmem:$0x55E8] =	vst v0  }
0x5ac: {  	[tilespmem:$0x55D8] =	vst v0  }
0x5ad: {  	[tilespmem:$0x55C8] =	vst v0  }
0x5ae: {  	[tilespmem:$0x55B8] =	vst v0  }
0x5af: {  	[tilespmem:$0x55A8] =	vst v0  }
0x5b0: {  	[tilespmem:$0x5598] =	vst v0  }
0x5b1: {  	[tilespmem:$0x5588] =	vst v0  }
0x5b2: {  	[tilespmem:$0x5578] =	vst v0  }
0x5b3: {  	[tilespmem:$0x5568] =	vst v0  }
0x5b4: {  	[tilespmem:$0x5558] =	vst v0  }
0x5b5: {  	[tilespmem:$0x5548] =	vst v0  }
0x5b6: {  	[tilespmem:$0x5538] =	vst v0  }
0x5b7: {  	[tilespmem:$0x5528] =	vst v0  }
0x5b8: {  	[tilespmem:$0x5518] =	vst v0  }
0x5b9: {  	[tilespmem:$0x5508] =	vst v0  }
0x5ba: {  	[tilespmem:$0x54F8] =	vst v0  }
0x5bb: {  	[tilespmem:$0x54E8] =	vst v0  }
0x5bc: {  	[tilespmem:$0x54D8] =	vst v0  }
0x5bd: {  	[tilespmem:$0x54C8] =	vst v0  }
0x5be: {  	[tilespmem:$0x54B8] =	vst v0  }
0x5bf: {  	[tilespmem:$0x54A8] =	vst v0  }
0x5c0: {  	[tilespmem:$0x5498] =	vst v0  }
0x5c1: {  	[tilespmem:$0x5488] =	vst v0  }
0x5c2: {  	[tilespmem:$0x5478] =	vst v0  }
0x5c3: {  	[tilespmem:$0x5468] =	vst v0  }
0x5c4: {  	[tilespmem:$0x5458] =	vst v0  }
0x5c5: {  	[tilespmem:$0x5448] =	vst v0  }
0x5c6: {  	[tilespmem:$0x5438] =	vst v0  }
0x5c7: {  	[tilespmem:$0x5428] =	vst v0  }
0x5c8: {  	[tilespmem:$0x5418] =	vst v0  }
0x5c9: {  	[tilespmem:$0x5408] =	vst v0  }
0x5ca: {  	[tilespmem:$0x53F8] =	vst v0  }
0x5cb: {  	[tilespmem:$0x53E8] =	vst v0  }
0x5cc: {  	[tilespmem:$0x53D8] =	vst v0  }
0x5cd: {  	[tilespmem:$0x53C8] =	vst v0  }
0x5ce: {  	[tilespmem:$0x53B8] =	vst v0  }
0x5cf: {  	[tilespmem:$0x53A8] =	vst v0  }
0x5d0: {  	[tilespmem:$0x5398] =	vst v0  }
0x5d1: {  	[tilespmem:$0x5388] =	vst v0  }
0x5d2: {  	[tilespmem:$0x5378] =	vst v0  }
0x5d3: {  	[tilespmem:$0x5368] =	vst v0  }
0x5d4: {  	[tilespmem:$0x5358] =	vst v0  }
0x5d5: {  	[tilespmem:$0x5348] =	vst v0  }
0x5d6: {  	[tilespmem:$0x5338] =	vst v0  }
0x5d7: {  	[tilespmem:$0x5328] =	vst v0  }
0x5d8: {  	[tilespmem:$0x5318] =	vst v0  }
0x5d9: {  	[tilespmem:$0x5308] =	vst v0  }
0x5da: {  	[tilespmem:$0x52F8] =	vst v0  }
0x5db: {  	[tilespmem:$0x52E8] =	vst v0  }
0x5dc: {  	[tilespmem:$0x52D8] =	vst v0  }
0x5dd: {  	[tilespmem:$0x52C8] =	vst v0  }
0x5de: {  	[tilespmem:$0x52B8] =	vst v0  }
0x5df: {  	[tilespmem:$0x52A8] =	vst v0  }
0x5e0: {  	[tilespmem:$0x5298] =	vst v0  }
0x5e1: {  	[tilespmem:$0x5288] =	vst v0  }
0x5e2: {  	[tilespmem:$0x5278] =	vst v0  }
0x5e3: {  	[tilespmem:$0x5268] =	vst v0  }
0x5e4: {  	[tilespmem:$0x5258] =	vst v0  }
0x5e5: {  	[tilespmem:$0x5248] =	vst v0  }
0x5e6: {  	[tilespmem:$0x5238] =	vst v0  }
0x5e7: {  	[tilespmem:$0x5228] =	vst v0  }
0x5e8: {  	[tilespmem:$0x5218] =	vst v0  }
0x5e9: {  	[tilespmem:$0x5208] =	vst v0  }
0x5ea: {  	[tilespmem:$0x51F8] =	vst v0  }
0x5eb: {  	[tilespmem:$0x51E8] =	vst v0  }
0x5ec: {  	s10 =	stileid.u32;
	[tilespmem:$0x51D8] =	vst v0  }
0x5ed: {  	s0 =	smul.u32 $0x52, s10;
	[tilespmem:$0x51C8] =	vst v0  }
0x5ee: {  	s1 =	smin.u32 s10, $0x4;
	[tilespmem:$0x51B8] =	vst v0  }
0x5ef: {  	[tilespmem:$0x5188] =	vst v0;
	s0 =	sadd.s32 s1, s0  }
0x5f0: {  	p0 =	slt.u32 s10, $0x4;
	[tilespmem:$0x5198] =	vst v0;
	s1 =	simm.s32 $0x6290;
	s8 =	smul.u32 $0x130, s0  }
0x5f1: {  	s1 =	simm.s32 @!p0 $0x6160;
	[tilespmem:$0x5178] =	vst v0  }
0x5f2: {  	[tilespmem:$0x5118] =	vst v0;
	s0 =	sadd.s32 s1, s8  }
0x5f3: {  	s6 =	simm.s32 $0x2;
	s29 =	simm.s32 $0x9;
	[tilespmem:$0x5168] =	vst v0;
	s9 =	smin.u32 s0, $0x61A80  }
0x5f4: {  	s30 =	simm.s32 $0xA;
	s12 =	simm.s32 $0xB;
	[tilespmem:$0x5158] =	vst v0;
	s0 =	ssub.s32 s9, s8  }
0x5f5: {  	s18 =	simm.s32 $0x0;
	p1 =	por $0x0, $0x0;
	[tilespmem:$0x5148] =	vst v0;
	p0 =	sgt.s32 s0, $0x0  }
0x5f6: {  	s19 =	simm.s32 $0xC;
	s23 =	simm.s32 $0x0;
	[tilespmem:$0x5138] =	vst v0;
	s0 =	simm.s32 @!p0 $0x0  }
0x5f7: {  	s20 =	simm.s32 $0x0;
	s22 =	simm.s32 $0x0;
	[tilespmem:$0x5128] =	vst v0;
	s28 =	smulhi.u32 $0x6BCA1AF3, s0  }
0x5f8: {  	s2 =	sand.u32 $0x1, s2;
	s31 =	smul.u32 $0x280, s10;
	[tilespmem:$0x5108] =	vst v0;
	[sflag:s6] =	ssyncpa.u1 $0x0  }
0x5f9: {  	v0 =	vimm.s32 $0xFFFFFFFF;
	[dreg:$0x4] =	wrdreg s2;
	s2 =	smul.u32 $0xC350, s2;
	s1 =	sshrl.u32 s28, $0x7  }
0x5fa: {  	s5 =	sadd.s32 $0x119400, s4;
	[tilespmem:$0xBF48] =	vst v0;
	[sflag:s29] =	ssyncpa.u1 $0x0;
	s7 =	smul.u32 $0x130, s1  }
.Ltmp0:
0x5fb: {  	s16 =	sshrl.u32 s31, $0x2;
	s2 =	sadd.s32 s2, s4;
	(pc) =	sbr.rel .LBB2_1-.Ltmp0, $4  }
0x5fc: {  	[sflag:s30] =	ssyncpa.u1 $0x0;
	p0 =	sne.s32 s0, s7;
	s0 =	simm.s32 $0x1  }
0x5fd: {  	s4 =	sadd.s32 $0xD35C00, s4;
	[sflag:s12] =	ssyncpa.u1 $0x0;
	s0 =	simm.s32 @!p0 $0x0  }
0x5fe: {  	s14 =	sadd.s32 $0x100C00, s2;
	s15 =	sadd.s32 $0x200, s2;
	s13 =	sadd.s32 s0, s1  }
0x5ff: {  	v0 =	vlaneseq.u32;
	s21 =	smov.u32 s8;
	p0 =	por $0x1, $0x1;
	s17 =	sadd.s32 $0x1, s13  }
.LBB2_22:
0x600: {  	s0 =	sshrl.u32 s0, $0x2  }
.LBB2_24:
0x601: {  	_ =	swait.ge [sflag:s19], s0  }
0x602: {  	s30 =	ssub.s32 $0x0, s0;
	v1 =	vmov s25;
	vm0 =	veq.s32 v0, $0x0;
	[sflag:s19] =	ssyncset.done $0x0  }
0x603: {  	vm15 =	veq.s32 v0, $0x2;
	v1 =	vsel vm0, s31, v1;
	[sflag:s19] =	ssyncadd.s32 s30  }
0x604: {  	v1 =	vsel vm15, s23, v1;
	[sflag:s19] =	ssyncpa.u1 $0x1  }
0x605: {  	[tilespmem:$0xBF48] =	vst v1  }
.LBB2_25:
0x606: {  	s0 =	sadd.s32 $0x130, s21  }
0x607: {  	s1 =	smov.u32 s8;
	p2 =	slt.s32 s0, s9  }
0x608: {  	s1 =	smov.u32 @p2 s0;
	p2 =	sne.s32 s22, s17  }
.Ltmp1:
0x609: {  	_ = 	snop;
	(pc) =	sbr.rel @!p2 .LBB2_26-.Ltmp1, $4  }
0x60a: {  	_ = 	snop  }
0x60b: {  	s23 =	smov.u32 s20  }
0x60c: {  	s31 =	sadd.s32 $0x1, s22;
	s20 =	smov.u32 s21;
	p0 =	por !p0, !p0  }
0x60d: {  	p1 =	por !p1, !p1;
	s22 =	smov.u32 s31;
	s21 =	smov.u32 s1  }
.LBB2_1:
0x60e: {  	p2 =	sge.u32 s22, s13  }
0x60f: {  	s0 =	smulhi.u32 @!p2 $0xAAAAAAAB, s22  }
0x610: {  	s1 =	smov.u32 s21;
	p3 =	sgt.s32 @!p2 s21, $0x61950  }
0x611: {  	s2 =	sshra.s32 @!p2 s21, $0x1F;
	p3 =	por !p3, p2;
	s0 =	sshrl.u32 @!p2 s0, $0x1  }
0x612: {  	s2 =	sand.u32 @!p2 s2, s21;
	s1 =	simm.s32 @p3 $0x61950;
	s0 =	smul.u32 @!p2 $0x3, s0  }
0x613: {  	s1 =	ssub.s32 @!p2 s1, s2  }
0x614: {  	s1 =	sadd.s32 @!p2 $0xFFF9E6B0, s1;
	s0 =	ssub.s32 @!p2 s22, s0  }
0x615: {  	s2 =	sshll.u32 @!p2 s1, $0x2;
	p3 =	sgt.s32 @!p2 s1, $0x12F;
	s0 =	smul.u32 @!p2 $0x4C0, s0  }
0x616: {  	s6 =	sand.u32 @!p2 $0x7, s21;
	s1 =	ssub.s32 @!p2 $0x4C0, s2;
	p3 =	por !p3, p2  }
0x617: {  	s2 =	sshrl.u32 @!p2 s21, $0x3;
	s1 =	sshrl.u32 @!p2 s1, $0x2;
	s0 =	sshrl.u32 @!p2 s0, $0x2  }
0x618: {  	s2 =	sadd.s32 @!p2 s2, s14;
	s1 =	simm.s32 @!p3 $0x0;
	s0 =	sadd.s32 @!p2 $0xC988, s0  }
0x619: {  	[tilespmem:s0], [sflag:$0xA] =	stream.linear.gather @!p2 [hbm4b:s2+s6], s1, $0x38;
	[tilespmem:$0x1FF78] =	vst v63  }
0x61a: {  	s1 =	sadd.s32 $0xFFFFFFFF, s22  }
0x61b: {  	p2 =	sge.u32 s1, s13  }
0x61c: {  	p3 =	sgt.s32 @!p2 s20, $0x61950  }
0x61d: {  	s0 =	smov.u32 s20;
	s2 =	sshra.s32 @!p2 s20, $0x1F;
	p3 =	por !p3, p2  }
0x61e: {  	s2 =	sand.u32 @!p2 s2, s20;
	s0 =	simm.s32 @p3 $0x61950  }
0x61f: {  	s0 =	ssub.s32 @!p2 s0, s2  }
0x620: {  	s0 =	sadd.s32 @!p2 $0xFFF9E6B0, s0  }
0x621: {  	s2 =	sshll.u32 @!p2 s0, $0x2  }
0x622: {  	p3 =	sgt.s32 @!p2 s0, $0x12F;
	s0 =	ssub.s32 @!p2 $0x4C0, s2  }
0x623: {  	p3 =	por !p3, p2;
	s0 =	sshrl.u32 @!p2 s0, $0x2  }
0x624: {  	s6 =	simm.s32 @!p2 $0xA;
	s2 =	sand.u32 @!p2 $0x1, s1;
	s0 =	simm.s32 @!p3 $0x0  }
0x625: {  	s2 =	smul.u32 @!p2 $0x4C0, s2;
	_ =	swait.ge @!p2 [sflag:s6], s0  }
0x626: {  	s7 =	ssub.s32 @!p2 $0x0, s0;
	[sflag:s6] =	ssyncset.done @!p2 $0x0  }
0x627: {  	s2 =	sshrl.u32 @!p2 s2, $0x2;
	[sflag:s6] =	ssyncadd.s32 @!p2 s7;
	s6 =	sshrl.u32 @!p2 s20, $0x3  }
0x628: {  	s2 =	sadd.s32 @!p2 $0xCD18, s2;
	s7 =	sand.u32 @!p2 $0x7, s20;
	s6 =	sadd.s32 @!p2 s6, s15  }
0x629: {  	[tilespmem:s2], [sflag:$0xB] =	stream.linear.gather @!p2 [hbm4b:s6+s7], s0, $0x38;
	[tilespmem:$0x1FF78] =	vst v63  }
0x62a: {  	s0 =	ssub.s32 @!p2 $0x61A80, s20  }
0x62b: {  	p3 =	slt.s32 @!p2 s0, $0x1  }
0x62c: {  	p3 =	por p2, p3  }
.Ltmp2:
0x62d: {  	_ = 	snop;
	(pc) =	sbr.rel @p3 .LBB2_7-.Ltmp2, $1  }
0x62e: {  	_ =	sdelay $0x3  }
0x62f: {  	s2 =	smulhi.u32 $0xAAAAAAAB, s1;
	_ =	sdelay $0x1  }
0x630: {  	s2 =	sshrl.u32 s2, $0x1  }
0x631: {  	s2 =	smul.u32 $0x3, s2;
	_ =	sdelay $0x1  }
0x632: {  	s29 =	ssub.s32 s1, s2  }
0x633: {  	s6 =	simm.s32 $0x1;
	s1 =	smul.u32 $0x4C0, s29  }
.Ltmp3:
0x634: {  	s6 =	simm.s32 @!p0 $0x0;
	(pc) =	sbr.rel .LBB2_4-.Ltmp3, $4  }
0x635: {  	s30 =	smul.u32 $0x26000, s6  }
0x636: {  	p3 =	slt.s32 @!p2 s0, $0x130;
	s1 =	sshrl.u32 s1, $0x2  }
0x637: {  	p2 =	por !p3, p2;
	s2 =	sshrl.u32 s30, $0x2;
	s31 =	sadd.s32 $0xC988, s1  }
0x638: {  	s24 =	simm.s32 $0x0;
	s0 =	simm.s32 @p2 $0x130;
	s1 =	sadd.s32 $0xCF78, s2;
	v1 =	vmov s31  }
.LBB2_3:
0x639: {  	p2 =	sge.s32 s24, s0  }
.Ltmp4:
0x63a: {  	_ = 	snop;
	(pc) =	sbr.rel @p2 .LBB2_7-.Ltmp4, $2  }
0x63b: {  	_ =	sdelay $0x2  }
0x63c: {  	s1 =	sadd.s32 $0x800, s1  }
.LBB2_4:
0x63d: {  	p2 =	sle.s32 s0, s24  }
.Ltmp5:
0x63e: {  	_ = 	snop;
	(pc) =	sbr.rel @p2 .LBB2_3-.Ltmp5, $2  }
0x63f: {  	_ =	sdelay $0x2  }
0x640: {  	s2 =	smov.u32 s24;
	s24 =	sadd.s32 $0x10, s24  }
0x641: {  	s6 =	ssub.s32 s0, s2  }
0x642: {  	p2 =	slt.s32 s6, $0x10  }
0x643: {  	s6 =	simm.s32 @!p2 $0x10  }
0x644: {  	v2 =	vmov s6  }
0x645: {  	vm0 =	vgt.s32 v2, v0;
	_ =	sdelay $0x5  }
0x646: {  	v2 =	vld.idx.msk [tilespmem:v1+s2+$0x0 ss:$0x1], vm0;
	_ =	sdelay $0x2  }
0x647: {  	s7 =	smov.u32 s0;
	p2 =	slt.s32 s24, s0  }
0x648: {  	s25 =	simm.s32 $0x0;
	s7 =	smov.u32 @p2 s24;
	s6 =	smov.u32 s1  }
.LBB2_6:
0x649: {  	(v2sf) =	vpush v2, s25;
	_ =	sdelay $0xc  }
0x64a: {  	s25 =	sadd.s32 $0x1, s25  }
0x64b: {  	s31 =	sadd.s32 s25, s2  }
0x64c: {  	p2 =	slt.s32 s31, s7;
	s10 =	spop (v2sf)  }
.Ltmp6:
0x64d: {  	s10 =	sshll.u32 s10, $0x4;
	(pc) =	sbr.rel @p2 .LBB2_6-.Ltmp6, $4  }
0x64e: {  	s10 =	sand.u32 $0x1FFFFFF0, s10  }
0x64f: {  	s10 =	sadd.s32 s4, s10  }
0x650: {  	[tilespmem:s6], [sflag:$0x9] =	stream.linear.gather [hbm4b:s10+s18], $0x41, $0x38;
	[tilespmem:$0x1FF78] =	vst v63  }
0x651: {  	s6 =	sadd.s32 $0x80, s6  }
.Ltmp7:
0x652: {  	_ = 	snop;
	(pc) =	sbr.rel .LBB2_3-.Ltmp7, $1  }
0x653: {  	_ =	sdelay $0x3  }
.LBB2_7:
0x654: {  	p2 =	slt.u32 s22, $0x2  }
.Ltmp8:
0x655: {  	_ = 	snop;
	(pc) =	sbr.rel @p2 .LBB2_25-.Ltmp8, $1  }
0x656: {  	_ =	sdelay $0x3  }
0x657: {  	s0 =	ssub.s32 $0x61A80, s23;
	p2 =	sgt.s32 s23, $0x61950  }
0x658: {  	s1 =	smov.u32 s23;
	s2 =	sshra.s32 s23, $0x1F;
	p3 =	slt.s32 s0, $0x130  }
0x659: {  	s1 =	simm.s32 @!p2 $0x61950;
	s2 =	sand.u32 s2, s23;
	s0 =	simm.s32 @!p3 $0x130  }
0x65a: {  	s1 =	ssub.s32 s1, s2;
	s0 =	smul.u32 $0x104, s0  }
0x65b: {  	s1 =	sadd.s32 $0xFFF9E6B0, s1  }
0x65c: {  	s29 =	simm.s32 $0x9;
	s25 =	sshll.u32 s1, $0x2;
	s0 =	sshrl.u32 s0, $0x2  }
0x65d: {  	p2 =	sgt.s32 s1, $0x12F;
	s26 =	ssub.s32 $0x4C0, s25;
	_ =	swait.ge [sflag:s29], s0  }
0x65e: {  	s0 =	ssub.s32 $0x0, s0;
	s1 =	sshrl.u32 s26, $0x2;
	[sflag:s29] =	ssyncset.done $0x0  }
0x65f: {  	s1 =	simm.s32 @p2 $0x0;
	[sflag:s29] =	ssyncadd.s32 s0  }
0x660: {  	_ =	swait.ge [sflag:s12], s1  }
0x661: {  	s30 =	ssub.s32 $0x0, s1;
	[sflag:s12] =	ssyncset.done $0x0  }
0x662: {  	[sflag:s12] =	ssyncadd.s32 s30  }
0x663: {  	v1 =	vld [tilespmem:$0xBF48];
	_ =	sdelay $0x4  }
0x664: {  	(v2sf) =	vpush v1, $0x0  }
0x665: {  	(v2sf) =	vpush v1, $0x1  }
0x666: {  	(v2sf) =	vpush v1, $0x2;
	_ =	sdelay $0x3  }
0x667: {  	s0 =	sadd.s32 $0x130, s23  }
0x668: {  	p2 =	slt.s32 s9, s0;
	s1 =	ssub.s32 $0xC3500, s23  }
0x669: {  	s0 =	smov.u32 @p2 s9;
	p2 =	sgt.s32 s1, $0x0  }
0x66a: {  	s0 =	ssub.s32 s0, s23;
	s1 =	simm.s32 @!p2 $0x0  }
0x66b: {  	p2 =	slt.s32 s1, s0  }
0x66c: {  	s0 =	smov.u32 @p2 s1  }
0x66d: {  	s26 =	simm.s32 $0x1;
	p2 =	slt.s32 s0, $0x1  }
.Ltmp9:
0x66e: {  	s26 =	simm.s32 @!p1 $0x0;
	(pc) =	sbr.rel @p2 .LBB2_12-.Ltmp9, $4  }
0x66f: {  	s31 =	smul.u32 $0x4C0, s26  }
0x670: {  	s28 =	spop (v2sf)  }
0x671: {  	s2 =	sshrl.u32 s31, $0x2;
	s1 =	spop (v2sf)  }
0x672: {  	s24 =	sadd.s32 $0xCD18, s2;
	s23 =	spop (v2sf)  }
0x673: {  	s2 =	smin.u32 s0, $0x10  }
0x674: {  	v1 =	vmov s2  }
0x675: {  	p3 =	sgt.s32 s0, $0x10;
	vm1 =	vgt.u32 v1, v0  }
.Ltmp10:
0x676: {  	_ = 	snop;
	(pc) =	sbr.rel @!p3 .LBB2_11-.Ltmp10, $2  }
0x677: {  	_ =	sdelay $0x2  }
0x678: {  	s25 =	simm.s32 $0x10;
	s29 =	sadd.s32 $0xFFFFFFF0, s0;
	s2 =	smov.u32 s24;
	vm0 =	vmmov vm1  }
.LBB2_10:
0x679: {  	s6 =	smin.u32 s29, $0x10;
	s25 =	sadd.s32 $0x10, s25;
	v1 =	vld.msk [tilespmem:s2+$0x0 ss:$0x1], vm1  }
0x67a: {  	v2 =	vmov s6;
	p3 =	slt.s32 s25, s0  }
0x67b: {  	vm1 =	vgt.u32 v2, v0  }
.Ltmp11:
0x67c: {  	(pc) =	sbr.rel @p3 .LBB2_10-.Ltmp11, $3  }
0x67d: {  	_ =	sdelay $0x1  }
0x67e: {  	v1 =	vshll.u32 v1, $0x4  }
0x67f: {  	s29 =	sadd.s32 $0xFFFFFFF0, s29;
	[tilespmem:s2+$0x0] =	vst.msk vm0, v1;
	s2 =	sadd.s32 $0x10, s2;
	vm0 =	vmmov vm1  }
.LBB2_11:
0x680: {  	_ =	sdelay $0x4  }
0x681: {  	v1 =	vld.msk [tilespmem:s2+$0x0 ss:$0x1], vm1;
	_ =	sdelay $0x4  }
0x682: {  	v1 =	vshll.u32 v1, $0x4  }
0x683: {  	[tilespmem:s2+$0x0] =	vst.msk vm0, v1  }
.LBB2_12:
0x684: {  	s2 =	sand.u32 $0x1, s22  }
0x685: {  	s2 =	smul.u32 $0x130, s2  }
0x686: {  	p3 =	sne.s32 s1, $0xFFFFFFFF  }
0x687: {  	v1 =	vld.msk @!p3 [tilespmem:s2+$0xCD18], $0x1;
	_ =	sdelay $0x4  }
0x688: {  	(v2sf) =	vpush @!p3 v1, $0x0;
	_ =	sdelay $0xc  }
.Ltmp12:
0x689: {  	_ = 	snop;
	(pc) =	sbr.rel @p2 .LBB2_23-.Ltmp12, $4  }
0x68a: {  	_ = 	snop  }
0x68b: {  	s30 =	spop @!p3 (v2sf)  }
0x68c: {  	s23 =	simm.s32 @!p3 $0x0;
	s25 =	smov.u32 s30  }
0x68d: {  	[sflag:s19] =	ssyncpa.u1 $0x0;
	s30 =	smov.u32 @p3 s28;
	s25 =	smov.u32 @p3 s1  }
0x68e: {  	v1 =	vld.msk [tilespmem:s24+$0x0], $0x1;
	_ =	sdelay $0x4  }
0x68f: {  	(v2sf) =	vpush v1, $0x0;
	_ =	sdelay $0xd  }
0x690: {  	s2 =	smul.u32 $0x26000, s26  }
0x691: {  	s26 =	ssub.s32 $0x0, s0;
	s28 =	simm.s32 $0x0;
	s1 =	spop (v2sf)  }
0x692: {  	s7 =	smov.u32 s30;
	s0 =	sadd.s32 $0x1, s26;
	p2 =	seq.s32 s30, s1  }
0x693: {  	p4 =	seq.s32 s0, $0x0;
	p3 =	sgt.s32 @!p2 s30, $0x0;
	s6 =	smul.u32 @!p2 $0x140, s28  }
.Ltmp13:
0x694: {  	s2 =	sshrl.u32 s2, $0x2;
	p3 =	por !p3, p2;
	(pc) =	sbr.rel @p4 .LBB2_15-.Ltmp13, $4  }
0x695: {  	s29 =	sadd.s32 $0xCF98, s2;
	s7 =	simm.s32 @p3 $0x0  }
0x696: {  	s2 =	simm.s32 @!p2 $0x1;
	s6 =	sshra.s32 @!p2 s6, $0x2;
	s10 =	smin.u32 @!p2 s7, $0x249EF7  }
0x697: {  	s2 =	smov.u32 @p2 s28;
	s7 =	sadd.s32 @!p2 $0x5FF8, s6;
	s31 =	sand.u32 @!p2 $0x3FFFF8, s10  }
0x698: {  	s6 =	sand.u32 @!p2 $0x7, s10;
	s10 =	sadd.s32 @!p2 s5, s31;
	s31 =	sadd.s32 $0x1, s24  }
.LBB2_14:
0x699: {  	s11 =	smov.u32 s2  }
0x69a: {  	[tilespmem:s7], [sflag:$0x2] =	stream.linear.gather @!p2 [hbm4b:s10+s6], $0x41, $0x38;
	[tilespmem:$0x1FF78] =	vst v63  }
0x69b: {  	s0 =	sadd.s32 $0x1, s0;
	s6 =	smov.u32 s1;
	v1 =	vld.msk [tilespmem:s31+$0x0], $0x1  }
0x69c: {  	p3 =	seq.s32 s0, $0x0;
	_ =	sdelay $0x3  }
0x69d: {  	(v2sf) =	vpush v1, $0x0;
	_ =	sdelay $0xe  }
0x69e: {  	s1 =	spop (v2sf)  }
0x69f: {  	p2 =	seq.s32 s6, s1  }
0x6a0: {  	p4 =	sgt.s32 @!p2 s6, $0x0;
	s7 =	smul.u32 @!p2 $0x140, s2;
	s2 =	sadd.s32 @!p2 $0x1, s2  }
.Ltmp14:
0x6a1: {  	p4 =	por !p4, p2;
	s2 =	smov.u32 @p2 s11;
	(pc) =	sbr.rel @!p3 .LBB2_14-.Ltmp14, $4  }
0x6a2: {  	s6 =	simm.s32 @p4 $0x0;
	s7 =	sshra.s32 @!p2 s7, $0x2  }
0x6a3: {  	s6 =	smin.u32 @!p2 s6, $0x249EF7;
	s7 =	sadd.s32 @!p2 $0x5FF8, s7  }
0x6a4: {  	s10 =	sand.u32 @!p2 $0x3FFFF8, s6;
	s6 =	sand.u32 @!p2 $0x7, s6  }
0x6a5: {  	s31 =	sadd.s32 $0x1, s31;
	s10 =	sadd.s32 @!p2 s5, s10  }
.LBB2_15:
0x6a6: {  	s0 =	smul.u32 $0x104, s2  }
0x6a7: {  	[tilespmem:s7], [sflag:$0x2] =	stream.linear.gather @!p2 [hbm4b:s10+s6], $0x41, $0x38;
	[tilespmem:$0x1FF78] =	vst v63  }
.Ltmp15:
0x6a8: {  	_ = 	snop;
	(pc) =	sbr.rel .LBB2_16-.Ltmp15, $4  }
0x6a9: {  	s1 =	simm.s32 $0x2;
	s0 =	sshrl.u32 s0, $0x2  }
0x6aa: {  	_ =	swait.ge [sflag:s1], s0  }
0x6ab: {  	s0 =	ssub.s32 $0x0, s0;
	[sflag:s1] =	ssyncset.done $0x0  }
0x6ac: {  	[sflag:s1] =	ssyncadd.s32 s0;
	s0 =	simm.s32 $0x0  }
.LBB2_17:
0x6ad: {  	v1 =	vld [tilespmem:s29+$0xFFFFFFE0];
	_ =	sdelay $0x4  }
0x6ae: {  	[tilespmem:s1+$0xA8] =	vst.add.f32.msk $0xffff, v1  }
0x6af: {  	v1 =	vld [tilespmem:s29+$0xFFFFFFF0];
	_ =	sdelay $0x4  }
0x6b0: {  	[tilespmem:s1+$0xB8] =	vst.add.f32.msk $0xffff, v1  }
0x6b1: {  	v1 =	vld [tilespmem:s29+$0x0];
	_ =	sdelay $0x4  }
0x6b2: {  	[tilespmem:s1+$0xC8] =	vst.add.f32.msk $0xffff, v1  }
0x6b3: {  	v1 =	vld [tilespmem:s29+$0x10];
	_ =	sdelay $0x4  }
0x6b4: {  	[tilespmem:s1+$0xD8] =	vst.add.f32.msk $0xffff, v1  }
0x6b5: {  	v1 =	vld.msk [tilespmem:s29+$0x20], $0x1;
	_ =	sdelay $0x4  }
0x6b6: {  	[tilespmem:s1+$0xE8] =	vst.add.f32.msk $0x1, v1  }
.LBB2_21:
0x6b7: {  	s26 =	sadd.s32 $0x1, s26  }
0x6b8: {  	p2 =	seq.s32 s26, $0x0  }
.Ltmp16:
0x6b9: {  	_ = 	snop;
	(pc) =	sbr.rel @p2 .LBB2_22-.Ltmp16, $2  }
0x6ba: {  	_ =	sdelay $0x2  }
0x6bb: {  	s24 =	sadd.s32 $0x1, s24;
	s29 =	sadd.s32 $0x80, s29;
	s30 =	smov.u32 s31  }
.LBB2_16:
0x6bc: {  	v1 =	vld.msk [tilespmem:s24+$0x0], $0x1;
	_ =	sdelay $0x4  }
0x6bd: {  	(v2sf) =	vpush v1, $0x0;
	_ =	sdelay $0xe  }
0x6be: {  	s31 =	spop (v2sf)  }
0x6bf: {  	p2 =	sne.s32 s30, s31  }
.Ltmp17:
0x6c0: {  	_ = 	snop;
	(pc) =	sbr.rel @!p2 .LBB2_17-.Ltmp17, $3  }
0x6c1: {  	_ = 	snop  }
0x6c2: {  	s1 =	smul.u32 $0x140, s23;
	_ =	sdelay $0x1  }
0x6c3: {  	s1 =	sshra.s32 s1, $0x2  }
0x6c4: {  	p2 =	seq.s32 s30, s25  }
.Ltmp18:
0x6c5: {  	_ = 	snop;
	(pc) =	sbr.rel @!p2 .LBB2_19-.Ltmp18, $1  }
0x6c6: {  	_ =	sdelay $0x3  }
.Ltmp19:
0x6c7: {  	s1 =	sadd.s32 $0xA8, s1;
	(pc) =	sbr.rel .LBB2_20-.Ltmp19, $4  }
0x6c8: {  	[spmem:s16] =	stream.linear.scatter [tilespmem:s1], [sflag:$0x1], $0x41, $0x38;
	[tilespmem:$0x1FF78] =	vst v63  }
0x6c9: {  	_ =	swait.ge [sflag:s3], $0x41  }
0x6ca: {  	[sflag:s3] =	ssyncset.done $0x0  }
0x6cb: {  	[sflag:s3] =	ssyncadd.s32 $0xFFFFFFBF  }
.LBB2_19:
0x6cc: {  	s2 =	smul.u32 $0x140, s28;
	_ =	sdelay $0x1  }
0x6cd: {  	s2 =	sshra.s32 s2, $0x2  }
0x6ce: {  	v1 =	vld [tilespmem:s2+$0x5FF8];
	_ =	sdelay $0x4  }
0x6cf: {  	[tilespmem:s1+$0xA8] =	vst.add.f32.msk $0xffff, v1  }
0x6d0: {  	v1 =	vld [tilespmem:s2+$0x6008];
	_ =	sdelay $0x4  }
0x6d1: {  	[tilespmem:s1+$0xB8] =	vst.add.f32.msk $0xffff, v1  }
0x6d2: {  	v1 =	vld [tilespmem:s2+$0x6018];
	_ =	sdelay $0x4  }
0x6d3: {  	[tilespmem:s1+$0xC8] =	vst.add.f32.msk $0xffff, v1  }
0x6d4: {  	v1 =	vld [tilespmem:s2+$0x6028];
	_ =	sdelay $0x4  }
0x6d5: {  	[tilespmem:s1+$0xD8] =	vst.add.f32.msk $0xffff, v1  }
0x6d6: {  	v1 =	vld.msk [tilespmem:s2+$0x6038], $0x1;
	_ =	sdelay $0x2  }
0x6d7: {  	p2 =	sgt.u32 s30, $0x249EF7  }
0x6d8: {  	s2 =	sand.u32 @!p2 $0x3FFFF8, s30  }
0x6d9: {  	s6 =	sadd.s32 $0xA8, s1;
	[tilespmem:s1+$0xE8] =	vst.add.f32.msk $0x1, v1;
	s1 =	sadd.s32 @!p2 s5, s2;
	s2 =	sand.u32 @!p2 $0x7, s30  }
0x6da: {  	[hbm4b:s1+s2] =	stream.linear.scatter @!p2 [tilespmem:s6], [sflag:$0xC], $0x41, $0x38;
	[tilespmem:$0x1FF78] =	vst v63  }
0x6db: {  	s1 =	simm.s32 $0x0  }
0x6dc: {  	s1 =	simm.s32 @!p2 $0x104  }
0x6dd: {  	s0 =	sadd.s32 s1, s0  }
.LBB2_20:
0x6de: {  	s1 =	sadd.s32 $0x1, s23  }
0x6df: {  	s2 =	sshrl.u32 s1, $0x4  }
0x6e0: {  	s2 =	smulhi.u32 $0xD79435F, s2;
	_ =	sdelay $0x1  }
0x6e1: {  	s2 =	smul.u32 $0x130, s2  }
0x6e2: {  	v1 =	vld [tilespmem:s29+$0xFFFFFFE0]  }
0x6e3: {  	s23 =	ssub.s32 s1, s2  }
0x6e4: {  	s1 =	smul.u32 $0x140, s23;
	_ =	sdelay $0x1  }
0x6e5: {  	s1 =	sshrl.u32 s1, $0x2  }
0x6e6: {  	[tilespmem:s1+$0xA8] =	vst v1  }
0x6e7: {  	v1 =	vld [tilespmem:s29+$0xFFFFFFF0];
	_ =	sdelay $0x4  }
0x6e8: {  	[tilespmem:s1+$0xB8] =	vst v1  }
0x6e9: {  	v1 =	vld [tilespmem:s29+$0x0];
	_ =	sdelay $0x4  }
0x6ea: {  	[tilespmem:s1+$0xC8] =	vst v1  }
0x6eb: {  	v1 =	vld [tilespmem:s29+$0x10];
	_ =	sdelay $0x4  }
0x6ec: {  	[tilespmem:s1+$0xD8] =	vst v1  }
0x6ed: {  	v1 =	vld.msk [tilespmem:s29+$0x20], $0x1  }
.Ltmp20:
0x6ee: {  	_ = 	snop;
	(pc) =	sbr.rel .LBB2_21-.Ltmp20, $2  }
0x6ef: {  	_ =	sdelay $0x2  }
0x6f0: {  	s28 =	sadd.s32 $0x1, s28;
	[tilespmem:s1+$0xE8] =	vst.msk $0x1, v1  }
.LBB2_23:
.Ltmp21:
0x6f1: {  	(pc) =	sbr.rel .LBB2_24-.Ltmp21, $4  }
0x6f2: {  	_ = 	snop  }
0x6f3: {  	s0 =	simm.s32 $0x2  }
0x6f4: {  	_ =	swait.ge [sflag:s0], $0x0  }
0x6f5: {  	s31 =	smov.u32 s30;
	[sflag:s0] =	ssyncset.done $0x0;
	s0 =	simm.s32 $0x0  }
.LBB2_26:
0x6f6: {  	_ =	sfence.sel $0x180000  }
0x6f7: {  	s0 =	simm.s32 $0x9;
	[bflag:$0x0] =	sbarrier.arrive $0xFFFF  }
0x6f8: {  	s24 =	simm.s32 $0xA;
	[sflag:s0] =	ssyncpa.u1 $0x1  }
0x6f9: {  	s25 =	simm.s32 $0xB;
	[sflag:s24] =	ssyncpa.u1 $0x1  }
0x6fa: {  	s26 =	simm.s32 $0x2;
	[sflag:s25] =	ssyncpa.u1 $0x1  }
0x6fb: {  	[sflag:s26] =	ssyncpa.u1 $0x1  }
0x6fc: {  	v0 =	vld [tilespmem:$0xBF48];
	_ =	sdelay $0x4  }
0x6fd: {  	(v2sf) =	vpush v0, $0x0  }
0x6fe: {  	(v2sf) =	vpush v0, $0x1  }
0x6ff: {  	(v2sf) =	vpush v0, $0x2;
	_ =	sdelay $0xc  }
0x700: {  	s0 =	spop (v2sf)  }
0x701: {  	s1 =	spop (v2sf)  }
0x702: {  	s2 =	smov.u32 s0;
	p0 =	sne.s32 s0, s1;
	s3 =	spop (v2sf)  }
0x703: {  	s2 =	simm.s32 @!p0 $0xFFFFFFFF;
	p0 =	seq.s32 s3, $0xFFFFFFFF  }
0x704: {  	v2 =	vimm.s32 $0x1;
	v3 =	vlaneseq.u32;
	v1 =	vmov s2;
	p1 =	sne.s32 @!p0 s0, s1  }
0x705: {  	s14 =	stileid.u32;
	v0 =	vperm.xlane v0, v2;
	s0 =	simm.s32 @!p0 $0x1;
	v1 =	vperm.xlane v1, v3;
	p1 =	por !p1, p0  }
0x706: {  	vm0 =	vcmask $0x3F04;
	s2 =	sshll.u32 s14, $0x1;
	s1 =	smul.u32 @!p0 $0x140, s3;
	s0 =	simm.s32 @p1 $0x0  }
0x707: {  	s6 =	simm.s32 $0xBF48;
	v0 =	vsel vm0, v1, v0;
	s0 =	sor.u32 @!p0 s0, s2  }
0x708: {  	s4 =	sor.u32 $0xA00, s2;
	s1 =	sshra.s32 @!p0 s1, $0x2;
	[tilespmem:$0xBF48] =	vst v0;
	s0 =	smul.u32 @!p0 $0x140, s0  }
0x709: {  	[spmem:s4] =	stream.linear.scatter [tilespmem:s6], [sflag:$0x1], $0x2, $0x38;
	[tilespmem:$0x1FF78] =	vst v63  }
0x70a: {  	s1 =	sadd.s32 @!p0 $0xA8, s1;
	s0 =	sshrl.u32 @!p0 s0, $0x2  }
0x70b: {  	[spmem:s0] =	stream.linear.scatter @!p0 [tilespmem:s1], [sflag:$0x1], $0x50, $0x38;
	[tilespmem:$0x1FF78] =	vst v63  }
0x70c: {  	s0 =	simm.s32 @!p0 $0x52  }
0x70d: {  	s28 =	simm.s32 $0x1;
	s0 =	simm.s32 @p0 $0x2  }
0x70e: {  	_ =	swait.ge [sflag:s28], s0  }
0x70f: {  	s0 =	ssub.s32 $0x0, s0;
	[sflag:s28] =	ssyncset.done $0x0  }
0x710: {  	p0 =	sne.s32 s14, $0x0;
	[sflag:s28] =	ssyncadd.s32 s0  }
.Ltmp22:
0x711: {  	_ =	sfence.stream.spmem;
	(pc) =	sbr.rel @p0 .LBB2_43-.Ltmp22, $4  }
0x712: {  	s29 =	simm.s32 $0x3;
	[bflag:$0x0] =	sbarrier.arrive $0xFFFF  }
0x713: {  	s30 =	simm.s32 $0x4;
	[sflag:s29] =	ssyncpa.u1 $0x1  }
0x714: {  	s31 =	simm.s32 $0x3C;
	[sflag:s30] =	ssyncpa.u1 $0x1  }
0x715: {  	s15 =	rddreg [dreg:$0x4];
	[sflag:s31] =	ssyncpa.u1 $0x1  }
0x716: {  	_ =	sfence.stream.spmem;
	s0 =	simm.s32 $0x5  }
0x717: {  	s1 =	simm.s32 $0xA00;
	s2 =	simm.s32 $0xBF58;
	[sflag:s0] =	ssyncpa.u1 $0x0  }
0x718: {  	[tilespmem:s2], [sflag:$0x5] =	stream.linear.gather [spmem:s1], $0x20, $0x38;
	[tilespmem:$0x1FF78] =	vst v63  }
0x719: {  	s26 =	simm.s32 $0x0;
	s28 =	simm.s32 $0xBF78  }
0x71a: {  	[tilespmem:s28], [sflag:$0x5] =	stream.linear.gather [spmem:s26], $0xA00, $0x38;
	[tilespmem:$0x1FF78] =	vst v63  }
0x71b: {  	_ =	swait.ge [sflag:s0], $0xA20  }
0x71c: {  	[sflag:s0] =	ssyncset.done $0x0  }
0x71d: {  	s29 =	simm.s32 $0x0;
	[sflag:s0] =	ssyncadd.s32 $0xFFFFF5E0  }
0x71e: {  	v0 =	vld.msk [tilespmem:s29+$0xBF58], $0x1;
	_ =	sdelay $0x1  }
0x71f: {  	s30 =	simm.s32 $0x1  }
0x720: {  	v1 =	vld.msk [tilespmem:s30+$0xBF58], $0x1;
	_ =	sdelay $0x1  }
0x721: {  	(v2sf) =	vpush v0, $0x0;
	_ =	sdelay $0x2  }
0x722: {  	(v2sf) =	vpush v1, $0x0;
	_ =	sdelay $0x2  }
0x723: {  	s31 =	simm.s32 $0x2  }
0x724: {  	v0 =	vld.msk [tilespmem:s31+$0xBF58], $0x1;
	_ =	sdelay $0x2  }
0x725: {  	s1 =	simm.s32 $0xFFFFFFFF;
	s2 =	simm.s32 $0xFFFFFFFF;
	s0 =	simm.s32 $0xC  }
.LBB2_28:
0x726: {  	s3 =	smov.u32 s2;
	s4 =	smov.u32 s1  }
0x727: {  	s1 =	sshra.s32 s0, $0x2;
	p1 =	sne.s32 s0, $0x7C;
	s0 =	sadd.s32 $0x4, s0;
	(v2sf) =	vpush v0, $0x0  }
0x728: {  	v0 =	vld.msk [tilespmem:s1+$0xBF58], $0x1  }
.Ltmp23:
0x729: {  	(pc) =	sbr.rel @p1 .LBB2_28-.Ltmp23, $4  }
0x72a: {  	s2 =	spop (v2sf)  }
0x72b: {  	p2 =	sne.s32 s4, $0xFFFFFFFF;
	s1 =	smov.u32 s2  }
0x72c: {  	p3 =	seq.s32 s2, $0xFFFFFFFF;
	s1 =	smov.u32 @p2 s4  }
0x72d: {  	s2 =	smov.u32 @p3 s3;
	s1 =	smov.u32 @p3 s4  }
0x72e: {  	(v2sf) =	vpush v0, $0x0;
	_ =	sdelay $0x8  }
0x72f: {  	s0 =	spop (v2sf)  }
0x730: {  	p1 =	sne.s32 s1, $0xFFFFFFFF;
	s3 =	smov.u32 s0  }
0x731: {  	s9 =	simm.s32 $0x6;
	p2 =	seq.s32 s0, $0xFFFFFFFF;
	s3 =	smov.u32 @p1 s1  }
0x732: {  	s10 =	simm.s32 $0xBEF8;
	s3 =	smov.u32 @p2 s1;
	s1 =	spop (v2sf)  }
0x733: {  	s0 =	smov.u32 @p2 s2;
	p1 =	sne.s32 s3, $0xFFFFFFFF;
	s6 =	smov.u32 s1  }
.Ltmp24:
0x734: {  	p2 =	seq.s32 s1, $0xFFFFFFFF;
	s6 =	smov.u32 @p1 s3;
	(pc) =	sbr.rel .LBB2_30-.Ltmp24, $4  }
0x735: {  	s11 =	simm.s32 $0x0;
	s6 =	smov.u32 @p2 s3;
	s4 =	spop (v2sf)  }
0x736: {  	[sflag:s9] =	ssyncpa.u1 $0x0;
	p1 =	sne.s32 s6, $0xFFFFFFFF;
	s8 =	smov.u32 s4  }
0x737: {  	s1 =	smov.u32 @p2 s0;
	p2 =	seq.s32 s4, $0xFFFFFFFF;
	s8 =	smov.u32 @p1 s6  }
0x738: {  	s3 =	simm.s32 $0x0;
	s4 =	smov.u32 @p2 s1;
	s8 =	smov.u32 @p2 s6  }
.LBB2_36:
0x739: {  	p1 =	sgt.u32 s0, $0x249EF7  }
0x73a: {  	p2 =	seq.s32 @!p1 s0, s8  }
0x73b: {  	p1 =	por p1, p2  }
0x73c: {  	p2 =	sne.s32 @!p1 s0, s4  }
0x73d: {  	p1 =	por p1, !p2  }
0x73e: {  	s0 =	smul.u32 @p1 $0x140, s11;
	_ =	sdelay $0x1  }
0x73f: {  	s1 =	sand.u32 @!p1 $0x3FFFF8, s0  }
0x740: {  	s0 =	sand.u32 @!p1 $0x7, s0;
	s1 =	sadd.s32 @!p1 s5, s1  }
0x741: {  	[tilespmem:s10], [sflag:$0x6] =	stream.linear.gather @!p1 [hbm4b:s1+s0], $0x41, $0x38;
	[tilespmem:$0x1FF78] =	vst v63  }
0x742: {  	_ =	swait.ge @!p1 [sflag:s9], $0x41  }
0x743: {  	[sflag:s9] =	ssyncset.done @!p1 $0x0  }
0x744: {  	[sflag:s9] =	ssyncadd.s32 @!p1 $0xFFFFFFBF  }
0x745: {  	v1 =	vld @!p1 [tilespmem:$0xBEF8];
	_ =	sdelay $0x1  }
0x746: {  	s0 =	smul.u32 @!p1 $0x140, s11;
	_ =	sdelay $0x1  }
0x747: {  	s1 =	sshra.s32 @!p1 s0, $0x2  }
0x748: {  	[tilespmem:s1+$0xBF78] =	vst.add.f32.msk @!p1 $0xffff, v1  }
0x749: {  	v1 =	vld @!p1 [tilespmem:$0xBF08];
	_ =	sdelay $0x4  }
0x74a: {  	[tilespmem:s1+$0xBF88] =	vst.add.f32.msk @!p1 $0xffff, v1  }
0x74b: {  	v1 =	vld @!p1 [tilespmem:$0xBF18];
	_ =	sdelay $0x4  }
0x74c: {  	[tilespmem:s1+$0xBF98] =	vst.add.f32.msk @!p1 $0xffff, v1  }
0x74d: {  	v1 =	vld @!p1 [tilespmem:$0xBF28];
	_ =	sdelay $0x4  }
0x74e: {  	[tilespmem:s1+$0xBFA8] =	vst.add.f32.msk @!p1 $0xffff, v1  }
0x74f: {  	v1 =	vld @!p1 [tilespmem:$0xBF38];
	_ =	sdelay $0x4  }
0x750: {  	[tilespmem:s1+$0xBFB8] =	vst.add.f32.msk @!p1 $0xffff, v1  }
0x751: {  	s0 =	sshra.s32 s0, $0x2;
	[tilespmem:s3+$0xBF58] =	vst.msk $0x1, v0  }
0x752: {  	v0 =	vld [tilespmem:s0+$0xBF78];
	_ =	sdelay $0x1  }
0x753: {  	s31 =	smul.u32 $0x140, s3;
	_ =	sdelay $0x1  }
0x754: {  	s1 =	sshra.s32 s31, $0x2  }
0x755: {  	[tilespmem:s1+$0xBF78] =	vst v0  }
0x756: {  	v0 =	vld [tilespmem:s0+$0xBF88];
	_ =	sdelay $0x4  }
0x757: {  	[tilespmem:s1+$0xBF88] =	vst v0  }
0x758: {  	v0 =	vld [tilespmem:s0+$0xBF98];
	_ =	sdelay $0x4  }
0x759: {  	[tilespmem:s1+$0xBF98] =	vst v0  }
0x75a: {  	v0 =	vld [tilespmem:s0+$0xBFA8];
	_ =	sdelay $0x4  }
0x75b: {  	[tilespmem:s1+$0xBFA8] =	vst v0  }
0x75c: {  	v0 =	vld [tilespmem:s0+$0xBFB8];
	_ =	sdelay $0x4  }
0x75d: {  	s3 =	sadd.s32 $0x1, s3;
	[tilespmem:s1+$0xBFB8] =	vst v0  }
.LBB2_37:
0x75e: {  	s11 =	sadd.s32 $0x1, s11  }
0x75f: {  	p1 =	sne.s32 s11, $0x20  }
.Ltmp25:
0x760: {  	_ = 	snop;
	(pc) =	sbr.rel @!p1 .LBB2_38-.Ltmp25, $1  }
0x761: {  	_ =	sdelay $0x3  }
.LBB2_30:
0x762: {  	v0 =	vld.msk [tilespmem:s11+$0xBF58], $0x1;
	_ =	sdelay $0x4  }
0x763: {  	(v2sf) =	vpush v0, $0x0;
	_ =	sdelay $0xe  }
0x764: {  	s0 =	spop (v2sf)  }
0x765: {  	p1 =	seq.s32 s0, $0xFFFFFFFF  }
.Ltmp26:
0x766: {  	_ = 	snop;
	(pc) =	sbr.rel @p1 .LBB2_37-.Ltmp26, $1  }
0x767: {  	_ =	sdelay $0x3  }
0x768: {  	p1 =	slt.s32 s3, $0x1  }
.Ltmp27:
0x769: {  	_ = 	snop;
	(pc) =	sbr.rel @p1 .LBB2_36-.Ltmp27, $1  }
0x76a: {  	_ =	sdelay $0x3  }
0x76b: {  	s12 =	simm.s32 $0xBF58;
	p1 =	por $0x0, $0x0  }
0x76c: {  	v1 =	vld.msk @!p1 [tilespmem:s12+$0x0], $0x1;
	_ =	sdelay $0x4  }
0x76d: {  	(v2sf) =	vpush @!p1 v1, $0x0;
	_ =	sdelay $0xd  }
0x76e: {  	p3 =	sne.s32 s3, $0x1  }
.Ltmp28:
0x76f: {  	s1 =	spop @!p1 (v2sf);
	(pc) =	sbr.rel @!p3 .LBB2_34-.Ltmp28, $4  }
0x770: {  	p2 =	seq.s32 @!p1 s0, s1  }
0x771: {  	s13 =	simm.s32 $0x0;
	p2 =	por !p2, p1  }
0x772: {  	s2 =	simm.s32 $0xFFFFFFFF;
	s13 =	simm.s32 @p2 $0xFFFFFFFF  }
0x773: {  	s1 =	simm.s32 $0x1;
	s13 =	smov.u32 @p1 s2  }
.LBB2_33:
0x774: {  	s2 =	smov.u32 s13;
	p1 =	sne.s32 s13, $0xFFFFFFFF  }
0x775: {  	s12 =	sadd.s32 $0x1, s12;
	s13 =	smov.u32 s1;
	s1 =	sadd.s32 $0x1, s1  }
0x776: {  	p2 =	sne.s32 s3, s1;
	v1 =	vld.msk @!p1 [tilespmem:s12+$0x0], $0x1;
	_ =	sdelay $0x4  }
0x777: {  	(v2sf) =	vpush @!p1 v1, $0x0;
	_ =	sdelay $0xe  }
.Ltmp29:
0x778: {  	s6 =	spop @!p1 (v2sf);
	(pc) =	sbr.rel @p2 .LBB2_33-.Ltmp29, $4  }
0x779: {  	p3 =	seq.s32 @!p1 s0, s6  }
0x77a: {  	p3 =	por !p3, p1  }
0x77b: {  	s13 =	simm.s32 @p3 $0xFFFFFFFF  }
0x77c: {  	s13 =	smov.u32 @p1 s2  }
.LBB2_34:
0x77d: {  	p1 =	seq.s32 s13, $0xFFFFFFFF  }
.Ltmp30:
0x77e: {  	_ = 	snop;
	(pc) =	sbr.rel @p1 .LBB2_36-.Ltmp30, $1  }
0x77f: {  	_ =	sdelay $0x3  }
0x780: {  	s0 =	smul.u32 $0x140, s11;
	_ =	sdelay $0x1  }
0x781: {  	s0 =	sshra.s32 s0, $0x2  }
0x782: {  	v0 =	vld [tilespmem:s0+$0xBF78];
	_ =	sdelay $0x1  }
0x783: {  	s1 =	smul.u32 $0x140, s13;
	_ =	sdelay $0x1  }
0x784: {  	s1 =	sshra.s32 s1, $0x2  }
0x785: {  	[tilespmem:s1+$0xBF78] =	vst.add.f32.msk $0xffff, v0  }
0x786: {  	v0 =	vld [tilespmem:s0+$0xBF88];
	_ =	sdelay $0x4  }
0x787: {  	[tilespmem:s1+$0xBF88] =	vst.add.f32.msk $0xffff, v0  }
0x788: {  	v0 =	vld [tilespmem:s0+$0xBF98];
	_ =	sdelay $0x4  }
0x789: {  	[tilespmem:s1+$0xBF98] =	vst.add.f32.msk $0xffff, v0  }
0x78a: {  	v0 =	vld [tilespmem:s0+$0xBFA8];
	_ =	sdelay $0x4  }
0x78b: {  	[tilespmem:s1+$0xBFA8] =	vst.add.f32.msk $0xffff, v0  }
0x78c: {  	v0 =	vld [tilespmem:s0+$0xBFB8]  }
.Ltmp31:
0x78d: {  	_ = 	snop;
	(pc) =	sbr.rel .LBB2_37-.Ltmp31, $2  }
0x78e: {  	_ =	sdelay $0x2  }
0x78f: {  	[tilespmem:s1+$0xBFB8] =	vst.add.f32.msk $0xffff, v0  }
.LBB2_38:
0x790: {  	s0 =	simm.s32 $0x6;
	p1 =	seq.s32 s3, $0x0  }
0x791: {  	[sflag:s0] =	ssyncpa.u1 $0x1;
	v0 =	vimm.s32 @p1 $0xFFFFFFFF  }
0x792: {  	s0 =	sadd.s32 $0xFFFFFFFF, s3;
	[tilespmem:$0xC978] =	vst @p1 v0  }
0x793: {  	v0 =	vld.msk @!p1 [tilespmem:s0+$0xBF58], $0x1;
	_ =	sdelay $0x1  }
0x794: {  	v1 =	vld.msk @!p1 [tilespmem:$0xBF58], $0x1;
	_ =	sdelay $0x2  }
0x795: {  	p2 =	seq.s32 @!p1 s0, $0x0;
	v0 =	vbroadcast @!p1 v0, $0x0  }
0x796: {  	vm0 =	vmmov @!p1 $0x1;
	p3 =	por !p2, p1  }
0x797: {  	p2 =	sne.s32 @!p1 s8, s4;
	v1 =	vnsel @!p1 vm0, $0xFFFFFFFF, v1;
	vm0 =	vcmask @!p1 $0x308;
	v0 =	vpsel !p3, $0xFFFFFFFF, v0  }
0x798: {  	p3 =	por !p2, p1;
	v0 =	vsel @!p1 vm0, v1, v0  }
0x799: {  	s1 =	simm.s32 @!p1 $0xBF78;
	s2 =	simm.s32 @!p1 $0x0;
	s4 =	smul.u32 @!p3 $0x140, s0;
	[tilespmem:$0xC978] =	vst @!p1 v0  }
0x79a: {  	[spmem:s2] =	stream.linear.scatter @!p1 [tilespmem:s1], [sflag:$0x1], $0x50, $0x38;
	[tilespmem:$0x1FF78] =	vst v63  }
0x79b: {  	s1 =	sshra.s32 @!p3 s4, $0x2  }
0x79c: {  	s2 =	simm.s32 @!p3 $0x50;
	s1 =	sadd.s32 @!p3 $0xBF78, s1  }
0x79d: {  	[spmem:s2] =	stream.linear.scatter @!p3 [tilespmem:s1], [sflag:$0x1], $0x50, $0x38;
	[tilespmem:$0x1FF78] =	vst v63  }
0x79e: {  	s1 =	simm.s32 @!p3 $0x1  }
0x79f: {  	_ =	swait.ge @!p3 [sflag:s1], $0xA0  }
0x7a0: {  	p1 =	por p2, p1;
	[sflag:s1] =	ssyncset.done @!p3 $0x0  }
0x7a1: {  	[sflag:s1] =	ssyncadd.s32 @!p3 $0xFFFFFF60;
	s1 =	simm.s32 @!p1 $0x1  }
0x7a2: {  	_ =	swait.ge @!p1 [sflag:s1], $0x50  }
0x7a3: {  	s29 =	simm.s32 $0xC978;
	[sflag:s1] =	ssyncset.done @!p1 $0x0  }
0x7a4: {  	s30 =	simm.s32 $0xA00;
	s31 =	simm.s32 $0x1;
	[sflag:s1] =	ssyncadd.s32 @!p1 $0xFFFFFFB0  }
0x7a5: {  	[spmem:s30] =	stream.linear.scatter [tilespmem:s29], [sflag:$0x1], $0x10, $0x38;
	[tilespmem:$0x1FF78] =	vst v63  }
0x7a6: {  	_ =	swait.ge [sflag:s31], $0x10  }
0x7a7: {  	[sflag:s31] =	ssyncset.done $0x0  }
0x7a8: {  	p1 =	seq.s32 s15, $0x0;
	s9 =	rddreg [dreg:$0x1];
	[sflag:s31] =	ssyncadd.s32 $0xFFFFFFF0  }
0x7a9: {  	s2 =	sshll.u32 @p1 s9, $0xE;
	s8 =	rddreg [dreg:$0x2]  }
0x7aa: {  	s1 =	sadd.s32 @p1 $0x15C3C, s2;
	s2 =	sshll.u32 @p1 s8, $0x11  }
0x7ab: {  	_ =	sfence.stream.spmem;
	s1 =	sor.u32 @p1 s2, s1  }
0x7ac: {  	[sflag:s1] =	ssyncadd.remote.s32 @p1 $0x1;
	s1 =	simm.s32 @p1 $0x4  }
0x7ad: {  	s4 =	simm.s32 @!p1 $0x3C;
	s2 =	sand.u32 $0xFFFFFFFE, s9;
	_ =	swait.ge @p1 [sflag:s1], $0x16  }
0x7ae: {  	s6 =	simm.s32 @!p1 $0x0;
	s2 =	sadd.s32 @!p1 $0x4, s2;
	[sflag:s1] =	ssyncset.done @p1 $0x0  }
0x7af: {  	s7 =	simm.s32 @!p1 $0xA0;
	[sflag:s1] =	ssyncadd.s32 @p1 $0xFFFFFFEA;
	s1 =	sshll.u32 @!p1 s2, $0x1A  }
0x7b0: {  	s2 =	sshll.u32 @!p1 s2, $0xD;
	s1 =	sor.u32 @!p1 s1, s8;
	_ =	swait.eq @!p1 [sflag:s4], $0x1  }
0x7b1: {  	s2 =	sor.u32 @!p1 $0x1C04, s2;
	s4 =	simm.s32 @!p1 $0x1C03;
	s1 =	sor.u32 @!p1 $0x80004000, s1  }
0x7b2: {  	[spmem:s7], [sflag:s2] =	dma.general @!p1 [spmem:s6], [sflag:s4], length:$0x14, [dreg:$0x0], stride_count:$0x0, ici_dest:s1, dma_misc:DstOpCode:WRITE  }
0x7b3: {  	p2 =	slt.s32 s0, $0x2;
	s6 =	simm.s32 @!p1 $0x140;
	s7 =	simm.s32 @!p1 $0x142  }
0x7b4: {  	[spmem:s7], [sflag:s2] =	dma.general @!p1 [spmem:s6], [sflag:s4], length:$0x2, [dreg:$0x0], stride_count:$0x0, ici_dest:s1, dma_misc:DstOpCode:WRITE  }
.Ltmp32:
0x7b5: {  	s1 =	simm.s32 @!p1 $0x3;
	(pc) =	sbr.rel @p2 .LBB2_42-.Ltmp32, $4  }
0x7b6: {  	s2 =	sshll.u32 @!p1 s9, $0xE;
	_ =	swait.ge @!p1 [sflag:s1], $0x16  }
0x7b7: {  	s4 =	sshll.u32 @!p1 s8, $0x11;
	s2 =	sadd.s32 @!p1 $0x11C3C, s2;
	[sflag:s1] =	ssyncset.done @!p1 $0x0  }
0x7b8: {  	[sflag:s1] =	ssyncadd.s32 @!p1 $0xFFFFFFEA;
	s1 =	sor.u32 @!p1 s4, s2  }
0x7b9: {  	s0 =	simm.s32 $0x0;
	[sflag:s1] =	ssyncadd.remote.s32 @!p1 $0xFFFFFFFF  }
0x7ba: {  	s0 =	simm.s32 $0xBF59  }
0x7bb: {  	v0 =	vld.msk [tilespmem:s0+$0x0], $0x1;
	_ =	sdelay $0x4  }
0x7bc: {  	(v2sf) =	vpush v0, $0x0;
	_ =	sdelay $0xc  }
0x7bd: {  	s1 =	sadd.s32 $0xFFFFFFFE, s3  }
0x7be: {  	s1 =	sadd.s32 $0xFFFFFFFF, s1  }
0x7bf: {  	p2 =	sne.s32 s1, $0x0;
	s2 =	spop (v2sf)  }
.Ltmp33:
0x7c0: {  	p1 =	sgt.u32 s2, $0x249EF7;
	(pc) =	sbr.rel @!p2 .LBB2_41-.Ltmp33, $4  }
0x7c1: {  	s4 =	simm.s32 $0x0;
	s3 =	sand.u32 @!p1 $0x3FFFF8, s2  }
0x7c2: {  	s0 =	simm.s32 $0xBFC8;
	s2 =	sand.u32 @!p1 $0x7, s2;
	s3 =	sadd.s32 @!p1 s5, s3  }
0x7c3: {  	[hbm4b:s3+s2] =	stream.linear.scatter @!p1 [tilespmem:s0], [sflag:$0x5], $0x41, $0x38;
	[tilespmem:$0x1FF78] =	vst v63  }
0x7c4: {  	s4 =	simm.s32 @!p1 $0x104;
	s2 =	simm.s32 $0x0;
	s3 =	simm.s32 $0xBF5A  }
.LBB2_40:
0x7c5: {  	v0 =	vld.msk [tilespmem:s3+$0x0], $0x1;
	s1 =	sadd.s32 $0xFFFFFFFF, s1;
	s2 =	sadd.s32 s2, s4  }
0x7c6: {  	p1 =	sne.s32 s1, $0x0;
	_ =	sdelay $0x3  }
0x7c7: {  	(v2sf) =	vpush v0, $0x0;
	_ =	sdelay $0xe  }
.Ltmp34:
0x7c8: {  	s6 =	spop (v2sf);
	(pc) =	sbr.rel @p1 .LBB2_40-.Ltmp34, $4  }
0x7c9: {  	s4 =	simm.s32 $0x0;
	p2 =	sgt.u32 s6, $0x249EF7  }
0x7ca: {  	s0 =	sadd.s32 $0x50, s0;
	s4 =	simm.s32 @!p2 $0x104;
	s7 =	sand.u32 @!p2 $0x3FFFF8, s6  }
0x7cb: {  	s3 =	sadd.s32 $0x1, s3;
	s6 =	sand.u32 @!p2 $0x7, s6;
	s7 =	sadd.s32 @!p2 s5, s7  }
0x7cc: {  	[hbm4b:s7+s6] =	stream.linear.scatter @!p2 [tilespmem:s0], [sflag:$0x5], $0x41, $0x38;
	[tilespmem:$0x1FF78] =	vst v63  }
.LBB2_41:
0x7cd: {  	s0 =	sadd.s32 s2, s4  }
0x7ce: {  	s0 =	sshrl.u32 s0, $0x2  }
.LBB2_42:
0x7cf: {  	s1 =	simm.s32 $0x5  }
0x7d0: {  	_ =	swait.ge [sflag:s1], s0  }
0x7d1: {  	s31 =	ssub.s32 $0x0, s0;
	[sflag:s1] =	ssyncset.done $0x0  }
0x7d2: {  	[sflag:s1] =	ssyncadd.s32 s31  }
0x7d3: {  	[sflag:s1] =	ssyncpa.u1 $0x1  }
.LBB2_43:
0x7d4: {  	s0 =	sor.u32 s15, s14  }
0x7d5: {  	p1 =	sne.s32 s0, $0x0  }
.Ltmp35:
0x7d6: {  	_ = 	snop;
	(pc) =	sbr.rel @p1 .LBB2_58-.Ltmp35, $3  }
0x7d7: {  	_ =	sdelay $0x1  }
0x7d8: {  	[bflag:$0x0] =	sbarrier.arrive $0xFFFF  }
0x7d9: {  	_ =	sfence  }
0x7da: {  	s0 =	simm.s32 $0x7  }
0x7db: {  	s1 =	simm.s32 $0xA00;
	s2 =	simm.s32 $0xBF58;
	[sflag:s0] =	ssyncpa.u1 $0x0  }
0x7dc: {  	[tilespmem:s2], [sflag:$0x7] =	stream.linear.gather [spmem:s1], $0x20, $0x38;
	[tilespmem:$0x1FF78] =	vst v63  }
0x7dd: {  	s30 =	simm.s32 $0xBF78;
	s1 =	simm.s32 $0x0  }
0x7de: {  	[tilespmem:s30], [sflag:$0x7] =	stream.linear.gather [spmem:s1], $0xA00, $0x38;
	[tilespmem:$0x1FF78] =	vst v63  }
.Ltmp36:
0x7df: {  	_ = 	snop;
	(pc) =	sbr.rel .LBB2_45-.Ltmp36, $4  }
0x7e0: {  	_ =	swait.ge [sflag:s0], $0xA20  }
0x7e1: {  	[sflag:s0] =	ssyncset.done $0x0  }
0x7e2: {  	s31 =	simm.s32 $0x8;
	[sflag:s0] =	ssyncadd.s32 $0xFFFFF5E0  }
0x7e3: {  	s2 =	simm.s32 $0x0;
	[sflag:s31] =	ssyncpa.u1 $0x0  }
.LBB2_51:
0x7e4: {  	p1 =	slt.u32 s0, $0x249EF8  }
0x7e5: {  	s3 =	sand.u32 @p1 $0x3FFFF8, s0  }
0x7e6: {  	s0 =	sand.u32 @p1 $0x7, s0;
	s4 =	simm.s32 @p1 $0xBEF8;
	s3 =	sadd.s32 @p1 s5, s3  }
0x7e7: {  	[tilespmem:s4], [sflag:$0x8] =	stream.linear.gather @p1 [hbm4b:s3+s0], $0x41, $0x38;
	[tilespmem:$0x1FF78] =	vst v63  }
0x7e8: {  	s0 =	simm.s32 @p1 $0x8  }
0x7e9: {  	_ =	swait.ge @p1 [sflag:s0], $0x41  }
0x7ea: {  	[sflag:s0] =	ssyncset.done @p1 $0x0  }
0x7eb: {  	[sflag:s0] =	ssyncadd.s32 @p1 $0xFFFFFFBF  }
0x7ec: {  	v1 =	vld @p1 [tilespmem:$0xBEF8];
	_ =	sdelay $0x1  }
0x7ed: {  	s0 =	smul.u32 @p1 $0x140, s2;
	_ =	sdelay $0x1  }
0x7ee: {  	s3 =	sshra.s32 @p1 s0, $0x2  }
0x7ef: {  	[tilespmem:s3+$0xBF78] =	vst.add.f32.msk @p1 $0xffff, v1  }
0x7f0: {  	v1 =	vld @p1 [tilespmem:$0xBF08];
	_ =	sdelay $0x4  }
0x7f1: {  	[tilespmem:s3+$0xBF88] =	vst.add.f32.msk @p1 $0xffff, v1  }
0x7f2: {  	v1 =	vld @p1 [tilespmem:$0xBF18];
	_ =	sdelay $0x4  }
0x7f3: {  	[tilespmem:s3+$0xBF98] =	vst.add.f32.msk @p1 $0xffff, v1  }
0x7f4: {  	v1 =	vld @p1 [tilespmem:$0xBF28];
	_ =	sdelay $0x4  }
0x7f5: {  	[tilespmem:s3+$0xBFA8] =	vst.add.f32.msk @p1 $0xffff, v1  }
0x7f6: {  	v1 =	vld @p1 [tilespmem:$0xBF38];
	_ =	sdelay $0x2  }
0x7f7: {  	s4 =	smul.u32 @!p1 $0x140, s2;
	_ =	sdelay $0x1  }
0x7f8: {  	s4 =	smov.u32 @p1 s0;
	[tilespmem:s3+$0xBFB8] =	vst.add.f32.msk @p1 $0xffff, v1  }
0x7f9: {  	s0 =	sshra.s32 s4, $0x2;
	[tilespmem:s1+$0xBF58] =	vst.msk $0x1, v0  }
0x7fa: {  	v0 =	vld [tilespmem:s0+$0xBF78];
	_ =	sdelay $0x1  }
0x7fb: {  	s31 =	smul.u32 $0x140, s1;
	_ =	sdelay $0x1  }
0x7fc: {  	s3 =	sshra.s32 s31, $0x2  }
0x7fd: {  	[tilespmem:s3+$0xBF78] =	vst v0  }
0x7fe: {  	v0 =	vld [tilespmem:s0+$0xBF88];
	_ =	sdelay $0x4  }
0x7ff: {  	[tilespmem:s3+$0xBF88] =	vst v0  }
0x800: {  	v0 =	vld [tilespmem:s0+$0xBF98];
	_ =	sdelay $0x4  }
0x801: {  	[tilespmem:s3+$0xBF98] =	vst v0  }
0x802: {  	v0 =	vld [tilespmem:s0+$0xBFA8];
	_ =	sdelay $0x4  }
0x803: {  	[tilespmem:s3+$0xBFA8] =	vst v0  }
0x804: {  	v0 =	vld [tilespmem:s0+$0xBFB8];
	_ =	sdelay $0x4  }
0x805: {  	s1 =	sadd.s32 $0x1, s1;
	[tilespmem:s3+$0xBFB8] =	vst v0  }
.LBB2_52:
0x806: {  	s2 =	sadd.s32 $0x1, s2  }
0x807: {  	p1 =	sne.s32 s2, $0x20  }
.Ltmp37:
0x808: {  	_ = 	snop;
	(pc) =	sbr.rel @!p1 .LBB2_53-.Ltmp37, $1  }
0x809: {  	_ =	sdelay $0x3  }
.LBB2_45:
0x80a: {  	v0 =	vld.msk [tilespmem:s2+$0xBF58], $0x1;
	_ =	sdelay $0x4  }
0x80b: {  	(v2sf) =	vpush v0, $0x0;
	_ =	sdelay $0xe  }
0x80c: {  	s0 =	spop (v2sf)  }
0x80d: {  	p1 =	seq.s32 s0, $0xFFFFFFFF  }
.Ltmp38:
0x80e: {  	_ = 	snop;
	(pc) =	sbr.rel @p1 .LBB2_52-.Ltmp38, $1  }
0x80f: {  	_ =	sdelay $0x3  }
0x810: {  	p1 =	slt.s32 s1, $0x1  }
.Ltmp39:
0x811: {  	_ = 	snop;
	(pc) =	sbr.rel @p1 .LBB2_51-.Ltmp39, $1  }
0x812: {  	_ =	sdelay $0x3  }
0x813: {  	s3 =	simm.s32 $0xBF58;
	p1 =	por $0x0, $0x0  }
0x814: {  	v1 =	vld.msk @!p1 [tilespmem:s3+$0x0], $0x1;
	_ =	sdelay $0x4  }
0x815: {  	(v2sf) =	vpush @!p1 v1, $0x0;
	_ =	sdelay $0xd  }
0x816: {  	p3 =	sne.s32 s1, $0x1  }
.Ltmp40:
0x817: {  	s4 =	spop @!p1 (v2sf);
	(pc) =	sbr.rel @!p3 .LBB2_49-.Ltmp40, $4  }
0x818: {  	p2 =	seq.s32 @!p1 s0, s4  }
0x819: {  	s4 =	simm.s32 $0x0;
	p2 =	por !p2, p1  }
0x81a: {  	s7 =	simm.s32 $0xFFFFFFFF;
	s4 =	simm.s32 @p2 $0xFFFFFFFF  }
0x81b: {  	s6 =	simm.s32 $0x1;
	s4 =	smov.u32 @p1 s7  }
.LBB2_48:
0x81c: {  	s7 =	smov.u32 s4;
	p1 =	sne.s32 s4, $0xFFFFFFFF  }
0x81d: {  	s3 =	sadd.s32 $0x1, s3;
	s4 =	smov.u32 s6;
	s6 =	sadd.s32 $0x1, s6  }
0x81e: {  	p2 =	sne.s32 s1, s6;
	v1 =	vld.msk @!p1 [tilespmem:s3+$0x0], $0x1;
	_ =	sdelay $0x4  }
0x81f: {  	(v2sf) =	vpush @!p1 v1, $0x0;
	_ =	sdelay $0xe  }
.Ltmp41:
0x820: {  	s8 =	spop @!p1 (v2sf);
	(pc) =	sbr.rel @p2 .LBB2_48-.Ltmp41, $4  }
0x821: {  	p3 =	seq.s32 @!p1 s0, s8  }
0x822: {  	p3 =	por !p3, p1  }
0x823: {  	s4 =	simm.s32 @p3 $0xFFFFFFFF  }
0x824: {  	s4 =	smov.u32 @p1 s7  }
.LBB2_49:
0x825: {  	p1 =	seq.s32 s4, $0xFFFFFFFF  }
.Ltmp42:
0x826: {  	_ = 	snop;
	(pc) =	sbr.rel @p1 .LBB2_51-.Ltmp42, $1  }
0x827: {  	_ =	sdelay $0x3  }
0x828: {  	s0 =	smul.u32 $0x140, s2;
	_ =	sdelay $0x1  }
0x829: {  	s0 =	sshra.s32 s0, $0x2  }
0x82a: {  	v0 =	vld [tilespmem:s0+$0xBF78];
	_ =	sdelay $0x1  }
0x82b: {  	s3 =	smul.u32 $0x140, s4;
	_ =	sdelay $0x1  }
0x82c: {  	s3 =	sshra.s32 s3, $0x2  }
0x82d: {  	[tilespmem:s3+$0xBF78] =	vst.add.f32.msk $0xffff, v0  }
0x82e: {  	v0 =	vld [tilespmem:s0+$0xBF88];
	_ =	sdelay $0x4  }
0x82f: {  	[tilespmem:s3+$0xBF88] =	vst.add.f32.msk $0xffff, v0  }
0x830: {  	v0 =	vld [tilespmem:s0+$0xBF98];
	_ =	sdelay $0x4  }
0x831: {  	[tilespmem:s3+$0xBF98] =	vst.add.f32.msk $0xffff, v0  }
0x832: {  	v0 =	vld [tilespmem:s0+$0xBFA8];
	_ =	sdelay $0x4  }
0x833: {  	[tilespmem:s3+$0xBFA8] =	vst.add.f32.msk $0xffff, v0  }
0x834: {  	v0 =	vld [tilespmem:s0+$0xBFB8]  }
.Ltmp43:
0x835: {  	_ = 	snop;
	(pc) =	sbr.rel .LBB2_52-.Ltmp43, $2  }
0x836: {  	_ =	sdelay $0x2  }
0x837: {  	[tilespmem:s3+$0xBFB8] =	vst.add.f32.msk $0xffff, v0  }
.LBB2_53:
0x838: {  	p1 =	slt.s32 s1, $0x1  }
.Ltmp44:
0x839: {  	_ = 	snop;
	(pc) =	sbr.rel @p1 .LBB2_57-.Ltmp44, $3  }
0x83a: {  	_ =	sdelay $0x1  }
0x83b: {  	s0 =	simm.s32 $0x8  }
0x83c: {  	[sflag:s0] =	ssyncpa.u1 $0x1;
	s0 =	simm.s32 $0x0  }
0x83d: {  	s2 =	simm.s32 $0xBF58  }
0x83e: {  	v0 =	vld.msk [tilespmem:s2+$0x0], $0x1;
	_ =	sdelay $0x4  }
0x83f: {  	(v2sf) =	vpush v0, $0x0;
	_ =	sdelay $0xe  }
0x840: {  	s1 =	sadd.s32 $0xFFFFFFFF, s1;
	s3 =	spop (v2sf)  }
0x841: {  	p2 =	sne.s32 s1, $0x0;
	p1 =	sgt.u32 s3, $0x249EF7  }
.Ltmp45:
0x842: {  	s4 =	sand.u32 @!p1 $0x3FFFF8, s3;
	(pc) =	sbr.rel @!p2 .LBB2_56-.Ltmp45, $4  }
0x843: {  	s2 =	simm.s32 $0xBF78;
	s3 =	sand.u32 @!p1 $0x7, s3;
	s4 =	sadd.s32 @!p1 s5, s4  }
0x844: {  	[hbm4b:s4+s3] =	stream.linear.scatter @!p1 [tilespmem:s2], [sflag:$0x7], $0x41, $0x38;
	[tilespmem:$0x1FF78] =	vst v63  }
0x845: {  	s4 =	simm.s32 $0x0  }
0x846: {  	s3 =	simm.s32 $0xBF59;
	s4 =	simm.s32 @!p1 $0x104  }
.LBB2_55:
0x847: {  	v0 =	vld.msk [tilespmem:s3+$0x0], $0x1;
	s1 =	sadd.s32 $0xFFFFFFFF, s1;
	s0 =	sadd.s32 s0, s4  }
0x848: {  	p1 =	sne.s32 s1, $0x0;
	_ =	sdelay $0x3  }
0x849: {  	(v2sf) =	vpush v0, $0x0;
	_ =	sdelay $0xe  }
.Ltmp46:
0x84a: {  	s6 =	spop (v2sf);
	(pc) =	sbr.rel @p1 .LBB2_55-.Ltmp46, $4  }
0x84b: {  	s4 =	simm.s32 $0x0;
	p2 =	sgt.u32 s6, $0x249EF7  }
0x84c: {  	s2 =	sadd.s32 $0x50, s2;
	s4 =	simm.s32 @!p2 $0x104;
	s7 =	sand.u32 @!p2 $0x3FFFF8, s6  }
0x84d: {  	s3 =	sadd.s32 $0x1, s3;
	s6 =	sand.u32 @!p2 $0x7, s6;
	s7 =	sadd.s32 @!p2 s5, s7  }
0x84e: {  	[hbm4b:s7+s6] =	stream.linear.scatter @!p2 [tilespmem:s2], [sflag:$0x7], $0x41, $0x38;
	[tilespmem:$0x1FF78] =	vst v63  }
.LBB2_56:
0x84f: {  	s0 =	sadd.s32 s0, s4  }
0x850: {  	s0 =	sshrl.u32 s0, $0x2  }
.LBB2_57:
0x851: {  	s1 =	simm.s32 $0x7  }
0x852: {  	_ =	swait.ge [sflag:s1], s0  }
0x853: {  	s31 =	ssub.s32 $0x0, s0;
	[sflag:s1] =	ssyncset.done $0x0  }
0x854: {  	[sflag:s1] =	ssyncadd.s32 s31  }
0x855: {  	[sflag:s1] =	ssyncpa.u1 $0x1  }
.LBB2_58:
0x856: {  	_ =	sfence;
	s0 =	simm.s32 $0x1  }
0x857: {  	[sflag:s0] =	ssyncpa.u1 $0x1  }
0x858: {  	_ =	strace $0x90000047  }
0x859: {  	[bflag:$0x2] =	sbarrier.arrive $0xFFFF  }
0x85a: {  	s0 =	rddreg [dreg:$0x3]  }
0x85b: {  	s0 =	sadd.s32 @!p0 $0x100000, s0  }
0x85c: {  	[sflag:s0] =	ssyncadd.tile.s32 @!p0 $0x1;
	_ =	shalt  }
.Lfunc_end2:
_tile_overlayer_lowered:
.L_overlay_start_2:
0x85d: {  	(tag) =	ssettag $0x2  }
0x85e: {  	s0 =	rddreg [dreg:$0x0];
	s2 =	stileid.u32  }
0x85f: {  	s1 =	rddreg [dreg:$0x1];
	p0 =	sne.s32 s2, $0x0  }
0x860: {  	s3 =	rddreg [dreg:$0x2];
	[bflag:$0x3] =	sbarrier.arrive $0xFFFF;
	s2 =	simm.s32 @!p0 $0x1C01  }
0x861: {  	[timem:s3], [sflag:s2] =	dma.local @!p0 [hbm:s0], s1  }
0x862: {  	s0 =	simm.s32 @!p0 $0x1  }
0x863: {  	_ =	swait.ge @!p0 [sflag:s0], s1  }
0x864: {  	s1 =	ssub.s32 @!p0 $0x0, s1;
	[sflag:s0] =	ssyncset.done @!p0 $0x0  }
0x865: {  	[sflag:s0] =	ssyncadd.s32 @!p0 s1  }
0x866: {  	[bflag:$0x3] =	sbarrier.arrive $0xFFFF  }
0x867: {  	_ =	shalt  }

</sc_bundles>
